<compile_context>
chip_gen: v7x
topology: tpu7x:2x2x1
jax: 0.10.2.dev20260603
libtpu: 0.0.44.dev20260713+nightly
codegen_flags: <defaults>
</compile_context>

<pallas_src>
import functools

import jax
import jax.numpy as jnp
from jax import lax
from jax.experimental import pallas as pl
from jax.experimental.pallas import tpu as pltpu
from jax.experimental.pallas import tpu_sc as plsc

_NC = 2
_NS = 16


def _make_invdeg(n, e):
    ec = e // _NS
    ib = 2000
    ncc = ec // ib
    assert ncc * ib == ec
    gch = 80
    ngc = n // gch
    ngi = (ngc + _NS - 1) // _NS

    mesh = plsc.VectorSubcoreMesh(core_axis_name="c", subcore_axis_name="s")

    def body(dst_hbm, invdeg_out, cntbuf, degloc, sumbuf, dsum, degstage,
             csem):
        c = lax.axis_index("c")
        s = lax.axis_index("s")

        def zdl(q, carry):
            degloc[pl.ds(q * 16, 16)] = jnp.zeros((16,), jnp.float32)
            return carry
        lax.fori_loop(0, n // 16, zdl, 0)
        ones16 = jnp.ones((16,), jnp.float32)
        cb = s * ec
        for cc in range(ncc):
            pltpu.sync_copy(dst_hbm.at[pl.ds(cb + cc * ib, ib)], cntbuf)
            def cnt(q, carry):
                iv = cntbuf[pl.ds(q * 16, 16)]
                plsc.addupdate_scatter(degloc, [iv], ones16)
                return carry
            lax.fori_loop(0, ib // 16, cnt, 0)
        pltpu.sync_copy(degloc, degstage.at[pl.ds(s * n, n)])
        plsc.subcore_barrier()

        def comb(t, carry):
            idx = s + t * _NS
            @pl.when((idx < ngc) & (c == 0))
            def _():
                g0 = idx * gch
                for a in range(_NS):
                    pltpu.async_copy(degstage.at[pl.ds(a * n + g0, gch)],
                                     sumbuf.at[pl.ds(a * gch, gch)], csem)
                for a in range(_NS):
                    pltpu.make_async_copy(
                        degstage.at[pl.ds(a * n + g0, gch)],
                        sumbuf.at[pl.ds(a * gch, gch)], csem).wait()
                for j in range(gch // 16):
                    tot = sumbuf[pl.ds(j * 16, 16)]
                    for a in range(1, _NS):
                        tot = tot + sumbuf[pl.ds(a * gch + j * 16, 16)]
                    inv = jnp.ones((16,), jnp.float32) / jnp.maximum(tot, 1.0)
                    dsum[pl.ds(j * 16, 16)] = inv
                pltpu.sync_copy(dsum, invdeg_out.at[pl.ds(g0, gch)])
            return carry
        lax.fori_loop(0, ngi, comb, 0)

    return pl.kernel(
        body, mesh=mesh,
        out_type=[jax.ShapeDtypeStruct((n,), jnp.float32)],
        scratch_types=[
            pltpu.VMEM((ib,), jnp.int32),
            pltpu.VMEM((n,), jnp.float32),
            pltpu.VMEM((_NS * gch,), jnp.float32),
            pltpu.VMEM((gch,), jnp.float32),
            pltpu.VMEM_SHARED((_NS * n,), jnp.float32),
            pltpu.SemaphoreType.DMA,
        ],
        compiler_params=pltpu.CompilerParams(needs_layout_passes=False))


def _make_segmean(n, d, e):
    nw = _NC * _NS
    ew = e // nw
    k = 80
    ib = 2000
    ncb = ib // k
    nib = ew // ib
    assert ew * nw == e and ncb * k == ib and nib * ib == ew
    zr = 40
    nzc = n // zr
    assert zr * nzc == n
    nzi = (nzc + _NS - 1) // _NS

    mesh = plsc.VectorSubcoreMesh(core_axis_name="c", subcore_axis_name="s")

    def body(table_hbm, src_hbm, dst_hbm, invdeg_hbm, agg_out,
             srcall, dstall, src0, src1, src2, dst0, dst1, dst2,
             rows0, rows1, rows2, zrows, dchunk, acc,
             gsem0, gsem1, gsem2, ssem0, ssem1, ssem2):
        src_v = (src0, src1, src2)
        dst_v = (dst0, dst1, dst2)
        rows_v = (rows0, rows1, rows2)
        gsem = (gsem0, gsem1, gsem2)
        ssem = (ssem0, ssem1, ssem2)
        c = lax.axis_index("c")
        s = lax.axis_index("s")
        wid = c * _NS + s

        def zfill(r, carry):
            for jj in range(d // 16):
                rows_v[0][r, pl.ds(jj * 16, 16)] = jnp.zeros((16,),
                                                             jnp.float32)
            return carry
        lax.fori_loop(0, k, zfill, 0)
        nz2 = n // k

        def zinit(t, carry):
            idx = s + t * _NS
            @pl.when(idx < nz2)
            def _():
                pltpu.sync_copy(rows_v[0], acc.at[pl.ds(idx * k, k)])
            return carry
        lax.fori_loop(0, (nz2 + _NS - 1) // _NS, zinit, 0)
        plsc.subcore_barrier()

        ebase = wid * ew

        def fill_idx(b, i_chunk):
            off = i_chunk * k
            for j in range(k // 16):
                src_v[b][pl.ds(j * 16, 16)] = srcall[pl.ds(off + j * 16, 16)]
                dst_v[b][pl.ds(j * 16, 16)] = dstall[pl.ds(off + j * 16, 16)]

        def gather_start(b):
            pltpu.async_copy(table_hbm.at[src_v[b]], rows_v[b], gsem[b])

        def gather_wait(b):
            pltpu.make_async_copy(table_hbm.at[src_v[b]], rows_v[b],
                                  gsem[b]).wait()

        def scatter_start(b):
            pltpu.async_copy(rows_v[b], acc.at[dst_v[b]], ssem[b], add=True)

        def scatter_wait(b):
            pltpu.make_async_copy(rows_v[b], acc.at[dst_v[b]], ssem[b]).wait()

        def block(u, carry):
            bb = ebase + u * ib
            pltpu.sync_copy(src_hbm.at[pl.ds(bb, ib)], srcall)
            pltpu.sync_copy(dst_hbm.at[pl.ds(bb, ib)], dstall)
            fill_idx(0, 0)
            gather_start(0)
            fill_idx(1, 1)
            gather_start(1)

            def tri(p, carry2):
                for b in range(3):
                    i_ = 3 * p + b
                    @pl.when(i_ < ncb)
                    def _():
                        gather_wait(b)
                        nxt = i_ + 2
                        @pl.when(nxt < ncb)
                        def _():
                            nb2 = (b + 2) % 3
                            @pl.when(i_ >= 1)
                            def _():
                                scatter_wait(nb2)
                            fill_idx(nb2, nxt)
                            gather_start(nb2)
                        scatter_start(b)
                return carry2
            lax.fori_loop(0, (ncb + 2) // 3, tri, 0)
            scatter_wait((ncb - 3) % 3)
            scatter_wait((ncb - 2) % 3)
            scatter_wait((ncb - 1) % 3)
            return carry
        lax.fori_loop(0, nib, block, 0)
        plsc.subcore_barrier()

        def wback(t, carry):
            idx = s + t * _NS
            @pl.when(idx < nzc)
            def _():
                a0 = idx * zr
                @pl.when(t >= 1)
                def _():
                    pltpu.make_async_copy(
                        zrows, agg_out.at[pl.ds(c * n, zr)], ssem[0]).wait()
                pltpu.sync_copy(acc.at[pl.ds(a0, zr)], zrows)
                pltpu.sync_copy(invdeg_hbm.at[pl.ds(a0, zr)], dchunk)
                def srow(r, carry2):
                    rv = jnp.full((16,), r, jnp.int32)
                    inv = plsc.load_gather(dchunk, [rv])
                    for jj in range(d // 16):
                        zrows[r, pl.ds(jj * 16, 16)] = (
                            zrows[r, pl.ds(jj * 16, 16)] * inv)
                    return carry2
                lax.fori_loop(0, zr, srow, 0)
                pltpu.async_copy(zrows, agg_out.at[pl.ds(c * n + a0, zr)],
                                 ssem[0])
            return carry
        lax.fori_loop(0, nzi, wback, 0)
        pltpu.make_async_copy(zrows, agg_out.at[pl.ds(c * n, zr)],
                              ssem[0]).wait()

    return pl.kernel(
        body, mesh=mesh,
        out_type=[jax.ShapeDtypeStruct((_NC * n, d), jnp.float32)],
        scratch_types=[
            pltpu.VMEM((2000,), jnp.int32),
            pltpu.VMEM((2000,), jnp.int32),
            pltpu.VMEM((80,), jnp.int32),
            pltpu.VMEM((80,), jnp.int32),
            pltpu.VMEM((80,), jnp.int32),
            pltpu.VMEM((80,), jnp.int32),
            pltpu.VMEM((80,), jnp.int32),
            pltpu.VMEM((80,), jnp.int32),
            pltpu.VMEM((80, d), jnp.float32),
            pltpu.VMEM((80, d), jnp.float32),
            pltpu.VMEM((80, d), jnp.float32),
            pltpu.VMEM((40, d), jnp.float32),
            pltpu.VMEM((40,), jnp.float32),
            pltpu.VMEM_SHARED((n, d), jnp.float32),
            pltpu.SemaphoreType.DMA,
            pltpu.SemaphoreType.DMA,
            pltpu.SemaphoreType.DMA,
            pltpu.SemaphoreType.DMA,
            pltpu.SemaphoreType.DMA,
            pltpu.SemaphoreType.DMA,
        ],
        compiler_params=pltpu.CompilerParams(needs_layout_passes=False))


def _dense_body(relu, agg_a, agg_b, x_ref, wlt, blr, wrt, out_ref):
    mean = agg_a[...] + agg_b[...]
    y = (jnp.dot(mean, wlt[...], preferred_element_type=jnp.float32)
         + blr[...]
         + jnp.dot(x_ref[...], wrt[...], preferred_element_type=jnp.float32))
    out_ref[...] = jnp.maximum(y, 0.0) if relu else y


def _dense(agg2, x, wlt, blr, wrt, relu):
    n, d = x.shape
    r = 2000
    nb = n // r
    assert nb * r == n
    return pl.pallas_call(
        functools.partial(_dense_body, relu),
        grid=(nb,),
        in_specs=[
            pl.BlockSpec((r, d), lambda i: (i, 0)),
            pl.BlockSpec((r, d), lambda i, _nb=nb: (i + _nb, 0)),
            pl.BlockSpec((r, d), lambda i: (i, 0)),
            pl.BlockSpec((d, d), lambda i: (0, 0)),
            pl.BlockSpec((1, d), lambda i: (0, 0)),
            pl.BlockSpec((d, d), lambda i: (0, 0)),
        ],
        out_specs=pl.BlockSpec((r, d), lambda i: (i, 0)),
        out_shape=jax.ShapeDtypeStruct((n, d), jnp.float32),
    )(agg2, agg2, x, wlt, blr, wrt)


def kernel(x, edge_index, W1l, b1l, W1r, W2l, b2l, W2r):
    n, d = x.shape
    e = edge_index.shape[1]
    src = edge_index[0]
    dst = edge_index[1]

    invdeg_k = _make_invdeg(n, e)
    segmean = _make_segmean(n, d, e)

    (invdeg,) = invdeg_k(dst)
    (mean1,) = segmean(x, src, dst, invdeg)
    h = _dense(mean1, x, W1l.T, b1l.reshape(1, -1), W1r.T, relu=True)
    (mean2,) = segmean(h, src, dst, invdeg)
    out = _dense(mean2, h, W2l.T, b2l.reshape(1, -1), W2r.T, relu=False)
    return out

# --- scband reference (transcript-rebuilt; emitter-appended) ---
"""Pipeline reference for scband-graph-sage-27633819583002 (READ-ONLY COPY).

The authoritative reference and input builder live on the scoring server;
editing this copy changes nothing except your own understanding.
"""

import jax, jax.numpy as jnp
import numpy as np

N = 10000
E = 320000
D = 128
H = 128


def setup_inputs(seed: int = 0) -> dict:
    key = jax.random.key(seed)
    ks = jax.random.split(key, 9)
    x = jax.random.normal(ks[0], (N, D), dtype=jnp.float32)
    edge_index = jax.random.randint(ks[1], (2, E), 0, N, dtype=jnp.int32)
    s = 0.05
    W1l = jax.random.normal(ks[2], (H, D), dtype=jnp.float32) * s
    b1l = jnp.zeros((H,), dtype=jnp.float32)
    W1r = jax.random.normal(ks[3], (H, D), dtype=jnp.float32) * s
    W2l = jax.random.normal(ks[4], (H, H), dtype=jnp.float32) * s
    b2l = jnp.zeros((H,), dtype=jnp.float32)
    W2r = jax.random.normal(ks[5], (H, H), dtype=jnp.float32) * s
    return {"x": x, "edge_index": edge_index, "W1l": W1l, "b1l": b1l, "W1r": W1r,
            "W2l": W2l, "b2l": b2l, "W2r": W2r}


def _sage_conv(x, src, dst, Wl, bl, Wr):
    # PyG SAGEConv with mean aggregation:
    #   out = lin_l(mean_{j in N(i)} x_j) + lin_r(x_i)
    msg = jnp.take(x, src, axis=0)                                  # gather [E, d]
    agg = jax.ops.segment_sum(msg, dst, num_segments=N)             # scatter-add [N, d]
    deg = jax.ops.segment_sum(jnp.ones((E,), dtype=x.dtype), dst, num_segments=N)
    mean = agg / jnp.clip(deg, 1.0)[:, None]
    return mean @ Wl.T + bl + x @ Wr.T


def reference(x, edge_index, W1l, b1l, W1r, W2l, b2l, W2r):
    src = edge_index[0]
    dst = edge_index[1]
    h = _sage_conv(x, src, dst, W1l, b1l, W1r)
    h = jax.nn.relu(h)
    out = _sage_conv(h, src, dst, W2l, b2l, W2r)
    return out

if __name__ == "__main__":
    import jax
    _d = setup_inputs()
    print(jax.jit(kernel)(*tuple(_d.values())))

</pallas_src>

<mosaic_0001>
#map = affine_map<(d0, d1) -> (0, 0)>
#map1 = affine_map<(d0, d1) -> (0)>
module attributes {stable_mosaic.version = 14 : i64} {
  func.func @body(%arg0: i32, %arg1: i32, %arg2: memref<10000x128xf32, #tpu.memory_space<hbm>>, %arg3: memref<320000xi32, #tpu.memory_space<hbm>>, %arg4: memref<320000xi32, #tpu.memory_space<hbm>>, %arg5: memref<10000xf32, #tpu.memory_space<hbm>>, %arg6: memref<20000x128xf32, #tpu.memory_space<hbm>>, %arg7: memref<2000xi32, #tpu.memory_space<vmem>>, %arg8: memref<2000xi32, #tpu.memory_space<vmem>>, %arg9: memref<80xi32, #tpu.memory_space<vmem>>, %arg10: memref<80xi32, #tpu.memory_space<vmem>>, %arg11: memref<80xi32, #tpu.memory_space<vmem>>, %arg12: memref<80xi32, #tpu.memory_space<vmem>>, %arg13: memref<80xi32, #tpu.memory_space<vmem>>, %arg14: memref<80xi32, #tpu.memory_space<vmem>>, %arg15: memref<80x128xf32, #tpu.memory_space<vmem>>, %arg16: memref<80x128xf32, #tpu.memory_space<vmem>>, %arg17: memref<80x128xf32, #tpu.memory_space<vmem>>, %arg18: memref<40x128xf32, #tpu.memory_space<vmem>>, %arg19: memref<40xf32, #tpu.memory_space<vmem>>, %arg20: memref<10000x128xf32, #tpu.memory_space<vmem_shared>>, %arg21: memref<!tpu.dma_semaphore, #tpu.memory_space<semaphore_mem>>, %arg22: memref<!tpu.dma_semaphore, #tpu.memory_space<semaphore_mem>>, %arg23: memref<!tpu.dma_semaphore, #tpu.memory_space<semaphore_mem>>, %arg24: memref<!tpu.dma_semaphore, #tpu.memory_space<semaphore_mem>>, %arg25: memref<!tpu.dma_semaphore, #tpu.memory_space<semaphore_mem>>, %arg26: memref<!tpu.dma_semaphore, #tpu.memory_space<semaphore_mem>>) attributes {dimension_semantics = [#tpu.dimension_semantics<core_parallel>, #tpu.dimension_semantics<subcore_parallel>], iteration_bounds = array<i64: 2, 16>, scalar_prefetch = 0 : i64, scratch_operands = 20 : i64, tpu.core_type = #tpu.core_type<sc_vector_subcore>, window_params = [{transform_indices = #map}, {transform_indices = #map1}, {transform_indices = #map1}, {transform_indices = #map1}, {transform_indices = #map}]} {
    %mul3A = arith.constant 16 : i32
    %mul3A_0 = arith.muli %arg0, %mul3A : i32
    %add3A = arith.addi %mul3A_0, %arg1 : i32
    %scan3A = arith.constant 0 : i32
    %scan3A_1 = arith.constant 0 : i32
    %scan3A_2 = arith.constant 80 : i32
    %scan3A_3 = arith.addi %scan3A_1, %scan3A_2 : i32
    %scan3A_4 = arith.constant 1 : i32
    scf.for %scan3A_32 = %scan3A_1 to %scan3A_3 step %scan3A_4  : i32 {
      %broadcast_in_dim3A = arith.constant 0.000000e+00 : f32
      %broadcast_in_dim3A_33 = vector.broadcast %broadcast_in_dim3A : f32 to vector<16xf32>
      %swap3A = arith.index_cast %scan3A_32 : i32 to index
      %swap3A_34 = arith.constant 0 : index
      %swap3A_35 = tpu.vector_load %arg15[%swap3A, %swap3A_34] {strides = array<i32>} : memref<80x128xf32, #tpu.memory_space<vmem>>, vector<16xf32>,
      tpu.vector_store %arg15[%swap3A, %swap3A_34], %broadcast_in_dim3A_33 {strides = array<i32>} : memref<80x128xf32, #tpu.memory_space<vmem>>, vector<16xf32>,
      %broadcast_in_dim3A_36 = arith.constant 0.000000e+00 : f32
      %broadcast_in_dim3A_37 = vector.broadcast %broadcast_in_dim3A_36 : f32 to vector<16xf32>
      %swap3A_38 = arith.index_cast %scan3A_32 : i32 to index
      %swap3A_39 = arith.constant 16 : index
      %swap3A_40 = tpu.vector_load %arg15[%swap3A_38, %swap3A_39] {strides = array<i32>} : memref<80x128xf32, #tpu.memory_space<vmem>>, vector<16xf32>,
      tpu.vector_store %arg15[%swap3A_38, %swap3A_39], %broadcast_in_dim3A_37 {strides = array<i32>} : memref<80x128xf32, #tpu.memory_space<vmem>>, vector<16xf32>,
      %broadcast_in_dim3A_41 = arith.constant 0.000000e+00 : f32
      %broadcast_in_dim3A_42 = vector.broadcast %broadcast_in_dim3A_41 : f32 to vector<16xf32>
      %swap3A_43 = arith.index_cast %scan3A_32 : i32 to index
      %swap3A_44 = arith.constant 32 : index
      %swap3A_45 = tpu.vector_load %arg15[%swap3A_43, %swap3A_44] {strides = array<i32>} : memref<80x128xf32, #tpu.memory_space<vmem>>, vector<16xf32>,
      tpu.vector_store %arg15[%swap3A_43, %swap3A_44], %broadcast_in_dim3A_42 {strides = array<i32>} : memref<80x128xf32, #tpu.memory_space<vmem>>, vector<16xf32>,
      %broadcast_in_dim3A_46 = arith.constant 0.000000e+00 : f32
      %broadcast_in_dim3A_47 = vector.broadcast %broadcast_in_dim3A_46 : f32 to vector<16xf32>
      %swap3A_48 = arith.index_cast %scan3A_32 : i32 to index
      %swap3A_49 = arith.constant 48 : index
      %swap3A_50 = tpu.vector_load %arg15[%swap3A_48, %swap3A_49] {strides = array<i32>} : memref<80x128xf32, #tpu.memory_space<vmem>>, vector<16xf32>,
      tpu.vector_store %arg15[%swap3A_48, %swap3A_49], %broadcast_in_dim3A_47 {strides = array<i32>} : memref<80x128xf32, #tpu.memory_space<vmem>>, vector<16xf32>,
      %broadcast_in_dim3A_51 = arith.constant 0.000000e+00 : f32
      %broadcast_in_dim3A_52 = vector.broadcast %broadcast_in_dim3A_51 : f32 to vector<16xf32>
      %swap3A_53 = arith.index_cast %scan3A_32 : i32 to index
      %swap3A_54 = arith.constant 64 : index
      %swap3A_55 = tpu.vector_load %arg15[%swap3A_53, %swap3A_54] {strides = array<i32>} : memref<80x128xf32, #tpu.memory_space<vmem>>, vector<16xf32>,
      tpu.vector_store %arg15[%swap3A_53, %swap3A_54], %broadcast_in_dim3A_52 {strides = array<i32>} : memref<80x128xf32, #tpu.memory_space<vmem>>, vector<16xf32>,
      %broadcast_in_dim3A_56 = arith.constant 0.000000e+00 : f32
      %broadcast_in_dim3A_57 = vector.broadcast %broadcast_in_dim3A_56 : f32 to vector<16xf32>
      %swap3A_58 = arith.index_cast %scan3A_32 : i32 to index
      %swap3A_59 = arith.constant 80 : index
      %swap3A_60 = tpu.vector_load %arg15[%swap3A_58, %swap3A_59] {strides = array<i32>} : memref<80x128xf32, #tpu.memory_space<vmem>>, vector<16xf32>,
      tpu.vector_store %arg15[%swap3A_58, %swap3A_59], %broadcast_in_dim3A_57 {strides = array<i32>} : memref<80x128xf32, #tpu.memory_space<vmem>>, vector<16xf32>,
      %broadcast_in_dim3A_61 = arith.constant 0.000000e+00 : f32
      %broadcast_in_dim3A_62 = vector.broadcast %broadcast_in_dim3A_61 : f32 to vector<16xf32>
      %swap3A_63 = arith.index_cast %scan3A_32 : i32 to index
      %swap3A_64 = arith.constant 96 : index
      %swap3A_65 = tpu.vector_load %arg15[%swap3A_63, %swap3A_64] {strides = array<i32>} : memref<80x128xf32, #tpu.memory_space<vmem>>, vector<16xf32>,
      tpu.vector_store %arg15[%swap3A_63, %swap3A_64], %broadcast_in_dim3A_62 {strides = array<i32>} : memref<80x128xf32, #tpu.memory_space<vmem>>, vector<16xf32>,
      %broadcast_in_dim3A_66 = arith.constant 0.000000e+00 : f32
      %broadcast_in_dim3A_67 = vector.broadcast %broadcast_in_dim3A_66 : f32 to vector<16xf32>
      %swap3A_68 = arith.index_cast %scan3A_32 : i32 to index
      %swap3A_69 = arith.constant 112 : index
      %swap3A_70 = tpu.vector_load %arg15[%swap3A_68, %swap3A_69] {strides = array<i32>} : memref<80x128xf32, #tpu.memory_space<vmem>>, vector<16xf32>,
      tpu.vector_store %arg15[%swap3A_68, %swap3A_69], %broadcast_in_dim3A_67 {strides = array<i32>} : memref<80x128xf32, #tpu.memory_space<vmem>>, vector<16xf32>,
    }
    %scan3A_5 = arith.constant 80 : i32
    %scan3A_6 = arith.constant 0 : i32
    %scan3A_7 = arith.constant 0 : i32
    %scan3A_8 = arith.constant 8 : i32
    %scan3A_9 = arith.addi %scan3A_7, %scan3A_8 : i32
    %scan3A_10 = arith.constant 1 : i32
    scf.for %scan3A_32 = %scan3A_7 to %scan3A_9 step %scan3A_10  : i32 {
      %mul3A_33 = arith.constant 16 : i32
      %mul3A_34 = arith.muli %scan3A_32, %mul3A_33 : i32
      %add3A_35 = arith.addi %arg1, %mul3A_34 : i32
      %lt3A = arith.constant 125 : i32
      %lt3A_36 = arith.cmpi slt, %add3A_35, %lt3A : i32
      %convert_element_type3A = arith.extui %lt3A_36 : i1 to i32
      %cond3A = arith.constant 0 : i32
      %cond3A_37 = arith.cmpi ne, %convert_element_type3A, %cond3A : i32
      scf.if %cond3A_37 {
        %mul3A_38 = arith.constant 80 : i32
        %mul3A_39 = arith.muli %add3A_35, %mul3A_38 : i32
        "tpu.region"() ({
          %run_scoped3A = tpu.sem_alloc : memref<!tpu.dma_semaphore, #tpu.memory_space<semaphore_mem>>
          %dma_start3A = arith.constant 0 : i32
          %dma_start3A_40 = tpu.memref_slice %arg20[%mul3A_39, %dma_start3A] : memref<10000x128xf32, #tpu.memory_space<vmem_shared>> -> memref<80x128xf32, #tpu.memory_space<vmem_shared>>
          %dma_start3A_41 = arith.constant 0 : i32
          %dma_start3A_42 = tpu.memref_slice %arg20[%mul3A_39, %dma_start3A_41] : memref<10000x128xf32, #tpu.memory_space<vmem_shared>> -> memref<80x128xf32, #tpu.memory_space<vmem_shared>>
          tpu.enqueue_dma source(%arg15 : memref<80x128xf32, #tpu.memory_space<vmem>>) target(%dma_start3A_42 : memref<80x128xf32, #tpu.memory_space<vmem_shared>>) target_semaphore(%run_scoped3A : memref<!tpu.dma_semaphore, #tpu.memory_space<semaphore_mem>>)
          %dma_wait3A_43 = arith.constant 0 : i32
          %dma_wait3A_44 = tpu.memref_slice %arg20[%mul3A_39, %dma_wait3A_43] : memref<10000x128xf32, #tpu.memory_space<vmem_shared>> -> memref<80x128xf32, #tpu.memory_space<vmem_shared>>
          %dma_wait3A_45 = arith.constant 0 : i32
          %dma_wait3A_46 = tpu.memref_slice %arg20[%mul3A_39, %dma_wait3A_45] : memref<10000x128xf32, #tpu.memory_space<vmem_shared>> -> memref<80x128xf32, #tpu.memory_space<vmem_shared>>
          tpu.wait_dma2 semaphore(%run_scoped3A : memref<!tpu.dma_semaphore, #tpu.memory_space<semaphore_mem>>) src(%arg15 : memref<80x128xf32, #tpu.memory_space<vmem>>) dst(%dma_wait3A_46 : memref<80x128xf32, #tpu.memory_space<vmem_shared>>)
          tpu.yield
        }) : () -> ()
      } else {
      }
    }
    %scan3A_11 = arith.constant 8 : i32
    %barrier3A = arith.constant 0 : index
    tpu.barrier barrier_id(%barrier3A)
    %mul3A_12 = arith.constant 10000 : i32
    %mul3A_13 = arith.muli %add3A, %mul3A_12 : i32
    %scan3A_14 = arith.constant 0 : i32
    %scan3A_15 = arith.constant 0 : i32
    %scan3A_16 = arith.constant 5 : i32
    %scan3A_17 = arith.addi %scan3A_15, %scan3A_16 : i32
    %scan3A_18 = arith.constant 1 : i32
    scf.for %scan3A_32 = %scan3A_15 to %scan3A_17 step %scan3A_18  : i32 {
      %mul3A_33 = arith.constant 2000 : i32
      %mul3A_34 = arith.muli %scan3A_32, %mul3A_33 : i32
      %add3A_35 = arith.addi %mul3A_13, %mul3A_34 : i32
      "tpu.region"() ({
        %run_scoped3A = tpu.sem_alloc : memref<!tpu.dma_semaphore, #tpu.memory_space<semaphore_mem>>
        %dma_start3A_134 = tpu.memref_slice %arg3[%add3A_35] : memref<320000xi32, #tpu.memory_space<hbm>> -> memref<2000xi32, #tpu.memory_space<hbm>>
        %dma_start3A_135 = tpu.memref_slice %arg3[%add3A_35] : memref<320000xi32, #tpu.memory_space<hbm>> -> memref<2000xi32, #tpu.memory_space<hbm>>
        tpu.enqueue_dma source(%dma_start3A_135 : memref<2000xi32, #tpu.memory_space<hbm>>) target(%arg7 : memref<2000xi32, #tpu.memory_space<vmem>>) target_semaphore(%run_scoped3A : memref<!tpu.dma_semaphore, #tpu.memory_space<semaphore_mem>>)
        %dma_wait3A_136 = tpu.memref_slice %arg3[%add3A_35] : memref<320000xi32, #tpu.memory_space<hbm>> -> memref<2000xi32, #tpu.memory_space<hbm>>
        %dma_wait3A_137 = tpu.memref_slice %arg3[%add3A_35] : memref<320000xi32, #tpu.memory_space<hbm>> -> memref<2000xi32, #tpu.memory_space<hbm>>
        tpu.wait_dma2 semaphore(%run_scoped3A : memref<!tpu.dma_semaphore, #tpu.memory_space<semaphore_mem>>) src(%dma_wait3A_137 : memref<2000xi32, #tpu.memory_space<hbm>>) dst(%arg7 : memref<2000xi32, #tpu.memory_space<vmem>>)
        tpu.yield
      }) : () -> ()
      "tpu.region"() ({
        %run_scoped3A = tpu.sem_alloc : memref<!tpu.dma_semaphore, #tpu.memory_space<semaphore_mem>>
        %dma_start3A_134 = tpu.memref_slice %arg4[%add3A_35] : memref<320000xi32, #tpu.memory_space<hbm>> -> memref<2000xi32, #tpu.memory_space<hbm>>
        %dma_start3A_135 = tpu.memref_slice %arg4[%add3A_35] : memref<320000xi32, #tpu.memory_space<hbm>> -> memref<2000xi32, #tpu.memory_space<hbm>>
        tpu.enqueue_dma source(%dma_start3A_135 : memref<2000xi32, #tpu.memory_space<hbm>>) target(%arg8 : memref<2000xi32, #tpu.memory_space<vmem>>) target_semaphore(%run_scoped3A : memref<!tpu.dma_semaphore, #tpu.memory_space<semaphore_mem>>)
        %dma_wait3A_136 = tpu.memref_slice %arg4[%add3A_35] : memref<320000xi32, #tpu.memory_space<hbm>> -> memref<2000xi32, #tpu.memory_space<hbm>>
        %dma_wait3A_137 = tpu.memref_slice %arg4[%add3A_35] : memref<320000xi32, #tpu.memory_space<hbm>> -> memref<2000xi32, #tpu.memory_space<hbm>>
        tpu.wait_dma2 semaphore(%run_scoped3A : memref<!tpu.dma_semaphore, #tpu.memory_space<semaphore_mem>>) src(%dma_wait3A_137 : memref<2000xi32, #tpu.memory_space<hbm>>) dst(%arg8 : memref<2000xi32, #tpu.memory_space<vmem>>)
        tpu.yield
      }) : () -> ()
      %get3A = arith.constant 0 : index
      %get3A_36 = tpu.vector_load %arg7[%get3A] {strides = array<i32>} : memref<2000xi32, #tpu.memory_space<vmem>>, vector<16xi32>,
      %swap3A = arith.constant 0 : index
      %swap3A_37 = tpu.vector_load %arg9[%swap3A] {strides = array<i32>} : memref<80xi32, #tpu.memory_space<vmem>>, vector<16xi32>,
      tpu.vector_store %arg9[%swap3A], %get3A_36 {strides = array<i32>} : memref<80xi32, #tpu.memory_space<vmem>>, vector<16xi32>,
      %get3A_38 = arith.constant 0 : index
      %get3A_39 = tpu.vector_load %arg8[%get3A_38] {strides = array<i32>} : memref<2000xi32, #tpu.memory_space<vmem>>, vector<16xi32>,
      %swap3A_40 = arith.constant 0 : index
      %swap3A_41 = tpu.vector_load %arg12[%swap3A_40] {strides = array<i32>} : memref<80xi32, #tpu.memory_space<vmem>>, vector<16xi32>,
      tpu.vector_store %arg12[%swap3A_40], %get3A_39 {strides = array<i32>} : memref<80xi32, #tpu.memory_space<vmem>>, vector<16xi32>,
      %get3A_42 = arith.constant 16 : index
      %get3A_43 = tpu.vector_load %arg7[%get3A_42] {strides = array<i32>} : memref<2000xi32, #tpu.memory_space<vmem>>, vector<16xi32>,
      %swap3A_44 = arith.constant 16 : index
      %swap3A_45 = tpu.vector_load %arg9[%swap3A_44] {strides = array<i32>} : memref<80xi32, #tpu.memory_space<vmem>>, vector<16xi32>,
      tpu.vector_store %arg9[%swap3A_44], %get3A_43 {strides = array<i32>} : memref<80xi32, #tpu.memory_space<vmem>>, vector<16xi32>,
      %get3A_46 = arith.constant 16 : index
      %get3A_47 = tpu.vector_load %arg8[%get3A_46] {strides = array<i32>} : memref<2000xi32, #tpu.memory_space<vmem>>, vector<16xi32>,
      %swap3A_48 = arith.constant 16 : index
      %swap3A_49 = tpu.vector_load %arg12[%swap3A_48] {strides = array<i32>} : memref<80xi32, #tpu.memory_space<vmem>>, vector<16xi32>,
      tpu.vector_store %arg12[%swap3A_48], %get3A_47 {strides = array<i32>} : memref<80xi32, #tpu.memory_space<vmem>>, vector<16xi32>,
      %get3A_50 = arith.constant 32 : index
      %get3A_51 = tpu.vector_load %arg7[%get3A_50] {strides = array<i32>} : memref<2000xi32, #tpu.memory_space<vmem>>, vector<16xi32>,
      %swap3A_52 = arith.constant 32 : index
      %swap3A_53 = tpu.vector_load %arg9[%swap3A_52] {strides = array<i32>} : memref<80xi32, #tpu.memory_space<vmem>>, vector<16xi32>,
      tpu.vector_store %arg9[%swap3A_52], %get3A_51 {strides = array<i32>} : memref<80xi32, #tpu.memory_space<vmem>>, vector<16xi32>,
      %get3A_54 = arith.constant 32 : index
      %get3A_55 = tpu.vector_load %arg8[%get3A_54] {strides = array<i32>} : memref<2000xi32, #tpu.memory_space<vmem>>, vector<16xi32>,
      %swap3A_56 = arith.constant 32 : index
      %swap3A_57 = tpu.vector_load %arg12[%swap3A_56] {strides = array<i32>} : memref<80xi32, #tpu.memory_space<vmem>>, vector<16xi32>,
      tpu.vector_store %arg12[%swap3A_56], %get3A_55 {strides = array<i32>} : memref<80xi32, #tpu.memory_space<vmem>>, vector<16xi32>,
      %get3A_58 = arith.constant 48 : index
      %get3A_59 = tpu.vector_load %arg7[%get3A_58] {strides = array<i32>} : memref<2000xi32, #tpu.memory_space<vmem>>, vector<16xi32>,
      %swap3A_60 = arith.constant 48 : index
      %swap3A_61 = tpu.vector_load %arg9[%swap3A_60] {strides = array<i32>} : memref<80xi32, #tpu.memory_space<vmem>>, vector<16xi32>,
      tpu.vector_store %arg9[%swap3A_60], %get3A_59 {strides = array<i32>} : memref<80xi32, #tpu.memory_space<vmem>>, vector<16xi32>,
      %get3A_62 = arith.constant 48 : index
      %get3A_63 = tpu.vector_load %arg8[%get3A_62] {strides = array<i32>} : memref<2000xi32, #tpu.memory_space<vmem>>, vector<16xi32>,
      %swap3A_64 = arith.constant 48 : index
      %swap3A_65 = tpu.vector_load %arg12[%swap3A_64] {strides = array<i32>} : memref<80xi32, #tpu.memory_space<vmem>>, vector<16xi32>,
      tpu.vector_store %arg12[%swap3A_64], %get3A_63 {strides = array<i32>} : memref<80xi32, #tpu.memory_space<vmem>>, vector<16xi32>,
      %get3A_66 = arith.constant 64 : index
      %get3A_67 = tpu.vector_load %arg7[%get3A_66] {strides = array<i32>} : memref<2000xi32, #tpu.memory_space<vmem>>, vector<16xi32>,
      %swap3A_68 = arith.constant 64 : index
      %swap3A_69 = tpu.vector_load %arg9[%swap3A_68] {strides = array<i32>} : memref<80xi32, #tpu.memory_space<vmem>>, vector<16xi32>,
      tpu.vector_store %arg9[%swap3A_68], %get3A_67 {strides = array<i32>} : memref<80xi32, #tpu.memory_space<vmem>>, vector<16xi32>,
      %get3A_70 = arith.constant 64 : index
      %get3A_71 = tpu.vector_load %arg8[%get3A_70] {strides = array<i32>} : memref<2000xi32, #tpu.memory_space<vmem>>, vector<16xi32>,
      %swap3A_72 = arith.constant 64 : index
      %swap3A_73 = tpu.vector_load %arg12[%swap3A_72] {strides = array<i32>} : memref<80xi32, #tpu.memory_space<vmem>>, vector<16xi32>,
      tpu.vector_store %arg12[%swap3A_72], %get3A_71 {strides = array<i32>} : memref<80xi32, #tpu.memory_space<vmem>>, vector<16xi32>,
      %dma_start3A = arith.constant 0 : i32
      %dma_start3A_74 = arith.constant 0 : i32
      %dma_start3A_75 = tpu.memref_slice %arg2[%dma_start3A, %dma_start3A_74] : memref<10000x128xf32, #tpu.memory_space<hbm>> -> memref<10000x128xf32, #tpu.memory_space<hbm>>
      tpu.enqueue_indirect_dma source(%dma_start3A_75 : memref<10000x128xf32, #tpu.memory_space<hbm>>) target(%arg15 : memref<80x128xf32, #tpu.memory_space<vmem>>) offsets(%arg9 : memref<80xi32, #tpu.memory_space<vmem>>) semaphore(%arg21 : memref<!tpu.dma_semaphore, #tpu.memory_space<semaphore_mem>>)
      %get3A_76 = arith.constant 80 : index
      %get3A_77 = tpu.vector_load %arg7[%get3A_76] {strides = array<i32>} : memref<2000xi32, #tpu.memory_space<vmem>>, vector<16xi32>,
      %swap3A_78 = arith.constant 0 : index
      %swap3A_79 = tpu.vector_load %arg10[%swap3A_78] {strides = array<i32>} : memref<80xi32, #tpu.memory_space<vmem>>, vector<16xi32>,
      tpu.vector_store %arg10[%swap3A_78], %get3A_77 {strides = array<i32>} : memref<80xi32, #tpu.memory_space<vmem>>, vector<16xi32>,
      %get3A_80 = arith.constant 80 : index
      %get3A_81 = tpu.vector_load %arg8[%get3A_80] {strides = array<i32>} : memref<2000xi32, #tpu.memory_space<vmem>>, vector<16xi32>,
      %swap3A_82 = arith.constant 0 : index
      %swap3A_83 = tpu.vector_load %arg13[%swap3A_82] {strides = array<i32>} : memref<80xi32, #tpu.memory_space<vmem>>, vector<16xi32>,
      tpu.vector_store %arg13[%swap3A_82], %get3A_81 {strides = array<i32>} : memref<80xi32, #tpu.memory_space<vmem>>, vector<16xi32>,
      %get3A_84 = arith.constant 96 : index
      %get3A_85 = tpu.vector_load %arg7[%get3A_84] {strides = array<i32>} : memref<2000xi32, #tpu.memory_space<vmem>>, vector<16xi32>,
      %swap3A_86 = arith.constant 16 : index
      %swap3A_87 = tpu.vector_load %arg10[%swap3A_86] {strides = array<i32>} : memref<80xi32, #tpu.memory_space<vmem>>, vector<16xi32>,
      tpu.vector_store %arg10[%swap3A_86], %get3A_85 {strides = array<i32>} : memref<80xi32, #tpu.memory_space<vmem>>, vector<16xi32>,
      %get3A_88 = arith.constant 96 : index
      %get3A_89 = tpu.vector_load %arg8[%get3A_88] {strides = array<i32>} : memref<2000xi32, #tpu.memory_space<vmem>>, vector<16xi32>,
      %swap3A_90 = arith.constant 16 : index
      %swap3A_91 = tpu.vector_load %arg13[%swap3A_90] {strides = array<i32>} : memref<80xi32, #tpu.memory_space<vmem>>, vector<16xi32>,
      tpu.vector_store %arg13[%swap3A_90], %get3A_89 {strides = array<i32>} : memref<80xi32, #tpu.memory_space<vmem>>, vector<16xi32>,
      %get3A_92 = arith.constant 112 : index
      %get3A_93 = tpu.vector_load %arg7[%get3A_92] {strides = array<i32>} : memref<2000xi32, #tpu.memory_space<vmem>>, vector<16xi32>,
      %swap3A_94 = arith.constant 32 : index
      %swap3A_95 = tpu.vector_load %arg10[%swap3A_94] {strides = array<i32>} : memref<80xi32, #tpu.memory_space<vmem>>, vector<16xi32>,
      tpu.vector_store %arg10[%swap3A_94], %get3A_93 {strides = array<i32>} : memref<80xi32, #tpu.memory_space<vmem>>, vector<16xi32>,
      %get3A_96 = arith.constant 112 : index
      %get3A_97 = tpu.vector_load %arg8[%get3A_96] {strides = array<i32>} : memref<2000xi32, #tpu.memory_space<vmem>>, vector<16xi32>,
      %swap3A_98 = arith.constant 32 : index
      %swap3A_99 = tpu.vector_load %arg13[%swap3A_98] {strides = array<i32>} : memref<80xi32, #tpu.memory_space<vmem>>, vector<16xi32>,
      tpu.vector_store %arg13[%swap3A_98], %get3A_97 {strides = array<i32>} : memref<80xi32, #tpu.memory_space<vmem>>, vector<16xi32>,
      %get3A_100 = arith.constant 128 : index
      %get3A_101 = tpu.vector_load %arg7[%get3A_100] {strides = array<i32>} : memref<2000xi32, #tpu.memory_space<vmem>>, vector<16xi32>,
      %swap3A_102 = arith.constant 48 : index
      %swap3A_103 = tpu.vector_load %arg10[%swap3A_102] {strides = array<i32>} : memref<80xi32, #tpu.memory_space<vmem>>, vector<16xi32>,
      tpu.vector_store %arg10[%swap3A_102], %get3A_101 {strides = array<i32>} : memref<80xi32, #tpu.memory_space<vmem>>, vector<16xi32>,
      %get3A_104 = arith.constant 128 : index
      %get3A_105 = tpu.vector_load %arg8[%get3A_104] {strides = array<i32>} : memref<2000xi32, #tpu.memory_space<vmem>>, vector<16xi32>,
      %swap3A_106 = arith.constant 48 : index
      %swap3A_107 = tpu.vector_load %arg13[%swap3A_106] {strides = array<i32>} : memref<80xi32, #tpu.memory_space<vmem>>, vector<16xi32>,
      tpu.vector_store %arg13[%swap3A_106], %get3A_105 {strides = array<i32>} : memref<80xi32, #tpu.memory_space<vmem>>, vector<16xi32>,
      %get3A_108 = arith.constant 144 : index
      %get3A_109 = tpu.vector_load %arg7[%get3A_108] {strides = array<i32>} : memref<2000xi32, #tpu.memory_space<vmem>>, vector<16xi32>,
      %swap3A_110 = arith.constant 64 : index
      %swap3A_111 = tpu.vector_load %arg10[%swap3A_110] {strides = array<i32>} : memref<80xi32, #tpu.memory_space<vmem>>, vector<16xi32>,
      tpu.vector_store %arg10[%swap3A_110], %get3A_109 {strides = array<i32>} : memref<80xi32, #tpu.memory_space<vmem>>, vector<16xi32>,
      %get3A_112 = arith.constant 144 : index
      %get3A_113 = tpu.vector_load %arg8[%get3A_112] {strides = array<i32>} : memref<2000xi32, #tpu.memory_space<vmem>>, vector<16xi32>,
      %swap3A_114 = arith.constant 64 : index
      %swap3A_115 = tpu.vector_load %arg13[%swap3A_114] {strides = array<i32>} : memref<80xi32, #tpu.memory_space<vmem>>, vector<16xi32>,
      tpu.vector_store %arg13[%swap3A_114], %get3A_113 {strides = array<i32>} : memref<80xi32, #tpu.memory_space<vmem>>, vector<16xi32>,
      %dma_start3A_116 = arith.constant 0 : i32
      %dma_start3A_117 = arith.constant 0 : i32
      %dma_start3A_118 = tpu.memref_slice %arg2[%dma_start3A_116, %dma_start3A_117] : memref<10000x128xf32, #tpu.memory_space<hbm>> -> memref<10000x128xf32, #tpu.memory_space<hbm>>
      tpu.enqueue_indirect_dma source(%dma_start3A_118 : memref<10000x128xf32, #tpu.memory_space<hbm>>) target(%arg16 : memref<80x128xf32, #tpu.memory_space<vmem>>) offsets(%arg10 : memref<80xi32, #tpu.memory_space<vmem>>) semaphore(%arg22 : memref<!tpu.dma_semaphore, #tpu.memory_space<semaphore_mem>>)
      %scan3A_119 = arith.constant 0 : i32
      %scan3A_120 = arith.constant 0 : i32
      %scan3A_121 = arith.constant 9 : i32
      %scan3A_122 = arith.addi %scan3A_120, %scan3A_121 : i32
      %scan3A_123 = arith.constant 1 : i32
      scf.for %scan3A_134 = %scan3A_120 to %scan3A_122 step %scan3A_123  : i32 {
        %mul3A_135 = arith.constant 3 : i32
        %mul3A_136 = arith.muli %mul3A_135, %scan3A_134 : i32
        %add3A_137 = arith.constant 0 : i32
        %add3A_138 = arith.addi %mul3A_136, %add3A_137 : i32
        %lt3A = arith.constant 25 : i32
        %lt3A_139 = arith.cmpi slt, %add3A_138, %lt3A : i32
        %convert_element_type3A = arith.extui %lt3A_139 : i1 to i32
        %cond3A = arith.constant 0 : i32
        %cond3A_140 = arith.cmpi ne, %convert_element_type3A, %cond3A : i32
        scf.if %cond3A_140 {
          %dma_wait3A_159 = arith.constant 0 : i32
          %dma_wait3A_160 = arith.constant 0 : i32
          %dma_wait3A_161 = tpu.memref_slice %arg2[%dma_wait3A_159, %dma_wait3A_160] : memref<10000x128xf32, #tpu.memory_space<hbm>> -> memref<10000x128xf32, #tpu.memory_space<hbm>>
          tpu.wait_indirect_dma semaphore(%arg21 : memref<!tpu.dma_semaphore, #tpu.memory_space<semaphore_mem>>) src(%dma_wait3A_161 : memref<10000x128xf32, #tpu.memory_space<hbm>>) dst(%arg15 : memref<80x128xf32, #tpu.memory_space<vmem>>)
          %add3A_162 = arith.constant 2 : i32
          %add3A_163 = arith.addi %add3A_138, %add3A_162 : i32
          %lt3A_164 = arith.constant 25 : i32
          %lt3A_165 = arith.cmpi slt, %add3A_163, %lt3A_164 : i32
          %convert_element_type3A_166 = arith.extui %lt3A_165 : i1 to i32
          %cond3A_167 = arith.constant 0 : i32
          %cond3A_168 = arith.cmpi ne, %convert_element_type3A_166, %cond3A_167 : i32
          scf.if %cond3A_168 {
            %ge3A = arith.constant 1 : i32
            %ge3A_172 = arith.cmpi sge, %add3A_138, %ge3A : i32
            %convert_element_type3A_173 = arith.extui %ge3A_172 : i1 to i32
            %cond3A_174 = arith.constant 0 : i32
            %cond3A_175 = arith.cmpi ne, %convert_element_type3A_173, %cond3A_174 : i32
            scf.if %cond3A_175 {
              %dma_wait3A_241 = arith.constant 0 : i32
              %dma_wait3A_242 = arith.constant 0 : i32
              %dma_wait3A_243 = tpu.memref_slice %arg20[%dma_wait3A_241, %dma_wait3A_242] : memref<10000x128xf32, #tpu.memory_space<vmem_shared>> -> memref<10000x128xf32, #tpu.memory_space<vmem_shared>>
              tpu.wait_indirect_dma semaphore(%arg26 : memref<!tpu.dma_semaphore, #tpu.memory_space<semaphore_mem>>) src(%arg17 : memref<80x128xf32, #tpu.memory_space<vmem>>) dst(%dma_wait3A_243 : memref<10000x128xf32, #tpu.memory_space<vmem_shared>>)
            } else {
            }
            %mul3A_176 = arith.constant 80 : i32
            %mul3A_177 = arith.muli %add3A_163, %mul3A_176 : i32
            %add3A_178 = arith.constant 0 : i32
            %add3A_179 = arith.addi %mul3A_177, %add3A_178 : i32
            %get3A_180 = arith.index_cast %add3A_179 : i32 to index
            %get3A_181 = tpu.vector_load %arg7[%get3A_180] {strides = array<i32>} : memref<2000xi32, #tpu.memory_space<vmem>>, vector<16xi32>,
            %swap3A_182 = arith.constant 0 : index
            %swap3A_183 = tpu.vector_load %arg11[%swap3A_182] {strides = array<i32>} : memref<80xi32, #tpu.memory_space<vmem>>, vector<16xi32>,
            tpu.vector_store %arg11[%swap3A_182], %get3A_181 {strides = array<i32>} : memref<80xi32, #tpu.memory_space<vmem>>, vector<16xi32>,
            %add3A_184 = arith.constant 0 : i32
            %add3A_185 = arith.addi %mul3A_177, %add3A_184 : i32
            %get3A_186 = arith.index_cast %add3A_185 : i32 to index
            %get3A_187 = tpu.vector_load %arg8[%get3A_186] {strides = array<i32>} : memref<2000xi32, #tpu.memory_space<vmem>>, vector<16xi32>,
            %swap3A_188 = arith.constant 0 : index
            %swap3A_189 = tpu.vector_load %arg14[%swap3A_188] {strides = array<i32>} : memref<80xi32, #tpu.memory_space<vmem>>, vector<16xi32>,
            tpu.vector_store %arg14[%swap3A_188], %get3A_187 {strides = array<i32>} : memref<80xi32, #tpu.memory_space<vmem>>, vector<16xi32>,
            %add3A_190 = arith.constant 16 : i32
            %add3A_191 = arith.addi %mul3A_177, %add3A_190 : i32
            %get3A_192 = arith.index_cast %add3A_191 : i32 to index
            %get3A_193 = tpu.vector_load %arg7[%get3A_192] {strides = array<i32>} : memref<2000xi32, #tpu.memory_space<vmem>>, vector<16xi32>,
            %swap3A_194 = arith.constant 16 : index
            %swap3A_195 = tpu.vector_load %arg11[%swap3A_194] {strides = array<i32>} : memref<80xi32, #tpu.memory_space<vmem>>, vector<16xi32>,
            tpu.vector_store %arg11[%swap3A_194], %get3A_193 {strides = array<i32>} : memref<80xi32, #tpu.memory_space<vmem>>, vector<16xi32>,
            %add3A_196 = arith.constant 16 : i32
            %add3A_197 = arith.addi %mul3A_177, %add3A_196 : i32
            %get3A_198 = arith.index_cast %add3A_197 : i32 to index
            %get3A_199 = tpu.vector_load %arg8[%get3A_198] {strides = array<i32>} : memref<2000xi32, #tpu.memory_space<vmem>>, vector<16xi32>,
            %swap3A_200 = arith.constant 16 : index
            %swap3A_201 = tpu.vector_load %arg14[%swap3A_200] {strides = array<i32>} : memref<80xi32, #tpu.memory_space<vmem>>, vector<16xi32>,
            tpu.vector_store %arg14[%swap3A_200], %get3A_199 {strides = array<i32>} : memref<80xi32, #tpu.memory_space<vmem>>, vector<16xi32>,
            %add3A_202 = arith.constant 32 : i32
            %add3A_203 = arith.addi %mul3A_177, %add3A_202 : i32
            %get3A_204 = arith.index_cast %add3A_203 : i32 to index
            %get3A_205 = tpu.vector_load %arg7[%get3A_204] {strides = array<i32>} : memref<2000xi32, #tpu.memory_space<vmem>>, vector<16xi32>,
            %swap3A_206 = arith.constant 32 : index
            %swap3A_207 = tpu.vector_load %arg11[%swap3A_206] {strides = array<i32>} : memref<80xi32, #tpu.memory_space<vmem>>, vector<16xi32>,
            tpu.vector_store %arg11[%swap3A_206], %get3A_205 {strides = array<i32>} : memref<80xi32, #tpu.memory_space<vmem>>, vector<16xi32>,
            %add3A_208 = arith.constant 32 : i32
            %add3A_209 = arith.addi %mul3A_177, %add3A_208 : i32
            %get3A_210 = arith.index_cast %add3A_209 : i32 to index
            %get3A_211 = tpu.vector_load %arg8[%get3A_210] {strides = array<i32>} : memref<2000xi32, #tpu.memory_space<vmem>>, vector<16xi32>,
            %swap3A_212 = arith.constant 32 : index
            %swap3A_213 = tpu.vector_load %arg14[%swap3A_212] {strides = array<i32>} : memref<80xi32, #tpu.memory_space<vmem>>, vector<16xi32>,
            tpu.vector_store %arg14[%swap3A_212], %get3A_211 {strides = array<i32>} : memref<80xi32, #tpu.memory_space<vmem>>, vector<16xi32>,
            %add3A_214 = arith.constant 48 : i32
            %add3A_215 = arith.addi %mul3A_177, %add3A_214 : i32
            %get3A_216 = arith.index_cast %add3A_215 : i32 to index
            %get3A_217 = tpu.vector_load %arg7[%get3A_216] {strides = array<i32>} : memref<2000xi32, #tpu.memory_space<vmem>>, vector<16xi32>,
            %swap3A_218 = arith.constant 48 : index
            %swap3A_219 = tpu.vector_load %arg11[%swap3A_218] {strides = array<i32>} : memref<80xi32, #tpu.memory_space<vmem>>, vector<16xi32>,
            tpu.vector_store %arg11[%swap3A_218], %get3A_217 {strides = array<i32>} : memref<80xi32, #tpu.memory_space<vmem>>, vector<16xi32>,
            %add3A_220 = arith.constant 48 : i32
            %add3A_221 = arith.addi %mul3A_177, %add3A_220 : i32
            %get3A_222 = arith.index_cast %add3A_221 : i32 to index
            %get3A_223 = tpu.vector_load %arg8[%get3A_222] {strides = array<i32>} : memref<2000xi32, #tpu.memory_space<vmem>>, vector<16xi32>,
            %swap3A_224 = arith.constant 48 : index
            %swap3A_225 = tpu.vector_load %arg14[%swap3A_224] {strides = array<i32>} : memref<80xi32, #tpu.memory_space<vmem>>, vector<16xi32>,
            tpu.vector_store %arg14[%swap3A_224], %get3A_223 {strides = array<i32>} : memref<80xi32, #tpu.memory_space<vmem>>, vector<16xi32>,
            %add3A_226 = arith.constant 64 : i32
            %add3A_227 = arith.addi %mul3A_177, %add3A_226 : i32
            %get3A_228 = arith.index_cast %add3A_227 : i32 to index
            %get3A_229 = tpu.vector_load %arg7[%get3A_228] {strides = array<i32>} : memref<2000xi32, #tpu.memory_space<vmem>>, vector<16xi32>,
            %swap3A_230 = arith.constant 64 : index
            %swap3A_231 = tpu.vector_load %arg11[%swap3A_230] {strides = array<i32>} : memref<80xi32, #tpu.memory_space<vmem>>, vector<16xi32>,
            tpu.vector_store %arg11[%swap3A_230], %get3A_229 {strides = array<i32>} : memref<80xi32, #tpu.memory_space<vmem>>, vector<16xi32>,
            %add3A_232 = arith.constant 64 : i32
            %add3A_233 = arith.addi %mul3A_177, %add3A_232 : i32
            %get3A_234 = arith.index_cast %add3A_233 : i32 to index
            %get3A_235 = tpu.vector_load %arg8[%get3A_234] {strides = array<i32>} : memref<2000xi32, #tpu.memory_space<vmem>>, vector<16xi32>,
            %swap3A_236 = arith.constant 64 : index
            %swap3A_237 = tpu.vector_load %arg14[%swap3A_236] {strides = array<i32>} : memref<80xi32, #tpu.memory_space<vmem>>, vector<16xi32>,
            tpu.vector_store %arg14[%swap3A_236], %get3A_235 {strides = array<i32>} : memref<80xi32, #tpu.memory_space<vmem>>, vector<16xi32>,
            %dma_start3A_238 = arith.constant 0 : i32
            %dma_start3A_239 = arith.constant 0 : i32
            %dma_start3A_240 = tpu.memref_slice %arg2[%dma_start3A_238, %dma_start3A_239] : memref<10000x128xf32, #tpu.memory_space<hbm>> -> memref<10000x128xf32, #tpu.memory_space<hbm>>
            tpu.enqueue_indirect_dma source(%dma_start3A_240 : memref<10000x128xf32, #tpu.memory_space<hbm>>) target(%arg17 : memref<80x128xf32, #tpu.memory_space<vmem>>) offsets(%arg11 : memref<80xi32, #tpu.memory_space<vmem>>) semaphore(%arg23 : memref<!tpu.dma_semaphore, #tpu.memory_space<semaphore_mem>>)
          } else {
          }
          %dma_start3A_169 = arith.constant 0 : i32
          %dma_start3A_170 = arith.constant 0 : i32
          %dma_start3A_171 = tpu.memref_slice %arg20[%dma_start3A_169, %dma_start3A_170] : memref<10000x128xf32, #tpu.memory_space<vmem_shared>> -> memref<10000x128xf32, #tpu.memory_space<vmem_shared>>
          tpu.enqueue_indirect_dma source(%arg15 : memref<80x128xf32, #tpu.memory_space<vmem>>) target(%dma_start3A_171 : memref<10000x128xf32, #tpu.memory_space<vmem_shared>>) offsets(%arg12 : memref<80xi32, #tpu.memory_space<vmem>>) semaphore(%arg24 : memref<!tpu.dma_semaphore, #tpu.memory_space<semaphore_mem>>) {add = true}
        } else {
        }
        %mul3A_141 = arith.constant 3 : i32
        %mul3A_142 = arith.muli %mul3A_141, %scan3A_134 : i32
        %add3A_143 = arith.constant 1 : i32
        %add3A_144 = arith.addi %mul3A_142, %add3A_143 : i32
        %lt3A_145 = arith.constant 25 : i32
        %lt3A_146 = arith.cmpi slt, %add3A_144, %lt3A_145 : i32
        %convert_element_type3A_147 = arith.extui %lt3A_146 : i1 to i32
        %cond3A_148 = arith.constant 0 : i32
        %cond3A_149 = arith.cmpi ne, %convert_element_type3A_147, %cond3A_148 : i32
        scf.if %cond3A_149 {
          %dma_wait3A_159 = arith.constant 0 : i32
          %dma_wait3A_160 = arith.constant 0 : i32
          %dma_wait3A_161 = tpu.memref_slice %arg2[%dma_wait3A_159, %dma_wait3A_160] : memref<10000x128xf32, #tpu.memory_space<hbm>> -> memref<10000x128xf32, #tpu.memory_space<hbm>>
          tpu.wait_indirect_dma semaphore(%arg22 : memref<!tpu.dma_semaphore, #tpu.memory_space<semaphore_mem>>) src(%dma_wait3A_161 : memref<10000x128xf32, #tpu.memory_space<hbm>>) dst(%arg16 : memref<80x128xf32, #tpu.memory_space<vmem>>)
          %add3A_162 = arith.constant 2 : i32
          %add3A_163 = arith.addi %add3A_144, %add3A_162 : i32
          %lt3A_164 = arith.constant 25 : i32
          %lt3A_165 = arith.cmpi slt, %add3A_163, %lt3A_164 : i32
          %convert_element_type3A_166 = arith.extui %lt3A_165 : i1 to i32
          %cond3A_167 = arith.constant 0 : i32
          %cond3A_168 = arith.cmpi ne, %convert_element_type3A_166, %cond3A_167 : i32
          scf.if %cond3A_168 {
            %ge3A = arith.constant 1 : i32
            %ge3A_172 = arith.cmpi sge, %add3A_144, %ge3A : i32
            %convert_element_type3A_173 = arith.extui %ge3A_172 : i1 to i32
            %cond3A_174 = arith.constant 0 : i32
            %cond3A_175 = arith.cmpi ne, %convert_element_type3A_173, %cond3A_174 : i32
            scf.if %cond3A_175 {
              %dma_wait3A_241 = arith.constant 0 : i32
              %dma_wait3A_242 = arith.constant 0 : i32
              %dma_wait3A_243 = tpu.memref_slice %arg20[%dma_wait3A_241, %dma_wait3A_242] : memref<10000x128xf32, #tpu.memory_space<vmem_shared>> -> memref<10000x128xf32, #tpu.memory_space<vmem_shared>>
              tpu.wait_indirect_dma semaphore(%arg24 : memref<!tpu.dma_semaphore, #tpu.memory_space<semaphore_mem>>) src(%arg15 : memref<80x128xf32, #tpu.memory_space<vmem>>) dst(%dma_wait3A_243 : memref<10000x128xf32, #tpu.memory_space<vmem_shared>>)
            } else {
            }
            %mul3A_176 = arith.constant 80 : i32
            %mul3A_177 = arith.muli %add3A_163, %mul3A_176 : i32
            %add3A_178 = arith.constant 0 : i32
            %add3A_179 = arith.addi %mul3A_177, %add3A_178 : i32
            %get3A_180 = arith.index_cast %add3A_179 : i32 to index
            %get3A_181 = tpu.vector_load %arg7[%get3A_180] {strides = array<i32>} : memref<2000xi32, #tpu.memory_space<vmem>>, vector<16xi32>,
            %swap3A_182 = arith.constant 0 : index
            %swap3A_183 = tpu.vector_load %arg9[%swap3A_182] {strides = array<i32>} : memref<80xi32, #tpu.memory_space<vmem>>, vector<16xi32>,
            tpu.vector_store %arg9[%swap3A_182], %get3A_181 {strides = array<i32>} : memref<80xi32, #tpu.memory_space<vmem>>, vector<16xi32>,
            %add3A_184 = arith.constant 0 : i32
            %add3A_185 = arith.addi %mul3A_177, %add3A_184 : i32
            %get3A_186 = arith.index_cast %add3A_185 : i32 to index
            %get3A_187 = tpu.vector_load %arg8[%get3A_186] {strides = array<i32>} : memref<2000xi32, #tpu.memory_space<vmem>>, vector<16xi32>,
            %swap3A_188 = arith.constant 0 : index
            %swap3A_189 = tpu.vector_load %arg12[%swap3A_188] {strides = array<i32>} : memref<80xi32, #tpu.memory_space<vmem>>, vector<16xi32>,
            tpu.vector_store %arg12[%swap3A_188], %get3A_187 {strides = array<i32>} : memref<80xi32, #tpu.memory_space<vmem>>, vector<16xi32>,
            %add3A_190 = arith.constant 16 : i32
            %add3A_191 = arith.addi %mul3A_177, %add3A_190 : i32
            %get3A_192 = arith.index_cast %add3A_191 : i32 to index
            %get3A_193 = tpu.vector_load %arg7[%get3A_192] {strides = array<i32>} : memref<2000xi32, #tpu.memory_space<vmem>>, vector<16xi32>,
            %swap3A_194 = arith.constant 16 : index
            %swap3A_195 = tpu.vector_load %arg9[%swap3A_194] {strides = array<i32>} : memref<80xi32, #tpu.memory_space<vmem>>, vector<16xi32>,
            tpu.vector_store %arg9[%swap3A_194], %get3A_193 {strides = array<i32>} : memref<80xi32, #tpu.memory_space<vmem>>, vector<16xi32>,
            %add3A_196 = arith.constant 16 : i32
            %add3A_197 = arith.addi %mul3A_177, %add3A_196 : i32
            %get3A_198 = arith.index_cast %add3A_197 : i32 to index
            %get3A_199 = tpu.vector_load %arg8[%get3A_198] {strides = array<i32>} : memref<2000xi32, #tpu.memory_space<vmem>>, vector<16xi32>,
            %swap3A_200 = arith.constant 16 : index
            %swap3A_201 = tpu.vector_load %arg12[%swap3A_200] {strides = array<i32>} : memref<80xi32, #tpu.memory_space<vmem>>, vector<16xi32>,
            tpu.vector_store %arg12[%swap3A_200], %get3A_199 {strides = array<i32>} : memref<80xi32, #tpu.memory_space<vmem>>, vector<16xi32>,
            %add3A_202 = arith.constant 32 : i32
            %add3A_203 = arith.addi %mul3A_177, %add3A_202 : i32
            %get3A_204 = arith.index_cast %add3A_203 : i32 to index
            %get3A_205 = tpu.vector_load %arg7[%get3A_204] {strides = array<i32>} : memref<2000xi32, #tpu.memory_space<vmem>>, vector<16xi32>,
            %swap3A_206 = arith.constant 32 : index
            %swap3A_207 = tpu.vector_load %arg9[%swap3A_206] {strides = array<i32>} : memref<80xi32, #tpu.memory_space<vmem>>, vector<16xi32>,
            tpu.vector_store %arg9[%swap3A_206], %get3A_205 {strides = array<i32>} : memref<80xi32, #tpu.memory_space<vmem>>, vector<16xi32>,
            %add3A_208 = arith.constant 32 : i32
            %add3A_209 = arith.addi %mul3A_177, %add3A_208 : i32
            %get3A_210 = arith.index_cast %add3A_209 : i32 to index
            %get3A_211 = tpu.vector_load %arg8[%get3A_210] {strides = array<i32>} : memref<2000xi32, #tpu.memory_space<vmem>>, vector<16xi32>,
            %swap3A_212 = arith.constant 32 : index
            %swap3A_213 = tpu.vector_load %arg12[%swap3A_212] {strides = array<i32>} : memref<80xi32, #tpu.memory_space<vmem>>, vector<16xi32>,
            tpu.vector_store %arg12[%swap3A_212], %get3A_211 {strides = array<i32>} : memref<80xi32, #tpu.memory_space<vmem>>, vector<16xi32>,
            %add3A_214 = arith.constant 48 : i32
            %add3A_215 = arith.addi %mul3A_177, %add3A_214 : i32
            %get3A_216 = arith.index_cast %add3A_215 : i32 to index
            %get3A_217 = tpu.vector_load %arg7[%get3A_216] {strides = array<i32>} : memref<2000xi32, #tpu.memory_space<vmem>>, vector<16xi32>,
            %swap3A_218 = arith.constant 48 : index
            %swap3A_219 = tpu.vector_load %arg9[%swap3A_218] {strides = array<i32>} : memref<80xi32, #tpu.memory_space<vmem>>, vector<16xi32>,
            tpu.vector_store %arg9[%swap3A_218], %get3A_217 {strides = array<i32>} : memref<80xi32, #tpu.memory_space<vmem>>, vector<16xi32>,
            %add3A_220 = arith.constant 48 : i32
            %add3A_221 = arith.addi %mul3A_177, %add3A_220 : i32
            %get3A_222 = arith.index_cast %add3A_221 : i32 to index
            %get3A_223 = tpu.vector_load %arg8[%get3A_222] {strides = array<i32>} : memref<2000xi32, #tpu.memory_space<vmem>>, vector<16xi32>,
            %swap3A_224 = arith.constant 48 : index
            %swap3A_225 = tpu.vector_load %arg12[%swap3A_224] {strides = array<i32>} : memref<80xi32, #tpu.memory_space<vmem>>, vector<16xi32>,
            tpu.vector_store %arg12[%swap3A_224], %get3A_223 {strides = array<i32>} : memref<80xi32, #tpu.memory_space<vmem>>, vector<16xi32>,
            %add3A_226 = arith.constant 64 : i32
            %add3A_227 = arith.addi %mul3A_177, %add3A_226 : i32
            %get3A_228 = arith.index_cast %add3A_227 : i32 to index
            %get3A_229 = tpu.vector_load %arg7[%get3A_228] {strides = array<i32>} : memref<2000xi32, #tpu.memory_space<vmem>>, vector<16xi32>,
            %swap3A_230 = arith.constant 64 : index
            %swap3A_231 = tpu.vector_load %arg9[%swap3A_230] {strides = array<i32>} : memref<80xi32, #tpu.memory_space<vmem>>, vector<16xi32>,
            tpu.vector_store %arg9[%swap3A_230], %get3A_229 {strides = array<i32>} : memref<80xi32, #tpu.memory_space<vmem>>, vector<16xi32>,
            %add3A_232 = arith.constant 64 : i32
            %add3A_233 = arith.addi %mul3A_177, %add3A_232 : i32
            %get3A_234 = arith.index_cast %add3A_233 : i32 to index
            %get3A_235 = tpu.vector_load %arg8[%get3A_234] {strides = array<i32>} : memref<2000xi32, #tpu.memory_space<vmem>>, vector<16xi32>,
            %swap3A_236 = arith.constant 64 : index
            %swap3A_237 = tpu.vector_load %arg12[%swap3A_236] {strides = array<i32>} : memref<80xi32, #tpu.memory_space<vmem>>, vector<16xi32>,
            tpu.vector_store %arg12[%swap3A_236], %get3A_235 {strides = array<i32>} : memref<80xi32, #tpu.memory_space<vmem>>, vector<16xi32>,
            %dma_start3A_238 = arith.constant 0 : i32
            %dma_start3A_239 = arith.constant 0 : i32
            %dma_start3A_240 = tpu.memref_slice %arg2[%dma_start3A_238, %dma_start3A_239] : memref<10000x128xf32, #tpu.memory_space<hbm>> -> memref<10000x128xf32, #tpu.memory_space<hbm>>
            tpu.enqueue_indirect_dma source(%dma_start3A_240 : memref<10000x128xf32, #tpu.memory_space<hbm>>) target(%arg15 : memref<80x128xf32, #tpu.memory_space<vmem>>) offsets(%arg9 : memref<80xi32, #tpu.memory_space<vmem>>) semaphore(%arg21 : memref<!tpu.dma_semaphore, #tpu.memory_space<semaphore_mem>>)
          } else {
          }
          %dma_start3A_169 = arith.constant 0 : i32
          %dma_start3A_170 = arith.constant 0 : i32
          %dma_start3A_171 = tpu.memref_slice %arg20[%dma_start3A_169, %dma_start3A_170] : memref<10000x128xf32, #tpu.memory_space<vmem_shared>> -> memref<10000x128xf32, #tpu.memory_space<vmem_shared>>
          tpu.enqueue_indirect_dma source(%arg16 : memref<80x128xf32, #tpu.memory_space<vmem>>) target(%dma_start3A_171 : memref<10000x128xf32, #tpu.memory_space<vmem_shared>>) offsets(%arg13 : memref<80xi32, #tpu.memory_space<vmem>>) semaphore(%arg25 : memref<!tpu.dma_semaphore, #tpu.memory_space<semaphore_mem>>) {add = true}
        } else {
        }
        %mul3A_150 = arith.constant 3 : i32
        %mul3A_151 = arith.muli %mul3A_150, %scan3A_134 : i32
        %add3A_152 = arith.constant 2 : i32
        %add3A_153 = arith.addi %mul3A_151, %add3A_152 : i32
        %lt3A_154 = arith.constant 25 : i32
        %lt3A_155 = arith.cmpi slt, %add3A_153, %lt3A_154 : i32
        %convert_element_type3A_156 = arith.extui %lt3A_155 : i1 to i32
        %cond3A_157 = arith.constant 0 : i32
        %cond3A_158 = arith.cmpi ne, %convert_element_type3A_156, %cond3A_157 : i32
        scf.if %cond3A_158 {
          %dma_wait3A_159 = arith.constant 0 : i32
          %dma_wait3A_160 = arith.constant 0 : i32
          %dma_wait3A_161 = tpu.memref_slice %arg2[%dma_wait3A_159, %dma_wait3A_160] : memref<10000x128xf32, #tpu.memory_space<hbm>> -> memref<10000x128xf32, #tpu.memory_space<hbm>>
          tpu.wait_indirect_dma semaphore(%arg23 : memref<!tpu.dma_semaphore, #tpu.memory_space<semaphore_mem>>) src(%dma_wait3A_161 : memref<10000x128xf32, #tpu.memory_space<hbm>>) dst(%arg17 : memref<80x128xf32, #tpu.memory_space<vmem>>)
          %add3A_162 = arith.constant 2 : i32
          %add3A_163 = arith.addi %add3A_153, %add3A_162 : i32
          %lt3A_164 = arith.constant 25 : i32
          %lt3A_165 = arith.cmpi slt, %add3A_163, %lt3A_164 : i32
          %convert_element_type3A_166 = arith.extui %lt3A_165 : i1 to i32
          %cond3A_167 = arith.constant 0 : i32
          %cond3A_168 = arith.cmpi ne, %convert_element_type3A_166, %cond3A_167 : i32
          scf.if %cond3A_168 {
            %ge3A = arith.constant 1 : i32
            %ge3A_172 = arith.cmpi sge, %add3A_153, %ge3A : i32
            %convert_element_type3A_173 = arith.extui %ge3A_172 : i1 to i32
            %cond3A_174 = arith.constant 0 : i32
            %cond3A_175 = arith.cmpi ne, %convert_element_type3A_173, %cond3A_174 : i32
            scf.if %cond3A_175 {
              %dma_wait3A_241 = arith.constant 0 : i32
              %dma_wait3A_242 = arith.constant 0 : i32
              %dma_wait3A_243 = tpu.memref_slice %arg20[%dma_wait3A_241, %dma_wait3A_242] : memref<10000x128xf32, #tpu.memory_space<vmem_shared>> -> memref<10000x128xf32, #tpu.memory_space<vmem_shared>>
              tpu.wait_indirect_dma semaphore(%arg25 : memref<!tpu.dma_semaphore, #tpu.memory_space<semaphore_mem>>) src(%arg16 : memref<80x128xf32, #tpu.memory_space<vmem>>) dst(%dma_wait3A_243 : memref<10000x128xf32, #tpu.memory_space<vmem_shared>>)
            } else {
            }
            %mul3A_176 = arith.constant 80 : i32
            %mul3A_177 = arith.muli %add3A_163, %mul3A_176 : i32
            %add3A_178 = arith.constant 0 : i32
            %add3A_179 = arith.addi %mul3A_177, %add3A_178 : i32
            %get3A_180 = arith.index_cast %add3A_179 : i32 to index
            %get3A_181 = tpu.vector_load %arg7[%get3A_180] {strides = array<i32>} : memref<2000xi32, #tpu.memory_space<vmem>>, vector<16xi32>,
            %swap3A_182 = arith.constant 0 : index
            %swap3A_183 = tpu.vector_load %arg10[%swap3A_182] {strides = array<i32>} : memref<80xi32, #tpu.memory_space<vmem>>, vector<16xi32>,
            tpu.vector_store %arg10[%swap3A_182], %get3A_181 {strides = array<i32>} : memref<80xi32, #tpu.memory_space<vmem>>, vector<16xi32>,
            %add3A_184 = arith.constant 0 : i32
            %add3A_185 = arith.addi %mul3A_177, %add3A_184 : i32
            %get3A_186 = arith.index_cast %add3A_185 : i32 to index
            %get3A_187 = tpu.vector_load %arg8[%get3A_186] {strides = array<i32>} : memref<2000xi32, #tpu.memory_space<vmem>>, vector<16xi32>,
            %swap3A_188 = arith.constant 0 : index
            %swap3A_189 = tpu.vector_load %arg13[%swap3A_188] {strides = array<i32>} : memref<80xi32, #tpu.memory_space<vmem>>, vector<16xi32>,
            tpu.vector_store %arg13[%swap3A_188], %get3A_187 {strides = array<i32>} : memref<80xi32, #tpu.memory_space<vmem>>, vector<16xi32>,
            %add3A_190 = arith.constant 16 : i32
            %add3A_191 = arith.addi %mul3A_177, %add3A_190 : i32
            %get3A_192 = arith.index_cast %add3A_191 : i32 to index
            %get3A_193 = tpu.vector_load %arg7[%get3A_192] {strides = array<i32>} : memref<2000xi32, #tpu.memory_space<vmem>>, vector<16xi32>,
            %swap3A_194 = arith.constant 16 : index
            %swap3A_195 = tpu.vector_load %arg10[%swap3A_194] {strides = array<i32>} : memref<80xi32, #tpu.memory_space<vmem>>, vector<16xi32>,
            tpu.vector_store %arg10[%swap3A_194], %get3A_193 {strides = array<i32>} : memref<80xi32, #tpu.memory_space<vmem>>, vector<16xi32>,
            %add3A_196 = arith.constant 16 : i32
            %add3A_197 = arith.addi %mul3A_177, %add3A_196 : i32
            %get3A_198 = arith.index_cast %add3A_197 : i32 to index
            %get3A_199 = tpu.vector_load %arg8[%get3A_198] {strides = array<i32>} : memref<2000xi32, #tpu.memory_space<vmem>>, vector<16xi32>,
            %swap3A_200 = arith.constant 16 : index
            %swap3A_201 = tpu.vector_load %arg13[%swap3A_200] {strides = array<i32>} : memref<80xi32, #tpu.memory_space<vmem>>, vector<16xi32>,
            tpu.vector_store %arg13[%swap3A_200], %get3A_199 {strides = array<i32>} : memref<80xi32, #tpu.memory_space<vmem>>, vector<16xi32>,
            %add3A_202 = arith.constant 32 : i32
            %add3A_203 = arith.addi %mul3A_177, %add3A_202 : i32
            %get3A_204 = arith.index_cast %add3A_203 : i32 to index
            %get3A_205 = tpu.vector_load %arg7[%get3A_204] {strides = array<i32>} : memref<2000xi32, #tpu.memory_space<vmem>>, vector<16xi32>,
            %swap3A_206 = arith.constant 32 : index
            %swap3A_207 = tpu.vector_load %arg10[%swap3A_206] {strides = array<i32>} : memref<80xi32, #tpu.memory_space<vmem>>, vector<16xi32>,
            tpu.vector_store %arg10[%swap3A_206], %get3A_205 {strides = array<i32>} : memref<80xi32, #tpu.memory_space<vmem>>, vector<16xi32>,
            %add3A_208 = arith.constant 32 : i32
            %add3A_209 = arith.addi %mul3A_177, %add3A_208 : i32
            %get3A_210 = arith.index_cast %add3A_209 : i32 to index
            %get3A_211 = tpu.vector_load %arg8[%get3A_210] {strides = array<i32>} : memref<2000xi32, #tpu.memory_space<vmem>>, vector<16xi32>,
            %swap3A_212 = arith.constant 32 : index
            %swap3A_213 = tpu.vector_load %arg13[%swap3A_212] {strides = array<i32>} : memref<80xi32, #tpu.memory_space<vmem>>, vector<16xi32>,
            tpu.vector_store %arg13[%swap3A_212], %get3A_211 {strides = array<i32>} : memref<80xi32, #tpu.memory_space<vmem>>, vector<16xi32>,
            %add3A_214 = arith.constant 48 : i32
            %add3A_215 = arith.addi %mul3A_177, %add3A_214 : i32
            %get3A_216 = arith.index_cast %add3A_215 : i32 to index
            %get3A_217 = tpu.vector_load %arg7[%get3A_216] {strides = array<i32>} : memref<2000xi32, #tpu.memory_space<vmem>>, vector<16xi32>,
            %swap3A_218 = arith.constant 48 : index
            %swap3A_219 = tpu.vector_load %arg10[%swap3A_218] {strides = array<i32>} : memref<80xi32, #tpu.memory_space<vmem>>, vector<16xi32>,
            tpu.vector_store %arg10[%swap3A_218], %get3A_217 {strides = array<i32>} : memref<80xi32, #tpu.memory_space<vmem>>, vector<16xi32>,
            %add3A_220 = arith.constant 48 : i32
            %add3A_221 = arith.addi %mul3A_177, %add3A_220 : i32
            %get3A_222 = arith.index_cast %add3A_221 : i32 to index
            %get3A_223 = tpu.vector_load %arg8[%get3A_222] {strides = array<i32>} : memref<2000xi32, #tpu.memory_space<vmem>>, vector<16xi32>,
            %swap3A_224 = arith.constant 48 : index
            %swap3A_225 = tpu.vector_load %arg13[%swap3A_224] {strides = array<i32>} : memref<80xi32, #tpu.memory_space<vmem>>, vector<16xi32>,
            tpu.vector_store %arg13[%swap3A_224], %get3A_223 {strides = array<i32>} : memref<80xi32, #tpu.memory_space<vmem>>, vector<16xi32>,
            %add3A_226 = arith.constant 64 : i32
            %add3A_227 = arith.addi %mul3A_177, %add3A_226 : i32
            %get3A_228 = arith.index_cast %add3A_227 : i32 to index
            %get3A_229 = tpu.vector_load %arg7[%get3A_228] {strides = array<i32>} : memref<2000xi32, #tpu.memory_space<vmem>>, vector<16xi32>,
            %swap3A_230 = arith.constant 64 : index
            %swap3A_231 = tpu.vector_load %arg10[%swap3A_230] {strides = array<i32>} : memref<80xi32, #tpu.memory_space<vmem>>, vector<16xi32>,
            tpu.vector_store %arg10[%swap3A_230], %get3A_229 {strides = array<i32>} : memref<80xi32, #tpu.memory_space<vmem>>, vector<16xi32>,
            %add3A_232 = arith.constant 64 : i32
            %add3A_233 = arith.addi %mul3A_177, %add3A_232 : i32
            %get3A_234 = arith.index_cast %add3A_233 : i32 to index
            %get3A_235 = tpu.vector_load %arg8[%get3A_234] {strides = array<i32>} : memref<2000xi32, #tpu.memory_space<vmem>>, vector<16xi32>,
            %swap3A_236 = arith.constant 64 : index
            %swap3A_237 = tpu.vector_load %arg13[%swap3A_236] {strides = array<i32>} : memref<80xi32, #tpu.memory_space<vmem>>, vector<16xi32>,
            tpu.vector_store %arg13[%swap3A_236], %get3A_235 {strides = array<i32>} : memref<80xi32, #tpu.memory_space<vmem>>, vector<16xi32>,
            %dma_start3A_238 = arith.constant 0 : i32
            %dma_start3A_239 = arith.constant 0 : i32
            %dma_start3A_240 = tpu.memref_slice %arg2[%dma_start3A_238, %dma_start3A_239] : memref<10000x128xf32, #tpu.memory_space<hbm>> -> memref<10000x128xf32, #tpu.memory_space<hbm>>
            tpu.enqueue_indirect_dma source(%dma_start3A_240 : memref<10000x128xf32, #tpu.memory_space<hbm>>) target(%arg16 : memref<80x128xf32, #tpu.memory_space<vmem>>) offsets(%arg10 : memref<80xi32, #tpu.memory_space<vmem>>) semaphore(%arg22 : memref<!tpu.dma_semaphore, #tpu.memory_space<semaphore_mem>>)
          } else {
          }
          %dma_start3A_169 = arith.constant 0 : i32
          %dma_start3A_170 = arith.constant 0 : i32
          %dma_start3A_171 = tpu.memref_slice %arg20[%dma_start3A_169, %dma_start3A_170] : memref<10000x128xf32, #tpu.memory_space<vmem_shared>> -> memref<10000x128xf32, #tpu.memory_space<vmem_shared>>
          tpu.enqueue_indirect_dma source(%arg17 : memref<80x128xf32, #tpu.memory_space<vmem>>) target(%dma_start3A_171 : memref<10000x128xf32, #tpu.memory_space<vmem_shared>>) offsets(%arg14 : memref<80xi32, #tpu.memory_space<vmem>>) semaphore(%arg26 : memref<!tpu.dma_semaphore, #tpu.memory_space<semaphore_mem>>) {add = true}
        } else {
        }
      }
      %scan3A_124 = arith.constant 9 : i32
      %dma_wait3A_125 = arith.constant 0 : i32
      %dma_wait3A_126 = arith.constant 0 : i32
      %dma_wait3A_127 = tpu.memref_slice %arg20[%dma_wait3A_125, %dma_wait3A_126] : memref<10000x128xf32, #tpu.memory_space<vmem_shared>> -> memref<10000x128xf32, #tpu.memory_space<vmem_shared>>
      tpu.wait_indirect_dma semaphore(%arg25 : memref<!tpu.dma_semaphore, #tpu.memory_space<semaphore_mem>>) src(%arg16 : memref<80x128xf32, #tpu.memory_space<vmem>>) dst(%dma_wait3A_127 : memref<10000x128xf32, #tpu.memory_space<vmem_shared>>)
      %dma_wait3A_128 = arith.constant 0 : i32
      %dma_wait3A_129 = arith.constant 0 : i32
      %dma_wait3A_130 = tpu.memref_slice %arg20[%dma_wait3A_128, %dma_wait3A_129] : memref<10000x128xf32, #tpu.memory_space<vmem_shared>> -> memref<10000x128xf32, #tpu.memory_space<vmem_shared>>
      tpu.wait_indirect_dma semaphore(%arg26 : memref<!tpu.dma_semaphore, #tpu.memory_space<semaphore_mem>>) src(%arg17 : memref<80x128xf32, #tpu.memory_space<vmem>>) dst(%dma_wait3A_130 : memref<10000x128xf32, #tpu.memory_space<vmem_shared>>)
      %dma_wait3A_131 = arith.constant 0 : i32
      %dma_wait3A_132 = arith.constant 0 : i32
      %dma_wait3A_133 = tpu.memref_slice %arg20[%dma_wait3A_131, %dma_wait3A_132] : memref<10000x128xf32, #tpu.memory_space<vmem_shared>> -> memref<10000x128xf32, #tpu.memory_space<vmem_shared>>
      tpu.wait_indirect_dma semaphore(%arg24 : memref<!tpu.dma_semaphore, #tpu.memory_space<semaphore_mem>>) src(%arg15 : memref<80x128xf32, #tpu.memory_space<vmem>>) dst(%dma_wait3A_133 : memref<10000x128xf32, #tpu.memory_space<vmem_shared>>)
    }
    %scan3A_19 = arith.constant 5 : i32
    %barrier3A_20 = arith.constant 0 : index
    tpu.barrier barrier_id(%barrier3A_20)
    %scan3A_21 = arith.constant 0 : i32
    %scan3A_22 = arith.constant 0 : i32
    %scan3A_23 = arith.constant 16 : i32
    %scan3A_24 = arith.addi %scan3A_22, %scan3A_23 : i32
    %scan3A_25 = arith.constant 1 : i32
    scf.for %scan3A_32 = %scan3A_22 to %scan3A_24 step %scan3A_25  : i32 {
      %mul3A_33 = arith.constant 16 : i32
      %mul3A_34 = arith.muli %scan3A_32, %mul3A_33 : i32
      %add3A_35 = arith.addi %arg1, %mul3A_34 : i32
      %lt3A = arith.constant 250 : i32
      %lt3A_36 = arith.cmpi slt, %add3A_35, %lt3A : i32
      %convert_element_type3A = arith.extui %lt3A_36 : i1 to i32
      %cond3A = arith.constant 0 : i32
      %cond3A_37 = arith.cmpi ne, %convert_element_type3A, %cond3A : i32
      scf.if %cond3A_37 {
        %mul3A_38 = arith.constant 40 : i32
        %mul3A_39 = arith.muli %add3A_35, %mul3A_38 : i32
        %ge3A = arith.constant 1 : i32
        %ge3A_40 = arith.cmpi sge, %scan3A_32, %ge3A : i32
        %convert_element_type3A_41 = arith.extui %ge3A_40 : i1 to i32
        %cond3A_42 = arith.constant 0 : i32
        %cond3A_43 = arith.cmpi ne, %convert_element_type3A_41, %cond3A_42 : i32
        scf.if %cond3A_43 {
          %mul3A_56 = arith.constant 10000 : i32
          %mul3A_57 = arith.muli %arg0, %mul3A_56 : i32
          %dma_wait3A_58 = arith.constant 0 : i32
          %dma_wait3A_59 = tpu.memref_slice %arg6[%mul3A_57, %dma_wait3A_58] : memref<20000x128xf32, #tpu.memory_space<hbm>> -> memref<40x128xf32, #tpu.memory_space<hbm>>
          %dma_wait3A_60 = arith.constant 0 : i32
          %dma_wait3A_61 = tpu.memref_slice %arg6[%mul3A_57, %dma_wait3A_60] : memref<20000x128xf32, #tpu.memory_space<hbm>> -> memref<40x128xf32, #tpu.memory_space<hbm>>
          tpu.wait_dma2 semaphore(%arg24 : memref<!tpu.dma_semaphore, #tpu.memory_space<semaphore_mem>>) src(%arg18 : memref<40x128xf32, #tpu.memory_space<vmem>>) dst(%dma_wait3A_61 : memref<40x128xf32, #tpu.memory_space<hbm>>)
        } else {
        }
        "tpu.region"() ({
          %run_scoped3A = tpu.sem_alloc : memref<!tpu.dma_semaphore, #tpu.memory_space<semaphore_mem>>
          %dma_start3A_56 = arith.constant 0 : i32
          %dma_start3A_57 = tpu.memref_slice %arg20[%mul3A_39, %dma_start3A_56] : memref<10000x128xf32, #tpu.memory_space<vmem_shared>> -> memref<40x128xf32, #tpu.memory_space<vmem_shared>>
          %dma_start3A_58 = arith.constant 0 : i32
          %dma_start3A_59 = tpu.memref_slice %arg20[%mul3A_39, %dma_start3A_58] : memref<10000x128xf32, #tpu.memory_space<vmem_shared>> -> memref<40x128xf32, #tpu.memory_space<vmem_shared>>
          tpu.enqueue_dma source(%dma_start3A_59 : memref<40x128xf32, #tpu.memory_space<vmem_shared>>) target(%arg18 : memref<40x128xf32, #tpu.memory_space<vmem>>) target_semaphore(%run_scoped3A : memref<!tpu.dma_semaphore, #tpu.memory_space<semaphore_mem>>)
          %dma_wait3A_60 = arith.constant 0 : i32
          %dma_wait3A_61 = tpu.memref_slice %arg20[%mul3A_39, %dma_wait3A_60] : memref<10000x128xf32, #tpu.memory_space<vmem_shared>> -> memref<40x128xf32, #tpu.memory_space<vmem_shared>>
          %dma_wait3A_62 = arith.constant 0 : i32
          %dma_wait3A_63 = tpu.memref_slice %arg20[%mul3A_39, %dma_wait3A_62] : memref<10000x128xf32, #tpu.memory_space<vmem_shared>> -> memref<40x128xf32, #tpu.memory_space<vmem_shared>>
          tpu.wait_dma2 semaphore(%run_scoped3A : memref<!tpu.dma_semaphore, #tpu.memory_space<semaphore_mem>>) src(%dma_wait3A_63 : memref<40x128xf32, #tpu.memory_space<vmem_shared>>) dst(%arg18 : memref<40x128xf32, #tpu.memory_space<vmem>>)
          tpu.yield
        }) : () -> ()
        "tpu.region"() ({
          %run_scoped3A = tpu.sem_alloc : memref<!tpu.dma_semaphore, #tpu.memory_space<semaphore_mem>>
          %dma_start3A_56 = tpu.memref_slice %arg5[%mul3A_39] : memref<10000xf32, #tpu.memory_space<hbm>> -> memref<40xf32, #tpu.memory_space<hbm>>
          %dma_start3A_57 = tpu.memref_slice %arg5[%mul3A_39] : memref<10000xf32, #tpu.memory_space<hbm>> -> memref<40xf32, #tpu.memory_space<hbm>>
          tpu.enqueue_dma source(%dma_start3A_57 : memref<40xf32, #tpu.memory_space<hbm>>) target(%arg19 : memref<40xf32, #tpu.memory_space<vmem>>) target_semaphore(%run_scoped3A : memref<!tpu.dma_semaphore, #tpu.memory_space<semaphore_mem>>)
          %dma_wait3A_58 = tpu.memref_slice %arg5[%mul3A_39] : memref<10000xf32, #tpu.memory_space<hbm>> -> memref<40xf32, #tpu.memory_space<hbm>>
          %dma_wait3A_59 = tpu.memref_slice %arg5[%mul3A_39] : memref<10000xf32, #tpu.memory_space<hbm>> -> memref<40xf32, #tpu.memory_space<hbm>>
          tpu.wait_dma2 semaphore(%run_scoped3A : memref<!tpu.dma_semaphore, #tpu.memory_space<semaphore_mem>>) src(%dma_wait3A_59 : memref<40xf32, #tpu.memory_space<hbm>>) dst(%arg19 : memref<40xf32, #tpu.memory_space<vmem>>)
          tpu.yield
        }) : () -> ()
        %scan3A_44 = arith.constant 0 : i32
        %scan3A_45 = arith.constant 0 : i32
        %scan3A_46 = arith.constant 40 : i32
        %scan3A_47 = arith.addi %scan3A_45, %scan3A_46 : i32
        %scan3A_48 = arith.constant 1 : i32
        scf.for %scan3A_56 = %scan3A_45 to %scan3A_47 step %scan3A_48  : i32 {
          %broadcast_in_dim3A = vector.broadcast %scan3A_56 : i32 to vector<16xi32>
          %gather3A = tpu.vector_load_idx %arg19[%broadcast_in_dim3A] : memref<40xf32, #tpu.memory_space<vmem>>[vector<16xi32>], vector<16xf32>,
          %get3A = arith.index_cast %scan3A_56 : i32 to index
          %get3A_57 = arith.constant 0 : index
          %get3A_58 = tpu.vector_load %arg18[%get3A, %get3A_57] {strides = array<i32>} : memref<40x128xf32, #tpu.memory_space<vmem>>, vector<16xf32>,
          %mul3A_59 = arith.mulf %get3A_58, %gather3A : vector<16xf32>
          %swap3A = arith.index_cast %scan3A_56 : i32 to index
          %swap3A_60 = arith.constant 0 : index
          %swap3A_61 = tpu.vector_load %arg18[%swap3A, %swap3A_60] {strides = array<i32>} : memref<40x128xf32, #tpu.memory_space<vmem>>, vector<16xf32>,
          tpu.vector_store %arg18[%swap3A, %swap3A_60], %mul3A_59 {strides = array<i32>} : memref<40x128xf32, #tpu.memory_space<vmem>>, vector<16xf32>,
          %get3A_62 = arith.index_cast %scan3A_56 : i32 to index
          %get3A_63 = arith.constant 16 : index
          %get3A_64 = tpu.vector_load %arg18[%get3A_62, %get3A_63] {strides = array<i32>} : memref<40x128xf32, #tpu.memory_space<vmem>>, vector<16xf32>,
          %mul3A_65 = arith.mulf %get3A_64, %gather3A : vector<16xf32>
          %swap3A_66 = arith.index_cast %scan3A_56 : i32 to index
          %swap3A_67 = arith.constant 16 : index
          %swap3A_68 = tpu.vector_load %arg18[%swap3A_66, %swap3A_67] {strides = array<i32>} : memref<40x128xf32, #tpu.memory_space<vmem>>, vector<16xf32>,
          tpu.vector_store %arg18[%swap3A_66, %swap3A_67], %mul3A_65 {strides = array<i32>} : memref<40x128xf32, #tpu.memory_space<vmem>>, vector<16xf32>,
          %get3A_69 = arith.index_cast %scan3A_56 : i32 to index
          %get3A_70 = arith.constant 32 : index
          %get3A_71 = tpu.vector_load %arg18[%get3A_69, %get3A_70] {strides = array<i32>} : memref<40x128xf32, #tpu.memory_space<vmem>>, vector<16xf32>,
          %mul3A_72 = arith.mulf %get3A_71, %gather3A : vector<16xf32>
          %swap3A_73 = arith.index_cast %scan3A_56 : i32 to index
          %swap3A_74 = arith.constant 32 : index
          %swap3A_75 = tpu.vector_load %arg18[%swap3A_73, %swap3A_74] {strides = array<i32>} : memref<40x128xf32, #tpu.memory_space<vmem>>, vector<16xf32>,
          tpu.vector_store %arg18[%swap3A_73, %swap3A_74], %mul3A_72 {strides = array<i32>} : memref<40x128xf32, #tpu.memory_space<vmem>>, vector<16xf32>,
          %get3A_76 = arith.index_cast %scan3A_56 : i32 to index
          %get3A_77 = arith.constant 48 : index
          %get3A_78 = tpu.vector_load %arg18[%get3A_76, %get3A_77] {strides = array<i32>} : memref<40x128xf32, #tpu.memory_space<vmem>>, vector<16xf32>,
          %mul3A_79 = arith.mulf %get3A_78, %gather3A : vector<16xf32>
          %swap3A_80 = arith.index_cast %scan3A_56 : i32 to index
          %swap3A_81 = arith.constant 48 : index
          %swap3A_82 = tpu.vector_load %arg18[%swap3A_80, %swap3A_81] {strides = array<i32>} : memref<40x128xf32, #tpu.memory_space<vmem>>, vector<16xf32>,
          tpu.vector_store %arg18[%swap3A_80, %swap3A_81], %mul3A_79 {strides = array<i32>} : memref<40x128xf32, #tpu.memory_space<vmem>>, vector<16xf32>,
          %get3A_83 = arith.index_cast %scan3A_56 : i32 to index
          %get3A_84 = arith.constant 64 : index
          %get3A_85 = tpu.vector_load %arg18[%get3A_83, %get3A_84] {strides = array<i32>} : memref<40x128xf32, #tpu.memory_space<vmem>>, vector<16xf32>,
          %mul3A_86 = arith.mulf %get3A_85, %gather3A : vector<16xf32>
          %swap3A_87 = arith.index_cast %scan3A_56 : i32 to index
          %swap3A_88 = arith.constant 64 : index
          %swap3A_89 = tpu.vector_load %arg18[%swap3A_87, %swap3A_88] {strides = array<i32>} : memref<40x128xf32, #tpu.memory_space<vmem>>, vector<16xf32>,
          tpu.vector_store %arg18[%swap3A_87, %swap3A_88], %mul3A_86 {strides = array<i32>} : memref<40x128xf32, #tpu.memory_space<vmem>>, vector<16xf32>,
          %get3A_90 = arith.index_cast %scan3A_56 : i32 to index
          %get3A_91 = arith.constant 80 : index
          %get3A_92 = tpu.vector_load %arg18[%get3A_90, %get3A_91] {strides = array<i32>} : memref<40x128xf32, #tpu.memory_space<vmem>>, vector<16xf32>,
          %mul3A_93 = arith.mulf %get3A_92, %gather3A : vector<16xf32>
          %swap3A_94 = arith.index_cast %scan3A_56 : i32 to index
          %swap3A_95 = arith.constant 80 : index
          %swap3A_96 = tpu.vector_load %arg18[%swap3A_94, %swap3A_95] {strides = array<i32>} : memref<40x128xf32, #tpu.memory_space<vmem>>, vector<16xf32>,
          tpu.vector_store %arg18[%swap3A_94, %swap3A_95], %mul3A_93 {strides = array<i32>} : memref<40x128xf32, #tpu.memory_space<vmem>>, vector<16xf32>,
          %get3A_97 = arith.index_cast %scan3A_56 : i32 to index
          %get3A_98 = arith.constant 96 : index
          %get3A_99 = tpu.vector_load %arg18[%get3A_97, %get3A_98] {strides = array<i32>} : memref<40x128xf32, #tpu.memory_space<vmem>>, vector<16xf32>,
          %mul3A_100 = arith.mulf %get3A_99, %gather3A : vector<16xf32>
          %swap3A_101 = arith.index_cast %scan3A_56 : i32 to index
          %swap3A_102 = arith.constant 96 : index
          %swap3A_103 = tpu.vector_load %arg18[%swap3A_101, %swap3A_102] {strides = array<i32>} : memref<40x128xf32, #tpu.memory_space<vmem>>, vector<16xf32>,
          tpu.vector_store %arg18[%swap3A_101, %swap3A_102], %mul3A_100 {strides = array<i32>} : memref<40x128xf32, #tpu.memory_space<vmem>>, vector<16xf32>,
          %get3A_104 = arith.index_cast %scan3A_56 : i32 to index
          %get3A_105 = arith.constant 112 : index
          %get3A_106 = tpu.vector_load %arg18[%get3A_104, %get3A_105] {strides = array<i32>} : memref<40x128xf32, #tpu.memory_space<vmem>>, vector<16xf32>,
          %mul3A_107 = arith.mulf %get3A_106, %gather3A : vector<16xf32>
          %swap3A_108 = arith.index_cast %scan3A_56 : i32 to index
          %swap3A_109 = arith.constant 112 : index
          %swap3A_110 = tpu.vector_load %arg18[%swap3A_108, %swap3A_109] {strides = array<i32>} : memref<40x128xf32, #tpu.memory_space<vmem>>, vector<16xf32>,
          tpu.vector_store %arg18[%swap3A_108, %swap3A_109], %mul3A_107 {strides = array<i32>} : memref<40x128xf32, #tpu.memory_space<vmem>>, vector<16xf32>,
        }
        %scan3A_49 = arith.constant 40 : i32
        %mul3A_50 = arith.constant 10000 : i32
        %mul3A_51 = arith.muli %arg0, %mul3A_50 : i32
        %add3A_52 = arith.addi %mul3A_51, %mul3A_39 : i32
        %dma_start3A = arith.constant 0 : i32
        %dma_start3A_53 = tpu.memref_slice %arg6[%add3A_52, %dma_start3A] : memref<20000x128xf32, #tpu.memory_space<hbm>> -> memref<40x128xf32, #tpu.memory_space<hbm>>
        %dma_start3A_54 = arith.constant 0 : i32
        %dma_start3A_55 = tpu.memref_slice %arg6[%add3A_52, %dma_start3A_54] : memref<20000x128xf32, #tpu.memory_space<hbm>> -> memref<40x128xf32, #tpu.memory_space<hbm>>
        tpu.enqueue_dma source(%arg18 : memref<40x128xf32, #tpu.memory_space<vmem>>) target(%dma_start3A_55 : memref<40x128xf32, #tpu.memory_space<hbm>>) target_semaphore(%arg24 : memref<!tpu.dma_semaphore, #tpu.memory_space<semaphore_mem>>)
      } else {
      }
    }
    %scan3A_26 = arith.constant 16 : i32
    %mul3A_27 = arith.constant 10000 : i32
    %mul3A_28 = arith.muli %arg0, %mul3A_27 : i32
    %dma_wait3A = arith.constant 0 : i32
    %dma_wait3A_29 = tpu.memref_slice %arg6[%mul3A_28, %dma_wait3A] : memref<20000x128xf32, #tpu.memory_space<hbm>> -> memref<40x128xf32, #tpu.memory_space<hbm>>
    %dma_wait3A_30 = arith.constant 0 : i32
    %dma_wait3A_31 = tpu.memref_slice %arg6[%mul3A_28, %dma_wait3A_30] : memref<20000x128xf32, #tpu.memory_space<hbm>> -> memref<40x128xf32, #tpu.memory_space<hbm>>
    tpu.wait_dma2 semaphore(%arg24 : memref<!tpu.dma_semaphore, #tpu.memory_space<semaphore_mem>>) src(%arg18 : memref<40x128xf32, #tpu.memory_space<vmem>>) dst(%dma_wait3A_31 : memref<40x128xf32, #tpu.memory_space<hbm>>)
    return
  }
}

#map = affine_map<(d0, d1) -> (0, 0)>
#map1 = affine_map<(d0, d1) -> (0)>
module attributes {stable_mosaic.version = 14 : i64} {
  func.func @body(%arg0: i32, %arg1: i32, %arg2: memref<10000x128xf32, #tpu.memory_space<hbm>>, %arg3: memref<320000xi32, #tpu.memory_space<hbm>>, %arg4: memref<320000xi32, #tpu.memory_space<hbm>>, %arg5: memref<10000xf32, #tpu.memory_space<hbm>>, %arg6: memref<20000x128xf32, #tpu.memory_space<hbm>>, %arg7: memref<2000xi32, #tpu.memory_space<vmem>>, %arg8: memref<2000xi32, #tpu.memory_space<vmem>>, %arg9: memref<80xi32, #tpu.memory_space<vmem>>, %arg10: memref<80xi32, #tpu.memory_space<vmem>>, %arg11: memref<80xi32, #tpu.memory_space<vmem>>, %arg12: memref<80xi32, #tpu.memory_space<vmem>>, %arg13: memref<80xi32, #tpu.memory_space<vmem>>, %arg14: memref<80xi32, #tpu.memory_space<vmem>>, %arg15: memref<80x128xf32, #tpu.memory_space<vmem>>, %arg16: memref<80x128xf32, #tpu.memory_space<vmem>>, %arg17: memref<80x128xf32, #tpu.memory_space<vmem>>, %arg18: memref<40x128xf32, #tpu.memory_space<vmem>>, %arg19: memref<40xf32, #tpu.memory_space<vmem>>, %arg20: memref<10000x128xf32, #tpu.memory_space<vmem_shared>>, %arg21: memref<!tpu.dma_semaphore, #tpu.memory_space<semaphore_mem>>, %arg22: memref<!tpu.dma_semaphore, #tpu.memory_space<semaphore_mem>>, %arg23: memref<!tpu.dma_semaphore, #tpu.memory_space<semaphore_mem>>, %arg24: memref<!tpu.dma_semaphore, #tpu.memory_space<semaphore_mem>>, %arg25: memref<!tpu.dma_semaphore, #tpu.memory_space<semaphore_mem>>, %arg26: memref<!tpu.dma_semaphore, #tpu.memory_space<semaphore_mem>>) attributes {dimension_semantics = [#tpu.dimension_semantics<core_parallel>, #tpu.dimension_semantics<subcore_parallel>], iteration_bounds = array<i64: 2, 16>, scalar_prefetch = 0 : i64, scratch_operands = 20 : i64, tpu.core_type = #tpu.core_type<sc_vector_subcore>, window_params = [{transform_indices = #map}, {transform_indices = #map1}, {transform_indices = #map1}, {transform_indices = #map1}, {transform_indices = #map}]} {
    %mul3A = arith.constant 16 : i32
    %mul3A_0 = arith.muli %arg0, %mul3A : i32
    %add3A = arith.addi %mul3A_0, %arg1 : i32
    %scan3A = arith.constant 0 : i32
    %scan3A_1 = arith.constant 0 : i32
    %scan3A_2 = arith.constant 80 : i32
    %scan3A_3 = arith.addi %scan3A_1, %scan3A_2 : i32
    %scan3A_4 = arith.constant 1 : i32
    scf.for %scan3A_32 = %scan3A_1 to %scan3A_3 step %scan3A_4  : i32 {
      %broadcast_in_dim3A = arith.constant 0.000000e+00 : f32
      %broadcast_in_dim3A_33 = vector.broadcast %broadcast_in_dim3A : f32 to vector<16xf32>
      %swap3A = arith.index_cast %scan3A_32 : i32 to index
      %swap3A_34 = arith.constant 0 : index
      %swap3A_35 = tpu.vector_load %arg15[%swap3A, %swap3A_34] {strides = array<i32>} : memref<80x128xf32, #tpu.memory_space<vmem>>, vector<16xf32>,
      tpu.vector_store %arg15[%swap3A, %swap3A_34], %broadcast_in_dim3A_33 {strides = array<i32>} : memref<80x128xf32, #tpu.memory_space<vmem>>, vector<16xf32>,
      %broadcast_in_dim3A_36 = arith.constant 0.000000e+00 : f32
      %broadcast_in_dim3A_37 = vector.broadcast %broadcast_in_dim3A_36 : f32 to vector<16xf32>
      %swap3A_38 = arith.index_cast %scan3A_32 : i32 to index
      %swap3A_39 = arith.constant 16 : index
      %swap3A_40 = tpu.vector_load %arg15[%swap3A_38, %swap3A_39] {strides = array<i32>} : memref<80x128xf32, #tpu.memory_space<vmem>>, vector<16xf32>,
      tpu.vector_store %arg15[%swap3A_38, %swap3A_39], %broadcast_in_dim3A_37 {strides = array<i32>} : memref<80x128xf32, #tpu.memory_space<vmem>>, vector<16xf32>,
      %broadcast_in_dim3A_41 = arith.constant 0.000000e+00 : f32
      %broadcast_in_dim3A_42 = vector.broadcast %broadcast_in_dim3A_41 : f32 to vector<16xf32>
      %swap3A_43 = arith.index_cast %scan3A_32 : i32 to index
      %swap3A_44 = arith.constant 32 : index
      %swap3A_45 = tpu.vector_load %arg15[%swap3A_43, %swap3A_44] {strides = array<i32>} : memref<80x128xf32, #tpu.memory_space<vmem>>, vector<16xf32>,
      tpu.vector_store %arg15[%swap3A_43, %swap3A_44], %broadcast_in_dim3A_42 {strides = array<i32>} : memref<80x128xf32, #tpu.memory_space<vmem>>, vector<16xf32>,
      %broadcast_in_dim3A_46 = arith.constant 0.000000e+00 : f32
      %broadcast_in_dim3A_47 = vector.broadcast %broadcast_in_dim3A_46 : f32 to vector<16xf32>
      %swap3A_48 = arith.index_cast %scan3A_32 : i32 to index
      %swap3A_49 = arith.constant 48 : index
      %swap3A_50 = tpu.vector_load %arg15[%swap3A_48, %swap3A_49] {strides = array<i32>} : memref<80x128xf32, #tpu.memory_space<vmem>>, vector<16xf32>,
      tpu.vector_store %arg15[%swap3A_48, %swap3A_49], %broadcast_in_dim3A_47 {strides = array<i32>} : memref<80x128xf32, #tpu.memory_space<vmem>>, vector<16xf32>,
      %broadcast_in_dim3A_51 = arith.constant 0.000000e+00 : f32
      %broadcast_in_dim3A_52 = vector.broadcast %broadcast_in_dim3A_51 : f32 to vector<16xf32>
      %swap3A_53 = arith.index_cast %scan3A_32 : i32 to index
      %swap3A_54 = arith.constant 64 : index
      %swap3A_55 = tpu.vector_load %arg15[%swap3A_53, %swap3A_54] {strides = array<i32>} : memref<80x128xf32, #tpu.memory_space<vmem>>, vector<16xf32>,
      tpu.vector_store %arg15[%swap3A_53, %swap3A_54], %broadcast_in_dim3A_52 {strides = array<i32>} : memref<80x128xf32, #tpu.memory_space<vmem>>, vector<16xf32>,
      %broadcast_in_dim3A_56 = arith.constant 0.000000e+00 : f32
      %broadcast_in_dim3A_57 = vector.broadcast %broadcast_in_dim3A_56 : f32 to vector<16xf32>
      %swap3A_58 = arith.index_cast %scan3A_32 : i32 to index
      %swap3A_59 = arith.constant 80 : index
      %swap3A_60 = tpu.vector_load %arg15[%swap3A_58, %swap3A_59] {strides = array<i32>} : memref<80x128xf32, #tpu.memory_space<vmem>>, vector<16xf32>,
      tpu.vector_store %arg15[%swap3A_58, %swap3A_59], %broadcast_in_dim3A_57 {strides = array<i32>} : memref<80x128xf32, #tpu.memory_space<vmem>>, vector<16xf32>,
      %broadcast_in_dim3A_61 = arith.constant 0.000000e+00 : f32
      %broadcast_in_dim3A_62 = vector.broadcast %broadcast_in_dim3A_61 : f32 to vector<16xf32>
      %swap3A_63 = arith.index_cast %scan3A_32 : i32 to index
      %swap3A_64 = arith.constant 96 : index
      %swap3A_65 = tpu.vector_load %arg15[%swap3A_63, %swap3A_64] {strides = array<i32>} : memref<80x128xf32, #tpu.memory_space<vmem>>, vector<16xf32>,
      tpu.vector_store %arg15[%swap3A_63, %swap3A_64], %broadcast_in_dim3A_62 {strides = array<i32>} : memref<80x128xf32, #tpu.memory_space<vmem>>, vector<16xf32>,
      %broadcast_in_dim3A_66 = arith.constant 0.000000e+00 : f32
      %broadcast_in_dim3A_67 = vector.broadcast %broadcast_in_dim3A_66 : f32 to vector<16xf32>
      %swap3A_68 = arith.index_cast %scan3A_32 : i32 to index
      %swap3A_69 = arith.constant 112 : index
      %swap3A_70 = tpu.vector_load %arg15[%swap3A_68, %swap3A_69] {strides = array<i32>} : memref<80x128xf32, #tpu.memory_space<vmem>>, vector<16xf32>,
      tpu.vector_store %arg15[%swap3A_68, %swap3A_69], %broadcast_in_dim3A_67 {strides = array<i32>} : memref<80x128xf32, #tpu.memory_space<vmem>>, vector<16xf32>,
    }
    %scan3A_5 = arith.constant 80 : i32
    %scan3A_6 = arith.constant 0 : i32
    %scan3A_7 = arith.constant 0 : i32
    %scan3A_8 = arith.constant 8 : i32
    %scan3A_9 = arith.addi %scan3A_7, %scan3A_8 : i32
    %scan3A_10 = arith.constant 1 : i32
    scf.for %scan3A_32 = %scan3A_7 to %scan3A_9 step %scan3A_10  : i32 {
      %mul3A_33 = arith.constant 16 : i32
      %mul3A_34 = arith.muli %scan3A_32, %mul3A_33 : i32
      %add3A_35 = arith.addi %arg1, %mul3A_34 : i32
      %lt3A = arith.constant 125 : i32
      %lt3A_36 = arith.cmpi slt, %add3A_35, %lt3A : i32
      %convert_element_type3A = arith.extui %lt3A_36 : i1 to i32
      %cond3A = arith.constant 0 : i32
      %cond3A_37 = arith.cmpi ne, %convert_element_type3A, %cond3A : i32
      scf.if %cond3A_37 {
        %mul3A_38 = arith.constant 80 : i32
        %mul3A_39 = arith.muli %add3A_35, %mul3A_38 : i32
        "tpu.region"() ({
          %run_scoped3A = tpu.sem_alloc : memref<!tpu.dma_semaphore, #tpu.memory_space<semaphore_mem>>
          %dma_start3A = arith.constant 0 : i32
          %dma_start3A_40 = tpu.memref_slice %arg20[%mul3A_39, %dma_start3A] : memref<10000x128xf32, #tpu.memory_space<vmem_shared>> -> memref<80x128xf32, #tpu.memory_space<vmem_shared>>
          %dma_start3A_41 = arith.constant 0 : i32
          %dma_start3A_42 = tpu.memref_slice %arg20[%mul3A_39, %dma_start3A_41] : memref<10000x128xf32, #tpu.memory_space<vmem_shared>> -> memref<80x128xf32, #tpu.memory_space<vmem_shared>>
          tpu.enqueue_dma source(%arg15 : memref<80x128xf32, #tpu.memory_space<vmem>>) target(%dma_start3A_42 : memref<80x128xf32, #tpu.memory_space<vmem_shared>>) target_semaphore(%run_scoped3A : memref<!tpu.dma_semaphore, #tpu.memory_space<semaphore_mem>>)
          %dma_wait3A_43 = arith.constant 0 : i32
          %dma_wait3A_44 = tpu.memref_slice %arg20[%mul3A_39, %dma_wait3A_43] : memref<10000x128xf32, #tpu.memory_space<vmem_shared>> -> memref<80x128xf32, #tpu.memory_space<vmem_shared>>
          %dma_wait3A_45 = arith.constant 0 : i32
          %dma_wait3A_46 = tpu.memref_slice %arg20[%mul3A_39, %dma_wait3A_45] : memref<10000x128xf32, #tpu.memory_space<vmem_shared>> -> memref<80x128xf32, #tpu.memory_space<vmem_shared>>
          tpu.wait_dma2 semaphore(%run_scoped3A : memref<!tpu.dma_semaphore, #tpu.memory_space<semaphore_mem>>) src(%arg15 : memref<80x128xf32, #tpu.memory_space<vmem>>) dst(%dma_wait3A_46 : memref<80x128xf32, #tpu.memory_space<vmem_shared>>)
          tpu.yield
        }) : () -> ()
      } else {
      }
    }
    %scan3A_11 = arith.constant 8 : i32
    %barrier3A = arith.constant 0 : index
    tpu.barrier barrier_id(%barrier3A)
    %mul3A_12 = arith.constant 10000 : i32
    %mul3A_13 = arith.muli %add3A, %mul3A_12 : i32
    %scan3A_14 = arith.constant 0 : i32
    %scan3A_15 = arith.constant 0 : i32
    %scan3A_16 = arith.constant 5 : i32
    %scan3A_17 = arith.addi %scan3A_15, %scan3A_16 : i32
    %scan3A_18 = arith.constant 1 : i32
    scf.for %scan3A_32 = %scan3A_15 to %scan3A_17 step %scan3A_18  : i32 {
      %mul3A_33 = arith.constant 2000 : i32
      %mul3A_34 = arith.muli %scan3A_32, %mul3A_33 : i32
      %add3A_35 = arith.addi %mul3A_13, %mul3A_34 : i32
      "tpu.region"() ({
        %run_scoped3A = tpu.sem_alloc : memref<!tpu.dma_semaphore, #tpu.memory_space<semaphore_mem>>
        %dma_start3A_134 = tpu.memref_slice %arg3[%add3A_35] : memref<320000xi32, #tpu.memory_space<hbm>> -> memref<2000xi32, #tpu.memory_space<hbm>>
        %dma_start3A_135 = tpu.memref_slice %arg3[%add3A_35] : memref<320000xi32, #tpu.memory_space<hbm>> -> memref<2000xi32, #tpu.memory_space<hbm>>
        tpu.enqueue_dma source(%dma_start3A_135 : memref<2000xi32, #tpu.memory_space<hbm>>) target(%arg7 : memref<2000xi32, #tpu.memory_space<vmem>>) target_semaphore(%run_scoped3A : memref<!tpu.dma_semaphore, #tpu.memory_space<semaphore_mem>>)
        %dma_wait3A_136 = tpu.memref_slice %arg3[%add3A_35] : memref<320000xi32, #tpu.memory_space<hbm>> -> memref<2000xi32, #tpu.memory_space<hbm>>
        %dma_wait3A_137 = tpu.memref_slice %arg3[%add3A_35] : memref<320000xi32, #tpu.memory_space<hbm>> -> memref<2000xi32, #tpu.memory_space<hbm>>
        tpu.wait_dma2 semaphore(%run_scoped3A : memref<!tpu.dma_semaphore, #tpu.memory_space<semaphore_mem>>) src(%dma_wait3A_137 : memref<2000xi32, #tpu.memory_space<hbm>>) dst(%arg7 : memref<2000xi32, #tpu.memory_space<vmem>>)
        tpu.yield
      }) : () -> ()
      "tpu.region"() ({
        %run_scoped3A = tpu.sem_alloc : memref<!tpu.dma_semaphore, #tpu.memory_space<semaphore_mem>>
        %dma_start3A_134 = tpu.memref_slice %arg4[%add3A_35] : memref<320000xi32, #tpu.memory_space<hbm>> -> memref<2000xi32, #tpu.memory_space<hbm>>
        %dma_start3A_135 = tpu.memref_slice %arg4[%add3A_35] : memref<320000xi32, #tpu.memory_space<hbm>> -> memref<2000xi32, #tpu.memory_space<hbm>>
        tpu.enqueue_dma source(%dma_start3A_135 : memref<2000xi32, #tpu.memory_space<hbm>>) target(%arg8 : memref<2000xi32, #tpu.memory_space<vmem>>) target_semaphore(%run_scoped3A : memref<!tpu.dma_semaphore, #tpu.memory_space<semaphore_mem>>)
        %dma_wait3A_136 = tpu.memref_slice %arg4[%add3A_35] : memref<320000xi32, #tpu.memory_space<hbm>> -> memref<2000xi32, #tpu.memory_space<hbm>>
        %dma_wait3A_137 = tpu.memref_slice %arg4[%add3A_35] : memref<320000xi32, #tpu.memory_space<hbm>> -> memref<2000xi32, #tpu.memory_space<hbm>>
        tpu.wait_dma2 semaphore(%run_scoped3A : memref<!tpu.dma_semaphore, #tpu.memory_space<semaphore_mem>>) src(%dma_wait3A_137 : memref<2000xi32, #tpu.memory_space<hbm>>) dst(%arg8 : memref<2000xi32, #tpu.memory_space<vmem>>)
        tpu.yield
      }) : () -> ()
      %get3A = arith.constant 0 : index
      %get3A_36 = tpu.vector_load %arg7[%get3A] {strides = array<i32>} : memref<2000xi32, #tpu.memory_space<vmem>>, vector<16xi32>,
      %swap3A = arith.constant 0 : index
      %swap3A_37 = tpu.vector_load %arg9[%swap3A] {strides = array<i32>} : memref<80xi32, #tpu.memory_space<vmem>>, vector<16xi32>,
      tpu.vector_store %arg9[%swap3A], %get3A_36 {strides = array<i32>} : memref<80xi32, #tpu.memory_space<vmem>>, vector<16xi32>,
      %get3A_38 = arith.constant 0 : index
      %get3A_39 = tpu.vector_load %arg8[%get3A_38] {strides = array<i32>} : memref<2000xi32, #tpu.memory_space<vmem>>, vector<16xi32>,
      %swap3A_40 = arith.constant 0 : index
      %swap3A_41 = tpu.vector_load %arg12[%swap3A_40] {strides = array<i32>} : memref<80xi32, #tpu.memory_space<vmem>>, vector<16xi32>,
      tpu.vector_store %arg12[%swap3A_40], %get3A_39 {strides = array<i32>} : memref<80xi32, #tpu.memory_space<vmem>>, vector<16xi32>,
      %get3A_42 = arith.constant 16 : index
      %get3A_43 = tpu.vector_load %arg7[%get3A_42] {strides = array<i32>} : memref<2000xi32, #tpu.memory_space<vmem>>, vector<16xi32>,
      %swap3A_44 = arith.constant 16 : index
      %swap3A_45 = tpu.vector_load %arg9[%swap3A_44] {strides = array<i32>} : memref<80xi32, #tpu.memory_space<vmem>>, vector<16xi32>,
      tpu.vector_store %arg9[%swap3A_44], %get3A_43 {strides = array<i32>} : memref<80xi32, #tpu.memory_space<vmem>>, vector<16xi32>,
      %get3A_46 = arith.constant 16 : index
      %get3A_47 = tpu.vector_load %arg8[%get3A_46] {strides = array<i32>} : memref<2000xi32, #tpu.memory_space<vmem>>, vector<16xi32>,
      %swap3A_48 = arith.constant 16 : index
      %swap3A_49 = tpu.vector_load %arg12[%swap3A_48] {strides = array<i32>} : memref<80xi32, #tpu.memory_space<vmem>>, vector<16xi32>,
      tpu.vector_store %arg12[%swap3A_48], %get3A_47 {strides = array<i32>} : memref<80xi32, #tpu.memory_space<vmem>>, vector<16xi32>,
      %get3A_50 = arith.constant 32 : index
      %get3A_51 = tpu.vector_load %arg7[%get3A_50] {strides = array<i32>} : memref<2000xi32, #tpu.memory_space<vmem>>, vector<16xi32>,
      %swap3A_52 = arith.constant 32 : index
      %swap3A_53 = tpu.vector_load %arg9[%swap3A_52] {strides = array<i32>} : memref<80xi32, #tpu.memory_space<vmem>>, vector<16xi32>,
      tpu.vector_store %arg9[%swap3A_52], %get3A_51 {strides = array<i32>} : memref<80xi32, #tpu.memory_space<vmem>>, vector<16xi32>,
      %get3A_54 = arith.constant 32 : index
      %get3A_55 = tpu.vector_load %arg8[%get3A_54] {strides = array<i32>} : memref<2000xi32, #tpu.memory_space<vmem>>, vector<16xi32>,
      %swap3A_56 = arith.constant 32 : index
      %swap3A_57 = tpu.vector_load %arg12[%swap3A_56] {strides = array<i32>} : memref<80xi32, #tpu.memory_space<vmem>>, vector<16xi32>,
      tpu.vector_store %arg12[%swap3A_56], %get3A_55 {strides = array<i32>} : memref<80xi32, #tpu.memory_space<vmem>>, vector<16xi32>,
      %get3A_58 = arith.constant 48 : index
      %get3A_59 = tpu.vector_load %arg7[%get3A_58] {strides = array<i32>} : memref<2000xi32, #tpu.memory_space<vmem>>, vector<16xi32>,
      %swap3A_60 = arith.constant 48 : index
      %swap3A_61 = tpu.vector_load %arg9[%swap3A_60] {strides = array<i32>} : memref<80xi32, #tpu.memory_space<vmem>>, vector<16xi32>,
      tpu.vector_store %arg9[%swap3A_60], %get3A_59 {strides = array<i32>} : memref<80xi32, #tpu.memory_space<vmem>>, vector<16xi32>,
      %get3A_62 = arith.constant 48 : index
      %get3A_63 = tpu.vector_load %arg8[%get3A_62] {strides = array<i32>} : memref<2000xi32, #tpu.memory_space<vmem>>, vector<16xi32>,
      %swap3A_64 = arith.constant 48 : index
      %swap3A_65 = tpu.vector_load %arg12[%swap3A_64] {strides = array<i32>} : memref<80xi32, #tpu.memory_space<vmem>>, vector<16xi32>,
      tpu.vector_store %arg12[%swap3A_64], %get3A_63 {strides = array<i32>} : memref<80xi32, #tpu.memory_space<vmem>>, vector<16xi32>,
      %get3A_66 = arith.constant 64 : index
      %get3A_67 = tpu.vector_load %arg7[%get3A_66] {strides = array<i32>} : memref<2000xi32, #tpu.memory_space<vmem>>, vector<16xi32>,
      %swap3A_68 = arith.constant 64 : index
      %swap3A_69 = tpu.vector_load %arg9[%swap3A_68] {strides = array<i32>} : memref<80xi32, #tpu.memory_space<vmem>>, vector<16xi32>,
      tpu.vector_store %arg9[%swap3A_68], %get3A_67 {strides = array<i32>} : memref<80xi32, #tpu.memory_space<vmem>>, vector<16xi32>,
      %get3A_70 = arith.constant 64 : index
      %get3A_71 = tpu.vector_load %arg8[%get3A_70] {strides = array<i32>} : memref<2000xi32, #tpu.memory_space<vmem>>, vector<16xi32>,
      %swap3A_72 = arith.constant 64 : index
      %swap3A_73 = tpu.vector_load %arg12[%swap3A_72] {strides = array<i32>} : memref<80xi32, #tpu.memory_space<vmem>>, vector<16xi32>,
      tpu.vector_store %arg12[%swap3A_72], %get3A_71 {strides = array<i32>} : memref<80xi32, #tpu.memory_space<vmem>>, vector<16xi32>,
      %dma_start3A = arith.constant 0 : i32
      %dma_start3A_74 = arith.constant 0 : i32
      %dma_start3A_75 = tpu.memref_slice %arg2[%dma_start3A, %dma_start3A_74] : memref<10000x128xf32, #tpu.memory_space<hbm>> -> memref<10000x128xf32, #tpu.memory_space<hbm>>
      tpu.enqueue_indirect_dma source(%dma_start3A_75 : memref<10000x128xf32, #tpu.memory_space<hbm>>) target(%arg15 : memref<80x128xf32, #tpu.memory_space<vmem>>) offsets(%arg9 : memref<80xi32, #tpu.memory_space<vmem>>) semaphore(%arg21 : memref<!tpu.dma_semaphore, #tpu.memory_space<semaphore_mem>>)
      %get3A_76 = arith.constant 80 : index
      %get3A_77 = tpu.vector_load %arg7[%get3A_76] {strides = array<i32>} : memref<2000xi32, #tpu.memory_space<vmem>>, vector<16xi32>,
      %swap3A_78 = arith.constant 0 : index
      %swap3A_79 = tpu.vector_load %arg10[%swap3A_78] {strides = array<i32>} : memref<80xi32, #tpu.memory_space<vmem>>, vector<16xi32>,
      tpu.vector_store %arg10[%swap3A_78], %get3A_77 {strides = array<i32>} : memref<80xi32, #tpu.memory_space<vmem>>, vector<16xi32>,
      %get3A_80 = arith.constant 80 : index
      %get3A_81 = tpu.vector_load %arg8[%get3A_80] {strides = array<i32>} : memref<2000xi32, #tpu.memory_space<vmem>>, vector<16xi32>,
      %swap3A_82 = arith.constant 0 : index
      %swap3A_83 = tpu.vector_load %arg13[%swap3A_82] {strides = array<i32>} : memref<80xi32, #tpu.memory_space<vmem>>, vector<16xi32>,
      tpu.vector_store %arg13[%swap3A_82], %get3A_81 {strides = array<i32>} : memref<80xi32, #tpu.memory_space<vmem>>, vector<16xi32>,
      %get3A_84 = arith.constant 96 : index
      %get3A_85 = tpu.vector_load %arg7[%get3A_84] {strides = array<i32>} : memref<2000xi32, #tpu.memory_space<vmem>>, vector<16xi32>,
      %swap3A_86 = arith.constant 16 : index
      %swap3A_87 = tpu.vector_load %arg10[%swap3A_86] {strides = array<i32>} : memref<80xi32, #tpu.memory_space<vmem>>, vector<16xi32>,
      tpu.vector_store %arg10[%swap3A_86], %get3A_85 {strides = array<i32>} : memref<80xi32, #tpu.memory_space<vmem>>, vector<16xi32>,
      %get3A_88 = arith.constant 96 : index
      %get3A_89 = tpu.vector_load %arg8[%get3A_88] {strides = array<i32>} : memref<2000xi32, #tpu.memory_space<vmem>>, vector<16xi32>,
      %swap3A_90 = arith.constant 16 : index
      %swap3A_91 = tpu.vector_load %arg13[%swap3A_90] {strides = array<i32>} : memref<80xi32, #tpu.memory_space<vmem>>, vector<16xi32>,
      tpu.vector_store %arg13[%swap3A_90], %get3A_89 {strides = array<i32>} : memref<80xi32, #tpu.memory_space<vmem>>, vector<16xi32>,
      %get3A_92 = arith.constant 112 : index
      %get3A_93 = tpu.vector_load %arg7[%get3A_92] {strides = array<i32>} : memref<2000xi32, #tpu.memory_space<vmem>>, vector<16xi32>,
      %swap3A_94 = arith.constant 32 : index
      %swap3A_95 = tpu.vector_load %arg10[%swap3A_94] {strides = array<i32>} : memref<80xi32, #tpu.memory_space<vmem>>, vector<16xi32>,
      tpu.vector_store %arg10[%swap3A_94], %get3A_93 {strides = array<i32>} : memref<80xi32, #tpu.memory_space<vmem>>, vector<16xi32>,
      %get3A_96 = arith.constant 112 : index
      %get3A_97 = tpu.vector_load %arg8[%get3A_96] {strides = array<i32>} : memref<2000xi32, #tpu.memory_space<vmem>>, vector<16xi32>,
      %swap3A_98 = arith.constant 32 : index
      %swap3A_99 = tpu.vector_load %arg13[%swap3A_98] {strides = array<i32>} : memref<80xi32, #tpu.memory_space<vmem>>, vector<16xi32>,
      tpu.vector_store %arg13[%swap3A_98], %get3A_97 {strides = array<i32>} : memref<80xi32, #tpu.memory_space<vmem>>, vector<16xi32>,
      %get3A_100 = arith.constant 128 : index
      %get3A_101 = tpu.vector_load %arg7[%get3A_100] {strides = array<i32>} : memref<2000xi32, #tpu.memory_space<vmem>>, vector<16xi32>,
      %swap3A_102 = arith.constant 48 : index
      %swap3A_103 = tpu.vector_load %arg10[%swap3A_102] {strides = array<i32>} : memref<80xi32, #tpu.memory_space<vmem>>, vector<16xi32>,
      tpu.vector_store %arg10[%swap3A_102], %get3A_101 {strides = array<i32>} : memref<80xi32, #tpu.memory_space<vmem>>, vector<16xi32>,
      %get3A_104 = arith.constant 128 : index
      %get3A_105 = tpu.vector_load %arg8[%get3A_104] {strides = array<i32>} : memref<2000xi32, #tpu.memory_space<vmem>>, vector<16xi32>,
      %swap3A_106 = arith.constant 48 : index
      %swap3A_107 = tpu.vector_load %arg13[%swap3A_106] {strides = array<i32>} : memref<80xi32, #tpu.memory_space<vmem>>, vector<16xi32>,
      tpu.vector_store %arg13[%swap3A_106], %get3A_105 {strides = array<i32>} : memref<80xi32, #tpu.memory_space<vmem>>, vector<16xi32>,
      %get3A_108 = arith.constant 144 : index
      %get3A_109 = tpu.vector_load %arg7[%get3A_108] {strides = array<i32>} : memref<2000xi32, #tpu.memory_space<vmem>>, vector<16xi32>,
      %swap3A_110 = arith.constant 64 : index
      %swap3A_111 = tpu.vector_load %arg10[%swap3A_110] {strides = array<i32>} : memref<80xi32, #tpu.memory_space<vmem>>, vector<16xi32>,
      tpu.vector_store %arg10[%swap3A_110], %get3A_109 {strides = array<i32>} : memref<80xi32, #tpu.memory_space<vmem>>, vector<16xi32>,
      %get3A_112 = arith.constant 144 : index
      %get3A_113 = tpu.vector_load %arg8[%get3A_112] {strides = array<i32>} : memref<2000xi32, #tpu.memory_space<vmem>>, vector<16xi32>,
      %swap3A_114 = arith.constant 64 : index
      %swap3A_115 = tpu.vector_load %arg13[%swap3A_114] {strides = array<i32>} : memref<80xi32, #tpu.memory_space<vmem>>, vector<16xi32>,
      tpu.vector_store %arg13[%swap3A_114], %get3A_113 {strides = array<i32>} : memref<80xi32, #tpu.memory_space<vmem>>, vector<16xi32>,
      %dma_start3A_116 = arith.constant 0 : i32
      %dma_start3A_117 = arith.constant 0 : i32
      %dma_start3A_118 = tpu.memref_slice %arg2[%dma_start3A_116, %dma_start3A_117] : memref<10000x128xf32, #tpu.memory_space<hbm>> -> memref<10000x128xf32, #tpu.memory_space<hbm>>
      tpu.enqueue_indirect_dma source(%dma_start3A_118 : memref<10000x128xf32, #tpu.memory_space<hbm>>) target(%arg16 : memref<80x128xf32, #tpu.memory_space<vmem>>) offsets(%arg10 : memref<80xi32, #tpu.memory_space<vmem>>) semaphore(%arg22 : memref<!tpu.dma_semaphore, #tpu.memory_space<semaphore_mem>>)
      %scan3A_119 = arith.constant 0 : i32
      %scan3A_120 = arith.constant 0 : i32
      %scan3A_121 = arith.constant 9 : i32
      %scan3A_122 = arith.addi %scan3A_120, %scan3A_121 : i32
      %scan3A_123 = arith.constant 1 : i32
      scf.for %scan3A_134 = %scan3A_120 to %scan3A_122 step %scan3A_123  : i32 {
        %mul3A_135 = arith.constant 3 : i32
        %mul3A_136 = arith.muli %mul3A_135, %scan3A_134 : i32
        %add3A_137 = arith.constant 0 : i32
        %add3A_138 = arith.addi %mul3A_136, %add3A_137 : i32
        %lt3A = arith.constant 25 : i32
        %lt3A_139 = arith.cmpi slt, %add3A_138, %lt3A : i32
        %convert_element_type3A = arith.extui %lt3A_139 : i1 to i32
        %cond3A = arith.constant 0 : i32
        %cond3A_140 = arith.cmpi ne, %convert_element_type3A, %cond3A : i32
        scf.if %cond3A_140 {
          %dma_wait3A_159 = arith.constant 0 : i32
          %dma_wait3A_160 = arith.constant 0 : i32
          %dma_wait3A_161 = tpu.memref_slice %arg2[%dma_wait3A_159, %dma_wait3A_160] : memref<10000x128xf32, #tpu.memory_space<hbm>> -> memref<10000x128xf32, #tpu.memory_space<hbm>>
          tpu.wait_indirect_dma semaphore(%arg21 : memref<!tpu.dma_semaphore, #tpu.memory_space<semaphore_mem>>) src(%dma_wait3A_161 : memref<10000x128xf32, #tpu.memory_space<hbm>>) dst(%arg15 : memref<80x128xf32, #tpu.memory_space<vmem>>)
          %add3A_162 = arith.constant 2 : i32
          %add3A_163 = arith.addi %add3A_138, %add3A_162 : i32
          %lt3A_164 = arith.constant 25 : i32
          %lt3A_165 = arith.cmpi slt, %add3A_163, %lt3A_164 : i32
          %convert_element_type3A_166 = arith.extui %lt3A_165 : i1 to i32
          %cond3A_167 = arith.constant 0 : i32
          %cond3A_168 = arith.cmpi ne, %convert_element_type3A_166, %cond3A_167 : i32
          scf.if %cond3A_168 {
            %ge3A = arith.constant 1 : i32
            %ge3A_172 = arith.cmpi sge, %add3A_138, %ge3A : i32
            %convert_element_type3A_173 = arith.extui %ge3A_172 : i1 to i32
            %cond3A_174 = arith.constant 0 : i32
            %cond3A_175 = arith.cmpi ne, %convert_element_type3A_173, %cond3A_174 : i32
            scf.if %cond3A_175 {
              %dma_wait3A_241 = arith.constant 0 : i32
              %dma_wait3A_242 = arith.constant 0 : i32
              %dma_wait3A_243 = tpu.memref_slice %arg20[%dma_wait3A_241, %dma_wait3A_242] : memref<10000x128xf32, #tpu.memory_space<vmem_shared>> -> memref<10000x128xf32, #tpu.memory_space<vmem_shared>>
              tpu.wait_indirect_dma semaphore(%arg26 : memref<!tpu.dma_semaphore, #tpu.memory_space<semaphore_mem>>) src(%arg17 : memref<80x128xf32, #tpu.memory_space<vmem>>) dst(%dma_wait3A_243 : memref<10000x128xf32, #tpu.memory_space<vmem_shared>>)
            } else {
            }
            %mul3A_176 = arith.constant 80 : i32
            %mul3A_177 = arith.muli %add3A_163, %mul3A_176 : i32
            %add3A_178 = arith.constant 0 : i32
            %add3A_179 = arith.addi %mul3A_177, %add3A_178 : i32
            %get3A_180 = arith.index_cast %add3A_179 : i32 to index
            %get3A_181 = tpu.vector_load %arg7[%get3A_180] {strides = array<i32>} : memref<2000xi32, #tpu.memory_space<vmem>>, vector<16xi32>,
            %swap3A_182 = arith.constant 0 : index
            %swap3A_183 = tpu.vector_load %arg11[%swap3A_182] {strides = array<i32>} : memref<80xi32, #tpu.memory_space<vmem>>, vector<16xi32>,
            tpu.vector_store %arg11[%swap3A_182], %get3A_181 {strides = array<i32>} : memref<80xi32, #tpu.memory_space<vmem>>, vector<16xi32>,
            %add3A_184 = arith.constant 0 : i32
            %add3A_185 = arith.addi %mul3A_177, %add3A_184 : i32
            %get3A_186 = arith.index_cast %add3A_185 : i32 to index
            %get3A_187 = tpu.vector_load %arg8[%get3A_186] {strides = array<i32>} : memref<2000xi32, #tpu.memory_space<vmem>>, vector<16xi32>,
            %swap3A_188 = arith.constant 0 : index
            %swap3A_189 = tpu.vector_load %arg14[%swap3A_188] {strides = array<i32>} : memref<80xi32, #tpu.memory_space<vmem>>, vector<16xi32>,
            tpu.vector_store %arg14[%swap3A_188], %get3A_187 {strides = array<i32>} : memref<80xi32, #tpu.memory_space<vmem>>, vector<16xi32>,
            %add3A_190 = arith.constant 16 : i32
            %add3A_191 = arith.addi %mul3A_177, %add3A_190 : i32
            %get3A_192 = arith.index_cast %add3A_191 : i32 to index
            %get3A_193 = tpu.vector_load %arg7[%get3A_192] {strides = array<i32>} : memref<2000xi32, #tpu.memory_space<vmem>>, vector<16xi32>,
            %swap3A_194 = arith.constant 16 : index
            %swap3A_195 = tpu.vector_load %arg11[%swap3A_194] {strides = array<i32>} : memref<80xi32, #tpu.memory_space<vmem>>, vector<16xi32>,
            tpu.vector_store %arg11[%swap3A_194], %get3A_193 {strides = array<i32>} : memref<80xi32, #tpu.memory_space<vmem>>, vector<16xi32>,
            %add3A_196 = arith.constant 16 : i32
            %add3A_197 = arith.addi %mul3A_177, %add3A_196 : i32
            %get3A_198 = arith.index_cast %add3A_197 : i32 to index
            %get3A_199 = tpu.vector_load %arg8[%get3A_198] {strides = array<i32>} : memref<2000xi32, #tpu.memory_space<vmem>>, vector<16xi32>,
            %swap3A_200 = arith.constant 16 : index
            %swap3A_201 = tpu.vector_load %arg14[%swap3A_200] {strides = array<i32>} : memref<80xi32, #tpu.memory_space<vmem>>, vector<16xi32>,
            tpu.vector_store %arg14[%swap3A_200], %get3A_199 {strides = array<i32>} : memref<80xi32, #tpu.memory_space<vmem>>, vector<16xi32>,
            %add3A_202 = arith.constant 32 : i32
            %add3A_203 = arith.addi %mul3A_177, %add3A_202 : i32
            %get3A_204 = arith.index_cast %add3A_203 : i32 to index
            %get3A_205 = tpu.vector_load %arg7[%get3A_204] {strides = array<i32>} : memref<2000xi32, #tpu.memory_space<vmem>>, vector<16xi32>,
            %swap3A_206 = arith.constant 32 : index
            %swap3A_207 = tpu.vector_load %arg11[%swap3A_206] {strides = array<i32>} : memref<80xi32, #tpu.memory_space<vmem>>, vector<16xi32>,
            tpu.vector_store %arg11[%swap3A_206], %get3A_205 {strides = array<i32>} : memref<80xi32, #tpu.memory_space<vmem>>, vector<16xi32>,
            %add3A_208 = arith.constant 32 : i32
            %add3A_209 = arith.addi %mul3A_177, %add3A_208 : i32
            %get3A_210 = arith.index_cast %add3A_209 : i32 to index
            %get3A_211 = tpu.vector_load %arg8[%get3A_210] {strides = array<i32>} : memref<2000xi32, #tpu.memory_space<vmem>>, vector<16xi32>,
            %swap3A_212 = arith.constant 32 : index
            %swap3A_213 = tpu.vector_load %arg14[%swap3A_212] {strides = array<i32>} : memref<80xi32, #tpu.memory_space<vmem>>, vector<16xi32>,
            tpu.vector_store %arg14[%swap3A_212], %get3A_211 {strides = array<i32>} : memref<80xi32, #tpu.memory_space<vmem>>, vector<16xi32>,
            %add3A_214 = arith.constant 48 : i32
            %add3A_215 = arith.addi %mul3A_177, %add3A_214 : i32
            %get3A_216 = arith.index_cast %add3A_215 : i32 to index
            %get3A_217 = tpu.vector_load %arg7[%get3A_216] {strides = array<i32>} : memref<2000xi32, #tpu.memory_space<vmem>>, vector<16xi32>,
            %swap3A_218 = arith.constant 48 : index
            %swap3A_219 = tpu.vector_load %arg11[%swap3A_218] {strides = array<i32>} : memref<80xi32, #tpu.memory_space<vmem>>, vector<16xi32>,
            tpu.vector_store %arg11[%swap3A_218], %get3A_217 {strides = array<i32>} : memref<80xi32, #tpu.memory_space<vmem>>, vector<16xi32>,
            %add3A_220 = arith.constant 48 : i32
            %add3A_221 = arith.addi %mul3A_177, %add3A_220 : i32
            %get3A_222 = arith.index_cast %add3A_221 : i32 to index
            %get3A_223 = tpu.vector_load %arg8[%get3A_222] {strides = array<i32>} : memref<2000xi32, #tpu.memory_space<vmem>>, vector<16xi32>,
            %swap3A_224 = arith.constant 48 : index
            %swap3A_225 = tpu.vector_load %arg14[%swap3A_224] {strides = array<i32>} : memref<80xi32, #tpu.memory_space<vmem>>, vector<16xi32>,
            tpu.vector_store %arg14[%swap3A_224], %get3A_223 {strides = array<i32>} : memref<80xi32, #tpu.memory_space<vmem>>, vector<16xi32>,
            %add3A_226 = arith.constant 64 : i32
            %add3A_227 = arith.addi %mul3A_177, %add3A_226 : i32
            %get3A_228 = arith.index_cast %add3A_227 : i32 to index
            %get3A_229 = tpu.vector_load %arg7[%get3A_228] {strides = array<i32>} : memref<2000xi32, #tpu.memory_space<vmem>>, vector<16xi32>,
            %swap3A_230 = arith.constant 64 : index
            %swap3A_231 = tpu.vector_load %arg11[%swap3A_230] {strides = array<i32>} : memref<80xi32, #tpu.memory_space<vmem>>, vector<16xi32>,
            tpu.vector_store %arg11[%swap3A_230], %get3A_229 {strides = array<i32>} : memref<80xi32, #tpu.memory_space<vmem>>, vector<16xi32>,
            %add3A_232 = arith.constant 64 : i32
            %add3A_233 = arith.addi %mul3A_177, %add3A_232 : i32
            %get3A_234 = arith.index_cast %add3A_233 : i32 to index
            %get3A_235 = tpu.vector_load %arg8[%get3A_234] {strides = array<i32>} : memref<2000xi32, #tpu.memory_space<vmem>>, vector<16xi32>,
            %swap3A_236 = arith.constant 64 : index
            %swap3A_237 = tpu.vector_load %arg14[%swap3A_236] {strides = array<i32>} : memref<80xi32, #tpu.memory_space<vmem>>, vector<16xi32>,
            tpu.vector_store %arg14[%swap3A_236], %get3A_235 {strides = array<i32>} : memref<80xi32, #tpu.memory_space<vmem>>, vector<16xi32>,
            %dma_start3A_238 = arith.constant 0 : i32
            %dma_start3A_239 = arith.constant 0 : i32
            %dma_start3A_240 = tpu.memref_slice %arg2[%dma_start3A_238, %dma_start3A_239] : memref<10000x128xf32, #tpu.memory_space<hbm>> -> memref<10000x128xf32, #tpu.memory_space<hbm>>
            tpu.enqueue_indirect_dma source(%dma_start3A_240 : memref<10000x128xf32, #tpu.memory_space<hbm>>) target(%arg17 : memref<80x128xf32, #tpu.memory_space<vmem>>) offsets(%arg11 : memref<80xi32, #tpu.memory_space<vmem>>) semaphore(%arg23 : memref<!tpu.dma_semaphore, #tpu.memory_space<semaphore_mem>>)
          } else {
          }
          %dma_start3A_169 = arith.constant 0 : i32
          %dma_start3A_170 = arith.constant 0 : i32
          %dma_start3A_171 = tpu.memref_slice %arg20[%dma_start3A_169, %dma_start3A_170] : memref<10000x128xf32, #tpu.memory_space<vmem_shared>> -> memref<10000x128xf32, #tpu.memory_space<vmem_shared>>
          tpu.enqueue_indirect_dma source(%arg15 : memref<80x128xf32, #tpu.memory_space<vmem>>) target(%dma_start3A_171 : memref<10000x128xf32, #tpu.memory_space<vmem_shared>>) offsets(%arg12 : memref<80xi32, #tpu.memory_space<vmem>>) semaphore(%arg24 : memref<!tpu.dma_semaphore, #tpu.memory_space<semaphore_mem>>) {add = true}
        } else {
        }
        %mul3A_141 = arith.constant 3 : i32
        %mul3A_142 = arith.muli %mul3A_141, %scan3A_134 : i32
        %add3A_143 = arith.constant 1 : i32
        %add3A_144 = arith.addi %mul3A_142, %add3A_143 : i32
        %lt3A_145 = arith.constant 25 : i32
        %lt3A_146 = arith.cmpi slt, %add3A_144, %lt3A_145 : i32
        %convert_element_type3A_147 = arith.extui %lt3A_146 : i1 to i32
        %cond3A_148 = arith.constant 0 : i32
        %cond3A_149 = arith.cmpi ne, %convert_element_type3A_147, %cond3A_148 : i32
        scf.if %cond3A_149 {
          %dma_wait3A_159 = arith.constant 0 : i32
          %dma_wait3A_160 = arith.constant 0 : i32
          %dma_wait3A_161 = tpu.memref_slice %arg2[%dma_wait3A_159, %dma_wait3A_160] : memref<10000x128xf32, #tpu.memory_space<hbm>> -> memref<10000x128xf32, #tpu.memory_space<hbm>>
          tpu.wait_indirect_dma semaphore(%arg22 : memref<!tpu.dma_semaphore, #tpu.memory_space<semaphore_mem>>) src(%dma_wait3A_161 : memref<10000x128xf32, #tpu.memory_space<hbm>>) dst(%arg16 : memref<80x128xf32, #tpu.memory_space<vmem>>)
          %add3A_162 = arith.constant 2 : i32
          %add3A_163 = arith.addi %add3A_144, %add3A_162 : i32
          %lt3A_164 = arith.constant 25 : i32
          %lt3A_165 = arith.cmpi slt, %add3A_163, %lt3A_164 : i32
          %convert_element_type3A_166 = arith.extui %lt3A_165 : i1 to i32
          %cond3A_167 = arith.constant 0 : i32
          %cond3A_168 = arith.cmpi ne, %convert_element_type3A_166, %cond3A_167 : i32
          scf.if %cond3A_168 {
            %ge3A = arith.constant 1 : i32
            %ge3A_172 = arith.cmpi sge, %add3A_144, %ge3A : i32
            %convert_element_type3A_173 = arith.extui %ge3A_172 : i1 to i32
            %cond3A_174 = arith.constant 0 : i32
            %cond3A_175 = arith.cmpi ne, %convert_element_type3A_173, %cond3A_174 : i32
            scf.if %cond3A_175 {
              %dma_wait3A_241 = arith.constant 0 : i32
              %dma_wait3A_242 = arith.constant 0 : i32
              %dma_wait3A_243 = tpu.memref_slice %arg20[%dma_wait3A_241, %dma_wait3A_242] : memref<10000x128xf32, #tpu.memory_space<vmem_shared>> -> memref<10000x128xf32, #tpu.memory_space<vmem_shared>>
              tpu.wait_indirect_dma semaphore(%arg24 : memref<!tpu.dma_semaphore, #tpu.memory_space<semaphore_mem>>) src(%arg15 : memref<80x128xf32, #tpu.memory_space<vmem>>) dst(%dma_wait3A_243 : memref<10000x128xf32, #tpu.memory_space<vmem_shared>>)
            } else {
            }
            %mul3A_176 = arith.constant 80 : i32
            %mul3A_177 = arith.muli %add3A_163, %mul3A_176 : i32
            %add3A_178 = arith.constant 0 : i32
            %add3A_179 = arith.addi %mul3A_177, %add3A_178 : i32
            %get3A_180 = arith.index_cast %add3A_179 : i32 to index
            %get3A_181 = tpu.vector_load %arg7[%get3A_180] {strides = array<i32>} : memref<2000xi32, #tpu.memory_space<vmem>>, vector<16xi32>,
            %swap3A_182 = arith.constant 0 : index
            %swap3A_183 = tpu.vector_load %arg9[%swap3A_182] {strides = array<i32>} : memref<80xi32, #tpu.memory_space<vmem>>, vector<16xi32>,
            tpu.vector_store %arg9[%swap3A_182], %get3A_181 {strides = array<i32>} : memref<80xi32, #tpu.memory_space<vmem>>, vector<16xi32>,
            %add3A_184 = arith.constant 0 : i32
            %add3A_185 = arith.addi %mul3A_177, %add3A_184 : i32
            %get3A_186 = arith.index_cast %add3A_185 : i32 to index
            %get3A_187 = tpu.vector_load %arg8[%get3A_186] {strides = array<i32>} : memref<2000xi32, #tpu.memory_space<vmem>>, vector<16xi32>,
            %swap3A_188 = arith.constant 0 : index
            %swap3A_189 = tpu.vector_load %arg12[%swap3A_188] {strides = array<i32>} : memref<80xi32, #tpu.memory_space<vmem>>, vector<16xi32>,
            tpu.vector_store %arg12[%swap3A_188], %get3A_187 {strides = array<i32>} : memref<80xi32, #tpu.memory_space<vmem>>, vector<16xi32>,
            %add3A_190 = arith.constant 16 : i32
            %add3A_191 = arith.addi %mul3A_177, %add3A_190 : i32
            %get3A_192 = arith.index_cast %add3A_191 : i32 to index
            %get3A_193 = tpu.vector_load %arg7[%get3A_192] {strides = array<i32>} : memref<2000xi32, #tpu.memory_space<vmem>>, vector<16xi32>,
            %swap3A_194 = arith.constant 16 : index
            %swap3A_195 = tpu.vector_load %arg9[%swap3A_194] {strides = array<i32>} : memref<80xi32, #tpu.memory_space<vmem>>, vector<16xi32>,
            tpu.vector_store %arg9[%swap3A_194], %get3A_193 {strides = array<i32>} : memref<80xi32, #tpu.memory_space<vmem>>, vector<16xi32>,
            %add3A_196 = arith.constant 16 : i32
            %add3A_197 = arith.addi %mul3A_177, %add3A_196 : i32
            %get3A_198 = arith.index_cast %add3A_197 : i32 to index
            %get3A_199 = tpu.vector_load %arg8[%get3A_198] {strides = array<i32>} : memref<2000xi32, #tpu.memory_space<vmem>>, vector<16xi32>,
            %swap3A_200 = arith.constant 16 : index
            %swap3A_201 = tpu.vector_load %arg12[%swap3A_200] {strides = array<i32>} : memref<80xi32, #tpu.memory_space<vmem>>, vector<16xi32>,
            tpu.vector_store %arg12[%swap3A_200], %get3A_199 {strides = array<i32>} : memref<80xi32, #tpu.memory_space<vmem>>, vector<16xi32>,
            %add3A_202 = arith.constant 32 : i32
            %add3A_203 = arith.addi %mul3A_177, %add3A_202 : i32
            %get3A_204 = arith.index_cast %add3A_203 : i32 to index
            %get3A_205 = tpu.vector_load %arg7[%get3A_204] {strides = array<i32>} : memref<2000xi32, #tpu.memory_space<vmem>>, vector<16xi32>,
            %swap3A_206 = arith.constant 32 : index
            %swap3A_207 = tpu.vector_load %arg9[%swap3A_206] {strides = array<i32>} : memref<80xi32, #tpu.memory_space<vmem>>, vector<16xi32>,
            tpu.vector_store %arg9[%swap3A_206], %get3A_205 {strides = array<i32>} : memref<80xi32, #tpu.memory_space<vmem>>, vector<16xi32>,
            %add3A_208 = arith.constant 32 : i32
            %add3A_209 = arith.addi %mul3A_177, %add3A_208 : i32
            %get3A_210 = arith.index_cast %add3A_209 : i32 to index
            %get3A_211 = tpu.vector_load %arg8[%get3A_210] {strides = array<i32>} : memref<2000xi32, #tpu.memory_space<vmem>>, vector<16xi32>,
            %swap3A_212 = arith.constant 32 : index
            %swap3A_213 = tpu.vector_load %arg12[%swap3A_212] {strides = array<i32>} : memref<80xi32, #tpu.memory_space<vmem>>, vector<16xi32>,
            tpu.vector_store %arg12[%swap3A_212], %get3A_211 {strides = array<i32>} : memref<80xi32, #tpu.memory_space<vmem>>, vector<16xi32>,
            %add3A_214 = arith.constant 48 : i32
            %add3A_215 = arith.addi %mul3A_177, %add3A_214 : i32
            %get3A_216 = arith.index_cast %add3A_215 : i32 to index
            %get3A_217 = tpu.vector_load %arg7[%get3A_216] {strides = array<i32>} : memref<2000xi32, #tpu.memory_space<vmem>>, vector<16xi32>,
            %swap3A_218 = arith.constant 48 : index
            %swap3A_219 = tpu.vector_load %arg9[%swap3A_218] {strides = array<i32>} : memref<80xi32, #tpu.memory_space<vmem>>, vector<16xi32>,
            tpu.vector_store %arg9[%swap3A_218], %get3A_217 {strides = array<i32>} : memref<80xi32, #tpu.memory_space<vmem>>, vector<16xi32>,
            %add3A_220 = arith.constant 48 : i32
            %add3A_221 = arith.addi %mul3A_177, %add3A_220 : i32
            %get3A_222 = arith.index_cast %add3A_221 : i32 to index
            %get3A_223 = tpu.vector_load %arg8[%get3A_222] {strides = array<i32>} : memref<2000xi32, #tpu.memory_space<vmem>>, vector<16xi32>,
            %swap3A_224 = arith.constant 48 : index
            %swap3A_225 = tpu.vector_load %arg12[%swap3A_224] {strides = array<i32>} : memref<80xi32, #tpu.memory_space<vmem>>, vector<16xi32>,
            tpu.vector_store %arg12[%swap3A_224], %get3A_223 {strides = array<i32>} : memref<80xi32, #tpu.memory_space<vmem>>, vector<16xi32>,
            %add3A_226 = arith.constant 64 : i32
            %add3A_227 = arith.addi %mul3A_177, %add3A_226 : i32
            %get3A_228 = arith.index_cast %add3A_227 : i32 to index
            %get3A_229 = tpu.vector_load %arg7[%get3A_228] {strides = array<i32>} : memref<2000xi32, #tpu.memory_space<vmem>>, vector<16xi32>,
            %swap3A_230 = arith.constant 64 : index
            %swap3A_231 = tpu.vector_load %arg9[%swap3A_230] {strides = array<i32>} : memref<80xi32, #tpu.memory_space<vmem>>, vector<16xi32>,
            tpu.vector_store %arg9[%swap3A_230], %get3A_229 {strides = array<i32>} : memref<80xi32, #tpu.memory_space<vmem>>, vector<16xi32>,
            %add3A_232 = arith.constant 64 : i32
            %add3A_233 = arith.addi %mul3A_177, %add3A_232 : i32
            %get3A_234 = arith.index_cast %add3A_233 : i32 to index
            %get3A_235 = tpu.vector_load %arg8[%get3A_234] {strides = array<i32>} : memref<2000xi32, #tpu.memory_space<vmem>>, vector<16xi32>,
            %swap3A_236 = arith.constant 64 : index
            %swap3A_237 = tpu.vector_load %arg12[%swap3A_236] {strides = array<i32>} : memref<80xi32, #tpu.memory_space<vmem>>, vector<16xi32>,
            tpu.vector_store %arg12[%swap3A_236], %get3A_235 {strides = array<i32>} : memref<80xi32, #tpu.memory_space<vmem>>, vector<16xi32>,
            %dma_start3A_238 = arith.constant 0 : i32
            %dma_start3A_239 = arith.constant 0 : i32
            %dma_start3A_240 = tpu.memref_slice %arg2[%dma_start3A_238, %dma_start3A_239] : memref<10000x128xf32, #tpu.memory_space<hbm>> -> memref<10000x128xf32, #tpu.memory_space<hbm>>
            tpu.enqueue_indirect_dma source(%dma_start3A_240 : memref<10000x128xf32, #tpu.memory_space<hbm>>) target(%arg15 : memref<80x128xf32, #tpu.memory_space<vmem>>) offsets(%arg9 : memref<80xi32, #tpu.memory_space<vmem>>) semaphore(%arg21 : memref<!tpu.dma_semaphore, #tpu.memory_space<semaphore_mem>>)
          } else {
          }
          %dma_start3A_169 = arith.constant 0 : i32
          %dma_start3A_170 = arith.constant 0 : i32
          %dma_start3A_171 = tpu.memref_slice %arg20[%dma_start3A_169, %dma_start3A_170] : memref<10000x128xf32, #tpu.memory_space<vmem_shared>> -> memref<10000x128xf32, #tpu.memory_space<vmem_shared>>
          tpu.enqueue_indirect_dma source(%arg16 : memref<80x128xf32, #tpu.memory_space<vmem>>) target(%dma_start3A_171 : memref<10000x128xf32, #tpu.memory_space<vmem_shared>>) offsets(%arg13 : memref<80xi32, #tpu.memory_space<vmem>>) semaphore(%arg25 : memref<!tpu.dma_semaphore, #tpu.memory_space<semaphore_mem>>) {add = true}
        } else {
        }
        %mul3A_150 = arith.constant 3 : i32
        %mul3A_151 = arith.muli %mul3A_150, %scan3A_134 : i32
        %add3A_152 = arith.constant 2 : i32
        %add3A_153 = arith.addi %mul3A_151, %add3A_152 : i32
        %lt3A_154 = arith.constant 25 : i32
        %lt3A_155 = arith.cmpi slt, %add3A_153, %lt3A_154 : i32
        %convert_element_type3A_156 = arith.extui %lt3A_155 : i1 to i32
        %cond3A_157 = arith.constant 0 : i32
        %cond3A_158 = arith.cmpi ne, %convert_element_type3A_156, %cond3A_157 : i32
        scf.if %cond3A_158 {
          %dma_wait3A_159 = arith.constant 0 : i32
          %dma_wait3A_160 = arith.constant 0 : i32
          %dma_wait3A_161 = tpu.memref_slice %arg2[%dma_wait3A_159, %dma_wait3A_160] : memref<10000x128xf32, #tpu.memory_space<hbm>> -> memref<10000x128xf32, #tpu.memory_space<hbm>>
          tpu.wait_indirect_dma semaphore(%arg23 : memref<!tpu.dma_semaphore, #tpu.memory_space<semaphore_mem>>) src(%dma_wait3A_161 : memref<10000x128xf32, #tpu.memory_space<hbm>>) dst(%arg17 : memref<80x128xf32, #tpu.memory_space<vmem>>)
          %add3A_162 = arith.constant 2 : i32
          %add3A_163 = arith.addi %add3A_153, %add3A_162 : i32
          %lt3A_164 = arith.constant 25 : i32
          %lt3A_165 = arith.cmpi slt, %add3A_163, %lt3A_164 : i32
          %convert_element_type3A_166 = arith.extui %lt3A_165 : i1 to i32
          %cond3A_167 = arith.constant 0 : i32
          %cond3A_168 = arith.cmpi ne, %convert_element_type3A_166, %cond3A_167 : i32
          scf.if %cond3A_168 {
            %ge3A = arith.constant 1 : i32
            %ge3A_172 = arith.cmpi sge, %add3A_153, %ge3A : i32
            %convert_element_type3A_173 = arith.extui %ge3A_172 : i1 to i32
            %cond3A_174 = arith.constant 0 : i32
            %cond3A_175 = arith.cmpi ne, %convert_element_type3A_173, %cond3A_174 : i32
            scf.if %cond3A_175 {
              %dma_wait3A_241 = arith.constant 0 : i32
              %dma_wait3A_242 = arith.constant 0 : i32
              %dma_wait3A_243 = tpu.memref_slice %arg20[%dma_wait3A_241, %dma_wait3A_242] : memref<10000x128xf32, #tpu.memory_space<vmem_shared>> -> memref<10000x128xf32, #tpu.memory_space<vmem_shared>>
              tpu.wait_indirect_dma semaphore(%arg25 : memref<!tpu.dma_semaphore, #tpu.memory_space<semaphore_mem>>) src(%arg16 : memref<80x128xf32, #tpu.memory_space<vmem>>) dst(%dma_wait3A_243 : memref<10000x128xf32, #tpu.memory_space<vmem_shared>>)
            } else {
            }
            %mul3A_176 = arith.constant 80 : i32
            %mul3A_177 = arith.muli %add3A_163, %mul3A_176 : i32
            %add3A_178 = arith.constant 0 : i32
            %add3A_179 = arith.addi %mul3A_177, %add3A_178 : i32
            %get3A_180 = arith.index_cast %add3A_179 : i32 to index
            %get3A_181 = tpu.vector_load %arg7[%get3A_180] {strides = array<i32>} : memref<2000xi32, #tpu.memory_space<vmem>>, vector<16xi32>,
            %swap3A_182 = arith.constant 0 : index
            %swap3A_183 = tpu.vector_load %arg10[%swap3A_182] {strides = array<i32>} : memref<80xi32, #tpu.memory_space<vmem>>, vector<16xi32>,
            tpu.vector_store %arg10[%swap3A_182], %get3A_181 {strides = array<i32>} : memref<80xi32, #tpu.memory_space<vmem>>, vector<16xi32>,
            %add3A_184 = arith.constant 0 : i32
            %add3A_185 = arith.addi %mul3A_177, %add3A_184 : i32
            %get3A_186 = arith.index_cast %add3A_185 : i32 to index
            %get3A_187 = tpu.vector_load %arg8[%get3A_186] {strides = array<i32>} : memref<2000xi32, #tpu.memory_space<vmem>>, vector<16xi32>,
            %swap3A_188 = arith.constant 0 : index
            %swap3A_189 = tpu.vector_load %arg13[%swap3A_188] {strides = array<i32>} : memref<80xi32, #tpu.memory_space<vmem>>, vector<16xi32>,
            tpu.vector_store %arg13[%swap3A_188], %get3A_187 {strides = array<i32>} : memref<80xi32, #tpu.memory_space<vmem>>, vector<16xi32>,
            %add3A_190 = arith.constant 16 : i32
            %add3A_191 = arith.addi %mul3A_177, %add3A_190 : i32
            %get3A_192 = arith.index_cast %add3A_191 : i32 to index
            %get3A_193 = tpu.vector_load %arg7[%get3A_192] {strides = array<i32>} : memref<2000xi32, #tpu.memory_space<vmem>>, vector<16xi32>,
            %swap3A_194 = arith.constant 16 : index
            %swap3A_195 = tpu.vector_load %arg10[%swap3A_194] {strides = array<i32>} : memref<80xi32, #tpu.memory_space<vmem>>, vector<16xi32>,
            tpu.vector_store %arg10[%swap3A_194], %get3A_193 {strides = array<i32>} : memref<80xi32, #tpu.memory_space<vmem>>, vector<16xi32>,
            %add3A_196 = arith.constant 16 : i32
            %add3A_197 = arith.addi %mul3A_177, %add3A_196 : i32
            %get3A_198 = arith.index_cast %add3A_197 : i32 to index
            %get3A_199 = tpu.vector_load %arg8[%get3A_198] {strides = array<i32>} : memref<2000xi32, #tpu.memory_space<vmem>>, vector<16xi32>,
            %swap3A_200 = arith.constant 16 : index
            %swap3A_201 = tpu.vector_load %arg13[%swap3A_200] {strides = array<i32>} : memref<80xi32, #tpu.memory_space<vmem>>, vector<16xi32>,
            tpu.vector_store %arg13[%swap3A_200], %get3A_199 {strides = array<i32>} : memref<80xi32, #tpu.memory_space<vmem>>, vector<16xi32>,
            %add3A_202 = arith.constant 32 : i32
            %add3A_203 = arith.addi %mul3A_177, %add3A_202 : i32
            %get3A_204 = arith.index_cast %add3A_203 : i32 to index
            %get3A_205 = tpu.vector_load %arg7[%get3A_204] {strides = array<i32>} : memref<2000xi32, #tpu.memory_space<vmem>>, vector<16xi32>,
            %swap3A_206 = arith.constant 32 : index
            %swap3A_207 = tpu.vector_load %arg10[%swap3A_206] {strides = array<i32>} : memref<80xi32, #tpu.memory_space<vmem>>, vector<16xi32>,
            tpu.vector_store %arg10[%swap3A_206], %get3A_205 {strides = array<i32>} : memref<80xi32, #tpu.memory_space<vmem>>, vector<16xi32>,
            %add3A_208 = arith.constant 32 : i32
            %add3A_209 = arith.addi %mul3A_177, %add3A_208 : i32
            %get3A_210 = arith.index_cast %add3A_209 : i32 to index
            %get3A_211 = tpu.vector_load %arg8[%get3A_210] {strides = array<i32>} : memref<2000xi32, #tpu.memory_space<vmem>>, vector<16xi32>,
            %swap3A_212 = arith.constant 32 : index
            %swap3A_213 = tpu.vector_load %arg13[%swap3A_212] {strides = array<i32>} : memref<80xi32, #tpu.memory_space<vmem>>, vector<16xi32>,
            tpu.vector_store %arg13[%swap3A_212], %get3A_211 {strides = array<i32>} : memref<80xi32, #tpu.memory_space<vmem>>, vector<16xi32>,
            %add3A_214 = arith.constant 48 : i32
            %add3A_215 = arith.addi %mul3A_177, %add3A_214 : i32
            %get3A_216 = arith.index_cast %add3A_215 : i32 to index
            %get3A_217 = tpu.vector_load %arg7[%get3A_216] {strides = array<i32>} : memref<2000xi32, #tpu.memory_space<vmem>>, vector<16xi32>,
            %swap3A_218 = arith.constant 48 : index
            %swap3A_219 = tpu.vector_load %arg10[%swap3A_218] {strides = array<i32>} : memref<80xi32, #tpu.memory_space<vmem>>, vector<16xi32>,
            tpu.vector_store %arg10[%swap3A_218], %get3A_217 {strides = array<i32>} : memref<80xi32, #tpu.memory_space<vmem>>, vector<16xi32>,
            %add3A_220 = arith.constant 48 : i32
            %add3A_221 = arith.addi %mul3A_177, %add3A_220 : i32
            %get3A_222 = arith.index_cast %add3A_221 : i32 to index
            %get3A_223 = tpu.vector_load %arg8[%get3A_222] {strides = array<i32>} : memref<2000xi32, #tpu.memory_space<vmem>>, vector<16xi32>,
            %swap3A_224 = arith.constant 48 : index
            %swap3A_225 = tpu.vector_load %arg13[%swap3A_224] {strides = array<i32>} : memref<80xi32, #tpu.memory_space<vmem>>, vector<16xi32>,
            tpu.vector_store %arg13[%swap3A_224], %get3A_223 {strides = array<i32>} : memref<80xi32, #tpu.memory_space<vmem>>, vector<16xi32>,
            %add3A_226 = arith.constant 64 : i32
            %add3A_227 = arith.addi %mul3A_177, %add3A_226 : i32
            %get3A_228 = arith.index_cast %add3A_227 : i32 to index
            %get3A_229 = tpu.vector_load %arg7[%get3A_228] {strides = array<i32>} : memref<2000xi32, #tpu.memory_space<vmem>>, vector<16xi32>,
            %swap3A_230 = arith.constant 64 : index
            %swap3A_231 = tpu.vector_load %arg10[%swap3A_230] {strides = array<i32>} : memref<80xi32, #tpu.memory_space<vmem>>, vector<16xi32>,
            tpu.vector_store %arg10[%swap3A_230], %get3A_229 {strides = array<i32>} : memref<80xi32, #tpu.memory_space<vmem>>, vector<16xi32>,
            %add3A_232 = arith.constant 64 : i32
            %add3A_233 = arith.addi %mul3A_177, %add3A_232 : i32
            %get3A_234 = arith.index_cast %add3A_233 : i32 to index
            %get3A_235 = tpu.vector_load %arg8[%get3A_234] {strides = array<i32>} : memref<2000xi32, #tpu.memory_space<vmem>>, vector<16xi32>,
            %swap3A_236 = arith.constant 64 : index
            %swap3A_237 = tpu.vector_load %arg13[%swap3A_236] {strides = array<i32>} : memref<80xi32, #tpu.memory_space<vmem>>, vector<16xi32>,
            tpu.vector_store %arg13[%swap3A_236], %get3A_235 {strides = array<i32>} : memref<80xi32, #tpu.memory_space<vmem>>, vector<16xi32>,
            %dma_start3A_238 = arith.constant 0 : i32
            %dma_start3A_239 = arith.constant 0 : i32
            %dma_start3A_240 = tpu.memref_slice %arg2[%dma_start3A_238, %dma_start3A_239] : memref<10000x128xf32, #tpu.memory_space<hbm>> -> memref<10000x128xf32, #tpu.memory_space<hbm>>
            tpu.enqueue_indirect_dma source(%dma_start3A_240 : memref<10000x128xf32, #tpu.memory_space<hbm>>) target(%arg16 : memref<80x128xf32, #tpu.memory_space<vmem>>) offsets(%arg10 : memref<80xi32, #tpu.memory_space<vmem>>) semaphore(%arg22 : memref<!tpu.dma_semaphore, #tpu.memory_space<semaphore_mem>>)
          } else {
          }
          %dma_start3A_169 = arith.constant 0 : i32
          %dma_start3A_170 = arith.constant 0 : i32
          %dma_start3A_171 = tpu.memref_slice %arg20[%dma_start3A_169, %dma_start3A_170] : memref<10000x128xf32, #tpu.memory_space<vmem_shared>> -> memref<10000x128xf32, #tpu.memory_space<vmem_shared>>
          tpu.enqueue_indirect_dma source(%arg17 : memref<80x128xf32, #tpu.memory_space<vmem>>) target(%dma_start3A_171 : memref<10000x128xf32, #tpu.memory_space<vmem_shared>>) offsets(%arg14 : memref<80xi32, #tpu.memory_space<vmem>>) semaphore(%arg26 : memref<!tpu.dma_semaphore, #tpu.memory_space<semaphore_mem>>) {add = true}
        } else {
        }
      }
      %scan3A_124 = arith.constant 9 : i32
      %dma_wait3A_125 = arith.constant 0 : i32
      %dma_wait3A_126 = arith.constant 0 : i32
      %dma_wait3A_127 = tpu.memref_slice %arg20[%dma_wait3A_125, %dma_wait3A_126] : memref<10000x128xf32, #tpu.memory_space<vmem_shared>> -> memref<10000x128xf32, #tpu.memory_space<vmem_shared>>
      tpu.wait_indirect_dma semaphore(%arg25 : memref<!tpu.dma_semaphore, #tpu.memory_space<semaphore_mem>>) src(%arg16 : memref<80x128xf32, #tpu.memory_space<vmem>>) dst(%dma_wait3A_127 : memref<10000x128xf32, #tpu.memory_space<vmem_shared>>)
      %dma_wait3A_128 = arith.constant 0 : i32
      %dma_wait3A_129 = arith.constant 0 : i32
      %dma_wait3A_130 = tpu.memref_slice %arg20[%dma_wait3A_128, %dma_wait3A_129] : memref<10000x128xf32, #tpu.memory_space<vmem_shared>> -> memref<10000x128xf32, #tpu.memory_space<vmem_shared>>
      tpu.wait_indirect_dma semaphore(%arg26 : memref<!tpu.dma_semaphore, #tpu.memory_space<semaphore_mem>>) src(%arg17 : memref<80x128xf32, #tpu.memory_space<vmem>>) dst(%dma_wait3A_130 : memref<10000x128xf32, #tpu.memory_space<vmem_shared>>)
      %dma_wait3A_131 = arith.constant 0 : i32
      %dma_wait3A_132 = arith.constant 0 : i32
      %dma_wait3A_133 = tpu.memref_slice %arg20[%dma_wait3A_131, %dma_wait3A_132] : memref<10000x128xf32, #tpu.memory_space<vmem_shared>> -> memref<10000x128xf32, #tpu.memory_space<vmem_shared>>
      tpu.wait_indirect_dma semaphore(%arg24 : memref<!tpu.dma_semaphore, #tpu.memory_space<semaphore_mem>>) src(%arg15 : memref<80x128xf32, #tpu.memory_space<vmem>>) dst(%dma_wait3A_133 : memref<10000x128xf32, #tpu.memory_space<vmem_shared>>)
    }
    %scan3A_19 = arith.constant 5 : i32
    %barrier3A_20 = arith.constant 0 : index
    tpu.barrier barrier_id(%barrier3A_20)
    %scan3A_21 = arith.constant 0 : i32
    %scan3A_22 = arith.constant 0 : i32
    %scan3A_23 = arith.constant 16 : i32
    %scan3A_24 = arith.addi %scan3A_22, %scan3A_23 : i32
    %scan3A_25 = arith.constant 1 : i32
    scf.for %scan3A_32 = %scan3A_22 to %scan3A_24 step %scan3A_25  : i32 {
      %mul3A_33 = arith.constant 16 : i32
      %mul3A_34 = arith.muli %scan3A_32, %mul3A_33 : i32
      %add3A_35 = arith.addi %arg1, %mul3A_34 : i32
      %lt3A = arith.constant 250 : i32
      %lt3A_36 = arith.cmpi slt, %add3A_35, %lt3A : i32
      %convert_element_type3A = arith.extui %lt3A_36 : i1 to i32
      %cond3A = arith.constant 0 : i32
      %cond3A_37 = arith.cmpi ne, %convert_element_type3A, %cond3A : i32
      scf.if %cond3A_37 {
        %mul3A_38 = arith.constant 40 : i32
        %mul3A_39 = arith.muli %add3A_35, %mul3A_38 : i32
        %ge3A = arith.constant 1 : i32
        %ge3A_40 = arith.cmpi sge, %scan3A_32, %ge3A : i32
        %convert_element_type3A_41 = arith.extui %ge3A_40 : i1 to i32
        %cond3A_42 = arith.constant 0 : i32
        %cond3A_43 = arith.cmpi ne, %convert_element_type3A_41, %cond3A_42 : i32
        scf.if %cond3A_43 {
          %mul3A_56 = arith.constant 10000 : i32
          %mul3A_57 = arith.muli %arg0, %mul3A_56 : i32
          %dma_wait3A_58 = arith.constant 0 : i32
          %dma_wait3A_59 = tpu.memref_slice %arg6[%mul3A_57, %dma_wait3A_58] : memref<20000x128xf32, #tpu.memory_space<hbm>> -> memref<40x128xf32, #tpu.memory_space<hbm>>
          %dma_wait3A_60 = arith.constant 0 : i32
          %dma_wait3A_61 = tpu.memref_slice %arg6[%mul3A_57, %dma_wait3A_60] : memref<20000x128xf32, #tpu.memory_space<hbm>> -> memref<40x128xf32, #tpu.memory_space<hbm>>
          tpu.wait_dma2 semaphore(%arg24 : memref<!tpu.dma_semaphore, #tpu.memory_space<semaphore_mem>>) src(%arg18 : memref<40x128xf32, #tpu.memory_space<vmem>>) dst(%dma_wait3A_61 : memref<40x128xf32, #tpu.memory_space<hbm>>)
        } else {
        }
        "tpu.region"() ({
          %run_scoped3A = tpu.sem_alloc : memref<!tpu.dma_semaphore, #tpu.memory_space<semaphore_mem>>
          %dma_start3A_56 = arith.constant 0 : i32
          %dma_start3A_57 = tpu.memref_slice %arg20[%mul3A_39, %dma_start3A_56] : memref<10000x128xf32, #tpu.memory_space<vmem_shared>> -> memref<40x128xf32, #tpu.memory_space<vmem_shared>>
          %dma_start3A_58 = arith.constant 0 : i32
          %dma_start3A_59 = tpu.memref_slice %arg20[%mul3A_39, %dma_start3A_58] : memref<10000x128xf32, #tpu.memory_space<vmem_shared>> -> memref<40x128xf32, #tpu.memory_space<vmem_shared>>
          tpu.enqueue_dma source(%dma_start3A_59 : memref<40x128xf32, #tpu.memory_space<vmem_shared>>) target(%arg18 : memref<40x128xf32, #tpu.memory_space<vmem>>) target_semaphore(%run_scoped3A : memref<!tpu.dma_semaphore, #tpu.memory_space<semaphore_mem>>)
          %dma_wait3A_60 = arith.constant 0 : i32
          %dma_wait3A_61 = tpu.memref_slice %arg20[%mul3A_39, %dma_wait3A_60] : memref<10000x128xf32, #tpu.memory_space<vmem_shared>> -> memref<40x128xf32, #tpu.memory_space<vmem_shared>>
          %dma_wait3A_62 = arith.constant 0 : i32
          %dma_wait3A_63 = tpu.memref_slice %arg20[%mul3A_39, %dma_wait3A_62] : memref<10000x128xf32, #tpu.memory_space<vmem_shared>> -> memref<40x128xf32, #tpu.memory_space<vmem_shared>>
          tpu.wait_dma2 semaphore(%run_scoped3A : memref<!tpu.dma_semaphore, #tpu.memory_space<semaphore_mem>>) src(%dma_wait3A_63 : memref<40x128xf32, #tpu.memory_space<vmem_shared>>) dst(%arg18 : memref<40x128xf32, #tpu.memory_space<vmem>>)
          tpu.yield
        }) : () -> ()
        "tpu.region"() ({
          %run_scoped3A = tpu.sem_alloc : memref<!tpu.dma_semaphore, #tpu.memory_space<semaphore_mem>>
          %dma_start3A_56 = tpu.memref_slice %arg5[%mul3A_39] : memref<10000xf32, #tpu.memory_space<hbm>> -> memref<40xf32, #tpu.memory_space<hbm>>
          %dma_start3A_57 = tpu.memref_slice %arg5[%mul3A_39] : memref<10000xf32, #tpu.memory_space<hbm>> -> memref<40xf32, #tpu.memory_space<hbm>>
          tpu.enqueue_dma source(%dma_start3A_57 : memref<40xf32, #tpu.memory_space<hbm>>) target(%arg19 : memref<40xf32, #tpu.memory_space<vmem>>) target_semaphore(%run_scoped3A : memref<!tpu.dma_semaphore, #tpu.memory_space<semaphore_mem>>)
          %dma_wait3A_58 = tpu.memref_slice %arg5[%mul3A_39] : memref<10000xf32, #tpu.memory_space<hbm>> -> memref<40xf32, #tpu.memory_space<hbm>>
          %dma_wait3A_59 = tpu.memref_slice %arg5[%mul3A_39] : memref<10000xf32, #tpu.memory_space<hbm>> -> memref<40xf32, #tpu.memory_space<hbm>>
          tpu.wait_dma2 semaphore(%run_scoped3A : memref<!tpu.dma_semaphore, #tpu.memory_space<semaphore_mem>>) src(%dma_wait3A_59 : memref<40xf32, #tpu.memory_space<hbm>>) dst(%arg19 : memref<40xf32, #tpu.memory_space<vmem>>)
          tpu.yield
        }) : () -> ()
        %scan3A_44 = arith.constant 0 : i32
        %scan3A_45 = arith.constant 0 : i32
        %scan3A_46 = arith.constant 40 : i32
        %scan3A_47 = arith.addi %scan3A_45, %scan3A_46 : i32
        %scan3A_48 = arith.constant 1 : i32
        scf.for %scan3A_56 = %scan3A_45 to %scan3A_47 step %scan3A_48  : i32 {
          %broadcast_in_dim3A = vector.broadcast %scan3A_56 : i32 to vector<16xi32>
          %gather3A = tpu.vector_load_idx %arg19[%broadcast_in_dim3A] : memref<40xf32, #tpu.memory_space<vmem>>[vector<16xi32>], vector<16xf32>,
          %get3A = arith.index_cast %scan3A_56 : i32 to index
          %get3A_57 = arith.constant 0 : index
          %get3A_58 = tpu.vector_load %arg18[%get3A, %get3A_57] {strides = array<i32>} : memref<40x128xf32, #tpu.memory_space<vmem>>, vector<16xf32>,
          %mul3A_59 = arith.mulf %get3A_58, %gather3A : vector<16xf32>
          %swap3A = arith.index_cast %scan3A_56 : i32 to index
          %swap3A_60 = arith.constant 0 : index
          %swap3A_61 = tpu.vector_load %arg18[%swap3A, %swap3A_60] {strides = array<i32>} : memref<40x128xf32, #tpu.memory_space<vmem>>, vector<16xf32>,
          tpu.vector_store %arg18[%swap3A, %swap3A_60], %mul3A_59 {strides = array<i32>} : memref<40x128xf32, #tpu.memory_space<vmem>>, vector<16xf32>,
          %get3A_62 = arith.index_cast %scan3A_56 : i32 to index
          %get3A_63 = arith.constant 16 : index
          %get3A_64 = tpu.vector_load %arg18[%get3A_62, %get3A_63] {strides = array<i32>} : memref<40x128xf32, #tpu.memory_space<vmem>>, vector<16xf32>,
          %mul3A_65 = arith.mulf %get3A_64, %gather3A : vector<16xf32>
          %swap3A_66 = arith.index_cast %scan3A_56 : i32 to index
          %swap3A_67 = arith.constant 16 : index
          %swap3A_68 = tpu.vector_load %arg18[%swap3A_66, %swap3A_67] {strides = array<i32>} : memref<40x128xf32, #tpu.memory_space<vmem>>, vector<16xf32>,
          tpu.vector_store %arg18[%swap3A_66, %swap3A_67], %mul3A_65 {strides = array<i32>} : memref<40x128xf32, #tpu.memory_space<vmem>>, vector<16xf32>,
          %get3A_69 = arith.index_cast %scan3A_56 : i32 to index
          %get3A_70 = arith.constant 32 : index
          %get3A_71 = tpu.vector_load %arg18[%get3A_69, %get3A_70] {strides = array<i32>} : memref<40x128xf32, #tpu.memory_space<vmem>>, vector<16xf32>,
          %mul3A_72 = arith.mulf %get3A_71, %gather3A : vector<16xf32>
          %swap3A_73 = arith.index_cast %scan3A_56 : i32 to index
          %swap3A_74 = arith.constant 32 : index
          %swap3A_75 = tpu.vector_load %arg18[%swap3A_73, %swap3A_74] {strides = array<i32>} : memref<40x128xf32, #tpu.memory_space<vmem>>, vector<16xf32>,
          tpu.vector_store %arg18[%swap3A_73, %swap3A_74], %mul3A_72 {strides = array<i32>} : memref<40x128xf32, #tpu.memory_space<vmem>>, vector<16xf32>,
          %get3A_76 = arith.index_cast %scan3A_56 : i32 to index
          %get3A_77 = arith.constant 48 : index
          %get3A_78 = tpu.vector_load %arg18[%get3A_76, %get3A_77] {strides = array<i32>} : memref<40x128xf32, #tpu.memory_space<vmem>>, vector<16xf32>,
          %mul3A_79 = arith.mulf %get3A_78, %gather3A : vector<16xf32>
          %swap3A_80 = arith.index_cast %scan3A_56 : i32 to index
          %swap3A_81 = arith.constant 48 : index
          %swap3A_82 = tpu.vector_load %arg18[%swap3A_80, %swap3A_81] {strides = array<i32>} : memref<40x128xf32, #tpu.memory_space<vmem>>, vector<16xf32>,
          tpu.vector_store %arg18[%swap3A_80, %swap3A_81], %mul3A_79 {strides = array<i32>} : memref<40x128xf32, #tpu.memory_space<vmem>>, vector<16xf32>,
          %get3A_83 = arith.index_cast %scan3A_56 : i32 to index
          %get3A_84 = arith.constant 64 : index
          %get3A_85 = tpu.vector_load %arg18[%get3A_83, %get3A_84] {strides = array<i32>} : memref<40x128xf32, #tpu.memory_space<vmem>>, vector<16xf32>,
          %mul3A_86 = arith.mulf %get3A_85, %gather3A : vector<16xf32>
          %swap3A_87 = arith.index_cast %scan3A_56 : i32 to index
          %swap3A_88 = arith.constant 64 : index
          %swap3A_89 = tpu.vector_load %arg18[%swap3A_87, %swap3A_88] {strides = array<i32>} : memref<40x128xf32, #tpu.memory_space<vmem>>, vector<16xf32>,
          tpu.vector_store %arg18[%swap3A_87, %swap3A_88], %mul3A_86 {strides = array<i32>} : memref<40x128xf32, #tpu.memory_space<vmem>>, vector<16xf32>,
          %get3A_90 = arith.index_cast %scan3A_56 : i32 to index
          %get3A_91 = arith.constant 80 : index
          %get3A_92 = tpu.vector_load %arg18[%get3A_90, %get3A_91] {strides = array<i32>} : memref<40x128xf32, #tpu.memory_space<vmem>>, vector<16xf32>,
          %mul3A_93 = arith.mulf %get3A_92, %gather3A : vector<16xf32>
          %swap3A_94 = arith.index_cast %scan3A_56 : i32 to index
          %swap3A_95 = arith.constant 80 : index
          %swap3A_96 = tpu.vector_load %arg18[%swap3A_94, %swap3A_95] {strides = array<i32>} : memref<40x128xf32, #tpu.memory_space<vmem>>, vector<16xf32>,
          tpu.vector_store %arg18[%swap3A_94, %swap3A_95], %mul3A_93 {strides = array<i32>} : memref<40x128xf32, #tpu.memory_space<vmem>>, vector<16xf32>,
          %get3A_97 = arith.index_cast %scan3A_56 : i32 to index
          %get3A_98 = arith.constant 96 : index
          %get3A_99 = tpu.vector_load %arg18[%get3A_97, %get3A_98] {strides = array<i32>} : memref<40x128xf32, #tpu.memory_space<vmem>>, vector<16xf32>,
          %mul3A_100 = arith.mulf %get3A_99, %gather3A : vector<16xf32>
          %swap3A_101 = arith.index_cast %scan3A_56 : i32 to index
          %swap3A_102 = arith.constant 96 : index
          %swap3A_103 = tpu.vector_load %arg18[%swap3A_101, %swap3A_102] {strides = array<i32>} : memref<40x128xf32, #tpu.memory_space<vmem>>, vector<16xf32>,
          tpu.vector_store %arg18[%swap3A_101, %swap3A_102], %mul3A_100 {strides = array<i32>} : memref<40x128xf32, #tpu.memory_space<vmem>>, vector<16xf32>,
          %get3A_104 = arith.index_cast %scan3A_56 : i32 to index
          %get3A_105 = arith.constant 112 : index
          %get3A_106 = tpu.vector_load %arg18[%get3A_104, %get3A_105] {strides = array<i32>} : memref<40x128xf32, #tpu.memory_space<vmem>>, vector<16xf32>,
          %mul3A_107 = arith.mulf %get3A_106, %gather3A : vector<16xf32>
          %swap3A_108 = arith.index_cast %scan3A_56 : i32 to index
          %swap3A_109 = arith.constant 112 : index
          %swap3A_110 = tpu.vector_load %arg18[%swap3A_108, %swap3A_109] {strides = array<i32>} : memref<40x128xf32, #tpu.memory_space<vmem>>, vector<16xf32>,
          tpu.vector_store %arg18[%swap3A_108, %swap3A_109], %mul3A_107 {strides = array<i32>} : memref<40x128xf32, #tpu.memory_space<vmem>>, vector<16xf32>,
        }
        %scan3A_49 = arith.constant 40 : i32
        %mul3A_50 = arith.constant 10000 : i32
        %mul3A_51 = arith.muli %arg0, %mul3A_50 : i32
        %add3A_52 = arith.addi %mul3A_51, %mul3A_39 : i32
        %dma_start3A = arith.constant 0 : i32
        %dma_start3A_53 = tpu.memref_slice %arg6[%add3A_52, %dma_start3A] : memref<20000x128xf32, #tpu.memory_space<hbm>> -> memref<40x128xf32, #tpu.memory_space<hbm>>
        %dma_start3A_54 = arith.constant 0 : i32
        %dma_start3A_55 = tpu.memref_slice %arg6[%add3A_52, %dma_start3A_54] : memref<20000x128xf32, #tpu.memory_space<hbm>> -> memref<40x128xf32, #tpu.memory_space<hbm>>
        tpu.enqueue_dma source(%arg18 : memref<40x128xf32, #tpu.memory_space<vmem>>) target(%dma_start3A_55 : memref<40x128xf32, #tpu.memory_space<hbm>>) target_semaphore(%arg24 : memref<!tpu.dma_semaphore, #tpu.memory_space<semaphore_mem>>)
      } else {
      }
    }
    %scan3A_26 = arith.constant 16 : i32
    %mul3A_27 = arith.constant 10000 : i32
    %mul3A_28 = arith.muli %arg0, %mul3A_27 : i32
    %dma_wait3A = arith.constant 0 : i32
    %dma_wait3A_29 = tpu.memref_slice %arg6[%mul3A_28, %dma_wait3A] : memref<20000x128xf32, #tpu.memory_space<hbm>> -> memref<40x128xf32, #tpu.memory_space<hbm>>
    %dma_wait3A_30 = arith.constant 0 : i32
    %dma_wait3A_31 = tpu.memref_slice %arg6[%mul3A_28, %dma_wait3A_30] : memref<20000x128xf32, #tpu.memory_space<hbm>> -> memref<40x128xf32, #tpu.memory_space<hbm>>
    tpu.wait_dma2 semaphore(%arg24 : memref<!tpu.dma_semaphore, #tpu.memory_space<semaphore_mem>>) src(%arg18 : memref<40x128xf32, #tpu.memory_space<vmem>>) dst(%dma_wait3A_31 : memref<40x128xf32, #tpu.memory_space<hbm>>)
    return
  }
}

#map = affine_map<(d0, d1) -> (0)>
module attributes {stable_mosaic.version = 14 : i64} {
  func.func @body(%arg0: i32, %arg1: i32, %arg2: memref<320000xi32, #tpu.memory_space<hbm>>, %arg3: memref<10000xf32, #tpu.memory_space<hbm>>, %arg4: memref<2000xi32, #tpu.memory_space<vmem>>, %arg5: memref<10000xf32, #tpu.memory_space<vmem>>, %arg6: memref<1280xf32, #tpu.memory_space<vmem>>, %arg7: memref<80xf32, #tpu.memory_space<vmem>>, %arg8: memref<160000xf32, #tpu.memory_space<vmem_shared>>, %arg9: memref<!tpu.dma_semaphore, #tpu.memory_space<semaphore_mem>>) attributes {dimension_semantics = [#tpu.dimension_semantics<core_parallel>, #tpu.dimension_semantics<subcore_parallel>], iteration_bounds = array<i64: 2, 16>, scalar_prefetch = 0 : i64, scratch_operands = 6 : i64, tpu.core_type = #tpu.core_type<sc_vector_subcore>, window_params = [{transform_indices = #map}, {transform_indices = #map}]} {
    %scan3A = arith.constant 0 : i32
    %scan3A_0 = arith.constant 0 : i32
    %scan3A_1 = arith.constant 625 : i32
    %scan3A_2 = arith.addi %scan3A_0, %scan3A_1 : i32
    %scan3A_3 = arith.constant 1 : i32
    scf.for %scan3A_94 = %scan3A_0 to %scan3A_2 step %scan3A_3  : i32 {
      %broadcast_in_dim3A_95 = arith.constant 0.000000e+00 : f32
      %broadcast_in_dim3A_96 = vector.broadcast %broadcast_in_dim3A_95 : f32 to vector<16xf32>
      %mul3A_97 = arith.constant 16 : i32
      %mul3A_98 = arith.muli %scan3A_94, %mul3A_97 : i32
      %swap3A = arith.index_cast %mul3A_98 : i32 to index
      %swap3A_99 = tpu.vector_load %arg5[%swap3A] {strides = array<i32>} : memref<10000xf32, #tpu.memory_space<vmem>>, vector<16xf32>,
      tpu.vector_store %arg5[%swap3A], %broadcast_in_dim3A_96 {strides = array<i32>} : memref<10000xf32, #tpu.memory_space<vmem>>, vector<16xf32>,
    }
    %scan3A_4 = arith.constant 625 : i32
    %broadcast_in_dim3A = arith.constant 1.000000e+00 : f32
    %broadcast_in_dim3A_5 = vector.broadcast %broadcast_in_dim3A : f32 to vector<16xf32>
    %mul3A = arith.constant 20000 : i32
    %mul3A_6 = arith.muli %arg1, %mul3A : i32
    %add3A = arith.constant 0 : i32
    %add3A_7 = arith.addi %mul3A_6, %add3A : i32
    "tpu.region"() ({
      %run_scoped3A = tpu.sem_alloc : memref<!tpu.dma_semaphore, #tpu.memory_space<semaphore_mem>>
      %dma_start3A = tpu.memref_slice %arg2[%add3A_7] : memref<320000xi32, #tpu.memory_space<hbm>> -> memref<2000xi32, #tpu.memory_space<hbm>>
      %dma_start3A_94 = tpu.memref_slice %arg2[%add3A_7] : memref<320000xi32, #tpu.memory_space<hbm>> -> memref<2000xi32, #tpu.memory_space<hbm>>
      tpu.enqueue_dma source(%dma_start3A_94 : memref<2000xi32, #tpu.memory_space<hbm>>) target(%arg4 : memref<2000xi32, #tpu.memory_space<vmem>>) target_semaphore(%run_scoped3A : memref<!tpu.dma_semaphore, #tpu.memory_space<semaphore_mem>>)
      %dma_wait3A = tpu.memref_slice %arg2[%add3A_7] : memref<320000xi32, #tpu.memory_space<hbm>> -> memref<2000xi32, #tpu.memory_space<hbm>>
      %dma_wait3A_95 = tpu.memref_slice %arg2[%add3A_7] : memref<320000xi32, #tpu.memory_space<hbm>> -> memref<2000xi32, #tpu.memory_space<hbm>>
      tpu.wait_dma2 semaphore(%run_scoped3A : memref<!tpu.dma_semaphore, #tpu.memory_space<semaphore_mem>>) src(%dma_wait3A_95 : memref<2000xi32, #tpu.memory_space<hbm>>) dst(%arg4 : memref<2000xi32, #tpu.memory_space<vmem>>)
      tpu.yield
    }) : () -> ()
    %scan3A_8 = arith.constant 0 : i32
    %scan3A_9 = arith.constant 0 : i32
    %scan3A_10 = arith.constant 125 : i32
    %scan3A_11 = arith.addi %scan3A_9, %scan3A_10 : i32
    %scan3A_12 = arith.constant 1 : i32
    scf.for %scan3A_94 = %scan3A_9 to %scan3A_11 step %scan3A_12  : i32 {
      %mul3A_95 = arith.constant 16 : i32
      %mul3A_96 = arith.muli %scan3A_94, %mul3A_95 : i32
      %get3A = arith.index_cast %mul3A_96 : i32 to index
      %get3A_97 = tpu.vector_load %arg4[%get3A] {strides = array<i32>} : memref<2000xi32, #tpu.memory_space<vmem>>, vector<16xi32>,
      tpu.vector_store_idx %arg5[%get3A_97], %broadcast_in_dim3A_5 {add = true} : memref<10000xf32, #tpu.memory_space<vmem>>[vector<16xi32>], vector<16xf32>,
    }
    %scan3A_13 = arith.constant 125 : i32
    %add3A_14 = arith.constant 2000 : i32
    %add3A_15 = arith.addi %mul3A_6, %add3A_14 : i32
    "tpu.region"() ({
      %run_scoped3A = tpu.sem_alloc : memref<!tpu.dma_semaphore, #tpu.memory_space<semaphore_mem>>
      %dma_start3A = tpu.memref_slice %arg2[%add3A_15] : memref<320000xi32, #tpu.memory_space<hbm>> -> memref<2000xi32, #tpu.memory_space<hbm>>
      %dma_start3A_94 = tpu.memref_slice %arg2[%add3A_15] : memref<320000xi32, #tpu.memory_space<hbm>> -> memref<2000xi32, #tpu.memory_space<hbm>>
      tpu.enqueue_dma source(%dma_start3A_94 : memref<2000xi32, #tpu.memory_space<hbm>>) target(%arg4 : memref<2000xi32, #tpu.memory_space<vmem>>) target_semaphore(%run_scoped3A : memref<!tpu.dma_semaphore, #tpu.memory_space<semaphore_mem>>)
      %dma_wait3A = tpu.memref_slice %arg2[%add3A_15] : memref<320000xi32, #tpu.memory_space<hbm>> -> memref<2000xi32, #tpu.memory_space<hbm>>
      %dma_wait3A_95 = tpu.memref_slice %arg2[%add3A_15] : memref<320000xi32, #tpu.memory_space<hbm>> -> memref<2000xi32, #tpu.memory_space<hbm>>
      tpu.wait_dma2 semaphore(%run_scoped3A : memref<!tpu.dma_semaphore, #tpu.memory_space<semaphore_mem>>) src(%dma_wait3A_95 : memref<2000xi32, #tpu.memory_space<hbm>>) dst(%arg4 : memref<2000xi32, #tpu.memory_space<vmem>>)
      tpu.yield
    }) : () -> ()
    %scan3A_16 = arith.constant 0 : i32
    %scan3A_17 = arith.constant 0 : i32
    %scan3A_18 = arith.constant 125 : i32
    %scan3A_19 = arith.addi %scan3A_17, %scan3A_18 : i32
    %scan3A_20 = arith.constant 1 : i32
    scf.for %scan3A_94 = %scan3A_17 to %scan3A_19 step %scan3A_20  : i32 {
      %mul3A_95 = arith.constant 16 : i32
      %mul3A_96 = arith.muli %scan3A_94, %mul3A_95 : i32
      %get3A = arith.index_cast %mul3A_96 : i32 to index
      %get3A_97 = tpu.vector_load %arg4[%get3A] {strides = array<i32>} : memref<2000xi32, #tpu.memory_space<vmem>>, vector<16xi32>,
      tpu.vector_store_idx %arg5[%get3A_97], %broadcast_in_dim3A_5 {add = true} : memref<10000xf32, #tpu.memory_space<vmem>>[vector<16xi32>], vector<16xf32>,
    }
    %scan3A_21 = arith.constant 125 : i32
    %add3A_22 = arith.constant 4000 : i32
    %add3A_23 = arith.addi %mul3A_6, %add3A_22 : i32
    "tpu.region"() ({
      %run_scoped3A = tpu.sem_alloc : memref<!tpu.dma_semaphore, #tpu.memory_space<semaphore_mem>>
      %dma_start3A = tpu.memref_slice %arg2[%add3A_23] : memref<320000xi32, #tpu.memory_space<hbm>> -> memref<2000xi32, #tpu.memory_space<hbm>>
      %dma_start3A_94 = tpu.memref_slice %arg2[%add3A_23] : memref<320000xi32, #tpu.memory_space<hbm>> -> memref<2000xi32, #tpu.memory_space<hbm>>
      tpu.enqueue_dma source(%dma_start3A_94 : memref<2000xi32, #tpu.memory_space<hbm>>) target(%arg4 : memref<2000xi32, #tpu.memory_space<vmem>>) target_semaphore(%run_scoped3A : memref<!tpu.dma_semaphore, #tpu.memory_space<semaphore_mem>>)
      %dma_wait3A = tpu.memref_slice %arg2[%add3A_23] : memref<320000xi32, #tpu.memory_space<hbm>> -> memref<2000xi32, #tpu.memory_space<hbm>>
      %dma_wait3A_95 = tpu.memref_slice %arg2[%add3A_23] : memref<320000xi32, #tpu.memory_space<hbm>> -> memref<2000xi32, #tpu.memory_space<hbm>>
      tpu.wait_dma2 semaphore(%run_scoped3A : memref<!tpu.dma_semaphore, #tpu.memory_space<semaphore_mem>>) src(%dma_wait3A_95 : memref<2000xi32, #tpu.memory_space<hbm>>) dst(%arg4 : memref<2000xi32, #tpu.memory_space<vmem>>)
      tpu.yield
    }) : () -> ()
    %scan3A_24 = arith.constant 0 : i32
    %scan3A_25 = arith.constant 0 : i32
    %scan3A_26 = arith.constant 125 : i32
    %scan3A_27 = arith.addi %scan3A_25, %scan3A_26 : i32
    %scan3A_28 = arith.constant 1 : i32
    scf.for %scan3A_94 = %scan3A_25 to %scan3A_27 step %scan3A_28  : i32 {
      %mul3A_95 = arith.constant 16 : i32
      %mul3A_96 = arith.muli %scan3A_94, %mul3A_95 : i32
      %get3A = arith.index_cast %mul3A_96 : i32 to index
      %get3A_97 = tpu.vector_load %arg4[%get3A] {strides = array<i32>} : memref<2000xi32, #tpu.memory_space<vmem>>, vector<16xi32>,
      tpu.vector_store_idx %arg5[%get3A_97], %broadcast_in_dim3A_5 {add = true} : memref<10000xf32, #tpu.memory_space<vmem>>[vector<16xi32>], vector<16xf32>,
    }
    %scan3A_29 = arith.constant 125 : i32
    %add3A_30 = arith.constant 6000 : i32
    %add3A_31 = arith.addi %mul3A_6, %add3A_30 : i32
    "tpu.region"() ({
      %run_scoped3A = tpu.sem_alloc : memref<!tpu.dma_semaphore, #tpu.memory_space<semaphore_mem>>
      %dma_start3A = tpu.memref_slice %arg2[%add3A_31] : memref<320000xi32, #tpu.memory_space<hbm>> -> memref<2000xi32, #tpu.memory_space<hbm>>
      %dma_start3A_94 = tpu.memref_slice %arg2[%add3A_31] : memref<320000xi32, #tpu.memory_space<hbm>> -> memref<2000xi32, #tpu.memory_space<hbm>>
      tpu.enqueue_dma source(%dma_start3A_94 : memref<2000xi32, #tpu.memory_space<hbm>>) target(%arg4 : memref<2000xi32, #tpu.memory_space<vmem>>) target_semaphore(%run_scoped3A : memref<!tpu.dma_semaphore, #tpu.memory_space<semaphore_mem>>)
      %dma_wait3A = tpu.memref_slice %arg2[%add3A_31] : memref<320000xi32, #tpu.memory_space<hbm>> -> memref<2000xi32, #tpu.memory_space<hbm>>
      %dma_wait3A_95 = tpu.memref_slice %arg2[%add3A_31] : memref<320000xi32, #tpu.memory_space<hbm>> -> memref<2000xi32, #tpu.memory_space<hbm>>
      tpu.wait_dma2 semaphore(%run_scoped3A : memref<!tpu.dma_semaphore, #tpu.memory_space<semaphore_mem>>) src(%dma_wait3A_95 : memref<2000xi32, #tpu.memory_space<hbm>>) dst(%arg4 : memref<2000xi32, #tpu.memory_space<vmem>>)
      tpu.yield
    }) : () -> ()
    %scan3A_32 = arith.constant 0 : i32
    %scan3A_33 = arith.constant 0 : i32
    %scan3A_34 = arith.constant 125 : i32
    %scan3A_35 = arith.addi %scan3A_33, %scan3A_34 : i32
    %scan3A_36 = arith.constant 1 : i32
    scf.for %scan3A_94 = %scan3A_33 to %scan3A_35 step %scan3A_36  : i32 {
      %mul3A_95 = arith.constant 16 : i32
      %mul3A_96 = arith.muli %scan3A_94, %mul3A_95 : i32
      %get3A = arith.index_cast %mul3A_96 : i32 to index
      %get3A_97 = tpu.vector_load %arg4[%get3A] {strides = array<i32>} : memref<2000xi32, #tpu.memory_space<vmem>>, vector<16xi32>,
      tpu.vector_store_idx %arg5[%get3A_97], %broadcast_in_dim3A_5 {add = true} : memref<10000xf32, #tpu.memory_space<vmem>>[vector<16xi32>], vector<16xf32>,
    }
    %scan3A_37 = arith.constant 125 : i32
    %add3A_38 = arith.constant 8000 : i32
    %add3A_39 = arith.addi %mul3A_6, %add3A_38 : i32
    "tpu.region"() ({
      %run_scoped3A = tpu.sem_alloc : memref<!tpu.dma_semaphore, #tpu.memory_space<semaphore_mem>>
      %dma_start3A = tpu.memref_slice %arg2[%add3A_39] : memref<320000xi32, #tpu.memory_space<hbm>> -> memref<2000xi32, #tpu.memory_space<hbm>>
      %dma_start3A_94 = tpu.memref_slice %arg2[%add3A_39] : memref<320000xi32, #tpu.memory_space<hbm>> -> memref<2000xi32, #tpu.memory_space<hbm>>
      tpu.enqueue_dma source(%dma_start3A_94 : memref<2000xi32, #tpu.memory_space<hbm>>) target(%arg4 : memref<2000xi32, #tpu.memory_space<vmem>>) target_semaphore(%run_scoped3A : memref<!tpu.dma_semaphore, #tpu.memory_space<semaphore_mem>>)
      %dma_wait3A = tpu.memref_slice %arg2[%add3A_39] : memref<320000xi32, #tpu.memory_space<hbm>> -> memref<2000xi32, #tpu.memory_space<hbm>>
      %dma_wait3A_95 = tpu.memref_slice %arg2[%add3A_39] : memref<320000xi32, #tpu.memory_space<hbm>> -> memref<2000xi32, #tpu.memory_space<hbm>>
      tpu.wait_dma2 semaphore(%run_scoped3A : memref<!tpu.dma_semaphore, #tpu.memory_space<semaphore_mem>>) src(%dma_wait3A_95 : memref<2000xi32, #tpu.memory_space<hbm>>) dst(%arg4 : memref<2000xi32, #tpu.memory_space<vmem>>)
      tpu.yield
    }) : () -> ()
    %scan3A_40 = arith.constant 0 : i32
    %scan3A_41 = arith.constant 0 : i32
    %scan3A_42 = arith.constant 125 : i32
    %scan3A_43 = arith.addi %scan3A_41, %scan3A_42 : i32
    %scan3A_44 = arith.constant 1 : i32
    scf.for %scan3A_94 = %scan3A_41 to %scan3A_43 step %scan3A_44  : i32 {
      %mul3A_95 = arith.constant 16 : i32
      %mul3A_96 = arith.muli %scan3A_94, %mul3A_95 : i32
      %get3A = arith.index_cast %mul3A_96 : i32 to index
      %get3A_97 = tpu.vector_load %arg4[%get3A] {strides = array<i32>} : memref<2000xi32, #tpu.memory_space<vmem>>, vector<16xi32>,
      tpu.vector_store_idx %arg5[%get3A_97], %broadcast_in_dim3A_5 {add = true} : memref<10000xf32, #tpu.memory_space<vmem>>[vector<16xi32>], vector<16xf32>,
    }
    %scan3A_45 = arith.constant 125 : i32
    %add3A_46 = arith.constant 10000 : i32
    %add3A_47 = arith.addi %mul3A_6, %add3A_46 : i32
    "tpu.region"() ({
      %run_scoped3A = tpu.sem_alloc : memref<!tpu.dma_semaphore, #tpu.memory_space<semaphore_mem>>
      %dma_start3A = tpu.memref_slice %arg2[%add3A_47] : memref<320000xi32, #tpu.memory_space<hbm>> -> memref<2000xi32, #tpu.memory_space<hbm>>
      %dma_start3A_94 = tpu.memref_slice %arg2[%add3A_47] : memref<320000xi32, #tpu.memory_space<hbm>> -> memref<2000xi32, #tpu.memory_space<hbm>>
      tpu.enqueue_dma source(%dma_start3A_94 : memref<2000xi32, #tpu.memory_space<hbm>>) target(%arg4 : memref<2000xi32, #tpu.memory_space<vmem>>) target_semaphore(%run_scoped3A : memref<!tpu.dma_semaphore, #tpu.memory_space<semaphore_mem>>)
      %dma_wait3A = tpu.memref_slice %arg2[%add3A_47] : memref<320000xi32, #tpu.memory_space<hbm>> -> memref<2000xi32, #tpu.memory_space<hbm>>
      %dma_wait3A_95 = tpu.memref_slice %arg2[%add3A_47] : memref<320000xi32, #tpu.memory_space<hbm>> -> memref<2000xi32, #tpu.memory_space<hbm>>
      tpu.wait_dma2 semaphore(%run_scoped3A : memref<!tpu.dma_semaphore, #tpu.memory_space<semaphore_mem>>) src(%dma_wait3A_95 : memref<2000xi32, #tpu.memory_space<hbm>>) dst(%arg4 : memref<2000xi32, #tpu.memory_space<vmem>>)
      tpu.yield
    }) : () -> ()
    %scan3A_48 = arith.constant 0 : i32
    %scan3A_49 = arith.constant 0 : i32
    %scan3A_50 = arith.constant 125 : i32
    %scan3A_51 = arith.addi %scan3A_49, %scan3A_50 : i32
    %scan3A_52 = arith.constant 1 : i32
    scf.for %scan3A_94 = %scan3A_49 to %scan3A_51 step %scan3A_52  : i32 {
      %mul3A_95 = arith.constant 16 : i32
      %mul3A_96 = arith.muli %scan3A_94, %mul3A_95 : i32
      %get3A = arith.index_cast %mul3A_96 : i32 to index
      %get3A_97 = tpu.vector_load %arg4[%get3A] {strides = array<i32>} : memref<2000xi32, #tpu.memory_space<vmem>>, vector<16xi32>,
      tpu.vector_store_idx %arg5[%get3A_97], %broadcast_in_dim3A_5 {add = true} : memref<10000xf32, #tpu.memory_space<vmem>>[vector<16xi32>], vector<16xf32>,
    }
    %scan3A_53 = arith.constant 125 : i32
    %add3A_54 = arith.constant 12000 : i32
    %add3A_55 = arith.addi %mul3A_6, %add3A_54 : i32
    "tpu.region"() ({
      %run_scoped3A = tpu.sem_alloc : memref<!tpu.dma_semaphore, #tpu.memory_space<semaphore_mem>>
      %dma_start3A = tpu.memref_slice %arg2[%add3A_55] : memref<320000xi32, #tpu.memory_space<hbm>> -> memref<2000xi32, #tpu.memory_space<hbm>>
      %dma_start3A_94 = tpu.memref_slice %arg2[%add3A_55] : memref<320000xi32, #tpu.memory_space<hbm>> -> memref<2000xi32, #tpu.memory_space<hbm>>
      tpu.enqueue_dma source(%dma_start3A_94 : memref<2000xi32, #tpu.memory_space<hbm>>) target(%arg4 : memref<2000xi32, #tpu.memory_space<vmem>>) target_semaphore(%run_scoped3A : memref<!tpu.dma_semaphore, #tpu.memory_space<semaphore_mem>>)
      %dma_wait3A = tpu.memref_slice %arg2[%add3A_55] : memref<320000xi32, #tpu.memory_space<hbm>> -> memref<2000xi32, #tpu.memory_space<hbm>>
      %dma_wait3A_95 = tpu.memref_slice %arg2[%add3A_55] : memref<320000xi32, #tpu.memory_space<hbm>> -> memref<2000xi32, #tpu.memory_space<hbm>>
      tpu.wait_dma2 semaphore(%run_scoped3A : memref<!tpu.dma_semaphore, #tpu.memory_space<semaphore_mem>>) src(%dma_wait3A_95 : memref<2000xi32, #tpu.memory_space<hbm>>) dst(%arg4 : memref<2000xi32, #tpu.memory_space<vmem>>)
      tpu.yield
    }) : () -> ()
    %scan3A_56 = arith.constant 0 : i32
    %scan3A_57 = arith.constant 0 : i32
    %scan3A_58 = arith.constant 125 : i32
    %scan3A_59 = arith.addi %scan3A_57, %scan3A_58 : i32
    %scan3A_60 = arith.constant 1 : i32
    scf.for %scan3A_94 = %scan3A_57 to %scan3A_59 step %scan3A_60  : i32 {
      %mul3A_95 = arith.constant 16 : i32
      %mul3A_96 = arith.muli %scan3A_94, %mul3A_95 : i32
      %get3A = arith.index_cast %mul3A_96 : i32 to index
      %get3A_97 = tpu.vector_load %arg4[%get3A] {strides = array<i32>} : memref<2000xi32, #tpu.memory_space<vmem>>, vector<16xi32>,
      tpu.vector_store_idx %arg5[%get3A_97], %broadcast_in_dim3A_5 {add = true} : memref<10000xf32, #tpu.memory_space<vmem>>[vector<16xi32>], vector<16xf32>,
    }
    %scan3A_61 = arith.constant 125 : i32
    %add3A_62 = arith.constant 14000 : i32
    %add3A_63 = arith.addi %mul3A_6, %add3A_62 : i32
    "tpu.region"() ({
      %run_scoped3A = tpu.sem_alloc : memref<!tpu.dma_semaphore, #tpu.memory_space<semaphore_mem>>
      %dma_start3A = tpu.memref_slice %arg2[%add3A_63] : memref<320000xi32, #tpu.memory_space<hbm>> -> memref<2000xi32, #tpu.memory_space<hbm>>
      %dma_start3A_94 = tpu.memref_slice %arg2[%add3A_63] : memref<320000xi32, #tpu.memory_space<hbm>> -> memref<2000xi32, #tpu.memory_space<hbm>>
      tpu.enqueue_dma source(%dma_start3A_94 : memref<2000xi32, #tpu.memory_space<hbm>>) target(%arg4 : memref<2000xi32, #tpu.memory_space<vmem>>) target_semaphore(%run_scoped3A : memref<!tpu.dma_semaphore, #tpu.memory_space<semaphore_mem>>)
      %dma_wait3A = tpu.memref_slice %arg2[%add3A_63] : memref<320000xi32, #tpu.memory_space<hbm>> -> memref<2000xi32, #tpu.memory_space<hbm>>
      %dma_wait3A_95 = tpu.memref_slice %arg2[%add3A_63] : memref<320000xi32, #tpu.memory_space<hbm>> -> memref<2000xi32, #tpu.memory_space<hbm>>
      tpu.wait_dma2 semaphore(%run_scoped3A : memref<!tpu.dma_semaphore, #tpu.memory_space<semaphore_mem>>) src(%dma_wait3A_95 : memref<2000xi32, #tpu.memory_space<hbm>>) dst(%arg4 : memref<2000xi32, #tpu.memory_space<vmem>>)
      tpu.yield
    }) : () -> ()
    %scan3A_64 = arith.constant 0 : i32
    %scan3A_65 = arith.constant 0 : i32
    %scan3A_66 = arith.constant 125 : i32
    %scan3A_67 = arith.addi %scan3A_65, %scan3A_66 : i32
    %scan3A_68 = arith.constant 1 : i32
    scf.for %scan3A_94 = %scan3A_65 to %scan3A_67 step %scan3A_68  : i32 {
      %mul3A_95 = arith.constant 16 : i32
      %mul3A_96 = arith.muli %scan3A_94, %mul3A_95 : i32
      %get3A = arith.index_cast %mul3A_96 : i32 to index
      %get3A_97 = tpu.vector_load %arg4[%get3A] {strides = array<i32>} : memref<2000xi32, #tpu.memory_space<vmem>>, vector<16xi32>,
      tpu.vector_store_idx %arg5[%get3A_97], %broadcast_in_dim3A_5 {add = true} : memref<10000xf32, #tpu.memory_space<vmem>>[vector<16xi32>], vector<16xf32>,
    }
    %scan3A_69 = arith.constant 125 : i32
    %add3A_70 = arith.constant 16000 : i32
    %add3A_71 = arith.addi %mul3A_6, %add3A_70 : i32
    "tpu.region"() ({
      %run_scoped3A = tpu.sem_alloc : memref<!tpu.dma_semaphore, #tpu.memory_space<semaphore_mem>>
      %dma_start3A = tpu.memref_slice %arg2[%add3A_71] : memref<320000xi32, #tpu.memory_space<hbm>> -> memref<2000xi32, #tpu.memory_space<hbm>>
      %dma_start3A_94 = tpu.memref_slice %arg2[%add3A_71] : memref<320000xi32, #tpu.memory_space<hbm>> -> memref<2000xi32, #tpu.memory_space<hbm>>
      tpu.enqueue_dma source(%dma_start3A_94 : memref<2000xi32, #tpu.memory_space<hbm>>) target(%arg4 : memref<2000xi32, #tpu.memory_space<vmem>>) target_semaphore(%run_scoped3A : memref<!tpu.dma_semaphore, #tpu.memory_space<semaphore_mem>>)
      %dma_wait3A = tpu.memref_slice %arg2[%add3A_71] : memref<320000xi32, #tpu.memory_space<hbm>> -> memref<2000xi32, #tpu.memory_space<hbm>>
      %dma_wait3A_95 = tpu.memref_slice %arg2[%add3A_71] : memref<320000xi32, #tpu.memory_space<hbm>> -> memref<2000xi32, #tpu.memory_space<hbm>>
      tpu.wait_dma2 semaphore(%run_scoped3A : memref<!tpu.dma_semaphore, #tpu.memory_space<semaphore_mem>>) src(%dma_wait3A_95 : memref<2000xi32, #tpu.memory_space<hbm>>) dst(%arg4 : memref<2000xi32, #tpu.memory_space<vmem>>)
      tpu.yield
    }) : () -> ()
    %scan3A_72 = arith.constant 0 : i32
    %scan3A_73 = arith.constant 0 : i32
    %scan3A_74 = arith.constant 125 : i32
    %scan3A_75 = arith.addi %scan3A_73, %scan3A_74 : i32
    %scan3A_76 = arith.constant 1 : i32
    scf.for %scan3A_94 = %scan3A_73 to %scan3A_75 step %scan3A_76  : i32 {
      %mul3A_95 = arith.constant 16 : i32
      %mul3A_96 = arith.muli %scan3A_94, %mul3A_95 : i32
      %get3A = arith.index_cast %mul3A_96 : i32 to index
      %get3A_97 = tpu.vector_load %arg4[%get3A] {strides = array<i32>} : memref<2000xi32, #tpu.memory_space<vmem>>, vector<16xi32>,
      tpu.vector_store_idx %arg5[%get3A_97], %broadcast_in_dim3A_5 {add = true} : memref<10000xf32, #tpu.memory_space<vmem>>[vector<16xi32>], vector<16xf32>,
    }
    %scan3A_77 = arith.constant 125 : i32
    %add3A_78 = arith.constant 18000 : i32
    %add3A_79 = arith.addi %mul3A_6, %add3A_78 : i32
    "tpu.region"() ({
      %run_scoped3A = tpu.sem_alloc : memref<!tpu.dma_semaphore, #tpu.memory_space<semaphore_mem>>
      %dma_start3A = tpu.memref_slice %arg2[%add3A_79] : memref<320000xi32, #tpu.memory_space<hbm>> -> memref<2000xi32, #tpu.memory_space<hbm>>
      %dma_start3A_94 = tpu.memref_slice %arg2[%add3A_79] : memref<320000xi32, #tpu.memory_space<hbm>> -> memref<2000xi32, #tpu.memory_space<hbm>>
      tpu.enqueue_dma source(%dma_start3A_94 : memref<2000xi32, #tpu.memory_space<hbm>>) target(%arg4 : memref<2000xi32, #tpu.memory_space<vmem>>) target_semaphore(%run_scoped3A : memref<!tpu.dma_semaphore, #tpu.memory_space<semaphore_mem>>)
      %dma_wait3A = tpu.memref_slice %arg2[%add3A_79] : memref<320000xi32, #tpu.memory_space<hbm>> -> memref<2000xi32, #tpu.memory_space<hbm>>
      %dma_wait3A_95 = tpu.memref_slice %arg2[%add3A_79] : memref<320000xi32, #tpu.memory_space<hbm>> -> memref<2000xi32, #tpu.memory_space<hbm>>
      tpu.wait_dma2 semaphore(%run_scoped3A : memref<!tpu.dma_semaphore, #tpu.memory_space<semaphore_mem>>) src(%dma_wait3A_95 : memref<2000xi32, #tpu.memory_space<hbm>>) dst(%arg4 : memref<2000xi32, #tpu.memory_space<vmem>>)
      tpu.yield
    }) : () -> ()
    %scan3A_80 = arith.constant 0 : i32
    %scan3A_81 = arith.constant 0 : i32
    %scan3A_82 = arith.constant 125 : i32
    %scan3A_83 = arith.addi %scan3A_81, %scan3A_82 : i32
    %scan3A_84 = arith.constant 1 : i32
    scf.for %scan3A_94 = %scan3A_81 to %scan3A_83 step %scan3A_84  : i32 {
      %mul3A_95 = arith.constant 16 : i32
      %mul3A_96 = arith.muli %scan3A_94, %mul3A_95 : i32
      %get3A = arith.index_cast %mul3A_96 : i32 to index
      %get3A_97 = tpu.vector_load %arg4[%get3A] {strides = array<i32>} : memref<2000xi32, #tpu.memory_space<vmem>>, vector<16xi32>,
      tpu.vector_store_idx %arg5[%get3A_97], %broadcast_in_dim3A_5 {add = true} : memref<10000xf32, #tpu.memory_space<vmem>>[vector<16xi32>], vector<16xf32>,
    }
    %scan3A_85 = arith.constant 125 : i32
    %mul3A_86 = arith.constant 10000 : i32
    %mul3A_87 = arith.muli %arg1, %mul3A_86 : i32
    "tpu.region"() ({
      %run_scoped3A = tpu.sem_alloc : memref<!tpu.dma_semaphore, #tpu.memory_space<semaphore_mem>>
      %dma_start3A = tpu.memref_slice %arg8[%mul3A_87] : memref<160000xf32, #tpu.memory_space<vmem_shared>> -> memref<10000xf32, #tpu.memory_space<vmem_shared>>
      %dma_start3A_94 = tpu.memref_slice %arg8[%mul3A_87] : memref<160000xf32, #tpu.memory_space<vmem_shared>> -> memref<10000xf32, #tpu.memory_space<vmem_shared>>
      tpu.enqueue_dma source(%arg5 : memref<10000xf32, #tpu.memory_space<vmem>>) target(%dma_start3A_94 : memref<10000xf32, #tpu.memory_space<vmem_shared>>) target_semaphore(%run_scoped3A : memref<!tpu.dma_semaphore, #tpu.memory_space<semaphore_mem>>)
      %dma_wait3A = tpu.memref_slice %arg8[%mul3A_87] : memref<160000xf32, #tpu.memory_space<vmem_shared>> -> memref<10000xf32, #tpu.memory_space<vmem_shared>>
      %dma_wait3A_95 = tpu.memref_slice %arg8[%mul3A_87] : memref<160000xf32, #tpu.memory_space<vmem_shared>> -> memref<10000xf32, #tpu.memory_space<vmem_shared>>
      tpu.wait_dma2 semaphore(%run_scoped3A : memref<!tpu.dma_semaphore, #tpu.memory_space<semaphore_mem>>) src(%arg5 : memref<10000xf32, #tpu.memory_space<vmem>>) dst(%dma_wait3A_95 : memref<10000xf32, #tpu.memory_space<vmem_shared>>)
      tpu.yield
    }) : () -> ()
    %barrier3A = arith.constant 0 : index
    tpu.barrier barrier_id(%barrier3A)
    %scan3A_88 = arith.constant 0 : i32
    %scan3A_89 = arith.constant 0 : i32
    %scan3A_90 = arith.constant 8 : i32
    %scan3A_91 = arith.addi %scan3A_89, %scan3A_90 : i32
    %scan3A_92 = arith.constant 1 : i32
    scf.for %scan3A_94 = %scan3A_89 to %scan3A_91 step %scan3A_92  : i32 {
      %mul3A_95 = arith.constant 16 : i32
      %mul3A_96 = arith.muli %scan3A_94, %mul3A_95 : i32
      %add3A_97 = arith.addi %arg1, %mul3A_96 : i32
      %lt3A = arith.constant 125 : i32
      %lt3A_98 = arith.cmpi slt, %add3A_97, %lt3A : i32
      %eq3A = arith.constant 0 : i32
      %eq3A_99 = arith.cmpi eq, %arg0, %eq3A : i32
      %and3A = arith.andi %lt3A_98, %eq3A_99 : i1
      %convert_element_type3A = arith.extui %and3A : i1 to i32
      %cond3A = arith.constant 0 : i32
      %cond3A_100 = arith.cmpi ne, %convert_element_type3A, %cond3A : i32
      scf.if %cond3A_100 {
        %mul3A_101 = arith.constant 80 : i32
        %mul3A_102 = arith.muli %add3A_97, %mul3A_101 : i32
        %add3A_103 = arith.constant 0 : i32
        %add3A_104 = arith.addi %add3A_103, %mul3A_102 : i32
        %dma_start3A = arith.constant 0 : i32
        %dma_start3A_105 = tpu.memref_slice %arg6[%dma_start3A] : memref<1280xf32, #tpu.memory_space<vmem>> -> memref<80xf32, #tpu.memory_space<vmem>>
        %dma_start3A_106 = tpu.memref_slice %arg8[%add3A_104] : memref<160000xf32, #tpu.memory_space<vmem_shared>> -> memref<80xf32, #tpu.memory_space<vmem_shared>>
        %dma_start3A_107 = arith.constant 0 : i32
        %dma_start3A_108 = tpu.memref_slice %arg6[%dma_start3A_107] : memref<1280xf32, #tpu.memory_space<vmem>> -> memref<80xf32, #tpu.memory_space<vmem>>
        %dma_start3A_109 = tpu.memref_slice %arg8[%add3A_104] : memref<160000xf32, #tpu.memory_space<vmem_shared>> -> memref<80xf32, #tpu.memory_space<vmem_shared>>
        tpu.enqueue_dma source(%dma_start3A_109 : memref<80xf32, #tpu.memory_space<vmem_shared>>) target(%dma_start3A_108 : memref<80xf32, #tpu.memory_space<vmem>>) target_semaphore(%arg9 : memref<!tpu.dma_semaphore, #tpu.memory_space<semaphore_mem>>)
        %add3A_110 = arith.constant 10000 : i32
        %add3A_111 = arith.addi %add3A_110, %mul3A_102 : i32
        %dma_start3A_112 = arith.constant 80 : i32
        %dma_start3A_113 = tpu.memref_slice %arg6[%dma_start3A_112] : memref<1280xf32, #tpu.memory_space<vmem>> -> memref<80xf32, #tpu.memory_space<vmem>>
        %dma_start3A_114 = tpu.memref_slice %arg8[%add3A_111] : memref<160000xf32, #tpu.memory_space<vmem_shared>> -> memref<80xf32, #tpu.memory_space<vmem_shared>>
        %dma_start3A_115 = arith.constant 80 : i32
        %dma_start3A_116 = tpu.memref_slice %arg6[%dma_start3A_115] : memref<1280xf32, #tpu.memory_space<vmem>> -> memref<80xf32, #tpu.memory_space<vmem>>
        %dma_start3A_117 = tpu.memref_slice %arg8[%add3A_111] : memref<160000xf32, #tpu.memory_space<vmem_shared>> -> memref<80xf32, #tpu.memory_space<vmem_shared>>
        tpu.enqueue_dma source(%dma_start3A_117 : memref<80xf32, #tpu.memory_space<vmem_shared>>) target(%dma_start3A_116 : memref<80xf32, #tpu.memory_space<vmem>>) target_semaphore(%arg9 : memref<!tpu.dma_semaphore, #tpu.memory_space<semaphore_mem>>)
        %add3A_118 = arith.constant 20000 : i32
        %add3A_119 = arith.addi %add3A_118, %mul3A_102 : i32
        %dma_start3A_120 = arith.constant 160 : i32
        %dma_start3A_121 = tpu.memref_slice %arg6[%dma_start3A_120] : memref<1280xf32, #tpu.memory_space<vmem>> -> memref<80xf32, #tpu.memory_space<vmem>>
        %dma_start3A_122 = tpu.memref_slice %arg8[%add3A_119] : memref<160000xf32, #tpu.memory_space<vmem_shared>> -> memref<80xf32, #tpu.memory_space<vmem_shared>>
        %dma_start3A_123 = arith.constant 160 : i32
        %dma_start3A_124 = tpu.memref_slice %arg6[%dma_start3A_123] : memref<1280xf32, #tpu.memory_space<vmem>> -> memref<80xf32, #tpu.memory_space<vmem>>
        %dma_start3A_125 = tpu.memref_slice %arg8[%add3A_119] : memref<160000xf32, #tpu.memory_space<vmem_shared>> -> memref<80xf32, #tpu.memory_space<vmem_shared>>
        tpu.enqueue_dma source(%dma_start3A_125 : memref<80xf32, #tpu.memory_space<vmem_shared>>) target(%dma_start3A_124 : memref<80xf32, #tpu.memory_space<vmem>>) target_semaphore(%arg9 : memref<!tpu.dma_semaphore, #tpu.memory_space<semaphore_mem>>)
        %add3A_126 = arith.constant 30000 : i32
        %add3A_127 = arith.addi %add3A_126, %mul3A_102 : i32
        %dma_start3A_128 = arith.constant 240 : i32
        %dma_start3A_129 = tpu.memref_slice %arg6[%dma_start3A_128] : memref<1280xf32, #tpu.memory_space<vmem>> -> memref<80xf32, #tpu.memory_space<vmem>>
        %dma_start3A_130 = tpu.memref_slice %arg8[%add3A_127] : memref<160000xf32, #tpu.memory_space<vmem_shared>> -> memref<80xf32, #tpu.memory_space<vmem_shared>>
        %dma_start3A_131 = arith.constant 240 : i32
        %dma_start3A_132 = tpu.memref_slice %arg6[%dma_start3A_131] : memref<1280xf32, #tpu.memory_space<vmem>> -> memref<80xf32, #tpu.memory_space<vmem>>
        %dma_start3A_133 = tpu.memref_slice %arg8[%add3A_127] : memref<160000xf32, #tpu.memory_space<vmem_shared>> -> memref<80xf32, #tpu.memory_space<vmem_shared>>
        tpu.enqueue_dma source(%dma_start3A_133 : memref<80xf32, #tpu.memory_space<vmem_shared>>) target(%dma_start3A_132 : memref<80xf32, #tpu.memory_space<vmem>>) target_semaphore(%arg9 : memref<!tpu.dma_semaphore, #tpu.memory_space<semaphore_mem>>)
        %add3A_134 = arith.constant 40000 : i32
        %add3A_135 = arith.addi %add3A_134, %mul3A_102 : i32
        %dma_start3A_136 = arith.constant 320 : i32
        %dma_start3A_137 = tpu.memref_slice %arg6[%dma_start3A_136] : memref<1280xf32, #tpu.memory_space<vmem>> -> memref<80xf32, #tpu.memory_space<vmem>>
        %dma_start3A_138 = tpu.memref_slice %arg8[%add3A_135] : memref<160000xf32, #tpu.memory_space<vmem_shared>> -> memref<80xf32, #tpu.memory_space<vmem_shared>>
        %dma_start3A_139 = arith.constant 320 : i32
        %dma_start3A_140 = tpu.memref_slice %arg6[%dma_start3A_139] : memref<1280xf32, #tpu.memory_space<vmem>> -> memref<80xf32, #tpu.memory_space<vmem>>
        %dma_start3A_141 = tpu.memref_slice %arg8[%add3A_135] : memref<160000xf32, #tpu.memory_space<vmem_shared>> -> memref<80xf32, #tpu.memory_space<vmem_shared>>
        tpu.enqueue_dma source(%dma_start3A_141 : memref<80xf32, #tpu.memory_space<vmem_shared>>) target(%dma_start3A_140 : memref<80xf32, #tpu.memory_space<vmem>>) target_semaphore(%arg9 : memref<!tpu.dma_semaphore, #tpu.memory_space<semaphore_mem>>)
        %add3A_142 = arith.constant 50000 : i32
        %add3A_143 = arith.addi %add3A_142, %mul3A_102 : i32
        %dma_start3A_144 = arith.constant 400 : i32
        %dma_start3A_145 = tpu.memref_slice %arg6[%dma_start3A_144] : memref<1280xf32, #tpu.memory_space<vmem>> -> memref<80xf32, #tpu.memory_space<vmem>>
        %dma_start3A_146 = tpu.memref_slice %arg8[%add3A_143] : memref<160000xf32, #tpu.memory_space<vmem_shared>> -> memref<80xf32, #tpu.memory_space<vmem_shared>>
        %dma_start3A_147 = arith.constant 400 : i32
        %dma_start3A_148 = tpu.memref_slice %arg6[%dma_start3A_147] : memref<1280xf32, #tpu.memory_space<vmem>> -> memref<80xf32, #tpu.memory_space<vmem>>
        %dma_start3A_149 = tpu.memref_slice %arg8[%add3A_143] : memref<160000xf32, #tpu.memory_space<vmem_shared>> -> memref<80xf32, #tpu.memory_space<vmem_shared>>
        tpu.enqueue_dma source(%dma_start3A_149 : memref<80xf32, #tpu.memory_space<vmem_shared>>) target(%dma_start3A_148 : memref<80xf32, #tpu.memory_space<vmem>>) target_semaphore(%arg9 : memref<!tpu.dma_semaphore, #tpu.memory_space<semaphore_mem>>)
        %add3A_150 = arith.constant 60000 : i32
        %add3A_151 = arith.addi %add3A_150, %mul3A_102 : i32
        %dma_start3A_152 = arith.constant 480 : i32
        %dma_start3A_153 = tpu.memref_slice %arg6[%dma_start3A_152] : memref<1280xf32, #tpu.memory_space<vmem>> -> memref<80xf32, #tpu.memory_space<vmem>>
        %dma_start3A_154 = tpu.memref_slice %arg8[%add3A_151] : memref<160000xf32, #tpu.memory_space<vmem_shared>> -> memref<80xf32, #tpu.memory_space<vmem_shared>>
        %dma_start3A_155 = arith.constant 480 : i32
        %dma_start3A_156 = tpu.memref_slice %arg6[%dma_start3A_155] : memref<1280xf32, #tpu.memory_space<vmem>> -> memref<80xf32, #tpu.memory_space<vmem>>
        %dma_start3A_157 = tpu.memref_slice %arg8[%add3A_151] : memref<160000xf32, #tpu.memory_space<vmem_shared>> -> memref<80xf32, #tpu.memory_space<vmem_shared>>
        tpu.enqueue_dma source(%dma_start3A_157 : memref<80xf32, #tpu.memory_space<vmem_shared>>) target(%dma_start3A_156 : memref<80xf32, #tpu.memory_space<vmem>>) target_semaphore(%arg9 : memref<!tpu.dma_semaphore, #tpu.memory_space<semaphore_mem>>)
        %add3A_158 = arith.constant 70000 : i32
        %add3A_159 = arith.addi %add3A_158, %mul3A_102 : i32
        %dma_start3A_160 = arith.constant 560 : i32
        %dma_start3A_161 = tpu.memref_slice %arg6[%dma_start3A_160] : memref<1280xf32, #tpu.memory_space<vmem>> -> memref<80xf32, #tpu.memory_space<vmem>>
        %dma_start3A_162 = tpu.memref_slice %arg8[%add3A_159] : memref<160000xf32, #tpu.memory_space<vmem_shared>> -> memref<80xf32, #tpu.memory_space<vmem_shared>>
        %dma_start3A_163 = arith.constant 560 : i32
        %dma_start3A_164 = tpu.memref_slice %arg6[%dma_start3A_163] : memref<1280xf32, #tpu.memory_space<vmem>> -> memref<80xf32, #tpu.memory_space<vmem>>
        %dma_start3A_165 = tpu.memref_slice %arg8[%add3A_159] : memref<160000xf32, #tpu.memory_space<vmem_shared>> -> memref<80xf32, #tpu.memory_space<vmem_shared>>
        tpu.enqueue_dma source(%dma_start3A_165 : memref<80xf32, #tpu.memory_space<vmem_shared>>) target(%dma_start3A_164 : memref<80xf32, #tpu.memory_space<vmem>>) target_semaphore(%arg9 : memref<!tpu.dma_semaphore, #tpu.memory_space<semaphore_mem>>)
        %add3A_166 = arith.constant 80000 : i32
        %add3A_167 = arith.addi %add3A_166, %mul3A_102 : i32
        %dma_start3A_168 = arith.constant 640 : i32
        %dma_start3A_169 = tpu.memref_slice %arg6[%dma_start3A_168] : memref<1280xf32, #tpu.memory_space<vmem>> -> memref<80xf32, #tpu.memory_space<vmem>>
        %dma_start3A_170 = tpu.memref_slice %arg8[%add3A_167] : memref<160000xf32, #tpu.memory_space<vmem_shared>> -> memref<80xf32, #tpu.memory_space<vmem_shared>>
        %dma_start3A_171 = arith.constant 640 : i32
        %dma_start3A_172 = tpu.memref_slice %arg6[%dma_start3A_171] : memref<1280xf32, #tpu.memory_space<vmem>> -> memref<80xf32, #tpu.memory_space<vmem>>
        %dma_start3A_173 = tpu.memref_slice %arg8[%add3A_167] : memref<160000xf32, #tpu.memory_space<vmem_shared>> -> memref<80xf32, #tpu.memory_space<vmem_shared>>
        tpu.enqueue_dma source(%dma_start3A_173 : memref<80xf32, #tpu.memory_space<vmem_shared>>) target(%dma_start3A_172 : memref<80xf32, #tpu.memory_space<vmem>>) target_semaphore(%arg9 : memref<!tpu.dma_semaphore, #tpu.memory_space<semaphore_mem>>)
        %add3A_174 = arith.constant 90000 : i32
        %add3A_175 = arith.addi %add3A_174, %mul3A_102 : i32
        %dma_start3A_176 = arith.constant 720 : i32
        %dma_start3A_177 = tpu.memref_slice %arg6[%dma_start3A_176] : memref<1280xf32, #tpu.memory_space<vmem>> -> memref<80xf32, #tpu.memory_space<vmem>>
        %dma_start3A_178 = tpu.memref_slice %arg8[%add3A_175] : memref<160000xf32, #tpu.memory_space<vmem_shared>> -> memref<80xf32, #tpu.memory_space<vmem_shared>>
        %dma_start3A_179 = arith.constant 720 : i32
        %dma_start3A_180 = tpu.memref_slice %arg6[%dma_start3A_179] : memref<1280xf32, #tpu.memory_space<vmem>> -> memref<80xf32, #tpu.memory_space<vmem>>
        %dma_start3A_181 = tpu.memref_slice %arg8[%add3A_175] : memref<160000xf32, #tpu.memory_space<vmem_shared>> -> memref<80xf32, #tpu.memory_space<vmem_shared>>
        tpu.enqueue_dma source(%dma_start3A_181 : memref<80xf32, #tpu.memory_space<vmem_shared>>) target(%dma_start3A_180 : memref<80xf32, #tpu.memory_space<vmem>>) target_semaphore(%arg9 : memref<!tpu.dma_semaphore, #tpu.memory_space<semaphore_mem>>)
        %add3A_182 = arith.constant 100000 : i32
        %add3A_183 = arith.addi %add3A_182, %mul3A_102 : i32
        %dma_start3A_184 = arith.constant 800 : i32
        %dma_start3A_185 = tpu.memref_slice %arg6[%dma_start3A_184] : memref<1280xf32, #tpu.memory_space<vmem>> -> memref<80xf32, #tpu.memory_space<vmem>>
        %dma_start3A_186 = tpu.memref_slice %arg8[%add3A_183] : memref<160000xf32, #tpu.memory_space<vmem_shared>> -> memref<80xf32, #tpu.memory_space<vmem_shared>>
        %dma_start3A_187 = arith.constant 800 : i32
        %dma_start3A_188 = tpu.memref_slice %arg6[%dma_start3A_187] : memref<1280xf32, #tpu.memory_space<vmem>> -> memref<80xf32, #tpu.memory_space<vmem>>
        %dma_start3A_189 = tpu.memref_slice %arg8[%add3A_183] : memref<160000xf32, #tpu.memory_space<vmem_shared>> -> memref<80xf32, #tpu.memory_space<vmem_shared>>
        tpu.enqueue_dma source(%dma_start3A_189 : memref<80xf32, #tpu.memory_space<vmem_shared>>) target(%dma_start3A_188 : memref<80xf32, #tpu.memory_space<vmem>>) target_semaphore(%arg9 : memref<!tpu.dma_semaphore, #tpu.memory_space<semaphore_mem>>)
        %add3A_190 = arith.constant 110000 : i32
        %add3A_191 = arith.addi %add3A_190, %mul3A_102 : i32
        %dma_start3A_192 = arith.constant 880 : i32
        %dma_start3A_193 = tpu.memref_slice %arg6[%dma_start3A_192] : memref<1280xf32, #tpu.memory_space<vmem>> -> memref<80xf32, #tpu.memory_space<vmem>>
        %dma_start3A_194 = tpu.memref_slice %arg8[%add3A_191] : memref<160000xf32, #tpu.memory_space<vmem_shared>> -> memref<80xf32, #tpu.memory_space<vmem_shared>>
        %dma_start3A_195 = arith.constant 880 : i32
        %dma_start3A_196 = tpu.memref_slice %arg6[%dma_start3A_195] : memref<1280xf32, #tpu.memory_space<vmem>> -> memref<80xf32, #tpu.memory_space<vmem>>
        %dma_start3A_197 = tpu.memref_slice %arg8[%add3A_191] : memref<160000xf32, #tpu.memory_space<vmem_shared>> -> memref<80xf32, #tpu.memory_space<vmem_shared>>
        tpu.enqueue_dma source(%dma_start3A_197 : memref<80xf32, #tpu.memory_space<vmem_shared>>) target(%dma_start3A_196 : memref<80xf32, #tpu.memory_space<vmem>>) target_semaphore(%arg9 : memref<!tpu.dma_semaphore, #tpu.memory_space<semaphore_mem>>)
        %add3A_198 = arith.constant 120000 : i32
        %add3A_199 = arith.addi %add3A_198, %mul3A_102 : i32
        %dma_start3A_200 = arith.constant 960 : i32
        %dma_start3A_201 = tpu.memref_slice %arg6[%dma_start3A_200] : memref<1280xf32, #tpu.memory_space<vmem>> -> memref<80xf32, #tpu.memory_space<vmem>>
        %dma_start3A_202 = tpu.memref_slice %arg8[%add3A_199] : memref<160000xf32, #tpu.memory_space<vmem_shared>> -> memref<80xf32, #tpu.memory_space<vmem_shared>>
        %dma_start3A_203 = arith.constant 960 : i32
        %dma_start3A_204 = tpu.memref_slice %arg6[%dma_start3A_203] : memref<1280xf32, #tpu.memory_space<vmem>> -> memref<80xf32, #tpu.memory_space<vmem>>
        %dma_start3A_205 = tpu.memref_slice %arg8[%add3A_199] : memref<160000xf32, #tpu.memory_space<vmem_shared>> -> memref<80xf32, #tpu.memory_space<vmem_shared>>
        tpu.enqueue_dma source(%dma_start3A_205 : memref<80xf32, #tpu.memory_space<vmem_shared>>) target(%dma_start3A_204 : memref<80xf32, #tpu.memory_space<vmem>>) target_semaphore(%arg9 : memref<!tpu.dma_semaphore, #tpu.memory_space<semaphore_mem>>)
        %add3A_206 = arith.constant 130000 : i32
        %add3A_207 = arith.addi %add3A_206, %mul3A_102 : i32
        %dma_start3A_208 = arith.constant 1040 : i32
        %dma_start3A_209 = tpu.memref_slice %arg6[%dma_start3A_208] : memref<1280xf32, #tpu.memory_space<vmem>> -> memref<80xf32, #tpu.memory_space<vmem>>
        %dma_start3A_210 = tpu.memref_slice %arg8[%add3A_207] : memref<160000xf32, #tpu.memory_space<vmem_shared>> -> memref<80xf32, #tpu.memory_space<vmem_shared>>
        %dma_start3A_211 = arith.constant 1040 : i32
        %dma_start3A_212 = tpu.memref_slice %arg6[%dma_start3A_211] : memref<1280xf32, #tpu.memory_space<vmem>> -> memref<80xf32, #tpu.memory_space<vmem>>
        %dma_start3A_213 = tpu.memref_slice %arg8[%add3A_207] : memref<160000xf32, #tpu.memory_space<vmem_shared>> -> memref<80xf32, #tpu.memory_space<vmem_shared>>
        tpu.enqueue_dma source(%dma_start3A_213 : memref<80xf32, #tpu.memory_space<vmem_shared>>) target(%dma_start3A_212 : memref<80xf32, #tpu.memory_space<vmem>>) target_semaphore(%arg9 : memref<!tpu.dma_semaphore, #tpu.memory_space<semaphore_mem>>)
        %add3A_214 = arith.constant 140000 : i32
        %add3A_215 = arith.addi %add3A_214, %mul3A_102 : i32
        %dma_start3A_216 = arith.constant 1120 : i32
        %dma_start3A_217 = tpu.memref_slice %arg6[%dma_start3A_216] : memref<1280xf32, #tpu.memory_space<vmem>> -> memref<80xf32, #tpu.memory_space<vmem>>
        %dma_start3A_218 = tpu.memref_slice %arg8[%add3A_215] : memref<160000xf32, #tpu.memory_space<vmem_shared>> -> memref<80xf32, #tpu.memory_space<vmem_shared>>
        %dma_start3A_219 = arith.constant 1120 : i32
        %dma_start3A_220 = tpu.memref_slice %arg6[%dma_start3A_219] : memref<1280xf32, #tpu.memory_space<vmem>> -> memref<80xf32, #tpu.memory_space<vmem>>
        %dma_start3A_221 = tpu.memref_slice %arg8[%add3A_215] : memref<160000xf32, #tpu.memory_space<vmem_shared>> -> memref<80xf32, #tpu.memory_space<vmem_shared>>
        tpu.enqueue_dma source(%dma_start3A_221 : memref<80xf32, #tpu.memory_space<vmem_shared>>) target(%dma_start3A_220 : memref<80xf32, #tpu.memory_space<vmem>>) target_semaphore(%arg9 : memref<!tpu.dma_semaphore, #tpu.memory_space<semaphore_mem>>)
        %add3A_222 = arith.constant 150000 : i32
        %add3A_223 = arith.addi %add3A_222, %mul3A_102 : i32
        %dma_start3A_224 = arith.constant 1200 : i32
        %dma_start3A_225 = tpu.memref_slice %arg6[%dma_start3A_224] : memref<1280xf32, #tpu.memory_space<vmem>> -> memref<80xf32, #tpu.memory_space<vmem>>
        %dma_start3A_226 = tpu.memref_slice %arg8[%add3A_223] : memref<160000xf32, #tpu.memory_space<vmem_shared>> -> memref<80xf32, #tpu.memory_space<vmem_shared>>
        %dma_start3A_227 = arith.constant 1200 : i32
        %dma_start3A_228 = tpu.memref_slice %arg6[%dma_start3A_227] : memref<1280xf32, #tpu.memory_space<vmem>> -> memref<80xf32, #tpu.memory_space<vmem>>
        %dma_start3A_229 = tpu.memref_slice %arg8[%add3A_223] : memref<160000xf32, #tpu.memory_space<vmem_shared>> -> memref<80xf32, #tpu.memory_space<vmem_shared>>
        tpu.enqueue_dma source(%dma_start3A_229 : memref<80xf32, #tpu.memory_space<vmem_shared>>) target(%dma_start3A_228 : memref<80xf32, #tpu.memory_space<vmem>>) target_semaphore(%arg9 : memref<!tpu.dma_semaphore, #tpu.memory_space<semaphore_mem>>)
        %add3A_230 = arith.constant 0 : i32
        %add3A_231 = arith.addi %add3A_230, %mul3A_102 : i32
        %dma_wait3A = arith.constant 0 : i32
        %dma_wait3A_232 = tpu.memref_slice %arg6[%dma_wait3A] : memref<1280xf32, #tpu.memory_space<vmem>> -> memref<80xf32, #tpu.memory_space<vmem>>
        %dma_wait3A_233 = tpu.memref_slice %arg8[%add3A_231] : memref<160000xf32, #tpu.memory_space<vmem_shared>> -> memref<80xf32, #tpu.memory_space<vmem_shared>>
        %dma_wait3A_234 = arith.constant 0 : i32
        %dma_wait3A_235 = tpu.memref_slice %arg6[%dma_wait3A_234] : memref<1280xf32, #tpu.memory_space<vmem>> -> memref<80xf32, #tpu.memory_space<vmem>>
        %dma_wait3A_236 = tpu.memref_slice %arg8[%add3A_231] : memref<160000xf32, #tpu.memory_space<vmem_shared>> -> memref<80xf32, #tpu.memory_space<vmem_shared>>
        tpu.wait_dma2 semaphore(%arg9 : memref<!tpu.dma_semaphore, #tpu.memory_space<semaphore_mem>>) src(%dma_wait3A_236 : memref<80xf32, #tpu.memory_space<vmem_shared>>) dst(%dma_wait3A_235 : memref<80xf32, #tpu.memory_space<vmem>>)
        %add3A_237 = arith.constant 10000 : i32
        %add3A_238 = arith.addi %add3A_237, %mul3A_102 : i32
        %dma_wait3A_239 = arith.constant 80 : i32
        %dma_wait3A_240 = tpu.memref_slice %arg6[%dma_wait3A_239] : memref<1280xf32, #tpu.memory_space<vmem>> -> memref<80xf32, #tpu.memory_space<vmem>>
        %dma_wait3A_241 = tpu.memref_slice %arg8[%add3A_238] : memref<160000xf32, #tpu.memory_space<vmem_shared>> -> memref<80xf32, #tpu.memory_space<vmem_shared>>
        %dma_wait3A_242 = arith.constant 80 : i32
        %dma_wait3A_243 = tpu.memref_slice %arg6[%dma_wait3A_242] : memref<1280xf32, #tpu.memory_space<vmem>> -> memref<80xf32, #tpu.memory_space<vmem>>
        %dma_wait3A_244 = tpu.memref_slice %arg8[%add3A_238] : memref<160000xf32, #tpu.memory_space<vmem_shared>> -> memref<80xf32, #tpu.memory_space<vmem_shared>>
        tpu.wait_dma2 semaphore(%arg9 : memref<!tpu.dma_semaphore, #tpu.memory_space<semaphore_mem>>) src(%dma_wait3A_244 : memref<80xf32, #tpu.memory_space<vmem_shared>>) dst(%dma_wait3A_243 : memref<80xf32, #tpu.memory_space<vmem>>)
        %add3A_245 = arith.constant 20000 : i32
        %add3A_246 = arith.addi %add3A_245, %mul3A_102 : i32
        %dma_wait3A_247 = arith.constant 160 : i32
        %dma_wait3A_248 = tpu.memref_slice %arg6[%dma_wait3A_247] : memref<1280xf32, #tpu.memory_space<vmem>> -> memref<80xf32, #tpu.memory_space<vmem>>
        %dma_wait3A_249 = tpu.memref_slice %arg8[%add3A_246] : memref<160000xf32, #tpu.memory_space<vmem_shared>> -> memref<80xf32, #tpu.memory_space<vmem_shared>>
        %dma_wait3A_250 = arith.constant 160 : i32
        %dma_wait3A_251 = tpu.memref_slice %arg6[%dma_wait3A_250] : memref<1280xf32, #tpu.memory_space<vmem>> -> memref<80xf32, #tpu.memory_space<vmem>>
        %dma_wait3A_252 = tpu.memref_slice %arg8[%add3A_246] : memref<160000xf32, #tpu.memory_space<vmem_shared>> -> memref<80xf32, #tpu.memory_space<vmem_shared>>
        tpu.wait_dma2 semaphore(%arg9 : memref<!tpu.dma_semaphore, #tpu.memory_space<semaphore_mem>>) src(%dma_wait3A_252 : memref<80xf32, #tpu.memory_space<vmem_shared>>) dst(%dma_wait3A_251 : memref<80xf32, #tpu.memory_space<vmem>>)
        %add3A_253 = arith.constant 30000 : i32
        %add3A_254 = arith.addi %add3A_253, %mul3A_102 : i32
        %dma_wait3A_255 = arith.constant 240 : i32
        %dma_wait3A_256 = tpu.memref_slice %arg6[%dma_wait3A_255] : memref<1280xf32, #tpu.memory_space<vmem>> -> memref<80xf32, #tpu.memory_space<vmem>>
        %dma_wait3A_257 = tpu.memref_slice %arg8[%add3A_254] : memref<160000xf32, #tpu.memory_space<vmem_shared>> -> memref<80xf32, #tpu.memory_space<vmem_shared>>
        %dma_wait3A_258 = arith.constant 240 : i32
        %dma_wait3A_259 = tpu.memref_slice %arg6[%dma_wait3A_258] : memref<1280xf32, #tpu.memory_space<vmem>> -> memref<80xf32, #tpu.memory_space<vmem>>
        %dma_wait3A_260 = tpu.memref_slice %arg8[%add3A_254] : memref<160000xf32, #tpu.memory_space<vmem_shared>> -> memref<80xf32, #tpu.memory_space<vmem_shared>>
        tpu.wait_dma2 semaphore(%arg9 : memref<!tpu.dma_semaphore, #tpu.memory_space<semaphore_mem>>) src(%dma_wait3A_260 : memref<80xf32, #tpu.memory_space<vmem_shared>>) dst(%dma_wait3A_259 : memref<80xf32, #tpu.memory_space<vmem>>)
        %add3A_261 = arith.constant 40000 : i32
        %add3A_262 = arith.addi %add3A_261, %mul3A_102 : i32
        %dma_wait3A_263 = arith.constant 320 : i32
        %dma_wait3A_264 = tpu.memref_slice %arg6[%dma_wait3A_263] : memref<1280xf32, #tpu.memory_space<vmem>> -> memref<80xf32, #tpu.memory_space<vmem>>
        %dma_wait3A_265 = tpu.memref_slice %arg8[%add3A_262] : memref<160000xf32, #tpu.memory_space<vmem_shared>> -> memref<80xf32, #tpu.memory_space<vmem_shared>>
        %dma_wait3A_266 = arith.constant 320 : i32
        %dma_wait3A_267 = tpu.memref_slice %arg6[%dma_wait3A_266] : memref<1280xf32, #tpu.memory_space<vmem>> -> memref<80xf32, #tpu.memory_space<vmem>>
        %dma_wait3A_268 = tpu.memref_slice %arg8[%add3A_262] : memref<160000xf32, #tpu.memory_space<vmem_shared>> -> memref<80xf32, #tpu.memory_space<vmem_shared>>
        tpu.wait_dma2 semaphore(%arg9 : memref<!tpu.dma_semaphore, #tpu.memory_space<semaphore_mem>>) src(%dma_wait3A_268 : memref<80xf32, #tpu.memory_space<vmem_shared>>) dst(%dma_wait3A_267 : memref<80xf32, #tpu.memory_space<vmem>>)
        %add3A_269 = arith.constant 50000 : i32
        %add3A_270 = arith.addi %add3A_269, %mul3A_102 : i32
        %dma_wait3A_271 = arith.constant 400 : i32
        %dma_wait3A_272 = tpu.memref_slice %arg6[%dma_wait3A_271] : memref<1280xf32, #tpu.memory_space<vmem>> -> memref<80xf32, #tpu.memory_space<vmem>>
        %dma_wait3A_273 = tpu.memref_slice %arg8[%add3A_270] : memref<160000xf32, #tpu.memory_space<vmem_shared>> -> memref<80xf32, #tpu.memory_space<vmem_shared>>
        %dma_wait3A_274 = arith.constant 400 : i32
        %dma_wait3A_275 = tpu.memref_slice %arg6[%dma_wait3A_274] : memref<1280xf32, #tpu.memory_space<vmem>> -> memref<80xf32, #tpu.memory_space<vmem>>
        %dma_wait3A_276 = tpu.memref_slice %arg8[%add3A_270] : memref<160000xf32, #tpu.memory_space<vmem_shared>> -> memref<80xf32, #tpu.memory_space<vmem_shared>>
        tpu.wait_dma2 semaphore(%arg9 : memref<!tpu.dma_semaphore, #tpu.memory_space<semaphore_mem>>) src(%dma_wait3A_276 : memref<80xf32, #tpu.memory_space<vmem_shared>>) dst(%dma_wait3A_275 : memref<80xf32, #tpu.memory_space<vmem>>)
        %add3A_277 = arith.constant 60000 : i32
        %add3A_278 = arith.addi %add3A_277, %mul3A_102 : i32
        %dma_wait3A_279 = arith.constant 480 : i32
        %dma_wait3A_280 = tpu.memref_slice %arg6[%dma_wait3A_279] : memref<1280xf32, #tpu.memory_space<vmem>> -> memref<80xf32, #tpu.memory_space<vmem>>
        %dma_wait3A_281 = tpu.memref_slice %arg8[%add3A_278] : memref<160000xf32, #tpu.memory_space<vmem_shared>> -> memref<80xf32, #tpu.memory_space<vmem_shared>>
        %dma_wait3A_282 = arith.constant 480 : i32
        %dma_wait3A_283 = tpu.memref_slice %arg6[%dma_wait3A_282] : memref<1280xf32, #tpu.memory_space<vmem>> -> memref<80xf32, #tpu.memory_space<vmem>>
        %dma_wait3A_284 = tpu.memref_slice %arg8[%add3A_278] : memref<160000xf32, #tpu.memory_space<vmem_shared>> -> memref<80xf32, #tpu.memory_space<vmem_shared>>
        tpu.wait_dma2 semaphore(%arg9 : memref<!tpu.dma_semaphore, #tpu.memory_space<semaphore_mem>>) src(%dma_wait3A_284 : memref<80xf32, #tpu.memory_space<vmem_shared>>) dst(%dma_wait3A_283 : memref<80xf32, #tpu.memory_space<vmem>>)
        %add3A_285 = arith.constant 70000 : i32
        %add3A_286 = arith.addi %add3A_285, %mul3A_102 : i32
        %dma_wait3A_287 = arith.constant 560 : i32
        %dma_wait3A_288 = tpu.memref_slice %arg6[%dma_wait3A_287] : memref<1280xf32, #tpu.memory_space<vmem>> -> memref<80xf32, #tpu.memory_space<vmem>>
        %dma_wait3A_289 = tpu.memref_slice %arg8[%add3A_286] : memref<160000xf32, #tpu.memory_space<vmem_shared>> -> memref<80xf32, #tpu.memory_space<vmem_shared>>
        %dma_wait3A_290 = arith.constant 560 : i32
        %dma_wait3A_291 = tpu.memref_slice %arg6[%dma_wait3A_290] : memref<1280xf32, #tpu.memory_space<vmem>> -> memref<80xf32, #tpu.memory_space<vmem>>
        %dma_wait3A_292 = tpu.memref_slice %arg8[%add3A_286] : memref<160000xf32, #tpu.memory_space<vmem_shared>> -> memref<80xf32, #tpu.memory_space<vmem_shared>>
        tpu.wait_dma2 semaphore(%arg9 : memref<!tpu.dma_semaphore, #tpu.memory_space<semaphore_mem>>) src(%dma_wait3A_292 : memref<80xf32, #tpu.memory_space<vmem_shared>>) dst(%dma_wait3A_291 : memref<80xf32, #tpu.memory_space<vmem>>)
        %add3A_293 = arith.constant 80000 : i32
        %add3A_294 = arith.addi %add3A_293, %mul3A_102 : i32
        %dma_wait3A_295 = arith.constant 640 : i32
        %dma_wait3A_296 = tpu.memref_slice %arg6[%dma_wait3A_295] : memref<1280xf32, #tpu.memory_space<vmem>> -> memref<80xf32, #tpu.memory_space<vmem>>
        %dma_wait3A_297 = tpu.memref_slice %arg8[%add3A_294] : memref<160000xf32, #tpu.memory_space<vmem_shared>> -> memref<80xf32, #tpu.memory_space<vmem_shared>>
        %dma_wait3A_298 = arith.constant 640 : i32
        %dma_wait3A_299 = tpu.memref_slice %arg6[%dma_wait3A_298] : memref<1280xf32, #tpu.memory_space<vmem>> -> memref<80xf32, #tpu.memory_space<vmem>>
        %dma_wait3A_300 = tpu.memref_slice %arg8[%add3A_294] : memref<160000xf32, #tpu.memory_space<vmem_shared>> -> memref<80xf32, #tpu.memory_space<vmem_shared>>
        tpu.wait_dma2 semaphore(%arg9 : memref<!tpu.dma_semaphore, #tpu.memory_space<semaphore_mem>>) src(%dma_wait3A_300 : memref<80xf32, #tpu.memory_space<vmem_shared>>) dst(%dma_wait3A_299 : memref<80xf32, #tpu.memory_space<vmem>>)
        %add3A_301 = arith.constant 90000 : i32
        %add3A_302 = arith.addi %add3A_301, %mul3A_102 : i32
        %dma_wait3A_303 = arith.constant 720 : i32
        %dma_wait3A_304 = tpu.memref_slice %arg6[%dma_wait3A_303] : memref<1280xf32, #tpu.memory_space<vmem>> -> memref<80xf32, #tpu.memory_space<vmem>>
        %dma_wait3A_305 = tpu.memref_slice %arg8[%add3A_302] : memref<160000xf32, #tpu.memory_space<vmem_shared>> -> memref<80xf32, #tpu.memory_space<vmem_shared>>
        %dma_wait3A_306 = arith.constant 720 : i32
        %dma_wait3A_307 = tpu.memref_slice %arg6[%dma_wait3A_306] : memref<1280xf32, #tpu.memory_space<vmem>> -> memref<80xf32, #tpu.memory_space<vmem>>
        %dma_wait3A_308 = tpu.memref_slice %arg8[%add3A_302] : memref<160000xf32, #tpu.memory_space<vmem_shared>> -> memref<80xf32, #tpu.memory_space<vmem_shared>>
        tpu.wait_dma2 semaphore(%arg9 : memref<!tpu.dma_semaphore, #tpu.memory_space<semaphore_mem>>) src(%dma_wait3A_308 : memref<80xf32, #tpu.memory_space<vmem_shared>>) dst(%dma_wait3A_307 : memref<80xf32, #tpu.memory_space<vmem>>)
        %add3A_309 = arith.constant 100000 : i32
        %add3A_310 = arith.addi %add3A_309, %mul3A_102 : i32
        %dma_wait3A_311 = arith.constant 800 : i32
        %dma_wait3A_312 = tpu.memref_slice %arg6[%dma_wait3A_311] : memref<1280xf32, #tpu.memory_space<vmem>> -> memref<80xf32, #tpu.memory_space<vmem>>
        %dma_wait3A_313 = tpu.memref_slice %arg8[%add3A_310] : memref<160000xf32, #tpu.memory_space<vmem_shared>> -> memref<80xf32, #tpu.memory_space<vmem_shared>>
        %dma_wait3A_314 = arith.constant 800 : i32
        %dma_wait3A_315 = tpu.memref_slice %arg6[%dma_wait3A_314] : memref<1280xf32, #tpu.memory_space<vmem>> -> memref<80xf32, #tpu.memory_space<vmem>>
        %dma_wait3A_316 = tpu.memref_slice %arg8[%add3A_310] : memref<160000xf32, #tpu.memory_space<vmem_shared>> -> memref<80xf32, #tpu.memory_space<vmem_shared>>
        tpu.wait_dma2 semaphore(%arg9 : memref<!tpu.dma_semaphore, #tpu.memory_space<semaphore_mem>>) src(%dma_wait3A_316 : memref<80xf32, #tpu.memory_space<vmem_shared>>) dst(%dma_wait3A_315 : memref<80xf32, #tpu.memory_space<vmem>>)
        %add3A_317 = arith.constant 110000 : i32
        %add3A_318 = arith.addi %add3A_317, %mul3A_102 : i32
        %dma_wait3A_319 = arith.constant 880 : i32
        %dma_wait3A_320 = tpu.memref_slice %arg6[%dma_wait3A_319] : memref<1280xf32, #tpu.memory_space<vmem>> -> memref<80xf32, #tpu.memory_space<vmem>>
        %dma_wait3A_321 = tpu.memref_slice %arg8[%add3A_318] : memref<160000xf32, #tpu.memory_space<vmem_shared>> -> memref<80xf32, #tpu.memory_space<vmem_shared>>
        %dma_wait3A_322 = arith.constant 880 : i32
        %dma_wait3A_323 = tpu.memref_slice %arg6[%dma_wait3A_322] : memref<1280xf32, #tpu.memory_space<vmem>> -> memref<80xf32, #tpu.memory_space<vmem>>
        %dma_wait3A_324 = tpu.memref_slice %arg8[%add3A_318] : memref<160000xf32, #tpu.memory_space<vmem_shared>> -> memref<80xf32, #tpu.memory_space<vmem_shared>>
        tpu.wait_dma2 semaphore(%arg9 : memref<!tpu.dma_semaphore, #tpu.memory_space<semaphore_mem>>) src(%dma_wait3A_324 : memref<80xf32, #tpu.memory_space<vmem_shared>>) dst(%dma_wait3A_323 : memref<80xf32, #tpu.memory_space<vmem>>)
        %add3A_325 = arith.constant 120000 : i32
        %add3A_326 = arith.addi %add3A_325, %mul3A_102 : i32
        %dma_wait3A_327 = arith.constant 960 : i32
        %dma_wait3A_328 = tpu.memref_slice %arg6[%dma_wait3A_327] : memref<1280xf32, #tpu.memory_space<vmem>> -> memref<80xf32, #tpu.memory_space<vmem>>
        %dma_wait3A_329 = tpu.memref_slice %arg8[%add3A_326] : memref<160000xf32, #tpu.memory_space<vmem_shared>> -> memref<80xf32, #tpu.memory_space<vmem_shared>>
        %dma_wait3A_330 = arith.constant 960 : i32
        %dma_wait3A_331 = tpu.memref_slice %arg6[%dma_wait3A_330] : memref<1280xf32, #tpu.memory_space<vmem>> -> memref<80xf32, #tpu.memory_space<vmem>>
        %dma_wait3A_332 = tpu.memref_slice %arg8[%add3A_326] : memref<160000xf32, #tpu.memory_space<vmem_shared>> -> memref<80xf32, #tpu.memory_space<vmem_shared>>
        tpu.wait_dma2 semaphore(%arg9 : memref<!tpu.dma_semaphore, #tpu.memory_space<semaphore_mem>>) src(%dma_wait3A_332 : memref<80xf32, #tpu.memory_space<vmem_shared>>) dst(%dma_wait3A_331 : memref<80xf32, #tpu.memory_space<vmem>>)
        %add3A_333 = arith.constant 130000 : i32
        %add3A_334 = arith.addi %add3A_333, %mul3A_102 : i32
        %dma_wait3A_335 = arith.constant 1040 : i32
        %dma_wait3A_336 = tpu.memref_slice %arg6[%dma_wait3A_335] : memref<1280xf32, #tpu.memory_space<vmem>> -> memref<80xf32, #tpu.memory_space<vmem>>
        %dma_wait3A_337 = tpu.memref_slice %arg8[%add3A_334] : memref<160000xf32, #tpu.memory_space<vmem_shared>> -> memref<80xf32, #tpu.memory_space<vmem_shared>>
        %dma_wait3A_338 = arith.constant 1040 : i32
        %dma_wait3A_339 = tpu.memref_slice %arg6[%dma_wait3A_338] : memref<1280xf32, #tpu.memory_space<vmem>> -> memref<80xf32, #tpu.memory_space<vmem>>
        %dma_wait3A_340 = tpu.memref_slice %arg8[%add3A_334] : memref<160000xf32, #tpu.memory_space<vmem_shared>> -> memref<80xf32, #tpu.memory_space<vmem_shared>>
        tpu.wait_dma2 semaphore(%arg9 : memref<!tpu.dma_semaphore, #tpu.memory_space<semaphore_mem>>) src(%dma_wait3A_340 : memref<80xf32, #tpu.memory_space<vmem_shared>>) dst(%dma_wait3A_339 : memref<80xf32, #tpu.memory_space<vmem>>)
        %add3A_341 = arith.constant 140000 : i32
        %add3A_342 = arith.addi %add3A_341, %mul3A_102 : i32
        %dma_wait3A_343 = arith.constant 1120 : i32
        %dma_wait3A_344 = tpu.memref_slice %arg6[%dma_wait3A_343] : memref<1280xf32, #tpu.memory_space<vmem>> -> memref<80xf32, #tpu.memory_space<vmem>>
        %dma_wait3A_345 = tpu.memref_slice %arg8[%add3A_342] : memref<160000xf32, #tpu.memory_space<vmem_shared>> -> memref<80xf32, #tpu.memory_space<vmem_shared>>
        %dma_wait3A_346 = arith.constant 1120 : i32
        %dma_wait3A_347 = tpu.memref_slice %arg6[%dma_wait3A_346] : memref<1280xf32, #tpu.memory_space<vmem>> -> memref<80xf32, #tpu.memory_space<vmem>>
        %dma_wait3A_348 = tpu.memref_slice %arg8[%add3A_342] : memref<160000xf32, #tpu.memory_space<vmem_shared>> -> memref<80xf32, #tpu.memory_space<vmem_shared>>
        tpu.wait_dma2 semaphore(%arg9 : memref<!tpu.dma_semaphore, #tpu.memory_space<semaphore_mem>>) src(%dma_wait3A_348 : memref<80xf32, #tpu.memory_space<vmem_shared>>) dst(%dma_wait3A_347 : memref<80xf32, #tpu.memory_space<vmem>>)
        %add3A_349 = arith.constant 150000 : i32
        %add3A_350 = arith.addi %add3A_349, %mul3A_102 : i32
        %dma_wait3A_351 = arith.constant 1200 : i32
        %dma_wait3A_352 = tpu.memref_slice %arg6[%dma_wait3A_351] : memref<1280xf32, #tpu.memory_space<vmem>> -> memref<80xf32, #tpu.memory_space<vmem>>
        %dma_wait3A_353 = tpu.memref_slice %arg8[%add3A_350] : memref<160000xf32, #tpu.memory_space<vmem_shared>> -> memref<80xf32, #tpu.memory_space<vmem_shared>>
        %dma_wait3A_354 = arith.constant 1200 : i32
        %dma_wait3A_355 = tpu.memref_slice %arg6[%dma_wait3A_354] : memref<1280xf32, #tpu.memory_space<vmem>> -> memref<80xf32, #tpu.memory_space<vmem>>
        %dma_wait3A_356 = tpu.memref_slice %arg8[%add3A_350] : memref<160000xf32, #tpu.memory_space<vmem_shared>> -> memref<80xf32, #tpu.memory_space<vmem_shared>>
        tpu.wait_dma2 semaphore(%arg9 : memref<!tpu.dma_semaphore, #tpu.memory_space<semaphore_mem>>) src(%dma_wait3A_356 : memref<80xf32, #tpu.memory_space<vmem_shared>>) dst(%dma_wait3A_355 : memref<80xf32, #tpu.memory_space<vmem>>)
        %get3A = arith.constant 0 : index
        %get3A_357 = tpu.vector_load %arg6[%get3A] {strides = array<i32>} : memref<1280xf32, #tpu.memory_space<vmem>>, vector<16xf32>,
        %get3A_358 = arith.constant 80 : index
        %get3A_359 = tpu.vector_load %arg6[%get3A_358] {strides = array<i32>} : memref<1280xf32, #tpu.memory_space<vmem>>, vector<16xf32>,
        %add3A_360 = arith.addf %get3A_357, %get3A_359 : vector<16xf32>
        %get3A_361 = arith.constant 160 : index
        %get3A_362 = tpu.vector_load %arg6[%get3A_361] {strides = array<i32>} : memref<1280xf32, #tpu.memory_space<vmem>>, vector<16xf32>,
        %add3A_363 = arith.addf %add3A_360, %get3A_362 : vector<16xf32>
        %get3A_364 = arith.constant 240 : index
        %get3A_365 = tpu.vector_load %arg6[%get3A_364] {strides = array<i32>} : memref<1280xf32, #tpu.memory_space<vmem>>, vector<16xf32>,
        %add3A_366 = arith.addf %add3A_363, %get3A_365 : vector<16xf32>
        %get3A_367 = arith.constant 320 : index
        %get3A_368 = tpu.vector_load %arg6[%get3A_367] {strides = array<i32>} : memref<1280xf32, #tpu.memory_space<vmem>>, vector<16xf32>,
        %add3A_369 = arith.addf %add3A_366, %get3A_368 : vector<16xf32>
        %get3A_370 = arith.constant 400 : index
        %get3A_371 = tpu.vector_load %arg6[%get3A_370] {strides = array<i32>} : memref<1280xf32, #tpu.memory_space<vmem>>, vector<16xf32>,
        %add3A_372 = arith.addf %add3A_369, %get3A_371 : vector<16xf32>
        %get3A_373 = arith.constant 480 : index
        %get3A_374 = tpu.vector_load %arg6[%get3A_373] {strides = array<i32>} : memref<1280xf32, #tpu.memory_space<vmem>>, vector<16xf32>,
        %add3A_375 = arith.addf %add3A_372, %get3A_374 : vector<16xf32>
        %get3A_376 = arith.constant 560 : index
        %get3A_377 = tpu.vector_load %arg6[%get3A_376] {strides = array<i32>} : memref<1280xf32, #tpu.memory_space<vmem>>, vector<16xf32>,
        %add3A_378 = arith.addf %add3A_375, %get3A_377 : vector<16xf32>
        %get3A_379 = arith.constant 640 : index
        %get3A_380 = tpu.vector_load %arg6[%get3A_379] {strides = array<i32>} : memref<1280xf32, #tpu.memory_space<vmem>>, vector<16xf32>,
        %add3A_381 = arith.addf %add3A_378, %get3A_380 : vector<16xf32>
        %get3A_382 = arith.constant 720 : index
        %get3A_383 = tpu.vector_load %arg6[%get3A_382] {strides = array<i32>} : memref<1280xf32, #tpu.memory_space<vmem>>, vector<16xf32>,
        %add3A_384 = arith.addf %add3A_381, %get3A_383 : vector<16xf32>
        %get3A_385 = arith.constant 800 : index
        %get3A_386 = tpu.vector_load %arg6[%get3A_385] {strides = array<i32>} : memref<1280xf32, #tpu.memory_space<vmem>>, vector<16xf32>,
        %add3A_387 = arith.addf %add3A_384, %get3A_386 : vector<16xf32>
        %get3A_388 = arith.constant 880 : index
        %get3A_389 = tpu.vector_load %arg6[%get3A_388] {strides = array<i32>} : memref<1280xf32, #tpu.memory_space<vmem>>, vector<16xf32>,
        %add3A_390 = arith.addf %add3A_387, %get3A_389 : vector<16xf32>
        %get3A_391 = arith.constant 960 : index
        %get3A_392 = tpu.vector_load %arg6[%get3A_391] {strides = array<i32>} : memref<1280xf32, #tpu.memory_space<vmem>>, vector<16xf32>,
        %add3A_393 = arith.addf %add3A_390, %get3A_392 : vector<16xf32>
        %get3A_394 = arith.constant 1040 : index
        %get3A_395 = tpu.vector_load %arg6[%get3A_394] {strides = array<i32>} : memref<1280xf32, #tpu.memory_space<vmem>>, vector<16xf32>,
        %add3A_396 = arith.addf %add3A_393, %get3A_395 : vector<16xf32>
        %get3A_397 = arith.constant 1120 : index
        %get3A_398 = tpu.vector_load %arg6[%get3A_397] {strides = array<i32>} : memref<1280xf32, #tpu.memory_space<vmem>>, vector<16xf32>,
        %add3A_399 = arith.addf %add3A_396, %get3A_398 : vector<16xf32>
        %get3A_400 = arith.constant 1200 : index
        %get3A_401 = tpu.vector_load %arg6[%get3A_400] {strides = array<i32>} : memref<1280xf32, #tpu.memory_space<vmem>>, vector<16xf32>,
        %add3A_402 = arith.addf %add3A_399, %get3A_401 : vector<16xf32>
        %broadcast_in_dim3A_403 = arith.constant 1.000000e+00 : f32
        %broadcast_in_dim3A_404 = vector.broadcast %broadcast_in_dim3A_403 : f32 to vector<16xf32>
        %max3A = arith.constant 1.000000e+00 : f32
        %max3A_405 = vector.broadcast %max3A : f32 to vector<16xf32>
        %max3A_406 = arith.maximumf %add3A_402, %max3A_405 : vector<16xf32>
        %div3A = arith.divf %broadcast_in_dim3A_404, %max3A_406 : vector<16xf32>
        %swap3A = arith.constant 0 : index
        %swap3A_407 = tpu.vector_load %arg7[%swap3A] {strides = array<i32>} : memref<80xf32, #tpu.memory_space<vmem>>, vector<16xf32>,
        tpu.vector_store %arg7[%swap3A], %div3A {strides = array<i32>} : memref<80xf32, #tpu.memory_space<vmem>>, vector<16xf32>,
        %get3A_408 = arith.constant 16 : index
        %get3A_409 = tpu.vector_load %arg6[%get3A_408] {strides = array<i32>} : memref<1280xf32, #tpu.memory_space<vmem>>, vector<16xf32>,
        %get3A_410 = arith.constant 96 : index
        %get3A_411 = tpu.vector_load %arg6[%get3A_410] {strides = array<i32>} : memref<1280xf32, #tpu.memory_space<vmem>>, vector<16xf32>,
        %add3A_412 = arith.addf %get3A_409, %get3A_411 : vector<16xf32>
        %get3A_413 = arith.constant 176 : index
        %get3A_414 = tpu.vector_load %arg6[%get3A_413] {strides = array<i32>} : memref<1280xf32, #tpu.memory_space<vmem>>, vector<16xf32>,
        %add3A_415 = arith.addf %add3A_412, %get3A_414 : vector<16xf32>
        %get3A_416 = arith.constant 256 : index
        %get3A_417 = tpu.vector_load %arg6[%get3A_416] {strides = array<i32>} : memref<1280xf32, #tpu.memory_space<vmem>>, vector<16xf32>,
        %add3A_418 = arith.addf %add3A_415, %get3A_417 : vector<16xf32>
        %get3A_419 = arith.constant 336 : index
        %get3A_420 = tpu.vector_load %arg6[%get3A_419] {strides = array<i32>} : memref<1280xf32, #tpu.memory_space<vmem>>, vector<16xf32>,
        %add3A_421 = arith.addf %add3A_418, %get3A_420 : vector<16xf32>
        %get3A_422 = arith.constant 416 : index
        %get3A_423 = tpu.vector_load %arg6[%get3A_422] {strides = array<i32>} : memref<1280xf32, #tpu.memory_space<vmem>>, vector<16xf32>,
        %add3A_424 = arith.addf %add3A_421, %get3A_423 : vector<16xf32>
        %get3A_425 = arith.constant 496 : index
        %get3A_426 = tpu.vector_load %arg6[%get3A_425] {strides = array<i32>} : memref<1280xf32, #tpu.memory_space<vmem>>, vector<16xf32>,
        %add3A_427 = arith.addf %add3A_424, %get3A_426 : vector<16xf32>
        %get3A_428 = arith.constant 576 : index
        %get3A_429 = tpu.vector_load %arg6[%get3A_428] {strides = array<i32>} : memref<1280xf32, #tpu.memory_space<vmem>>, vector<16xf32>,
        %add3A_430 = arith.addf %add3A_427, %get3A_429 : vector<16xf32>
        %get3A_431 = arith.constant 656 : index
        %get3A_432 = tpu.vector_load %arg6[%get3A_431] {strides = array<i32>} : memref<1280xf32, #tpu.memory_space<vmem>>, vector<16xf32>,
        %add3A_433 = arith.addf %add3A_430, %get3A_432 : vector<16xf32>
        %get3A_434 = arith.constant 736 : index
        %get3A_435 = tpu.vector_load %arg6[%get3A_434] {strides = array<i32>} : memref<1280xf32, #tpu.memory_space<vmem>>, vector<16xf32>,
        %add3A_436 = arith.addf %add3A_433, %get3A_435 : vector<16xf32>
        %get3A_437 = arith.constant 816 : index
        %get3A_438 = tpu.vector_load %arg6[%get3A_437] {strides = array<i32>} : memref<1280xf32, #tpu.memory_space<vmem>>, vector<16xf32>,
        %add3A_439 = arith.addf %add3A_436, %get3A_438 : vector<16xf32>
        %get3A_440 = arith.constant 896 : index
        %get3A_441 = tpu.vector_load %arg6[%get3A_440] {strides = array<i32>} : memref<1280xf32, #tpu.memory_space<vmem>>, vector<16xf32>,
        %add3A_442 = arith.addf %add3A_439, %get3A_441 : vector<16xf32>
        %get3A_443 = arith.constant 976 : index
        %get3A_444 = tpu.vector_load %arg6[%get3A_443] {strides = array<i32>} : memref<1280xf32, #tpu.memory_space<vmem>>, vector<16xf32>,
        %add3A_445 = arith.addf %add3A_442, %get3A_444 : vector<16xf32>
        %get3A_446 = arith.constant 1056 : index
        %get3A_447 = tpu.vector_load %arg6[%get3A_446] {strides = array<i32>} : memref<1280xf32, #tpu.memory_space<vmem>>, vector<16xf32>,
        %add3A_448 = arith.addf %add3A_445, %get3A_447 : vector<16xf32>
        %get3A_449 = arith.constant 1136 : index
        %get3A_450 = tpu.vector_load %arg6[%get3A_449] {strides = array<i32>} : memref<1280xf32, #tpu.memory_space<vmem>>, vector<16xf32>,
        %add3A_451 = arith.addf %add3A_448, %get3A_450 : vector<16xf32>
        %get3A_452 = arith.constant 1216 : index
        %get3A_453 = tpu.vector_load %arg6[%get3A_452] {strides = array<i32>} : memref<1280xf32, #tpu.memory_space<vmem>>, vector<16xf32>,
        %add3A_454 = arith.addf %add3A_451, %get3A_453 : vector<16xf32>
        %broadcast_in_dim3A_455 = arith.constant 1.000000e+00 : f32
        %broadcast_in_dim3A_456 = vector.broadcast %broadcast_in_dim3A_455 : f32 to vector<16xf32>
        %max3A_457 = arith.constant 1.000000e+00 : f32
        %max3A_458 = vector.broadcast %max3A_457 : f32 to vector<16xf32>
        %max3A_459 = arith.maximumf %add3A_454, %max3A_458 : vector<16xf32>
        %div3A_460 = arith.divf %broadcast_in_dim3A_456, %max3A_459 : vector<16xf32>
        %swap3A_461 = arith.constant 16 : index
        %swap3A_462 = tpu.vector_load %arg7[%swap3A_461] {strides = array<i32>} : memref<80xf32, #tpu.memory_space<vmem>>, vector<16xf32>,
        tpu.vector_store %arg7[%swap3A_461], %div3A_460 {strides = array<i32>} : memref<80xf32, #tpu.memory_space<vmem>>, vector<16xf32>,
        %get3A_463 = arith.constant 32 : index
        %get3A_464 = tpu.vector_load %arg6[%get3A_463] {strides = array<i32>} : memref<1280xf32, #tpu.memory_space<vmem>>, vector<16xf32>,
        %get3A_465 = arith.constant 112 : index
        %get3A_466 = tpu.vector_load %arg6[%get3A_465] {strides = array<i32>} : memref<1280xf32, #tpu.memory_space<vmem>>, vector<16xf32>,
        %add3A_467 = arith.addf %get3A_464, %get3A_466 : vector<16xf32>
        %get3A_468 = arith.constant 192 : index
        %get3A_469 = tpu.vector_load %arg6[%get3A_468] {strides = array<i32>} : memref<1280xf32, #tpu.memory_space<vmem>>, vector<16xf32>,
        %add3A_470 = arith.addf %add3A_467, %get3A_469 : vector<16xf32>
        %get3A_471 = arith.constant 272 : index
        %get3A_472 = tpu.vector_load %arg6[%get3A_471] {strides = array<i32>} : memref<1280xf32, #tpu.memory_space<vmem>>, vector<16xf32>,
        %add3A_473 = arith.addf %add3A_470, %get3A_472 : vector<16xf32>
        %get3A_474 = arith.constant 352 : index
        %get3A_475 = tpu.vector_load %arg6[%get3A_474] {strides = array<i32>} : memref<1280xf32, #tpu.memory_space<vmem>>, vector<16xf32>,
        %add3A_476 = arith.addf %add3A_473, %get3A_475 : vector<16xf32>
        %get3A_477 = arith.constant 432 : index
        %get3A_478 = tpu.vector_load %arg6[%get3A_477] {strides = array<i32>} : memref<1280xf32, #tpu.memory_space<vmem>>, vector<16xf32>,
        %add3A_479 = arith.addf %add3A_476, %get3A_478 : vector<16xf32>
        %get3A_480 = arith.constant 512 : index
        %get3A_481 = tpu.vector_load %arg6[%get3A_480] {strides = array<i32>} : memref<1280xf32, #tpu.memory_space<vmem>>, vector<16xf32>,
        %add3A_482 = arith.addf %add3A_479, %get3A_481 : vector<16xf32>
        %get3A_483 = arith.constant 592 : index
        %get3A_484 = tpu.vector_load %arg6[%get3A_483] {strides = array<i32>} : memref<1280xf32, #tpu.memory_space<vmem>>, vector<16xf32>,
        %add3A_485 = arith.addf %add3A_482, %get3A_484 : vector<16xf32>
        %get3A_486 = arith.constant 672 : index
        %get3A_487 = tpu.vector_load %arg6[%get3A_486] {strides = array<i32>} : memref<1280xf32, #tpu.memory_space<vmem>>, vector<16xf32>,
        %add3A_488 = arith.addf %add3A_485, %get3A_487 : vector<16xf32>
        %get3A_489 = arith.constant 752 : index
        %get3A_490 = tpu.vector_load %arg6[%get3A_489] {strides = array<i32>} : memref<1280xf32, #tpu.memory_space<vmem>>, vector<16xf32>,
        %add3A_491 = arith.addf %add3A_488, %get3A_490 : vector<16xf32>
        %get3A_492 = arith.constant 832 : index
        %get3A_493 = tpu.vector_load %arg6[%get3A_492] {strides = array<i32>} : memref<1280xf32, #tpu.memory_space<vmem>>, vector<16xf32>,
        %add3A_494 = arith.addf %add3A_491, %get3A_493 : vector<16xf32>
        %get3A_495 = arith.constant 912 : index
        %get3A_496 = tpu.vector_load %arg6[%get3A_495] {strides = array<i32>} : memref<1280xf32, #tpu.memory_space<vmem>>, vector<16xf32>,
        %add3A_497 = arith.addf %add3A_494, %get3A_496 : vector<16xf32>
        %get3A_498 = arith.constant 992 : index
        %get3A_499 = tpu.vector_load %arg6[%get3A_498] {strides = array<i32>} : memref<1280xf32, #tpu.memory_space<vmem>>, vector<16xf32>,
        %add3A_500 = arith.addf %add3A_497, %get3A_499 : vector<16xf32>
        %get3A_501 = arith.constant 1072 : index
        %get3A_502 = tpu.vector_load %arg6[%get3A_501] {strides = array<i32>} : memref<1280xf32, #tpu.memory_space<vmem>>, vector<16xf32>,
        %add3A_503 = arith.addf %add3A_500, %get3A_502 : vector<16xf32>
        %get3A_504 = arith.constant 1152 : index
        %get3A_505 = tpu.vector_load %arg6[%get3A_504] {strides = array<i32>} : memref<1280xf32, #tpu.memory_space<vmem>>, vector<16xf32>,
        %add3A_506 = arith.addf %add3A_503, %get3A_505 : vector<16xf32>
        %get3A_507 = arith.constant 1232 : index
        %get3A_508 = tpu.vector_load %arg6[%get3A_507] {strides = array<i32>} : memref<1280xf32, #tpu.memory_space<vmem>>, vector<16xf32>,
        %add3A_509 = arith.addf %add3A_506, %get3A_508 : vector<16xf32>
        %broadcast_in_dim3A_510 = arith.constant 1.000000e+00 : f32
        %broadcast_in_dim3A_511 = vector.broadcast %broadcast_in_dim3A_510 : f32 to vector<16xf32>
        %max3A_512 = arith.constant 1.000000e+00 : f32
        %max3A_513 = vector.broadcast %max3A_512 : f32 to vector<16xf32>
        %max3A_514 = arith.maximumf %add3A_509, %max3A_513 : vector<16xf32>
        %div3A_515 = arith.divf %broadcast_in_dim3A_511, %max3A_514 : vector<16xf32>
        %swap3A_516 = arith.constant 32 : index
        %swap3A_517 = tpu.vector_load %arg7[%swap3A_516] {strides = array<i32>} : memref<80xf32, #tpu.memory_space<vmem>>, vector<16xf32>,
        tpu.vector_store %arg7[%swap3A_516], %div3A_515 {strides = array<i32>} : memref<80xf32, #tpu.memory_space<vmem>>, vector<16xf32>,
        %get3A_518 = arith.constant 48 : index
        %get3A_519 = tpu.vector_load %arg6[%get3A_518] {strides = array<i32>} : memref<1280xf32, #tpu.memory_space<vmem>>, vector<16xf32>,
        %get3A_520 = arith.constant 128 : index
        %get3A_521 = tpu.vector_load %arg6[%get3A_520] {strides = array<i32>} : memref<1280xf32, #tpu.memory_space<vmem>>, vector<16xf32>,
        %add3A_522 = arith.addf %get3A_519, %get3A_521 : vector<16xf32>
        %get3A_523 = arith.constant 208 : index
        %get3A_524 = tpu.vector_load %arg6[%get3A_523] {strides = array<i32>} : memref<1280xf32, #tpu.memory_space<vmem>>, vector<16xf32>,
        %add3A_525 = arith.addf %add3A_522, %get3A_524 : vector<16xf32>
        %get3A_526 = arith.constant 288 : index
        %get3A_527 = tpu.vector_load %arg6[%get3A_526] {strides = array<i32>} : memref<1280xf32, #tpu.memory_space<vmem>>, vector<16xf32>,
        %add3A_528 = arith.addf %add3A_525, %get3A_527 : vector<16xf32>
        %get3A_529 = arith.constant 368 : index
        %get3A_530 = tpu.vector_load %arg6[%get3A_529] {strides = array<i32>} : memref<1280xf32, #tpu.memory_space<vmem>>, vector<16xf32>,
        %add3A_531 = arith.addf %add3A_528, %get3A_530 : vector<16xf32>
        %get3A_532 = arith.constant 448 : index
        %get3A_533 = tpu.vector_load %arg6[%get3A_532] {strides = array<i32>} : memref<1280xf32, #tpu.memory_space<vmem>>, vector<16xf32>,
        %add3A_534 = arith.addf %add3A_531, %get3A_533 : vector<16xf32>
        %get3A_535 = arith.constant 528 : index
        %get3A_536 = tpu.vector_load %arg6[%get3A_535] {strides = array<i32>} : memref<1280xf32, #tpu.memory_space<vmem>>, vector<16xf32>,
        %add3A_537 = arith.addf %add3A_534, %get3A_536 : vector<16xf32>
        %get3A_538 = arith.constant 608 : index
        %get3A_539 = tpu.vector_load %arg6[%get3A_538] {strides = array<i32>} : memref<1280xf32, #tpu.memory_space<vmem>>, vector<16xf32>,
        %add3A_540 = arith.addf %add3A_537, %get3A_539 : vector<16xf32>
        %get3A_541 = arith.constant 688 : index
        %get3A_542 = tpu.vector_load %arg6[%get3A_541] {strides = array<i32>} : memref<1280xf32, #tpu.memory_space<vmem>>, vector<16xf32>,
        %add3A_543 = arith.addf %add3A_540, %get3A_542 : vector<16xf32>
        %get3A_544 = arith.constant 768 : index
        %get3A_545 = tpu.vector_load %arg6[%get3A_544] {strides = array<i32>} : memref<1280xf32, #tpu.memory_space<vmem>>, vector<16xf32>,
        %add3A_546 = arith.addf %add3A_543, %get3A_545 : vector<16xf32>
        %get3A_547 = arith.constant 848 : index
        %get3A_548 = tpu.vector_load %arg6[%get3A_547] {strides = array<i32>} : memref<1280xf32, #tpu.memory_space<vmem>>, vector<16xf32>,
        %add3A_549 = arith.addf %add3A_546, %get3A_548 : vector<16xf32>
        %get3A_550 = arith.constant 928 : index
        %get3A_551 = tpu.vector_load %arg6[%get3A_550] {strides = array<i32>} : memref<1280xf32, #tpu.memory_space<vmem>>, vector<16xf32>,
        %add3A_552 = arith.addf %add3A_549, %get3A_551 : vector<16xf32>
        %get3A_553 = arith.constant 1008 : index
        %get3A_554 = tpu.vector_load %arg6[%get3A_553] {strides = array<i32>} : memref<1280xf32, #tpu.memory_space<vmem>>, vector<16xf32>,
        %add3A_555 = arith.addf %add3A_552, %get3A_554 : vector<16xf32>
        %get3A_556 = arith.constant 1088 : index
        %get3A_557 = tpu.vector_load %arg6[%get3A_556] {strides = array<i32>} : memref<1280xf32, #tpu.memory_space<vmem>>, vector<16xf32>,
        %add3A_558 = arith.addf %add3A_555, %get3A_557 : vector<16xf32>
        %get3A_559 = arith.constant 1168 : index
        %get3A_560 = tpu.vector_load %arg6[%get3A_559] {strides = array<i32>} : memref<1280xf32, #tpu.memory_space<vmem>>, vector<16xf32>,
        %add3A_561 = arith.addf %add3A_558, %get3A_560 : vector<16xf32>
        %get3A_562 = arith.constant 1248 : index
        %get3A_563 = tpu.vector_load %arg6[%get3A_562] {strides = array<i32>} : memref<1280xf32, #tpu.memory_space<vmem>>, vector<16xf32>,
        %add3A_564 = arith.addf %add3A_561, %get3A_563 : vector<16xf32>
        %broadcast_in_dim3A_565 = arith.constant 1.000000e+00 : f32
        %broadcast_in_dim3A_566 = vector.broadcast %broadcast_in_dim3A_565 : f32 to vector<16xf32>
        %max3A_567 = arith.constant 1.000000e+00 : f32
        %max3A_568 = vector.broadcast %max3A_567 : f32 to vector<16xf32>
        %max3A_569 = arith.maximumf %add3A_564, %max3A_568 : vector<16xf32>
        %div3A_570 = arith.divf %broadcast_in_dim3A_566, %max3A_569 : vector<16xf32>
        %swap3A_571 = arith.constant 48 : index
        %swap3A_572 = tpu.vector_load %arg7[%swap3A_571] {strides = array<i32>} : memref<80xf32, #tpu.memory_space<vmem>>, vector<16xf32>,
        tpu.vector_store %arg7[%swap3A_571], %div3A_570 {strides = array<i32>} : memref<80xf32, #tpu.memory_space<vmem>>, vector<16xf32>,
        %get3A_573 = arith.constant 64 : index
        %get3A_574 = tpu.vector_load %arg6[%get3A_573] {strides = array<i32>} : memref<1280xf32, #tpu.memory_space<vmem>>, vector<16xf32>,
        %get3A_575 = arith.constant 144 : index
        %get3A_576 = tpu.vector_load %arg6[%get3A_575] {strides = array<i32>} : memref<1280xf32, #tpu.memory_space<vmem>>, vector<16xf32>,
        %add3A_577 = arith.addf %get3A_574, %get3A_576 : vector<16xf32>
        %get3A_578 = arith.constant 224 : index
        %get3A_579 = tpu.vector_load %arg6[%get3A_578] {strides = array<i32>} : memref<1280xf32, #tpu.memory_space<vmem>>, vector<16xf32>,
        %add3A_580 = arith.addf %add3A_577, %get3A_579 : vector<16xf32>
        %get3A_581 = arith.constant 304 : index
        %get3A_582 = tpu.vector_load %arg6[%get3A_581] {strides = array<i32>} : memref<1280xf32, #tpu.memory_space<vmem>>, vector<16xf32>,
        %add3A_583 = arith.addf %add3A_580, %get3A_582 : vector<16xf32>
        %get3A_584 = arith.constant 384 : index
        %get3A_585 = tpu.vector_load %arg6[%get3A_584] {strides = array<i32>} : memref<1280xf32, #tpu.memory_space<vmem>>, vector<16xf32>,
        %add3A_586 = arith.addf %add3A_583, %get3A_585 : vector<16xf32>
        %get3A_587 = arith.constant 464 : index
        %get3A_588 = tpu.vector_load %arg6[%get3A_587] {strides = array<i32>} : memref<1280xf32, #tpu.memory_space<vmem>>, vector<16xf32>,
        %add3A_589 = arith.addf %add3A_586, %get3A_588 : vector<16xf32>
        %get3A_590 = arith.constant 544 : index
        %get3A_591 = tpu.vector_load %arg6[%get3A_590] {strides = array<i32>} : memref<1280xf32, #tpu.memory_space<vmem>>, vector<16xf32>,
        %add3A_592 = arith.addf %add3A_589, %get3A_591 : vector<16xf32>
        %get3A_593 = arith.constant 624 : index
        %get3A_594 = tpu.vector_load %arg6[%get3A_593] {strides = array<i32>} : memref<1280xf32, #tpu.memory_space<vmem>>, vector<16xf32>,
        %add3A_595 = arith.addf %add3A_592, %get3A_594 : vector<16xf32>
        %get3A_596 = arith.constant 704 : index
        %get3A_597 = tpu.vector_load %arg6[%get3A_596] {strides = array<i32>} : memref<1280xf32, #tpu.memory_space<vmem>>, vector<16xf32>,
        %add3A_598 = arith.addf %add3A_595, %get3A_597 : vector<16xf32>
        %get3A_599 = arith.constant 784 : index
        %get3A_600 = tpu.vector_load %arg6[%get3A_599] {strides = array<i32>} : memref<1280xf32, #tpu.memory_space<vmem>>, vector<16xf32>,
        %add3A_601 = arith.addf %add3A_598, %get3A_600 : vector<16xf32>
        %get3A_602 = arith.constant 864 : index
        %get3A_603 = tpu.vector_load %arg6[%get3A_602] {strides = array<i32>} : memref<1280xf32, #tpu.memory_space<vmem>>, vector<16xf32>,
        %add3A_604 = arith.addf %add3A_601, %get3A_603 : vector<16xf32>
        %get3A_605 = arith.constant 944 : index
        %get3A_606 = tpu.vector_load %arg6[%get3A_605] {strides = array<i32>} : memref<1280xf32, #tpu.memory_space<vmem>>, vector<16xf32>,
        %add3A_607 = arith.addf %add3A_604, %get3A_606 : vector<16xf32>
        %get3A_608 = arith.constant 1024 : index
        %get3A_609 = tpu.vector_load %arg6[%get3A_608] {strides = array<i32>} : memref<1280xf32, #tpu.memory_space<vmem>>, vector<16xf32>,
        %add3A_610 = arith.addf %add3A_607, %get3A_609 : vector<16xf32>
        %get3A_611 = arith.constant 1104 : index
        %get3A_612 = tpu.vector_load %arg6[%get3A_611] {strides = array<i32>} : memref<1280xf32, #tpu.memory_space<vmem>>, vector<16xf32>,
        %add3A_613 = arith.addf %add3A_610, %get3A_612 : vector<16xf32>
        %get3A_614 = arith.constant 1184 : index
        %get3A_615 = tpu.vector_load %arg6[%get3A_614] {strides = array<i32>} : memref<1280xf32, #tpu.memory_space<vmem>>, vector<16xf32>,
        %add3A_616 = arith.addf %add3A_613, %get3A_615 : vector<16xf32>
        %get3A_617 = arith.constant 1264 : index
        %get3A_618 = tpu.vector_load %arg6[%get3A_617] {strides = array<i32>} : memref<1280xf32, #tpu.memory_space<vmem>>, vector<16xf32>,
        %add3A_619 = arith.addf %add3A_616, %get3A_618 : vector<16xf32>
        %broadcast_in_dim3A_620 = arith.constant 1.000000e+00 : f32
        %broadcast_in_dim3A_621 = vector.broadcast %broadcast_in_dim3A_620 : f32 to vector<16xf32>
        %max3A_622 = arith.constant 1.000000e+00 : f32
        %max3A_623 = vector.broadcast %max3A_622 : f32 to vector<16xf32>
        %max3A_624 = arith.maximumf %add3A_619, %max3A_623 : vector<16xf32>
        %div3A_625 = arith.divf %broadcast_in_dim3A_621, %max3A_624 : vector<16xf32>
        %swap3A_626 = arith.constant 64 : index
        %swap3A_627 = tpu.vector_load %arg7[%swap3A_626] {strides = array<i32>} : memref<80xf32, #tpu.memory_space<vmem>>, vector<16xf32>,
        tpu.vector_store %arg7[%swap3A_626], %div3A_625 {strides = array<i32>} : memref<80xf32, #tpu.memory_space<vmem>>, vector<16xf32>,
        "tpu.region"() ({
          %run_scoped3A = tpu.sem_alloc : memref<!tpu.dma_semaphore, #tpu.memory_space<semaphore_mem>>
          %dma_start3A_628 = tpu.memref_slice %arg3[%mul3A_102] : memref<10000xf32, #tpu.memory_space<hbm>> -> memref<80xf32, #tpu.memory_space<hbm>>
          %dma_start3A_629 = tpu.memref_slice %arg3[%mul3A_102] : memref<10000xf32, #tpu.memory_space<hbm>> -> memref<80xf32, #tpu.memory_space<hbm>>
          tpu.enqueue_dma source(%arg7 : memref<80xf32, #tpu.memory_space<vmem>>) target(%dma_start3A_629 : memref<80xf32, #tpu.memory_space<hbm>>) target_semaphore(%run_scoped3A : memref<!tpu.dma_semaphore, #tpu.memory_space<semaphore_mem>>)
          %dma_wait3A_630 = tpu.memref_slice %arg3[%mul3A_102] : memref<10000xf32, #tpu.memory_space<hbm>> -> memref<80xf32, #tpu.memory_space<hbm>>
          %dma_wait3A_631 = tpu.memref_slice %arg3[%mul3A_102] : memref<10000xf32, #tpu.memory_space<hbm>> -> memref<80xf32, #tpu.memory_space<hbm>>
          tpu.wait_dma2 semaphore(%run_scoped3A : memref<!tpu.dma_semaphore, #tpu.memory_space<semaphore_mem>>) src(%arg7 : memref<80xf32, #tpu.memory_space<vmem>>) dst(%dma_wait3A_631 : memref<80xf32, #tpu.memory_space<hbm>>)
          tpu.yield
        }) : () -> ()
      } else {
      }
    }
    %scan3A_93 = arith.constant 8 : i32
    return
  }
}

module attributes {stable_mosaic.version = 14 : i64} {
  func.func @_dense_body(%arg0: i32, %arg1: memref<2000x128xf32, #tpu.memory_space<vmem>>, %arg2: memref<2000x128xf32, #tpu.memory_space<vmem>>, %arg3: memref<2000x128xf32, #tpu.memory_space<vmem>>, %arg4: memref<128x128xf32, #tpu.memory_space<vmem>>, %arg5: memref<1x128xf32, #tpu.memory_space<vmem>>, %arg6: memref<128x128xf32, #tpu.memory_space<vmem>>, %arg7: memref<2000x128xf32, #tpu.memory_space<vmem>>) attributes {dimension_semantics = [#tpu.dimension_semantics<arbitrary>], iteration_bounds = array<i64: 5>, scalar_prefetch = 0 : i64, scratch_operands = 0 : i64, tpu.core_type = #tpu.core_type<tc>, window_params = [{transform_indices = @transform_0, window_bounds = array<i64: 2000, 128>}, {transform_indices = @transform_1, window_bounds = array<i64: 2000, 128>}, {transform_indices = @transform_2, window_bounds = array<i64: 2000, 128>}, {pipeline_mode = #tpu.pipeline_mode<synchronous>, transform_indices = @transform_3, window_bounds = array<i64: 128, 128>}, {pipeline_mode = #tpu.pipeline_mode<synchronous>, transform_indices = @transform_4, window_bounds = array<i64: 1, 128>}, {pipeline_mode = #tpu.pipeline_mode<synchronous>, transform_indices = @transform_5, window_bounds = array<i64: 128, 128>}, {transform_indices = @transform_6, window_bounds = array<i64: 2000, 128>}]} {
    %get3A = arith.constant 0 : index
    %get3A_0 = arith.constant 0 : index
    %get3A_1 = vector.load %arg1[%get3A, %get3A_0] : memref<2000x128xf32, #tpu.memory_space<vmem>>, vector<2000x128xf32>
    %get3A_2 = arith.constant 0 : index
    %get3A_3 = arith.constant 0 : index
    %get3A_4 = vector.load %arg2[%get3A_2, %get3A_3] : memref<2000x128xf32, #tpu.memory_space<vmem>>, vector<2000x128xf32>
    %add3A = arith.addf %get3A_1, %get3A_4 : vector<2000x128xf32>
    %get3A_5 = arith.constant 0 : index
    %get3A_6 = arith.constant 0 : index
    %get3A_7 = vector.load %arg4[%get3A_5, %get3A_6] : memref<128x128xf32, #tpu.memory_space<vmem>>, vector<128x128xf32>
    %dot_general3A = arith.constant dense<0.000000e+00> : vector<2000x128xf32>
    %dot_general3A_8 = tpu.matmul %add3A, %get3A_7, %dot_general3A {dimension_numbers = #tpu.dot_dimension_numbers<[1], [0], [0], [1], [0, 0, 1, 1], [], []>, transpose_lhs_hint = false} : vector<2000x128xf32>, vector<128x128xf32>, vector<2000x128xf32> -> vector<2000x128xf32>
    %get3A_9 = arith.constant 0 : index
    %get3A_10 = arith.constant 0 : index
    %get3A_11 = vector.load %arg5[%get3A_9, %get3A_10] : memref<1x128xf32, #tpu.memory_space<vmem>>, vector<1x128xf32>
    %add3A_12 = vector.broadcast %get3A_11 : vector<1x128xf32> to vector<2000x128xf32>
    %add3A_13 = arith.addf %dot_general3A_8, %add3A_12 : vector<2000x128xf32>
    %get3A_14 = arith.constant 0 : index
    %get3A_15 = arith.constant 0 : index
    %get3A_16 = vector.load %arg3[%get3A_14, %get3A_15] : memref<2000x128xf32, #tpu.memory_space<vmem>>, vector<2000x128xf32>
    %get3A_17 = arith.constant 0 : index
    %get3A_18 = arith.constant 0 : index
    %get3A_19 = vector.load %arg6[%get3A_17, %get3A_18] : memref<128x128xf32, #tpu.memory_space<vmem>>, vector<128x128xf32>
    %dot_general3A_20 = arith.constant dense<0.000000e+00> : vector<2000x128xf32>
    %dot_general3A_21 = tpu.matmul %get3A_16, %get3A_19, %dot_general3A_20 {dimension_numbers = #tpu.dot_dimension_numbers<[1], [0], [0], [1], [0, 0, 1, 1], [], []>, transpose_lhs_hint = false} : vector<2000x128xf32>, vector<128x128xf32>, vector<2000x128xf32> -> vector<2000x128xf32>
    %add3A_22 = arith.addf %add3A_13, %dot_general3A_21 : vector<2000x128xf32>
    %swap3A = arith.constant 0 : index
    %swap3A_23 = arith.constant 0 : index
    %swap3A_24 = vector.load %arg7[%swap3A, %swap3A_23] : memref<2000x128xf32, #tpu.memory_space<vmem>>, vector<2000x128xf32>
    tpu.vector_store %arg7[%swap3A, %swap3A_23], %add3A_22 {strides = array<i32>} : memref<2000x128xf32, #tpu.memory_space<vmem>>, vector<2000x128xf32>,
    return
  }
  func.func @transform_0(%arg0: i32) -> (i32, i32) {
    %c0_i32 = arith.constant 0 : i32
    %c0_i32_0 = arith.constant 0 : i32
    return %arg0, %c0_i32 : i32, i32
  }
  func.func @transform_1(%arg0: i32) -> (i32, i32) {
    %add3A = arith.constant 5 : i32
    %add3A_0 = arith.addi %arg0, %add3A : i32
    %c0_i32 = arith.constant 0 : i32
    %c0_i32_1 = arith.constant 0 : i32
    return %add3A_0, %c0_i32 : i32, i32
  }
  func.func @transform_2(%arg0: i32) -> (i32, i32) {
    %c0_i32 = arith.constant 0 : i32
    %c0_i32_0 = arith.constant 0 : i32
    return %arg0, %c0_i32 : i32, i32
  }
  func.func @transform_3(%arg0: i32) -> (i32, i32) {
    %c0_i32 = arith.constant 0 : i32
    %c0_i32_0 = arith.constant 0 : i32
    %c0_i32_1 = arith.constant 0 : i32
    return %c0_i32, %c0_i32_0 : i32, i32
  }
  func.func @transform_4(%arg0: i32) -> (i32, i32) {
    %c0_i32 = arith.constant 0 : i32
    %c0_i32_0 = arith.constant 0 : i32
    %c0_i32_1 = arith.constant 0 : i32
    return %c0_i32, %c0_i32_0 : i32, i32
  }
  func.func @transform_5(%arg0: i32) -> (i32, i32) {
    %c0_i32 = arith.constant 0 : i32
    %c0_i32_0 = arith.constant 0 : i32
    %c0_i32_1 = arith.constant 0 : i32
    return %c0_i32, %c0_i32_0 : i32, i32
  }
  func.func @transform_6(%arg0: i32) -> (i32, i32) {
    %c0_i32 = arith.constant 0 : i32
    %c0_i32_0 = arith.constant 0 : i32
    return %arg0, %c0_i32 : i32, i32
  }
}

module attributes {stable_mosaic.version = 14 : i64} {
  func.func @_dense_body(%arg0: i32, %arg1: memref<2000x128xf32, #tpu.memory_space<vmem>>, %arg2: memref<2000x128xf32, #tpu.memory_space<vmem>>, %arg3: memref<2000x128xf32, #tpu.memory_space<vmem>>, %arg4: memref<128x128xf32, #tpu.memory_space<vmem>>, %arg5: memref<1x128xf32, #tpu.memory_space<vmem>>, %arg6: memref<128x128xf32, #tpu.memory_space<vmem>>, %arg7: memref<2000x128xf32, #tpu.memory_space<vmem>>) attributes {dimension_semantics = [#tpu.dimension_semantics<arbitrary>], iteration_bounds = array<i64: 5>, scalar_prefetch = 0 : i64, scratch_operands = 0 : i64, tpu.core_type = #tpu.core_type<tc>, window_params = [{transform_indices = @transform_0, window_bounds = array<i64: 2000, 128>}, {transform_indices = @transform_1, window_bounds = array<i64: 2000, 128>}, {transform_indices = @transform_2, window_bounds = array<i64: 2000, 128>}, {pipeline_mode = #tpu.pipeline_mode<synchronous>, transform_indices = @transform_3, window_bounds = array<i64: 128, 128>}, {pipeline_mode = #tpu.pipeline_mode<synchronous>, transform_indices = @transform_4, window_bounds = array<i64: 1, 128>}, {pipeline_mode = #tpu.pipeline_mode<synchronous>, transform_indices = @transform_5, window_bounds = array<i64: 128, 128>}, {transform_indices = @transform_6, window_bounds = array<i64: 2000, 128>}]} {
    %get3A = arith.constant 0 : index
    %get3A_0 = arith.constant 0 : index
    %get3A_1 = vector.load %arg1[%get3A, %get3A_0] : memref<2000x128xf32, #tpu.memory_space<vmem>>, vector<2000x128xf32>
    %get3A_2 = arith.constant 0 : index
    %get3A_3 = arith.constant 0 : index
    %get3A_4 = vector.load %arg2[%get3A_2, %get3A_3] : memref<2000x128xf32, #tpu.memory_space<vmem>>, vector<2000x128xf32>
    %add3A = arith.addf %get3A_1, %get3A_4 : vector<2000x128xf32>
    %get3A_5 = arith.constant 0 : index
    %get3A_6 = arith.constant 0 : index
    %get3A_7 = vector.load %arg4[%get3A_5, %get3A_6] : memref<128x128xf32, #tpu.memory_space<vmem>>, vector<128x128xf32>
    %dot_general3A = arith.constant dense<0.000000e+00> : vector<2000x128xf32>
    %dot_general3A_8 = tpu.matmul %add3A, %get3A_7, %dot_general3A {dimension_numbers = #tpu.dot_dimension_numbers<[1], [0], [0], [1], [0, 0, 1, 1], [], []>, transpose_lhs_hint = false} : vector<2000x128xf32>, vector<128x128xf32>, vector<2000x128xf32> -> vector<2000x128xf32>
    %get3A_9 = arith.constant 0 : index
    %get3A_10 = arith.constant 0 : index
    %get3A_11 = vector.load %arg5[%get3A_9, %get3A_10] : memref<1x128xf32, #tpu.memory_space<vmem>>, vector<1x128xf32>
    %add3A_12 = vector.broadcast %get3A_11 : vector<1x128xf32> to vector<2000x128xf32>
    %add3A_13 = arith.addf %dot_general3A_8, %add3A_12 : vector<2000x128xf32>
    %get3A_14 = arith.constant 0 : index
    %get3A_15 = arith.constant 0 : index
    %get3A_16 = vector.load %arg3[%get3A_14, %get3A_15] : memref<2000x128xf32, #tpu.memory_space<vmem>>, vector<2000x128xf32>
    %get3A_17 = arith.constant 0 : index
    %get3A_18 = arith.constant 0 : index
    %get3A_19 = vector.load %arg6[%get3A_17, %get3A_18] : memref<128x128xf32, #tpu.memory_space<vmem>>, vector<128x128xf32>
    %dot_general3A_20 = arith.constant dense<0.000000e+00> : vector<2000x128xf32>
    %dot_general3A_21 = tpu.matmul %get3A_16, %get3A_19, %dot_general3A_20 {dimension_numbers = #tpu.dot_dimension_numbers<[1], [0], [0], [1], [0, 0, 1, 1], [], []>, transpose_lhs_hint = false} : vector<2000x128xf32>, vector<128x128xf32>, vector<2000x128xf32> -> vector<2000x128xf32>
    %add3A_22 = arith.addf %add3A_13, %dot_general3A_21 : vector<2000x128xf32>
    %max3A = arith.constant 0.000000e+00 : f32
    %max3A_23 = vector.broadcast %max3A : f32 to vector<2000x128xf32>
    %max3A_24 = arith.maximumf %add3A_22, %max3A_23 : vector<2000x128xf32>
    %swap3A = arith.constant 0 : index
    %swap3A_25 = arith.constant 0 : index
    %swap3A_26 = vector.load %arg7[%swap3A, %swap3A_25] : memref<2000x128xf32, #tpu.memory_space<vmem>>, vector<2000x128xf32>
    tpu.vector_store %arg7[%swap3A, %swap3A_25], %max3A_24 {strides = array<i32>} : memref<2000x128xf32, #tpu.memory_space<vmem>>, vector<2000x128xf32>,
    return
  }
  func.func @transform_0(%arg0: i32) -> (i32, i32) {
    %c0_i32 = arith.constant 0 : i32
    %c0_i32_0 = arith.constant 0 : i32
    return %arg0, %c0_i32 : i32, i32
  }
  func.func @transform_1(%arg0: i32) -> (i32, i32) {
    %add3A = arith.constant 5 : i32
    %add3A_0 = arith.addi %arg0, %add3A : i32
    %c0_i32 = arith.constant 0 : i32
    %c0_i32_1 = arith.constant 0 : i32
    return %add3A_0, %c0_i32 : i32, i32
  }
  func.func @transform_2(%arg0: i32) -> (i32, i32) {
    %c0_i32 = arith.constant 0 : i32
    %c0_i32_0 = arith.constant 0 : i32
    return %arg0, %c0_i32 : i32, i32
  }
  func.func @transform_3(%arg0: i32) -> (i32, i32) {
    %c0_i32 = arith.constant 0 : i32
    %c0_i32_0 = arith.constant 0 : i32
    %c0_i32_1 = arith.constant 0 : i32
    return %c0_i32, %c0_i32_0 : i32, i32
  }
  func.func @transform_4(%arg0: i32) -> (i32, i32) {
    %c0_i32 = arith.constant 0 : i32
    %c0_i32_0 = arith.constant 0 : i32
    %c0_i32_1 = arith.constant 0 : i32
    return %c0_i32, %c0_i32_0 : i32, i32
  }
  func.func @transform_5(%arg0: i32) -> (i32, i32) {
    %c0_i32 = arith.constant 0 : i32
    %c0_i32_0 = arith.constant 0 : i32
    %c0_i32_1 = arith.constant 0 : i32
    return %c0_i32, %c0_i32_0 : i32, i32
  }
  func.func @transform_6(%arg0: i32) -> (i32, i32) {
    %c0_i32 = arith.constant 0 : i32
    %c0_i32_0 = arith.constant 0 : i32
    return %arg0, %c0_i32 : i32, i32
  }
}

</mosaic_0001>

<sc_bundles>
// kernel: kernel.10.cloned.1.call-start
scs
__scs_entry_jumppad:
0x0: {  	(pc) =	sbr.rel $0x88, $3  }
0x1: {  	(tag) =	ssettag $0x0;
	lr =	simm.s32 $0x1  }
0x2: {  	[smem:$0x3F99] =	sst lr;
	_ =	strace $0xD0000000  }
0x3: {  	_ = 	snop  }
0x4: {  	_ = 	snop  }
0x5: {  	_ = 	snop  }
0x6: {  	_ = 	snop  }
0x7: {  	_ = 	snop  }
__scs_overlays_trampoline_lowered:
0x8: {  	[smem:$0x3FA8] =	sst s0  }
0x9: {  	[smem:$0x3FA9] =	sst s1  }
0xa: {  	[smem:$0x3FAA] =	sst s2  }
0xb: {  	[smem:$0x3FAB] =	sst s3  }
0xc: {  	[smem:$0x3FAC] =	sst s4  }
0xd: {  	[smem:$0x3FAD] =	sst s5  }
0xe: {  	[smem:$0x3FAE] =	sst s6  }
0xf: {  	[smem:$0x3FAF] =	sst s7  }
0x10: {  	[smem:$0x3FB0] =	sst s8  }
0x11: {  	[smem:$0x3FB1] =	sst s9;
	s0 =	simm.s32 @!p0 $0x0  }
0x12: {  	s1 =	sld [smem:$0x3F97];
	s0 =	simm.s32 @p0 $0x1  }
0x13: {  	[smem:$0x3FB2] =	sst s0;
	s0 =	simm.s32 @!p1 $0x0  }
0x14: {  	s2 =	sld [smem:$0x3F96];
	s0 =	simm.s32 @p1 $0x1  }
0x15: {  	[smem:$0x3FB3] =	sst s0;
	s0 =	simm.s32 @!p2 $0x0  }
0x16: {  	s3 =	sld [smem:$0x3FDB];
	s0 =	simm.s32 @p2 $0x1  }
0x17: {  	s4 =	simm.s32 $0x1BF5;
	[smem:$0x3FB5] =	sst s0  }
0x18: {  	s0 =	sld [smem:$0x3F98];
	_ =	swait.ge [sflag:s4], $0x0  }
0x19: {  	s7 =	sld [smem:$0x3F99]  }
0x1a: {  	s8 =	sadd.s32 $0xFFFFE003, lr  }
0x1b: {  	s9 =	sadd.s32 $0xFFFFFEF7, lr;
	s5 =	simm.s32 $0xFFFFFFFF;
	p2 =	slt.u32 s8, $0xFFFFF086  }
0x1c: {  	p1 =	slt.u32 s9, $0xF7A;
	s5 =	simm.s32 @!p2 $0x0  }
0x1d: {  	s5 =	simm.s32 @p1 $0x1;
	p0 =	seq.s32 s7, s2  }
0x1e: {  	s7 =	smul.u32 @!p0 $0xF7A, s2;
	p2 =	seq.s32 @!p0 s5, $0x0  }
0x1f: {  	s9 =	smul.u32 $0xF7A, s1;
	s8 =	simm.s32 @!p0 $0x1BF5;
	p2 =	por !p2, p0  }
0x20: {  	[sflag:s8] =	ssyncset.s32 @!p0 $0xFFFFF086;
	s6 =	sadd.s32 @!p0 s3, s7;
	s7 =	simm.s32 @!p0 $0x108  }
0x21: {  	s3 =	sadd.s32 s3, s9;
	s6 =	sadd.s32 @!p0 $0x88, s6;
	s7 =	simm.s32 @p2 $0x1082  }
0x22: {  	[simem:s7], [sflag:s8] =	dma.local @!p0 [hbm:s6], $0xF7A  }
0x23: {  	s9 =	sor.u32 $0xD0000000, s2;
	s6 =	simm.s32 $0x108;
	_ =	swait.ge @!p0 [sflag:s8], $0x0  }
0x24: {  	s3 =	sadd.s32 $0x88, s3;
	s6 =	simm.s32 @!p1 $0x1082;
	[sflag:s4] =	ssyncset.s32 $0xFFFFF086  }
0x25: {  	[simem:s6], [sflag:s4] =	dma.local [hbm:s3], $0xF7A  }
0x26: {  	[smem:$0x3F99] =	sst s1;
	(tag) =	ssettag s2;
	_ =	strace s9  }
0x27: {  	s1 =	sld [smem:$0x3FA9]  }
0x28: {  	s2 =	sld [smem:$0x3FAA]  }
0x29: {  	s4 =	sld [smem:$0x3FAC]  }
0x2a: {  	p0 =	seq.s32 s5, $0x0;
	s5 =	sld [smem:$0x3FAD]  }
0x2b: {  	s6 =	sld [smem:$0x3FAE]  }
0x2c: {  	s7 =	sld [smem:$0x3FAF]  }
0x2d: {  	s3 =	simm.s32 $0x108;
	s8 =	sld [smem:$0x3FB0]  }
0x2e: {  	s3 =	simm.s32 @!p0 $0x1082;
	s9 =	sld [smem:$0x3FB1]  }
0x2f: {  	lr =	sadd.s32 s0, s3;
	s0 =	sld [smem:$0x3FA8]  }
0x30: {  	s3 =	sld [smem:$0x3FAB]  }
0x31: {  	[smem:$0x3FB4] =	sst s10  }
0x32: {  	s10 =	sld [smem:$0x3FB2];
	_ =	sdelay $0x3  }
0x33: {  	p0 =	seq.s32 s10, $0x1;
	s10 =	sld [smem:$0x3FB4];
	_ =	sdelay $0x3  }
0x34: {  	[smem:$0x3FB4] =	sst s10  }
0x35: {  	s10 =	sld [smem:$0x3FB3];
	_ =	sdelay $0x3  }
0x36: {  	p1 =	seq.s32 s10, $0x1;
	s10 =	sld [smem:$0x3FB4];
	_ =	sdelay $0x3  }
0x37: {  	[smem:$0x3FB4] =	sst s10  }
0x38: {  	s10 =	sld [smem:$0x3FB5]  }
0x39: {  	_ = 	snop;
	(pc) =	sbr.ind lr, $3  }
0x3a: {  	_ = 	snop  }
0x3b: {  	_ = 	snop  }
0x3c: {  	p2 =	seq.s32 s10, $0x1;
	s10 =	sld [smem:$0x3FB4]  }
0x3d: {  	_ =	shalt  }
0x3e: {  	_ =	shalt  }
0x3f: {  	_ =	shalt  }
0x40: {  	_ =	shalt  }
0x41: {  	_ =	shalt  }
0x42: {  	_ =	shalt  }
0x43: {  	_ =	shalt  }
0x44: {  	_ =	shalt  }
0x45: {  	_ =	shalt  }
0x46: {  	_ =	shalt  }
0x47: {  	_ =	shalt  }
0x48: {  	_ =	shalt  }
0x49: {  	_ =	shalt  }
0x4a: {  	_ =	shalt  }
0x4b: {  	_ =	shalt  }
0x4c: {  	_ =	shalt  }
0x4d: {  	_ =	shalt  }
0x4e: {  	_ =	shalt  }
0x4f: {  	_ =	shalt  }
0x50: {  	_ =	shalt  }
0x51: {  	_ =	shalt  }
0x52: {  	_ =	shalt  }
0x53: {  	_ =	shalt  }
0x54: {  	_ =	shalt  }
0x55: {  	_ =	shalt  }
0x56: {  	_ =	shalt  }
0x57: {  	_ =	shalt  }
0x58: {  	_ =	shalt  }
0x59: {  	_ =	shalt  }
0x5a: {  	_ =	shalt  }
0x5b: {  	_ =	shalt  }
0x5c: {  	_ =	shalt  }
0x5d: {  	_ =	shalt  }
0x5e: {  	_ =	shalt  }
0x5f: {  	_ =	shalt  }
0x60: {  	_ =	shalt  }
0x61: {  	_ =	shalt  }
0x62: {  	_ =	shalt  }
0x63: {  	_ =	shalt  }
0x64: {  	_ =	shalt  }
0x65: {  	_ =	shalt  }
0x66: {  	_ =	shalt  }
0x67: {  	_ =	shalt  }
0x68: {  	_ =	shalt  }
0x69: {  	_ =	shalt  }
0x6a: {  	_ =	shalt  }
0x6b: {  	_ =	shalt  }
0x6c: {  	_ =	shalt  }
0x6d: {  	_ =	shalt  }
0x6e: {  	_ =	shalt  }
0x6f: {  	_ =	shalt  }
0x70: {  	_ =	shalt  }
0x71: {  	_ =	shalt  }
0x72: {  	_ =	shalt  }
0x73: {  	_ =	shalt  }
0x74: {  	_ =	shalt  }
0x75: {  	_ =	shalt  }
0x76: {  	_ =	shalt  }
0x77: {  	_ =	shalt  }
0x78: {  	_ =	shalt  }
0x79: {  	_ =	shalt  }
0x7a: {  	_ =	shalt  }
0x7b: {  	_ =	shalt  }
0x7c: {  	_ =	shalt  }
0x7d: {  	_ =	shalt  }
0x7e: {  	_ =	shalt  }
0x7f: {  	_ =	shalt  }
0x80: {  	_ =	shalt  }
0x81: {  	_ =	shalt  }
0x82: {  	_ =	shalt  }
0x83: {  	_ =	shalt  }
0x84: {  	_ =	shalt  }
0x85: {  	_ =	shalt  }
0x86: {  	_ =	shalt  }
0x87: {  	_ =	shalt  }
.Lfunc_end0:
.L_simem_size_0:
called_computation.1_lowered:
.L_overlay_start_0:
0x88: {  	s2 =	sld [smem:$0x3FD9]  }
0x89: {  	s3 =	sld [smem:$0x3FFE];
	_ =	sdelay $0x1  }
0x8a: {  	s1 =	srdreg.scid  }
0x8b: {  	s0 =	sand.u32 $0x1, s1  }
0x8c: {  	s17 =	sshll.u32 s0, $0xA;
	s2 =	sadd.s32 s3, s2  }
0x8d: {  	s2 =	sadd.s32 s2, s17  }
0x8e: {  	[smem:$0x3FC0] =	sst s2  }
0x8f: {  	_ = 	snop  }
0x90: {  	s2 =	sld [smem:$0x3FC9];
	(tm) =	ssettm $0x1  }
0x91: {  	s18 =	sld [smem:$0x3FFB];
	_ =	sdelay $0x3  }
0x92: {  	_ =	strace s18  }
0x93: {  	s3 =	sld [smem:$0x3FFC];
	_ =	sdelay $0x3  }
0x94: {  	_ =	strace s3  }
0x95: {  	s3 =	sld [smem:$0x3FFD];
	_ =	sdelay $0x3  }
0x96: {  	_ =	strace s3  }
0x97: {  	_ =	strace $0x8FFFFFFF  }
0x98: {  	s19 =	sld [smem:$0x3FDB];
	_ =	sdelay $0x1  }
0x99: {  	s4 =	simm.s32 $_scs_section_size  }
0x9a: {  	s5 =	simm.s32 $_size__tile_overlayer_lowered;
	s6 =	simm.s32 $_tile_overlayer_lowered  }
0x9b: {  	s22 =	simm.s32 $0x1BFF;
	s21 =	sshll.u32 s6, $0x1;
	s3 =	sadd.s32 s4, s19  }
0x9c: {  	s7 =	simm.s32 $0x0;
	s20 =	sshll.u32 s5, $0x1;
	s5 =	sadd.s32 s21, s3  }
0x9d: {  	[timem:s7], [sflag:s22] =	dma.local [hbm:s5], s20  }
0x9e: {  	_ =	swait.ge [sflag:s22], s20  }
0x9f: {  	s4 =	ssub.s32 $0x0, s20;
	[sflag:s22] =	ssyncset.done $0x0  }
0xa0: {  	[sflag:s22] =	ssyncadd.s32 s4;
	_ =	sdelay $0x1  }
0xa1: {  	s23 =	simm.s32 $0x1B8B  }
0xa2: {  	_ =	swait.ge [sflag:s23], $0x1  }
0xa3: {  	[sflag:s23] =	ssyncset.done $0x0  }
0xa4: {  	s25 =	simm.s32 $0x1B8E;
	s24 =	sld [smem:$0x3FFE];
	[sflag:s23] =	ssyncadd.s32 $0xFFFFFFFF  }
0xa5: {  	s26 =	simm.s32 $execute0_lowered;
	[smem:$0x3FD2] =	sst s25  }
0xa6: {  	s5 =	sshll.u32 s26, $0x1;
	_ =	strace $0x80000049;
	[dreg:$0x1] =	wrdreg $0xFFFFFFFF  }
0xa7: {  	s28 =	simm.s32 $_size_execute0_lowered;
	s3 =	sadd.s32 s3, s5;
	[dreg:$0x0] =	wrdreg $0x0  }
0xa8: {  	s5 =	sshll.u32 s28, $0x1;
	[dreg:$0x2] =	wrdreg s3  }
0xa9: {  	[dreg:$0x3] =	wrdreg s5  }
0xaa: {  	[dreg:$0x4] =	wrdreg $0xC0  }
0xab: {  	_ =	task [dreg:s7], $0x5FFFF  }
0xac: {  	[dreg:$0x1] =	wrdreg $0xFFFFFFFF  }
0xad: {  	[dreg:$0x0] =	wrdreg $0x60  }
0xae: {  	[dreg:$0x2] =	wrdreg s2  }
0xaf: {  	[dreg:$0x3] =	wrdreg s24  }
0xb0: {  	[dreg:$0x4] =	wrdreg $0x9F800  }
0xb1: {  	[dreg:$0x5] =	wrdreg $0x9  }
0xb2: {  	_ =	task.clear_ibuf [dreg:s7], $0x6FFFF;
	_ =	strace $0x90000049  }
0xb3: {  	s29 =	simm.s32 $0x9;
	_ =	strace $0x8000004B  }
0xb4: {  	_ =	swait.ge [sflag:s29], $0x1  }
0xb5: {  	[sflag:s29] =	ssyncadd.s32 $0xFFFFFFFF  }
0xb6: {  	_ =	strace $0x9000004B  }
0xb7: {  	_ =	sfence  }
0xb8: {  	s30 =	sld [smem:$0x0];
	_ =	sdelay $0x2  }
0xb9: {  	s31 =	sshll.u32 s1, $0xD;
	s1 =	sshrl.u32 s1, $0x2  }
0xba: {  	s3 =	sand.u32 $0x4000, s31;
	s1 =	sadd.s32 s1, s30  }
0xbb: {  	s0 =	sor.u32 s3, s0;
	s1 =	sshll.u32 s1, $0x11  }
0xbc: {  	s0 =	sor.u32 s1, s0  }
0xbd: {  	s0 =	sadd.s32 $0x8F2B, s0  }
0xbe: {  	[sflag:s0] =	ssyncadd.remote.s32 $0x1  }
0xbf: {  	_ =	sfence.sel $0xFFFF  }
0xc0: {  	[dreg:$0x0] =	wrdreg $0xFFFFFFFF;
	(pc) =	sbr.abs _section_cstart, $3  }
0xc1: {  	[dreg:$0x1] =	wrdreg $0xFFFFFFFF  }
0xc2: {  	_ =	task.clear_ibuf [dreg:s7], $0x2FFFF;
	_ =	strace $0x9FFFFFFF  }
0xc3: {  	(tm) =	ssettm $0x7FFFFFFF  }
tec
execute0_lowered:
.L_overlay_start_1:
0x0: {  	(tag) =	ssettag $0x1  }
0x1: {  	s1 =	rddreg [dreg:$0x0]  }
0x2: {  	s0 =	rddreg [dreg:$0x1]  }
0x3: {  	s2 =	rddreg [dreg:$0x2];
	s3 =	simm.s32 $0x0;
	s4 =	srdreg.scid  }
0x4: {  	s16 =	stileid.u32;
	s17 =	stileid.u32;
	s28 =	simm.s32 $0x1  }
0x5: {  	s29 =	simm.s32 $0x1100;
	s30 =	simm.s32 $0x6300;
	s31 =	simm.s32 $0x1180  }
0x6: {  	s14 =	simm.s32 $0x8B00;
	[smem:$0x7FF] =	sst s3;
	s5 =	sadd.s32 $0xBE00, s0  }
0x7: {  	s6 =	sadd.s32 $0x2000, s0;
	s10 =	sand.u32 $0x1, s4;
	s15 =	sadd.s32 $0x15C00, s0  }
0x8: {  	s12 =	smul.u32 $0xA000, s17;
	s0 =	sadd.s32 $0x16200, s0;
	s13 =	sor.u32 $0x70, s17  }
0x9: {  	s4 =	simm.s32 $0x0;
	_ =	strace $0x8000004A;
	[dreg:$0x4] =	wrdreg s15  }
0xa: {  	s8 =	sshll.u32 s10, $0x4;
	s11 =	ssub.s32 $0x2, s10;
	[dreg:$0x5] =	wrdreg s0  }
0xb: {  	s10 =	smul.u32 $0x2710, s10;
	s18 =	sshrl.u32 s11, $0x1;
	s12 =	sshrl.u32 s12, $0x2  }
0xc: {  	s20 =	smul.u32 $0xA000, s13;
	s0 =	ssub.s32 s11, s18;
	s19 =	sadd.s32 s12, s2  }
0xd: {  	p0 =	sgt.u32 s13, $0x7C;
	s0 =	smax.u32 s0, $0x1;
	[dreg:$0x6] =	wrdreg s19  }
0xe: {  	s13 =	simm.s32 $0x4;
	s21 =	sadd.s32 $0x28000, s19;
	[dreg:$0x7] =	wrdreg s0  }
0xf: {  	s15 =	simm.s32 $0x9F00;
	s22 =	sadd.s32 $0x50000, s19;
	[dreg:$0x8] =	wrdreg s21  }
0x10: {  	s9 =	sor.u32 s16, s8;
	s23 =	sadd.s32 $0x78000, s19;
	[dreg:$0x9] =	wrdreg s22  }
0x11: {  	s9 =	smul.u32 $0x2710, s9;
	s24 =	sadd.s32 $0xA0000, s19;
	[dreg:$0xa] =	wrdreg s23  }
0x12: {  	s25 =	sshrl.u32 s20, $0x2;
	s26 =	sadd.s32 $0xC8000, s19;
	[dreg:$0xb] =	wrdreg s24  }
.Ltmp0:
0x13: {  	s3 =	sadd.s32 $0xF0000, s19;
	[dreg:$0xc] =	wrdreg s26;
	(pc) =	sbr.rel .LBB2_1-.Ltmp0, $4  }
0x14: {  	s20 =	simm.s32 $0x1300;
	s12 =	simm.s32 $0x6;
	[dreg:$0xd] =	wrdreg s3  }
0x15: {  	s0 =	sadd.s32 s25, s2;
	s21 =	simm.s32 $0x7;
	s22 =	simm.s32 $0x800  }
0x16: {  	s23 =	simm.s32 $0x50;
	s24 =	simm.s32 $0x1000;
	s25 =	simm.s32 $0x1080  }
0x17: {  	v0 =	vimm.f32 $0.0e+00;
	s26 =	simm.s32 $0x3B00;
	[dreg:$0xe] =	wrdreg s0;
	s0 =	simm.s32 $0x5  }
.LBB2_17:
0x18: {  	_ =	swait.ge [sflag:s13], $0x1400  }
0x19: {  	s4 =	rddreg [dreg:$0xf]  }
0x1a: {  	s3 =	rddreg [dreg:$0x7];
	s4 =	sadd.s32 $0x1, s4  }
0x1b: {  	p1 =	sne.s32 s4, s3  }
.Ltmp1:
0x1c: {  	_ = 	snop;
	(pc) =	sbr.rel @!p1 .LBB2_18-.Ltmp1, $3  }
0x1d: {  	_ =	sdelay $0x1  }
0x1e: {  	[sflag:s13] =	ssyncset.done $0x0  }
0x1f: {  	[sflag:s13] =	ssyncadd.s32 $0xFFFFEC00  }
.LBB2_1:
0x20: {  	s11 =	simm.s32 $0x0;
	s16 =	simm.s32 $0x200  }
.LBB2_2:
0x21: {  	p1 =	sne.s32 s16, $0x9E00;
	[tilespmem:s11+$0x1370] =	vst v0  }
0x22: {  	[tilespmem:s11+$0x1300] =	vst v0  }
0x23: {  	[tilespmem:s11+$0x1310] =	vst v0  }
.Ltmp2:
0x24: {  	[tilespmem:s11+$0x1320] =	vst v0;
	(pc) =	sbr.rel @p1 .LBB2_2-.Ltmp2, $4  }
0x25: {  	[tilespmem:s11+$0x1330] =	vst v0  }
0x26: {  	[tilespmem:s11+$0x1340] =	vst v0  }
0x27: {  	[tilespmem:s11+$0x1350] =	vst v0  }
0x28: {  	[tilespmem:s11+$0x1360] =	vst v0;
	s11 =	sshra.s32 s16, $0x2;
	s16 =	sadd.s32 $0x200, s16  }
0x29: {  	[tilespmem:s11+$0x1370] =	vst v0  }
0x2a: {  	[tilespmem:s11+$0x1300] =	vst v0  }
0x2b: {  	[tilespmem:s11+$0x1310] =	vst v0  }
0x2c: {  	[tilespmem:s11+$0x1320] =	vst v0  }
0x2d: {  	[tilespmem:s11+$0x1330] =	vst v0  }
0x2e: {  	[tilespmem:s11+$0x1340] =	vst v0  }
0x2f: {  	[dreg:$0xf] =	wrdreg s4;
	[tilespmem:s11+$0x1350] =	vst v0  }
0x30: {  	[tilespmem:s11+$0x1360] =	vst v0;
	s3 =	rddreg [dreg:$0x6]  }
0x31: {  	[spmem:s3] =	stream.linear.scatter [tilespmem:s20], [sflag:$0x7], $0x2800, $0x38;
	[tilespmem:$0x1D800] =	vst v63  }
0x32: {  	_ =	swait.ge [sflag:s21], $0x2800  }
0x33: {  	[sflag:s21] =	ssyncset.done $0x0  }
0x34: {  	s8 =	rddreg [dreg:$0x8];
	[sflag:s21] =	ssyncadd.s32 $0xFFFFD800  }
0x35: {  	[spmem:s8] =	stream.linear.scatter [tilespmem:s20], [sflag:$0x7], $0x2800, $0x38;
	[tilespmem:$0x1D800] =	vst v63  }
0x36: {  	_ =	swait.ge [sflag:s21], $0x2800  }
0x37: {  	[sflag:s21] =	ssyncset.done $0x0  }
0x38: {  	s11 =	rddreg [dreg:$0x9];
	[sflag:s21] =	ssyncadd.s32 $0xFFFFD800  }
0x39: {  	[spmem:s11] =	stream.linear.scatter [tilespmem:s20], [sflag:$0x7], $0x2800, $0x38;
	[tilespmem:$0x1D800] =	vst v63  }
0x3a: {  	_ =	swait.ge [sflag:s21], $0x2800  }
0x3b: {  	[sflag:s21] =	ssyncset.done $0x0  }
0x3c: {  	s16 =	rddreg [dreg:$0xa];
	[sflag:s21] =	ssyncadd.s32 $0xFFFFD800  }
0x3d: {  	[spmem:s16] =	stream.linear.scatter [tilespmem:s20], [sflag:$0x7], $0x2800, $0x38;
	[tilespmem:$0x1D800] =	vst v63  }
0x3e: {  	_ =	swait.ge [sflag:s21], $0x2800  }
0x3f: {  	[sflag:s21] =	ssyncset.done $0x0  }
0x40: {  	s17 =	rddreg [dreg:$0xb];
	[sflag:s21] =	ssyncadd.s32 $0xFFFFD800  }
0x41: {  	[spmem:s17] =	stream.linear.scatter [tilespmem:s20], [sflag:$0x7], $0x2800, $0x38;
	[tilespmem:$0x1D800] =	vst v63  }
0x42: {  	_ =	swait.ge [sflag:s21], $0x2800  }
0x43: {  	[sflag:s21] =	ssyncset.done $0x0  }
0x44: {  	s18 =	rddreg [dreg:$0xc];
	[sflag:s21] =	ssyncadd.s32 $0xFFFFD800  }
0x45: {  	[spmem:s18] =	stream.linear.scatter [tilespmem:s20], [sflag:$0x7], $0x2800, $0x38;
	[tilespmem:$0x1D800] =	vst v63  }
0x46: {  	_ =	swait.ge [sflag:s21], $0x2800  }
0x47: {  	[sflag:s21] =	ssyncset.done $0x0  }
0x48: {  	s19 =	rddreg [dreg:$0xd];
	[sflag:s21] =	ssyncadd.s32 $0xFFFFD800  }
0x49: {  	[spmem:s19] =	stream.linear.scatter [tilespmem:s20], [sflag:$0x7], $0x2800, $0x38;
	[tilespmem:$0x1D800] =	vst v63  }
0x4a: {  	_ =	swait.ge [sflag:s21], $0x2800  }
0x4b: {  	[sflag:s21] =	ssyncset.done $0x0  }
0x4c: {  	s11 =	simm.s32 @!p0 $0x1300;
	s3 =	rddreg [dreg:$0xe];
	[sflag:s21] =	ssyncadd.s32 $0xFFFFD800  }
0x4d: {  	[spmem:s3] =	stream.linear.scatter @!p0 [tilespmem:s11], [sflag:$0x7], $0x2800, $0x38;
	[tilespmem:$0x1D800] =	vst v63  }
0x4e: {  	s11 =	simm.s32 @!p0 $0x7  }
.Ltmp3:
0x4f: {  	_ =	swait.ge @!p0 [sflag:s11], $0x2800;
	(pc) =	sbr.rel .LBB2_4-.Ltmp3, $4  }
0x50: {  	[sflag:s11] =	ssyncset.done @!p0 $0x0  }
0x51: {  	[sflag:s11] =	ssyncadd.s32 @!p0 $0xFFFFD800  }
0x52: {  	[bflag:$0x0] =	sbarrier.arrive $0xFFFF  }
0x53: {  	s17 =	simm.s32 $0x0;
	s18 =	simm.s32 $0x0  }
.LBB2_7:
0x54: {  	[spmem:s2] =	stream.indirect.scatter.add.f32 [tilespmem:s20], [sflag:$0x4], $0x80, s31, s23, $0xb8;
	[tilespmem:$0x1D800] =	vst v63  }
.LBB2_10:
0x55: {  	_ =	swait.ge [sflag:s0], $0x2800  }
0x56: {  	[sflag:s0] =	ssyncset.done $0x0  }
0x57: {  	s18 =	sadd.s32 $0x1, s18;
	[sflag:s0] =	ssyncadd.s32 $0xFFFFD800  }
0x58: {  	p1 =	sne.s32 s18, $0x5;
	_ =	swait.ge [sflag:s12], $0x2800  }
.Ltmp4:
0x59: {  	[sflag:s12] =	ssyncset.done $0x0;
	(pc) =	sbr.rel @!p1 .LBB2_11-.Ltmp4, $4  }
0x5a: {  	[sflag:s12] =	ssyncadd.s32 $0xFFFFD800  }
0x5b: {  	_ =	swait.ge [sflag:s13], $0x2800  }
0x5c: {  	[sflag:s13] =	ssyncset.done $0x0  }
0x5d: {  	[sflag:s13] =	ssyncadd.s32 $0xFFFFD800  }
.LBB2_4:
0x5e: {  	s11 =	smul.u32 $0x7D0, s18;
	_ =	sdelay $0x1  }
0x5f: {  	s11 =	sadd.s32 s9, s11  }
0x60: {  	s11 =	sshrl.u32 s11, $0x3  }
0x61: {  	s16 =	sadd.s32 s5, s11  }
0x62: {  	[tilespmem:s17], [sflag:$0x7] =	stream.linear.gather [hbm4b:s16+s17], $0x7D0, $0x38;
	[tilespmem:$0x1D800] =	vst v63  }
0x63: {  	_ =	swait.ge [sflag:s21], $0x7D0  }
0x64: {  	[sflag:s21] =	ssyncset.done $0x0  }
0x65: {  	s11 =	sadd.s32 s6, s11;
	[sflag:s21] =	ssyncadd.s32 $0xFFFFF830  }
0x66: {  	[tilespmem:s22], [sflag:$0x7] =	stream.linear.gather [hbm4b:s11+s17], $0x7D0, $0x38;
	[tilespmem:$0x1D800] =	vst v63  }
0x67: {  	_ =	swait.ge [sflag:s21], $0x7D0  }
0x68: {  	[sflag:s21] =	ssyncset.done $0x0  }
0x69: {  	[sflag:s21] =	ssyncadd.s32 $0xFFFFF830  }
0x6a: {  	v1 =	vld [tilespmem:$0x0]  }
0x6b: {  	v2 =	vld [tilespmem:$0x800]  }
0x6c: {  	v3 =	vld [tilespmem:$0x10]  }
0x6d: {  	v4 =	vld [tilespmem:$0x810]  }
0x6e: {  	v5 =	vld [tilespmem:$0x20]  }
0x6f: {  	v58 =	vld [tilespmem:$0x40];
	[tilespmem:$0x1000] =	vst v1  }
0x70: {  	v59 =	vld [tilespmem:$0x840];
	[tilespmem:$0x1180] =	vst v2  }
0x71: {  	v1 =	vld [tilespmem:$0x820];
	[tilespmem:$0x1010] =	vst v3  }
0x72: {  	v2 =	vld [tilespmem:$0x30];
	[tilespmem:$0x1190] =	vst v4  }
0x73: {  	v3 =	vld [tilespmem:$0x830];
	[tilespmem:$0x1020] =	vst v5  }
0x74: {  	[tilespmem:$0x1040] =	vst v58  }
0x75: {  	[tilespmem:$0x11C0] =	vst v59  }
0x76: {  	[tilespmem:$0x11A0] =	vst v1  }
0x77: {  	[tilespmem:$0x1030] =	vst v2  }
0x78: {  	[tilespmem:$0x11B0] =	vst v3  }
0x79: {  	[tilespmem:s20], [sflag:$0x1] =	stream.indirect.gather [hbm4b:s1+s23], $0x80, s24, s23, $0xb8;
	[tilespmem:$0x1D800] =	vst v63  }
0x7a: {  	v1 =	vld [tilespmem:$0x50]  }
0x7b: {  	v2 =	vld [tilespmem:$0x850]  }
0x7c: {  	v3 =	vld [tilespmem:$0x60]  }
0x7d: {  	v60 =	vld [tilespmem:$0x860]  }
0x7e: {  	v61 =	vld [tilespmem:$0x70]  }
0x7f: {  	v62 =	vld [tilespmem:$0x90];
	[tilespmem:$0x1080] =	vst v1  }
0x80: {  	v63 =	vld [tilespmem:$0x890];
	[tilespmem:$0x1200] =	vst v2  }
0x81: {  	v1 =	vld [tilespmem:$0x870];
	[tilespmem:$0x1090] =	vst v3  }
0x82: {  	v2 =	vld [tilespmem:$0x80];
	[tilespmem:$0x1210] =	vst v60  }
0x83: {  	v3 =	vld [tilespmem:$0x880];
	[tilespmem:$0x10A0] =	vst v61  }
0x84: {  	[tilespmem:$0x10C0] =	vst v62  }
.Ltmp5:
0x85: {  	[tilespmem:$0x1240] =	vst v63;
	(pc) =	sbr.rel .LBB2_5-.Ltmp5, $4  }
0x86: {  	[tilespmem:$0x1220] =	vst v1  }
0x87: {  	[tilespmem:$0x10B0] =	vst v2  }
0x88: {  	s19 =	simm.s32 $0x8C0;
	s16 =	simm.s32 $0x0;
	s11 =	simm.s32 $0xC0;
	[tilespmem:$0x1230] =	vst v3  }
0x89: {  	[tilespmem:s26], [sflag:$0x2] =	stream.indirect.gather [hbm4b:s1+s23], $0x80, s25, s23, $0xb8;
	[tilespmem:$0x1D800] =	vst v63  }
.LBB2_8:
0x8a: {  	_ =	swait.ge [sflag:s12], $0x2800  }
0x8b: {  	[sflag:s12] =	ssyncset.done $0x0  }
0x8c: {  	[sflag:s12] =	ssyncadd.s32 $0xFFFFD800  }
.LBB2_9:
0x8d: {  	v1 =	vld [tilespmem:s11+$0xFFFFFFE0];
	_ =	sdelay $0x4  }
0x8e: {  	[tilespmem:$0x1100] =	vst v1  }
0x8f: {  	v1 =	vld [tilespmem:s19+$0xFFFFFFE0];
	_ =	sdelay $0x4  }
0x90: {  	[tilespmem:$0x1280] =	vst v1  }
0x91: {  	v1 =	vld [tilespmem:s11+$0xFFFFFFF0];
	_ =	sdelay $0x4  }
0x92: {  	[tilespmem:$0x1110] =	vst v1  }
0x93: {  	v1 =	vld [tilespmem:s19+$0xFFFFFFF0];
	_ =	sdelay $0x4  }
0x94: {  	[tilespmem:$0x1290] =	vst v1  }
0x95: {  	v1 =	vld [tilespmem:s11+$0x0];
	_ =	sdelay $0x4  }
0x96: {  	[tilespmem:$0x1120] =	vst v1  }
0x97: {  	v1 =	vld [tilespmem:s19+$0x0];
	_ =	sdelay $0x4  }
0x98: {  	[tilespmem:$0x12A0] =	vst v1  }
0x99: {  	v1 =	vld [tilespmem:s11+$0x10];
	_ =	sdelay $0x4  }
0x9a: {  	[tilespmem:$0x1130] =	vst v1  }
0x9b: {  	v1 =	vld [tilespmem:s19+$0x10];
	_ =	sdelay $0x4  }
0x9c: {  	[tilespmem:$0x12B0] =	vst v1  }
0x9d: {  	v1 =	vld [tilespmem:s11+$0x20];
	_ =	sdelay $0x4  }
0x9e: {  	[tilespmem:$0x1140] =	vst v1  }
0x9f: {  	v1 =	vld [tilespmem:s19+$0x20];
	_ =	sdelay $0x4  }
0xa0: {  	p1 =	seq.s32 s16, $0x8;
	[tilespmem:$0x12C0] =	vst v1  }
0xa1: {  	[tilespmem:s30], [sflag:$0x3] =	stream.indirect.gather [hbm4b:s1+s23], $0x80, s29, s23, $0xb8;
	[tilespmem:$0x1D800] =	vst v63  }
0xa2: {  	s3 =	simm.s32 @!p1 $0x2  }
0xa3: {  	[spmem:s2] =	stream.indirect.scatter.add.f32 [tilespmem:s20], [sflag:$0x4], $0x80, s31, s23, $0xb8;
	[tilespmem:$0x1D800] =	vst v63  }
0xa4: {  	_ =	swait.ge @!p1 [sflag:s3], $0x2800  }
0xa5: {  	[sflag:s3] =	ssyncset.done @!p1 $0x0  }
0xa6: {  	[sflag:s3] =	ssyncadd.s32 @!p1 $0xFFFFD800;
	s3 =	simm.s32 @!p1 $0x4  }
0xa7: {  	_ =	swait.ge @!p1 [sflag:s3], $0x2800  }
0xa8: {  	[sflag:s3] =	ssyncset.done @!p1 $0x0  }
0xa9: {  	[sflag:s3] =	ssyncadd.s32 @!p1 $0xFFFFD800  }
0xaa: {  	v1 =	vld @!p1 [tilespmem:s11+$0x30];
	_ =	sdelay $0x4  }
0xab: {  	[tilespmem:$0x1000] =	vst @!p1 v1  }
0xac: {  	v1 =	vld @!p1 [tilespmem:s19+$0x30];
	_ =	sdelay $0x4  }
0xad: {  	[tilespmem:$0x1180] =	vst @!p1 v1  }
0xae: {  	v1 =	vld @!p1 [tilespmem:s11+$0x40];
	_ =	sdelay $0x4  }
0xaf: {  	[tilespmem:$0x1010] =	vst @!p1 v1  }
0xb0: {  	v1 =	vld @!p1 [tilespmem:s19+$0x40];
	_ =	sdelay $0x4  }
0xb1: {  	[tilespmem:$0x1190] =	vst @!p1 v1  }
0xb2: {  	v1 =	vld @!p1 [tilespmem:s11+$0x50];
	_ =	sdelay $0x4  }
0xb3: {  	[tilespmem:$0x1020] =	vst @!p1 v1  }
0xb4: {  	v1 =	vld @!p1 [tilespmem:s19+$0x50];
	_ =	sdelay $0x4  }
0xb5: {  	[tilespmem:$0x11A0] =	vst @!p1 v1  }
0xb6: {  	v1 =	vld @!p1 [tilespmem:s11+$0x60];
	_ =	sdelay $0x4  }
0xb7: {  	[tilespmem:$0x1030] =	vst @!p1 v1  }
0xb8: {  	v1 =	vld @!p1 [tilespmem:s19+$0x60];
	_ =	sdelay $0x4  }
0xb9: {  	[tilespmem:$0x11B0] =	vst @!p1 v1  }
0xba: {  	v1 =	vld @!p1 [tilespmem:s11+$0x70];
	_ =	sdelay $0x4  }
0xbb: {  	[tilespmem:$0x1040] =	vst @!p1 v1  }
0xbc: {  	v1 =	vld @!p1 [tilespmem:s19+$0x70];
	_ =	sdelay $0x4  }
0xbd: {  	s4 =	simm.s32 @!p1 $0x1000;
	s7 =	simm.s32 @!p1 $0x1300;
	s3 =	simm.s32 @!p1 $0x50;
	[tilespmem:$0x11C0] =	vst @!p1 v1  }
0xbe: {  	[tilespmem:s7], [sflag:$0x1] =	stream.indirect.gather @!p1 [hbm4b:s1+s3], $0x80, s4, s3, $0xb8;
	[tilespmem:$0x1D800] =	vst v63  }
0xbf: {  	s4 =	simm.s32 @!p1 $0x1200;
	s7 =	simm.s32 @!p1 $0x3B00  }
0xc0: {  	[spmem:s2] =	stream.indirect.scatter.add.f32 @!p1 [tilespmem:s7], [sflag:$0x5], $0x80, s4, s3, $0xb8;
	[tilespmem:$0x1D800] =	vst v63  }
0xc1: {  	s4 =	simm.s32 @!p1 $0x3  }
0xc2: {  	p2 =	sgt.u32 @!p1 s16, $0x6;
	_ =	swait.ge @!p1 [sflag:s4], $0x2800  }
0xc3: {  	p2 =	por p2, p1;
	[sflag:s4] =	ssyncset.done @!p1 $0x0  }
0xc4: {  	[sflag:s4] =	ssyncadd.s32 @!p1 $0xFFFFD800;
	s4 =	simm.s32 @!p2 $0x5  }
0xc5: {  	_ =	swait.ge @!p2 [sflag:s4], $0x2800  }
0xc6: {  	[sflag:s4] =	ssyncset.done @!p2 $0x0  }
0xc7: {  	[sflag:s4] =	ssyncadd.s32 @!p2 $0xFFFFD800  }
0xc8: {  	v1 =	vld @!p2 [tilespmem:s11+$0x80];
	_ =	sdelay $0x4  }
0xc9: {  	[tilespmem:$0x1080] =	vst @!p2 v1  }
0xca: {  	v1 =	vld @!p2 [tilespmem:s19+$0x80];
	_ =	sdelay $0x4  }
0xcb: {  	[tilespmem:$0x1200] =	vst @!p2 v1  }
0xcc: {  	v1 =	vld @!p2 [tilespmem:s11+$0x90];
	_ =	sdelay $0x4  }
0xcd: {  	[tilespmem:$0x1090] =	vst @!p2 v1  }
0xce: {  	v1 =	vld @!p2 [tilespmem:s19+$0x90];
	_ =	sdelay $0x4  }
0xcf: {  	[tilespmem:$0x1210] =	vst @!p2 v1  }
0xd0: {  	v1 =	vld @!p2 [tilespmem:s11+$0xA0];
	_ =	sdelay $0x4  }
0xd1: {  	[tilespmem:$0x10A0] =	vst @!p2 v1  }
0xd2: {  	v1 =	vld @!p2 [tilespmem:s19+$0xA0];
	_ =	sdelay $0x4  }
0xd3: {  	[tilespmem:$0x1220] =	vst @!p2 v1  }
0xd4: {  	v1 =	vld @!p2 [tilespmem:s11+$0xB0];
	_ =	sdelay $0x4  }
0xd5: {  	[tilespmem:$0x10B0] =	vst @!p2 v1  }
0xd6: {  	v1 =	vld @!p2 [tilespmem:s19+$0xB0];
	_ =	sdelay $0x4  }
0xd7: {  	[tilespmem:$0x1230] =	vst @!p2 v1  }
0xd8: {  	v1 =	vld @!p2 [tilespmem:s11+$0xC0];
	_ =	sdelay $0x4  }
0xd9: {  	[tilespmem:$0x10C0] =	vst @!p2 v1  }
0xda: {  	v1 =	vld @!p2 [tilespmem:s19+$0xC0];
	_ =	sdelay $0x3  }
0xdb: {  	s16 =	sadd.s32 @!p1 $0x1, s16  }
0xdc: {  	s8 =	simm.s32 @!p2 $0x3B00;
	s7 =	simm.s32 @!p2 $0x1080;
	s4 =	simm.s32 @!p2 $0x50;
	[tilespmem:$0x1240] =	vst @!p2 v1  }
0xdd: {  	[tilespmem:s8], [sflag:$0x2] =	stream.indirect.gather @!p2 [hbm4b:s1+s4], $0x80, s7, s4, $0xb8;
	[tilespmem:$0x1D800] =	vst v63  }
0xde: {  	p2 =	sne.s32 @!p1 s16, $0x9  }
0xdf: {  	p2 =	por p1, !p2  }
.Ltmp6:
0xe0: {  	_ = 	snop;
	(pc) =	sbr.rel @p2 .LBB2_10-.Ltmp6, $4  }
0xe1: {  	_ = 	snop  }
0xe2: {  	s11 =	sadd.s32 @!p1 $0xF0, s11  }
0xe3: {  	s19 =	sadd.s32 @!p1 $0xF0, s19;
	s4 =	simm.s32 @!p1 $0x1280;
	s7 =	simm.s32 @!p1 $0x6300  }
0xe4: {  	[spmem:s2] =	stream.indirect.scatter.add.f32 @!p1 [tilespmem:s7], [sflag:$0x6], $0x80, s4, s3, $0xb8;
	[tilespmem:$0x1D800] =	vst v63  }
.LBB2_5:
0xe5: {  	p1 =	seq.s32 s16, $0x0  }
.Ltmp7:
0xe6: {  	_ = 	snop;
	(pc) =	sbr.rel @p1 .LBB2_9-.Ltmp7, $4  }
0xe7: {  	_ = 	snop  }
0xe8: {  	_ =	swait.ge [sflag:s28], $0x2800  }
0xe9: {  	[sflag:s28] =	ssyncset.done $0x0  }
0xea: {  	[sflag:s28] =	ssyncadd.s32 $0xFFFFD800  }
0xeb: {  	p1 =	sne.s32 s16, $0x8  }
.Ltmp8:
0xec: {  	_ = 	snop;
	(pc) =	sbr.rel @p1 .LBB2_8-.Ltmp8, $4  }
.Ltmp9:
0xed: {  	_ = 	snop;
	(pc) =	sbr.rel @!p1 .LBB2_7-.Ltmp9, $4  }
0xee: {  	_ = 	snop  }
0xef: {  	_ = 	snop  }
0xf0: {  	_ = 	snop  }
0xf1: {  	_ = 	snop  }
.LBB2_11:
.Ltmp10:
0xf2: {  	(pc) =	sbr.rel .LBB2_12-.Ltmp10, $3  }
0xf3: {  	_ =	sdelay $0x1  }
0xf4: {  	[bflag:$0x0] =	sbarrier.arrive $0xFFFF  }
0xf5: {  	s11 =	simm.s32 $0x0;
	s7 =	simm.s32 $0x0;
	s8 =	stileid.u32  }
.LBB2_16:
0xf6: {  	s11 =	sadd.s32 $0x1, s11  }
0xf7: {  	p1 =	sne.s32 s11, $0x10  }
.Ltmp11:
0xf8: {  	_ = 	snop;
	(pc) =	sbr.rel @!p1 .LBB2_17-.Ltmp11, $1  }
0xf9: {  	_ =	sdelay $0x3  }
.LBB2_12:
0xfa: {  	s3 =	sshll.u32 s11, $0x4  }
0xfb: {  	s16 =	sor.u32 s8, s3  }
0xfc: {  	p1 =	sgt.u32 s16, $0xF9  }
.Ltmp12:
0xfd: {  	_ = 	snop;
	(pc) =	sbr.rel @p1 .LBB2_16-.Ltmp12, $1  }
0xfe: {  	_ =	sdelay $0x3  }
0xff: {  	p1 =	seq.s32 s11, $0x0  }
0x100: {  	s4 =	smul.u32 $0x5000, s16;
	s3 =	simm.s32 @!p1 $0x4  }
0x101: {  	_ =	swait.ge @!p1 [sflag:s3], $0x1400  }
0x102: {  	s4 =	sshra.s32 s4, $0x2;
	[sflag:s3] =	ssyncset.done @!p1 $0x0  }
0x103: {  	s16 =	smul.u32 $0x28, s16;
	s4 =	sadd.s32 s4, s2;
	[sflag:s3] =	ssyncadd.s32 @!p1 $0xFFFFEC00  }
0x104: {  	[tilespmem:s14], [sflag:$0x7] =	stream.linear.gather [spmem:s4], $0x1400, $0x38;
	[tilespmem:$0x1D800] =	vst v63  }
0x105: {  	_ =	swait.ge [sflag:s21], $0x1400  }
0x106: {  	s17 =	sshrl.u32 s16, $0x3;
	[sflag:s21] =	ssyncset.done $0x0;
	s18 =	rddreg [dreg:$0x4]  }
0x107: {  	s19 =	simm.s32 $0x0;
	[sflag:s21] =	ssyncadd.s32 $0xFFFFEC00;
	s3 =	sadd.s32 s18, s17  }
0x108: {  	[tilespmem:s15], [sflag:$0x7] =	stream.linear.gather [hbm4b:s3+s19], $0x28, $0x38;
	[tilespmem:$0x1D800] =	vst v63  }
0x109: {  	_ =	swait.ge [sflag:s21], $0x28  }
0x10a: {  	v1 =	vmov s19;
	[sflag:s21] =	ssyncset.done $0x0  }
0x10b: {  	s17 =	simm.s32 $0x8B40;
	[sflag:s21] =	ssyncadd.s32 $0xFFFFFFD8  }
0x10c: {  	v5 =	vld [tilespmem:s17+$0x30]  }
0x10d: {  	v8 =	vld [tilespmem:s17+$0x10]  }
0x10e: {  	v6 =	vld [tilespmem:s17+$0xFFFFFFC0]  }
0x10f: {  	v2 =	vld.idx.msk [tilespmem:v1+s15+$0x0], $0xffff  }
0x110: {  	v10 =	vld [tilespmem:s17+$0xFFFFFFE0]  }
0x111: {  	v1 =	vld [tilespmem:s17+$0xFFFFFFF0]  }
0x112: {  	v3 =	vld [tilespmem:s17+$0x20]  }
0x113: {  	v4 =	vld [tilespmem:s17+$0xFFFFFFD0]  }
0x114: {  	v9 =	vmul.f32 v5, v2;
	v5 =	vld [tilespmem:s17+$0x0]  }
0x115: {  	v7 =	vmul.f32 v6, v2  }
0x116: {  	s18 =	simm.s32 $0x1;
	s19 =	simm.s32 $0x8B40;
	v6 =	vmul.f32 v10, v2;
	v8 =	vmul.f32 v8, v2  }
.LBB2_14:
0x117: {  	p1 =	sne.s32 s18, $0x27  }
0x118: {  	v4 =	vmul.f32 v4, v2;
	v3 =	vmul.f32 v3, v2;
	[tilespmem:s17+$0x30] =	vst v9;
	s19 =	sadd.s32 $0x80, s19;
	s3 =	smov.u32 s18;
	s18 =	sadd.s32 $0x1, s18  }
0x119: {  	[tilespmem:s17+$0xFFFFFFC0] =	vst v7;
	v7 =	vmul.f32 v1, v2;
	v2 =	vmul.f32 v5, v2  }
0x11a: {  	[tilespmem:s17+$0x10] =	vst v8  }
0x11b: {  	v5 =	vmov s3;
	[tilespmem:s17+$0xFFFFFFE0] =	vst v6  }
0x11c: {  	v1 =	vld [tilespmem:s19+$0xFFFFFFF0];
	[tilespmem:s17+$0xFFFFFFF0] =	vst v7  }
0x11d: {  	v6 =	vld [tilespmem:s19+$0x30];
	[tilespmem:s17+$0x0] =	vst v2  }
0x11e: {  	v8 =	vld [tilespmem:s19+$0x10];
	[tilespmem:s17+$0x20] =	vst v3  }
0x11f: {  	v7 =	vld [tilespmem:s19+$0xFFFFFFC0];
	[tilespmem:s17+$0xFFFFFFD0] =	vst v4;
	s17 =	smov.u32 s19  }
0x120: {  	v2 =	vld.idx.msk [tilespmem:v5+s15+$0x0], $0xffff  }
0x121: {  	v10 =	vld [tilespmem:s19+$0xFFFFFFE0]  }
0x122: {  	v3 =	vld [tilespmem:s19+$0x20]  }
.Ltmp13:
0x123: {  	v4 =	vld [tilespmem:s19+$0xFFFFFFD0];
	(pc) =	sbr.rel @p1 .LBB2_14-.Ltmp13, $3  }
0x124: {  	v5 =	vld [tilespmem:s19+$0x0];
	_ =	sdelay $0x1  }
0x125: {  	v7 =	vmul.f32 v7, v2;
	v9 =	vmul.f32 v6, v2  }
0x126: {  	v8 =	vmul.f32 v8, v2;
	v6 =	vmul.f32 v10, v2  }
0x127: {  	[tilespmem:s17+$0x30] =	vst v9  }
0x128: {  	[tilespmem:s17+$0xFFFFFFC0] =	vst v7  }
0x129: {  	v1 =	vmul.f32 v1, v2;
	[tilespmem:s17+$0x10] =	vst v8  }
0x12a: {  	v3 =	vmul.f32 v3, v2;
	[tilespmem:s17+$0xFFFFFFE0] =	vst v6  }
.Ltmp14:
0x12b: {  	v5 =	vmul.f32 v5, v2;
	[tilespmem:s17+$0xFFFFFFF0] =	vst v1;
	(pc) =	sbr.rel .LBB2_16-.Ltmp14, $4  }
0x12c: {  	s3 =	sadd.s32 s10, s16;
	v1 =	vmul.f32 v4, v2;
	[tilespmem:s17+$0x20] =	vst v3  }
0x12d: {  	s4 =	rddreg [dreg:$0x5];
	s3 =	sshll.u32 s3, $0x4;
	[tilespmem:s17+$0x0] =	vst v5  }
0x12e: {  	s3 =	sadd.s32 s4, s3;
	[tilespmem:s17+$0xFFFFFFD0] =	vst v1  }
0x12f: {  	[hbm4b:s3+s7] =	stream.linear.scatter [tilespmem:s14], [sflag:$0x4], $0x1400, $0x38;
	[tilespmem:$0x1D800] =	vst v63  }
.LBB2_18:
0x130: {  	_ =	sfence.sel $0x180000  }
0x131: {  	[bflag:$0x0] =	sbarrier.arrive $0xFFFF  }
0x132: {  	_ =	strace $0x9000004A  }
0x133: {  	[bflag:$0x2] =	sbarrier.arrive $0xFFFF  }
0x134: {  	p0 =	sne.s32 s8, $0x0;
	s0 =	rddreg [dreg:$0x3]  }
0x135: {  	s0 =	sadd.s32 @!p0 $0x100000, s0  }
0x136: {  	[sflag:s0] =	ssyncadd.tile.s32 @!p0 $0x1;
	_ =	shalt  }
.Lfunc_end2:
_tile_overlayer_lowered:
.L_overlay_start_2:
0x137: {  	(tag) =	ssettag $0x2  }
0x138: {  	s0 =	rddreg [dreg:$0x0];
	s2 =	stileid.u32  }
0x139: {  	s1 =	rddreg [dreg:$0x1];
	p0 =	sne.s32 s2, $0x0  }
0x13a: {  	s3 =	rddreg [dreg:$0x2];
	[bflag:$0x3] =	sbarrier.arrive $0xFFFF;
	s2 =	simm.s32 @!p0 $0x1C07  }
0x13b: {  	[timem:s3], [sflag:s2] =	dma.local @!p0 [hbm:s0], s1  }
0x13c: {  	s0 =	simm.s32 @!p0 $0x7  }
0x13d: {  	_ =	swait.ge @!p0 [sflag:s0], s1  }
0x13e: {  	s1 =	ssub.s32 @!p0 $0x0, s1;
	[sflag:s0] =	ssyncset.done @!p0 $0x0  }
0x13f: {  	[sflag:s0] =	ssyncadd.s32 @!p0 s1  }
0x140: {  	[bflag:$0x3] =	sbarrier.arrive $0xFFFF  }
0x141: {  	_ =	shalt  }

// kernel: kernel.13.cloned.1.call-start
scs
__scs_entry_jumppad:
0x0: {  	(pc) =	sbr.rel $0x88, $3  }
0x1: {  	(tag) =	ssettag $0x0;
	lr =	simm.s32 $0x1  }
0x2: {  	[smem:$0x3F99] =	sst lr;
	_ =	strace $0xD0000000  }
0x3: {  	_ = 	snop  }
0x4: {  	_ = 	snop  }
0x5: {  	_ = 	snop  }
0x6: {  	_ = 	snop  }
0x7: {  	_ = 	snop  }
__scs_overlays_trampoline_lowered:
0x8: {  	[smem:$0x3FA8] =	sst s0  }
0x9: {  	[smem:$0x3FA9] =	sst s1  }
0xa: {  	[smem:$0x3FAA] =	sst s2  }
0xb: {  	[smem:$0x3FAB] =	sst s3  }
0xc: {  	[smem:$0x3FAC] =	sst s4  }
0xd: {  	[smem:$0x3FAD] =	sst s5  }
0xe: {  	[smem:$0x3FAE] =	sst s6  }
0xf: {  	[smem:$0x3FAF] =	sst s7  }
0x10: {  	[smem:$0x3FB0] =	sst s8  }
0x11: {  	[smem:$0x3FB1] =	sst s9;
	s0 =	simm.s32 @!p0 $0x0  }
0x12: {  	s1 =	sld [smem:$0x3F97];
	s0 =	simm.s32 @p0 $0x1  }
0x13: {  	[smem:$0x3FB2] =	sst s0;
	s0 =	simm.s32 @!p1 $0x0  }
0x14: {  	s2 =	sld [smem:$0x3F96];
	s0 =	simm.s32 @p1 $0x1  }
0x15: {  	[smem:$0x3FB3] =	sst s0;
	s0 =	simm.s32 @!p2 $0x0  }
0x16: {  	s3 =	sld [smem:$0x3FDB];
	s0 =	simm.s32 @p2 $0x1  }
0x17: {  	s4 =	simm.s32 $0x1BF5;
	[smem:$0x3FB5] =	sst s0  }
0x18: {  	s0 =	sld [smem:$0x3F98];
	_ =	swait.ge [sflag:s4], $0x0  }
0x19: {  	s7 =	sld [smem:$0x3F99]  }
0x1a: {  	s8 =	sadd.s32 $0xFFFFE003, lr  }
0x1b: {  	s9 =	sadd.s32 $0xFFFFFEF7, lr;
	s5 =	simm.s32 $0xFFFFFFFF;
	p2 =	slt.u32 s8, $0xFFFFF086  }
0x1c: {  	p1 =	slt.u32 s9, $0xF7A;
	s5 =	simm.s32 @!p2 $0x0  }
0x1d: {  	s5 =	simm.s32 @p1 $0x1;
	p0 =	seq.s32 s7, s2  }
0x1e: {  	s7 =	smul.u32 @!p0 $0xF7A, s2;
	p2 =	seq.s32 @!p0 s5, $0x0  }
0x1f: {  	s9 =	smul.u32 $0xF7A, s1;
	s8 =	simm.s32 @!p0 $0x1BF5;
	p2 =	por !p2, p0  }
0x20: {  	[sflag:s8] =	ssyncset.s32 @!p0 $0xFFFFF086;
	s6 =	sadd.s32 @!p0 s3, s7;
	s7 =	simm.s32 @!p0 $0x108  }
0x21: {  	s3 =	sadd.s32 s3, s9;
	s6 =	sadd.s32 @!p0 $0x88, s6;
	s7 =	simm.s32 @p2 $0x1082  }
0x22: {  	[simem:s7], [sflag:s8] =	dma.local @!p0 [hbm:s6], $0xF7A  }
0x23: {  	s9 =	sor.u32 $0xD0000000, s2;
	s6 =	simm.s32 $0x108;
	_ =	swait.ge @!p0 [sflag:s8], $0x0  }
0x24: {  	s3 =	sadd.s32 $0x88, s3;
	s6 =	simm.s32 @!p1 $0x1082;
	[sflag:s4] =	ssyncset.s32 $0xFFFFF086  }
0x25: {  	[simem:s6], [sflag:s4] =	dma.local [hbm:s3], $0xF7A  }
0x26: {  	[smem:$0x3F99] =	sst s1;
	(tag) =	ssettag s2;
	_ =	strace s9  }
0x27: {  	s1 =	sld [smem:$0x3FA9]  }
0x28: {  	s2 =	sld [smem:$0x3FAA]  }
0x29: {  	s4 =	sld [smem:$0x3FAC]  }
0x2a: {  	p0 =	seq.s32 s5, $0x0;
	s5 =	sld [smem:$0x3FAD]  }
0x2b: {  	s6 =	sld [smem:$0x3FAE]  }
0x2c: {  	s7 =	sld [smem:$0x3FAF]  }
0x2d: {  	s3 =	simm.s32 $0x108;
	s8 =	sld [smem:$0x3FB0]  }
0x2e: {  	s3 =	simm.s32 @!p0 $0x1082;
	s9 =	sld [smem:$0x3FB1]  }
0x2f: {  	lr =	sadd.s32 s0, s3;
	s0 =	sld [smem:$0x3FA8]  }
0x30: {  	s3 =	sld [smem:$0x3FAB]  }
0x31: {  	[smem:$0x3FB4] =	sst s10  }
0x32: {  	s10 =	sld [smem:$0x3FB2];
	_ =	sdelay $0x3  }
0x33: {  	p0 =	seq.s32 s10, $0x1;
	s10 =	sld [smem:$0x3FB4];
	_ =	sdelay $0x3  }
0x34: {  	[smem:$0x3FB4] =	sst s10  }
0x35: {  	s10 =	sld [smem:$0x3FB3];
	_ =	sdelay $0x3  }
0x36: {  	p1 =	seq.s32 s10, $0x1;
	s10 =	sld [smem:$0x3FB4];
	_ =	sdelay $0x3  }
0x37: {  	[smem:$0x3FB4] =	sst s10  }
0x38: {  	s10 =	sld [smem:$0x3FB5]  }
0x39: {  	_ = 	snop;
	(pc) =	sbr.ind lr, $3  }
0x3a: {  	_ = 	snop  }
0x3b: {  	_ = 	snop  }
0x3c: {  	p2 =	seq.s32 s10, $0x1;
	s10 =	sld [smem:$0x3FB4]  }
0x3d: {  	_ =	shalt  }
0x3e: {  	_ =	shalt  }
0x3f: {  	_ =	shalt  }
0x40: {  	_ =	shalt  }
0x41: {  	_ =	shalt  }
0x42: {  	_ =	shalt  }
0x43: {  	_ =	shalt  }
0x44: {  	_ =	shalt  }
0x45: {  	_ =	shalt  }
0x46: {  	_ =	shalt  }
0x47: {  	_ =	shalt  }
0x48: {  	_ =	shalt  }
0x49: {  	_ =	shalt  }
0x4a: {  	_ =	shalt  }
0x4b: {  	_ =	shalt  }
0x4c: {  	_ =	shalt  }
0x4d: {  	_ =	shalt  }
0x4e: {  	_ =	shalt  }
0x4f: {  	_ =	shalt  }
0x50: {  	_ =	shalt  }
0x51: {  	_ =	shalt  }
0x52: {  	_ =	shalt  }
0x53: {  	_ =	shalt  }
0x54: {  	_ =	shalt  }
0x55: {  	_ =	shalt  }
0x56: {  	_ =	shalt  }
0x57: {  	_ =	shalt  }
0x58: {  	_ =	shalt  }
0x59: {  	_ =	shalt  }
0x5a: {  	_ =	shalt  }
0x5b: {  	_ =	shalt  }
0x5c: {  	_ =	shalt  }
0x5d: {  	_ =	shalt  }
0x5e: {  	_ =	shalt  }
0x5f: {  	_ =	shalt  }
0x60: {  	_ =	shalt  }
0x61: {  	_ =	shalt  }
0x62: {  	_ =	shalt  }
0x63: {  	_ =	shalt  }
0x64: {  	_ =	shalt  }
0x65: {  	_ =	shalt  }
0x66: {  	_ =	shalt  }
0x67: {  	_ =	shalt  }
0x68: {  	_ =	shalt  }
0x69: {  	_ =	shalt  }
0x6a: {  	_ =	shalt  }
0x6b: {  	_ =	shalt  }
0x6c: {  	_ =	shalt  }
0x6d: {  	_ =	shalt  }
0x6e: {  	_ =	shalt  }
0x6f: {  	_ =	shalt  }
0x70: {  	_ =	shalt  }
0x71: {  	_ =	shalt  }
0x72: {  	_ =	shalt  }
0x73: {  	_ =	shalt  }
0x74: {  	_ =	shalt  }
0x75: {  	_ =	shalt  }
0x76: {  	_ =	shalt  }
0x77: {  	_ =	shalt  }
0x78: {  	_ =	shalt  }
0x79: {  	_ =	shalt  }
0x7a: {  	_ =	shalt  }
0x7b: {  	_ =	shalt  }
0x7c: {  	_ =	shalt  }
0x7d: {  	_ =	shalt  }
0x7e: {  	_ =	shalt  }
0x7f: {  	_ =	shalt  }
0x80: {  	_ =	shalt  }
0x81: {  	_ =	shalt  }
0x82: {  	_ =	shalt  }
0x83: {  	_ =	shalt  }
0x84: {  	_ =	shalt  }
0x85: {  	_ =	shalt  }
0x86: {  	_ =	shalt  }
0x87: {  	_ =	shalt  }
.Lfunc_end0:
.L_simem_size_0:
called_computation.2_lowered:
.L_overlay_start_0:
0x88: {  	s2 =	sld [smem:$0x3FD9]  }
0x89: {  	s3 =	sld [smem:$0x3FFE];
	_ =	sdelay $0x1  }
0x8a: {  	s1 =	srdreg.scid  }
0x8b: {  	s0 =	sand.u32 $0x1, s1  }
0x8c: {  	s17 =	sshll.u32 s0, $0xA;
	s2 =	sadd.s32 s3, s2  }
0x8d: {  	s2 =	sadd.s32 s2, s17  }
0x8e: {  	[smem:$0x3FC0] =	sst s2  }
0x8f: {  	_ = 	snop  }
0x90: {  	s2 =	sld [smem:$0x3FD0];
	(tm) =	ssettm $0x1  }
0x91: {  	s18 =	sld [smem:$0x3FFB];
	_ =	sdelay $0x3  }
0x92: {  	_ =	strace s18  }
0x93: {  	s3 =	sld [smem:$0x3FFC];
	_ =	sdelay $0x3  }
0x94: {  	_ =	strace s3  }
0x95: {  	s3 =	sld [smem:$0x3FFD];
	_ =	sdelay $0x3  }
0x96: {  	_ =	strace s3  }
0x97: {  	_ =	strace $0x8FFFFFFF  }
0x98: {  	s19 =	sld [smem:$0x3FDB];
	_ =	sdelay $0x1  }
0x99: {  	s4 =	simm.s32 $_scs_section_size  }
0x9a: {  	s5 =	simm.s32 $_size__tile_overlayer_lowered;
	s6 =	simm.s32 $_tile_overlayer_lowered  }
0x9b: {  	s22 =	simm.s32 $0x1BFF;
	s21 =	sshll.u32 s6, $0x1;
	s3 =	sadd.s32 s4, s19  }
0x9c: {  	s7 =	simm.s32 $0x0;
	s20 =	sshll.u32 s5, $0x1;
	s5 =	sadd.s32 s21, s3  }
0x9d: {  	[timem:s7], [sflag:s22] =	dma.local [hbm:s5], s20  }
0x9e: {  	_ =	swait.ge [sflag:s22], s20  }
0x9f: {  	s4 =	ssub.s32 $0x0, s20;
	[sflag:s22] =	ssyncset.done $0x0  }
0xa0: {  	[sflag:s22] =	ssyncadd.s32 s4;
	_ =	sdelay $0x1  }
0xa1: {  	s23 =	simm.s32 $0x1B8B  }
0xa2: {  	_ =	swait.ge [sflag:s23], $0x1  }
0xa3: {  	[sflag:s23] =	ssyncset.done $0x0  }
0xa4: {  	s25 =	simm.s32 $0x1B8E;
	s24 =	sld [smem:$0x3FFE];
	[sflag:s23] =	ssyncadd.s32 $0xFFFFFFFF  }
0xa5: {  	s26 =	simm.s32 $execute0_lowered;
	[smem:$0x3FD2] =	sst s25  }
0xa6: {  	s5 =	sshll.u32 s26, $0x1;
	_ =	strace $0x8000004C;
	[dreg:$0x1] =	wrdreg $0xFFFFFFFF  }
0xa7: {  	s28 =	simm.s32 $_size_execute0_lowered;
	s3 =	sadd.s32 s3, s5;
	[dreg:$0x0] =	wrdreg $0x0  }
0xa8: {  	s5 =	sshll.u32 s28, $0x1;
	[dreg:$0x2] =	wrdreg s3  }
0xa9: {  	[dreg:$0x3] =	wrdreg s5  }
0xaa: {  	[dreg:$0x4] =	wrdreg $0xC0  }
0xab: {  	_ =	task [dreg:s7], $0x5FFFF  }
0xac: {  	[dreg:$0x1] =	wrdreg $0xFFFFFFFF  }
0xad: {  	[dreg:$0x0] =	wrdreg $0x60  }
0xae: {  	[dreg:$0x2] =	wrdreg s2  }
0xaf: {  	[dreg:$0x3] =	wrdreg s24  }
0xb0: {  	[dreg:$0x4] =	wrdreg $0x9F800  }
0xb1: {  	[dreg:$0x5] =	wrdreg $0x9  }
0xb2: {  	_ =	task.clear_ibuf [dreg:s7], $0x6FFFF;
	_ =	strace $0x9000004C  }
0xb3: {  	s29 =	simm.s32 $0x9;
	_ =	strace $0x8000004E  }
0xb4: {  	_ =	swait.ge [sflag:s29], $0x1  }
0xb5: {  	[sflag:s29] =	ssyncadd.s32 $0xFFFFFFFF  }
0xb6: {  	_ =	strace $0x9000004E  }
0xb7: {  	_ =	sfence  }
0xb8: {  	s30 =	sld [smem:$0x0];
	_ =	sdelay $0x2  }
0xb9: {  	s31 =	sshll.u32 s1, $0xD;
	s1 =	sshrl.u32 s1, $0x2  }
0xba: {  	s3 =	sand.u32 $0x4000, s31;
	s1 =	sadd.s32 s1, s30  }
0xbb: {  	s0 =	sor.u32 s3, s0;
	s1 =	sshll.u32 s1, $0x11  }
0xbc: {  	s0 =	sor.u32 s1, s0  }
0xbd: {  	s0 =	sadd.s32 $0x8F2B, s0  }
0xbe: {  	[sflag:s0] =	ssyncadd.remote.s32 $0x1  }
0xbf: {  	_ =	sfence.sel $0xFFFF  }
0xc0: {  	[dreg:$0x0] =	wrdreg $0xFFFFFFFF;
	(pc) =	sbr.abs _section_cstart, $3  }
0xc1: {  	[dreg:$0x1] =	wrdreg $0xFFFFFFFF  }
0xc2: {  	_ =	task.clear_ibuf [dreg:s7], $0x2FFFF;
	_ =	strace $0x9FFFFFFF  }
0xc3: {  	(tm) =	ssettm $0x7FFFFFFF  }
tec
execute0_lowered:
.L_overlay_start_1:
0x0: {  	(tag) =	ssettag $0x1  }
0x1: {  	s1 =	rddreg [dreg:$0x0]  }
0x2: {  	s0 =	rddreg [dreg:$0x1]  }
0x3: {  	s2 =	rddreg [dreg:$0x2];
	s3 =	simm.s32 $0x0;
	s4 =	srdreg.scid  }
0x4: {  	s16 =	stileid.u32;
	s17 =	stileid.u32;
	s28 =	simm.s32 $0x1  }
0x5: {  	s29 =	simm.s32 $0x1100;
	s30 =	simm.s32 $0x6300;
	s31 =	simm.s32 $0x1180  }
0x6: {  	s14 =	simm.s32 $0x8B00;
	[smem:$0x7FF] =	sst s3;
	s5 =	sadd.s32 $0xBE00, s0  }
0x7: {  	s6 =	sadd.s32 $0x2000, s0;
	s10 =	sand.u32 $0x1, s4;
	s15 =	sadd.s32 $0x15C00, s0  }
0x8: {  	s12 =	smul.u32 $0xA000, s17;
	s0 =	sadd.s32 $0x16200, s0;
	s13 =	sor.u32 $0x70, s17  }
0x9: {  	s4 =	simm.s32 $0x0;
	_ =	strace $0x8000004D;
	[dreg:$0x4] =	wrdreg s15  }
0xa: {  	s8 =	sshll.u32 s10, $0x4;
	s11 =	ssub.s32 $0x2, s10;
	[dreg:$0x5] =	wrdreg s0  }
0xb: {  	s10 =	smul.u32 $0x2710, s10;
	s18 =	sshrl.u32 s11, $0x1;
	s12 =	sshrl.u32 s12, $0x2  }
0xc: {  	s20 =	smul.u32 $0xA000, s13;
	s0 =	ssub.s32 s11, s18;
	s19 =	sadd.s32 s12, s2  }
0xd: {  	p0 =	sgt.u32 s13, $0x7C;
	s0 =	smax.u32 s0, $0x1;
	[dreg:$0x6] =	wrdreg s19  }
0xe: {  	s13 =	simm.s32 $0x4;
	s21 =	sadd.s32 $0x28000, s19;
	[dreg:$0x7] =	wrdreg s0  }
0xf: {  	s15 =	simm.s32 $0x9F00;
	s22 =	sadd.s32 $0x50000, s19;
	[dreg:$0x8] =	wrdreg s21  }
0x10: {  	s9 =	sor.u32 s16, s8;
	s23 =	sadd.s32 $0x78000, s19;
	[dreg:$0x9] =	wrdreg s22  }
0x11: {  	s9 =	smul.u32 $0x2710, s9;
	s24 =	sadd.s32 $0xA0000, s19;
	[dreg:$0xa] =	wrdreg s23  }
0x12: {  	s25 =	sshrl.u32 s20, $0x2;
	s26 =	sadd.s32 $0xC8000, s19;
	[dreg:$0xb] =	wrdreg s24  }
.Ltmp0:
0x13: {  	s3 =	sadd.s32 $0xF0000, s19;
	[dreg:$0xc] =	wrdreg s26;
	(pc) =	sbr.rel .LBB2_1-.Ltmp0, $4  }
0x14: {  	s20 =	simm.s32 $0x1300;
	s12 =	simm.s32 $0x6;
	[dreg:$0xd] =	wrdreg s3  }
0x15: {  	s0 =	sadd.s32 s25, s2;
	s21 =	simm.s32 $0x7;
	s22 =	simm.s32 $0x800  }
0x16: {  	s23 =	simm.s32 $0x50;
	s24 =	simm.s32 $0x1000;
	s25 =	simm.s32 $0x1080  }
0x17: {  	v0 =	vimm.f32 $0.0e+00;
	s26 =	simm.s32 $0x3B00;
	[dreg:$0xe] =	wrdreg s0;
	s0 =	simm.s32 $0x5  }
.LBB2_17:
0x18: {  	_ =	swait.ge [sflag:s13], $0x1400  }
0x19: {  	s4 =	rddreg [dreg:$0xf]  }
0x1a: {  	s3 =	rddreg [dreg:$0x7];
	s4 =	sadd.s32 $0x1, s4  }
0x1b: {  	p1 =	sne.s32 s4, s3  }
.Ltmp1:
0x1c: {  	_ = 	snop;
	(pc) =	sbr.rel @!p1 .LBB2_18-.Ltmp1, $3  }
0x1d: {  	_ =	sdelay $0x1  }
0x1e: {  	[sflag:s13] =	ssyncset.done $0x0  }
0x1f: {  	[sflag:s13] =	ssyncadd.s32 $0xFFFFEC00  }
.LBB2_1:
0x20: {  	s11 =	simm.s32 $0x0;
	s16 =	simm.s32 $0x200  }
.LBB2_2:
0x21: {  	p1 =	sne.s32 s16, $0x9E00;
	[tilespmem:s11+$0x1370] =	vst v0  }
0x22: {  	[tilespmem:s11+$0x1300] =	vst v0  }
0x23: {  	[tilespmem:s11+$0x1310] =	vst v0  }
.Ltmp2:
0x24: {  	[tilespmem:s11+$0x1320] =	vst v0;
	(pc) =	sbr.rel @p1 .LBB2_2-.Ltmp2, $4  }
0x25: {  	[tilespmem:s11+$0x1330] =	vst v0  }
0x26: {  	[tilespmem:s11+$0x1340] =	vst v0  }
0x27: {  	[tilespmem:s11+$0x1350] =	vst v0  }
0x28: {  	[tilespmem:s11+$0x1360] =	vst v0;
	s11 =	sshra.s32 s16, $0x2;
	s16 =	sadd.s32 $0x200, s16  }
0x29: {  	[tilespmem:s11+$0x1370] =	vst v0  }
0x2a: {  	[tilespmem:s11+$0x1300] =	vst v0  }
0x2b: {  	[tilespmem:s11+$0x1310] =	vst v0  }
0x2c: {  	[tilespmem:s11+$0x1320] =	vst v0  }
0x2d: {  	[tilespmem:s11+$0x1330] =	vst v0  }
0x2e: {  	[tilespmem:s11+$0x1340] =	vst v0  }
0x2f: {  	[dreg:$0xf] =	wrdreg s4;
	[tilespmem:s11+$0x1350] =	vst v0  }
0x30: {  	[tilespmem:s11+$0x1360] =	vst v0;
	s3 =	rddreg [dreg:$0x6]  }
0x31: {  	[spmem:s3] =	stream.linear.scatter [tilespmem:s20], [sflag:$0x7], $0x2800, $0x38;
	[tilespmem:$0x1D800] =	vst v63  }
0x32: {  	_ =	swait.ge [sflag:s21], $0x2800  }
0x33: {  	[sflag:s21] =	ssyncset.done $0x0  }
0x34: {  	s8 =	rddreg [dreg:$0x8];
	[sflag:s21] =	ssyncadd.s32 $0xFFFFD800  }
0x35: {  	[spmem:s8] =	stream.linear.scatter [tilespmem:s20], [sflag:$0x7], $0x2800, $0x38;
	[tilespmem:$0x1D800] =	vst v63  }
0x36: {  	_ =	swait.ge [sflag:s21], $0x2800  }
0x37: {  	[sflag:s21] =	ssyncset.done $0x0  }
0x38: {  	s11 =	rddreg [dreg:$0x9];
	[sflag:s21] =	ssyncadd.s32 $0xFFFFD800  }
0x39: {  	[spmem:s11] =	stream.linear.scatter [tilespmem:s20], [sflag:$0x7], $0x2800, $0x38;
	[tilespmem:$0x1D800] =	vst v63  }
0x3a: {  	_ =	swait.ge [sflag:s21], $0x2800  }
0x3b: {  	[sflag:s21] =	ssyncset.done $0x0  }
0x3c: {  	s16 =	rddreg [dreg:$0xa];
	[sflag:s21] =	ssyncadd.s32 $0xFFFFD800  }
0x3d: {  	[spmem:s16] =	stream.linear.scatter [tilespmem:s20], [sflag:$0x7], $0x2800, $0x38;
	[tilespmem:$0x1D800] =	vst v63  }
0x3e: {  	_ =	swait.ge [sflag:s21], $0x2800  }
0x3f: {  	[sflag:s21] =	ssyncset.done $0x0  }
0x40: {  	s17 =	rddreg [dreg:$0xb];
	[sflag:s21] =	ssyncadd.s32 $0xFFFFD800  }
0x41: {  	[spmem:s17] =	stream.linear.scatter [tilespmem:s20], [sflag:$0x7], $0x2800, $0x38;
	[tilespmem:$0x1D800] =	vst v63  }
0x42: {  	_ =	swait.ge [sflag:s21], $0x2800  }
0x43: {  	[sflag:s21] =	ssyncset.done $0x0  }
0x44: {  	s18 =	rddreg [dreg:$0xc];
	[sflag:s21] =	ssyncadd.s32 $0xFFFFD800  }
0x45: {  	[spmem:s18] =	stream.linear.scatter [tilespmem:s20], [sflag:$0x7], $0x2800, $0x38;
	[tilespmem:$0x1D800] =	vst v63  }
0x46: {  	_ =	swait.ge [sflag:s21], $0x2800  }
0x47: {  	[sflag:s21] =	ssyncset.done $0x0  }
0x48: {  	s19 =	rddreg [dreg:$0xd];
	[sflag:s21] =	ssyncadd.s32 $0xFFFFD800  }
0x49: {  	[spmem:s19] =	stream.linear.scatter [tilespmem:s20], [sflag:$0x7], $0x2800, $0x38;
	[tilespmem:$0x1D800] =	vst v63  }
0x4a: {  	_ =	swait.ge [sflag:s21], $0x2800  }
0x4b: {  	[sflag:s21] =	ssyncset.done $0x0  }
0x4c: {  	s11 =	simm.s32 @!p0 $0x1300;
	s3 =	rddreg [dreg:$0xe];
	[sflag:s21] =	ssyncadd.s32 $0xFFFFD800  }
0x4d: {  	[spmem:s3] =	stream.linear.scatter @!p0 [tilespmem:s11], [sflag:$0x7], $0x2800, $0x38;
	[tilespmem:$0x1D800] =	vst v63  }
0x4e: {  	s11 =	simm.s32 @!p0 $0x7  }
.Ltmp3:
0x4f: {  	_ =	swait.ge @!p0 [sflag:s11], $0x2800;
	(pc) =	sbr.rel .LBB2_4-.Ltmp3, $4  }
0x50: {  	[sflag:s11] =	ssyncset.done @!p0 $0x0  }
0x51: {  	[sflag:s11] =	ssyncadd.s32 @!p0 $0xFFFFD800  }
0x52: {  	[bflag:$0x0] =	sbarrier.arrive $0xFFFF  }
0x53: {  	s17 =	simm.s32 $0x0;
	s18 =	simm.s32 $0x0  }
.LBB2_7:
0x54: {  	[spmem:s2] =	stream.indirect.scatter.add.f32 [tilespmem:s20], [sflag:$0x4], $0x80, s31, s23, $0xb8;
	[tilespmem:$0x1D800] =	vst v63  }
.LBB2_10:
0x55: {  	_ =	swait.ge [sflag:s0], $0x2800  }
0x56: {  	[sflag:s0] =	ssyncset.done $0x0  }
0x57: {  	s18 =	sadd.s32 $0x1, s18;
	[sflag:s0] =	ssyncadd.s32 $0xFFFFD800  }
0x58: {  	p1 =	sne.s32 s18, $0x5;
	_ =	swait.ge [sflag:s12], $0x2800  }
.Ltmp4:
0x59: {  	[sflag:s12] =	ssyncset.done $0x0;
	(pc) =	sbr.rel @!p1 .LBB2_11-.Ltmp4, $4  }
0x5a: {  	[sflag:s12] =	ssyncadd.s32 $0xFFFFD800  }
0x5b: {  	_ =	swait.ge [sflag:s13], $0x2800  }
0x5c: {  	[sflag:s13] =	ssyncset.done $0x0  }
0x5d: {  	[sflag:s13] =	ssyncadd.s32 $0xFFFFD800  }
.LBB2_4:
0x5e: {  	s11 =	smul.u32 $0x7D0, s18;
	_ =	sdelay $0x1  }
0x5f: {  	s11 =	sadd.s32 s9, s11  }
0x60: {  	s11 =	sshrl.u32 s11, $0x3  }
0x61: {  	s16 =	sadd.s32 s5, s11  }
0x62: {  	[tilespmem:s17], [sflag:$0x7] =	stream.linear.gather [hbm4b:s16+s17], $0x7D0, $0x38;
	[tilespmem:$0x1D800] =	vst v63  }
0x63: {  	_ =	swait.ge [sflag:s21], $0x7D0  }
0x64: {  	[sflag:s21] =	ssyncset.done $0x0  }
0x65: {  	s11 =	sadd.s32 s6, s11;
	[sflag:s21] =	ssyncadd.s32 $0xFFFFF830  }
0x66: {  	[tilespmem:s22], [sflag:$0x7] =	stream.linear.gather [hbm4b:s11+s17], $0x7D0, $0x38;
	[tilespmem:$0x1D800] =	vst v63  }
0x67: {  	_ =	swait.ge [sflag:s21], $0x7D0  }
0x68: {  	[sflag:s21] =	ssyncset.done $0x0  }
0x69: {  	[sflag:s21] =	ssyncadd.s32 $0xFFFFF830  }
0x6a: {  	v1 =	vld [tilespmem:$0x0]  }
0x6b: {  	v2 =	vld [tilespmem:$0x800]  }
0x6c: {  	v3 =	vld [tilespmem:$0x10]  }
0x6d: {  	v4 =	vld [tilespmem:$0x810]  }
0x6e: {  	v5 =	vld [tilespmem:$0x20]  }
0x6f: {  	v58 =	vld [tilespmem:$0x40];
	[tilespmem:$0x1000] =	vst v1  }
0x70: {  	v59 =	vld [tilespmem:$0x840];
	[tilespmem:$0x1180] =	vst v2  }
0x71: {  	v1 =	vld [tilespmem:$0x820];
	[tilespmem:$0x1010] =	vst v3  }
0x72: {  	v2 =	vld [tilespmem:$0x30];
	[tilespmem:$0x1190] =	vst v4  }
0x73: {  	v3 =	vld [tilespmem:$0x830];
	[tilespmem:$0x1020] =	vst v5  }
0x74: {  	[tilespmem:$0x1040] =	vst v58  }
0x75: {  	[tilespmem:$0x11C0] =	vst v59  }
0x76: {  	[tilespmem:$0x11A0] =	vst v1  }
0x77: {  	[tilespmem:$0x1030] =	vst v2  }
0x78: {  	[tilespmem:$0x11B0] =	vst v3  }
0x79: {  	[tilespmem:s20], [sflag:$0x1] =	stream.indirect.gather [hbm4b:s1+s23], $0x80, s24, s23, $0xb8;
	[tilespmem:$0x1D800] =	vst v63  }
0x7a: {  	v1 =	vld [tilespmem:$0x50]  }
0x7b: {  	v2 =	vld [tilespmem:$0x850]  }
0x7c: {  	v3 =	vld [tilespmem:$0x60]  }
0x7d: {  	v60 =	vld [tilespmem:$0x860]  }
0x7e: {  	v61 =	vld [tilespmem:$0x70]  }
0x7f: {  	v62 =	vld [tilespmem:$0x90];
	[tilespmem:$0x1080] =	vst v1  }
0x80: {  	v63 =	vld [tilespmem:$0x890];
	[tilespmem:$0x1200] =	vst v2  }
0x81: {  	v1 =	vld [tilespmem:$0x870];
	[tilespmem:$0x1090] =	vst v3  }
0x82: {  	v2 =	vld [tilespmem:$0x80];
	[tilespmem:$0x1210] =	vst v60  }
0x83: {  	v3 =	vld [tilespmem:$0x880];
	[tilespmem:$0x10A0] =	vst v61  }
0x84: {  	[tilespmem:$0x10C0] =	vst v62  }
.Ltmp5:
0x85: {  	[tilespmem:$0x1240] =	vst v63;
	(pc) =	sbr.rel .LBB2_5-.Ltmp5, $4  }
0x86: {  	[tilespmem:$0x1220] =	vst v1  }
0x87: {  	[tilespmem:$0x10B0] =	vst v2  }
0x88: {  	s19 =	simm.s32 $0x8C0;
	s16 =	simm.s32 $0x0;
	s11 =	simm.s32 $0xC0;
	[tilespmem:$0x1230] =	vst v3  }
0x89: {  	[tilespmem:s26], [sflag:$0x2] =	stream.indirect.gather [hbm4b:s1+s23], $0x80, s25, s23, $0xb8;
	[tilespmem:$0x1D800] =	vst v63  }
.LBB2_8:
0x8a: {  	_ =	swait.ge [sflag:s12], $0x2800  }
0x8b: {  	[sflag:s12] =	ssyncset.done $0x0  }
0x8c: {  	[sflag:s12] =	ssyncadd.s32 $0xFFFFD800  }
.LBB2_9:
0x8d: {  	v1 =	vld [tilespmem:s11+$0xFFFFFFE0];
	_ =	sdelay $0x4  }
0x8e: {  	[tilespmem:$0x1100] =	vst v1  }
0x8f: {  	v1 =	vld [tilespmem:s19+$0xFFFFFFE0];
	_ =	sdelay $0x4  }
0x90: {  	[tilespmem:$0x1280] =	vst v1  }
0x91: {  	v1 =	vld [tilespmem:s11+$0xFFFFFFF0];
	_ =	sdelay $0x4  }
0x92: {  	[tilespmem:$0x1110] =	vst v1  }
0x93: {  	v1 =	vld [tilespmem:s19+$0xFFFFFFF0];
	_ =	sdelay $0x4  }
0x94: {  	[tilespmem:$0x1290] =	vst v1  }
0x95: {  	v1 =	vld [tilespmem:s11+$0x0];
	_ =	sdelay $0x4  }
0x96: {  	[tilespmem:$0x1120] =	vst v1  }
0x97: {  	v1 =	vld [tilespmem:s19+$0x0];
	_ =	sdelay $0x4  }
0x98: {  	[tilespmem:$0x12A0] =	vst v1  }
0x99: {  	v1 =	vld [tilespmem:s11+$0x10];
	_ =	sdelay $0x4  }
0x9a: {  	[tilespmem:$0x1130] =	vst v1  }
0x9b: {  	v1 =	vld [tilespmem:s19+$0x10];
	_ =	sdelay $0x4  }
0x9c: {  	[tilespmem:$0x12B0] =	vst v1  }
0x9d: {  	v1 =	vld [tilespmem:s11+$0x20];
	_ =	sdelay $0x4  }
0x9e: {  	[tilespmem:$0x1140] =	vst v1  }
0x9f: {  	v1 =	vld [tilespmem:s19+$0x20];
	_ =	sdelay $0x4  }
0xa0: {  	p1 =	seq.s32 s16, $0x8;
	[tilespmem:$0x12C0] =	vst v1  }
0xa1: {  	[tilespmem:s30], [sflag:$0x3] =	stream.indirect.gather [hbm4b:s1+s23], $0x80, s29, s23, $0xb8;
	[tilespmem:$0x1D800] =	vst v63  }
0xa2: {  	s3 =	simm.s32 @!p1 $0x2  }
0xa3: {  	[spmem:s2] =	stream.indirect.scatter.add.f32 [tilespmem:s20], [sflag:$0x4], $0x80, s31, s23, $0xb8;
	[tilespmem:$0x1D800] =	vst v63  }
0xa4: {  	_ =	swait.ge @!p1 [sflag:s3], $0x2800  }
0xa5: {  	[sflag:s3] =	ssyncset.done @!p1 $0x0  }
0xa6: {  	[sflag:s3] =	ssyncadd.s32 @!p1 $0xFFFFD800;
	s3 =	simm.s32 @!p1 $0x4  }
0xa7: {  	_ =	swait.ge @!p1 [sflag:s3], $0x2800  }
0xa8: {  	[sflag:s3] =	ssyncset.done @!p1 $0x0  }
0xa9: {  	[sflag:s3] =	ssyncadd.s32 @!p1 $0xFFFFD800  }
0xaa: {  	v1 =	vld @!p1 [tilespmem:s11+$0x30];
	_ =	sdelay $0x4  }
0xab: {  	[tilespmem:$0x1000] =	vst @!p1 v1  }
0xac: {  	v1 =	vld @!p1 [tilespmem:s19+$0x30];
	_ =	sdelay $0x4  }
0xad: {  	[tilespmem:$0x1180] =	vst @!p1 v1  }
0xae: {  	v1 =	vld @!p1 [tilespmem:s11+$0x40];
	_ =	sdelay $0x4  }
0xaf: {  	[tilespmem:$0x1010] =	vst @!p1 v1  }
0xb0: {  	v1 =	vld @!p1 [tilespmem:s19+$0x40];
	_ =	sdelay $0x4  }
0xb1: {  	[tilespmem:$0x1190] =	vst @!p1 v1  }
0xb2: {  	v1 =	vld @!p1 [tilespmem:s11+$0x50];
	_ =	sdelay $0x4  }
0xb3: {  	[tilespmem:$0x1020] =	vst @!p1 v1  }
0xb4: {  	v1 =	vld @!p1 [tilespmem:s19+$0x50];
	_ =	sdelay $0x4  }
0xb5: {  	[tilespmem:$0x11A0] =	vst @!p1 v1  }
0xb6: {  	v1 =	vld @!p1 [tilespmem:s11+$0x60];
	_ =	sdelay $0x4  }
0xb7: {  	[tilespmem:$0x1030] =	vst @!p1 v1  }
0xb8: {  	v1 =	vld @!p1 [tilespmem:s19+$0x60];
	_ =	sdelay $0x4  }
0xb9: {  	[tilespmem:$0x11B0] =	vst @!p1 v1  }
0xba: {  	v1 =	vld @!p1 [tilespmem:s11+$0x70];
	_ =	sdelay $0x4  }
0xbb: {  	[tilespmem:$0x1040] =	vst @!p1 v1  }
0xbc: {  	v1 =	vld @!p1 [tilespmem:s19+$0x70];
	_ =	sdelay $0x4  }
0xbd: {  	s4 =	simm.s32 @!p1 $0x1000;
	s7 =	simm.s32 @!p1 $0x1300;
	s3 =	simm.s32 @!p1 $0x50;
	[tilespmem:$0x11C0] =	vst @!p1 v1  }
0xbe: {  	[tilespmem:s7], [sflag:$0x1] =	stream.indirect.gather @!p1 [hbm4b:s1+s3], $0x80, s4, s3, $0xb8;
	[tilespmem:$0x1D800] =	vst v63  }
0xbf: {  	s4 =	simm.s32 @!p1 $0x1200;
	s7 =	simm.s32 @!p1 $0x3B00  }
0xc0: {  	[spmem:s2] =	stream.indirect.scatter.add.f32 @!p1 [tilespmem:s7], [sflag:$0x5], $0x80, s4, s3, $0xb8;
	[tilespmem:$0x1D800] =	vst v63  }
0xc1: {  	s4 =	simm.s32 @!p1 $0x3  }
0xc2: {  	p2 =	sgt.u32 @!p1 s16, $0x6;
	_ =	swait.ge @!p1 [sflag:s4], $0x2800  }
0xc3: {  	p2 =	por p2, p1;
	[sflag:s4] =	ssyncset.done @!p1 $0x0  }
0xc4: {  	[sflag:s4] =	ssyncadd.s32 @!p1 $0xFFFFD800;
	s4 =	simm.s32 @!p2 $0x5  }
0xc5: {  	_ =	swait.ge @!p2 [sflag:s4], $0x2800  }
0xc6: {  	[sflag:s4] =	ssyncset.done @!p2 $0x0  }
0xc7: {  	[sflag:s4] =	ssyncadd.s32 @!p2 $0xFFFFD800  }
0xc8: {  	v1 =	vld @!p2 [tilespmem:s11+$0x80];
	_ =	sdelay $0x4  }
0xc9: {  	[tilespmem:$0x1080] =	vst @!p2 v1  }
0xca: {  	v1 =	vld @!p2 [tilespmem:s19+$0x80];
	_ =	sdelay $0x4  }
0xcb: {  	[tilespmem:$0x1200] =	vst @!p2 v1  }
0xcc: {  	v1 =	vld @!p2 [tilespmem:s11+$0x90];
	_ =	sdelay $0x4  }
0xcd: {  	[tilespmem:$0x1090] =	vst @!p2 v1  }
0xce: {  	v1 =	vld @!p2 [tilespmem:s19+$0x90];
	_ =	sdelay $0x4  }
0xcf: {  	[tilespmem:$0x1210] =	vst @!p2 v1  }
0xd0: {  	v1 =	vld @!p2 [tilespmem:s11+$0xA0];
	_ =	sdelay $0x4  }
0xd1: {  	[tilespmem:$0x10A0] =	vst @!p2 v1  }
0xd2: {  	v1 =	vld @!p2 [tilespmem:s19+$0xA0];
	_ =	sdelay $0x4  }
0xd3: {  	[tilespmem:$0x1220] =	vst @!p2 v1  }
0xd4: {  	v1 =	vld @!p2 [tilespmem:s11+$0xB0];
	_ =	sdelay $0x4  }
0xd5: {  	[tilespmem:$0x10B0] =	vst @!p2 v1  }
0xd6: {  	v1 =	vld @!p2 [tilespmem:s19+$0xB0];
	_ =	sdelay $0x4  }
0xd7: {  	[tilespmem:$0x1230] =	vst @!p2 v1  }
0xd8: {  	v1 =	vld @!p2 [tilespmem:s11+$0xC0];
	_ =	sdelay $0x4  }
0xd9: {  	[tilespmem:$0x10C0] =	vst @!p2 v1  }
0xda: {  	v1 =	vld @!p2 [tilespmem:s19+$0xC0];
	_ =	sdelay $0x3  }
0xdb: {  	s16 =	sadd.s32 @!p1 $0x1, s16  }
0xdc: {  	s8 =	simm.s32 @!p2 $0x3B00;
	s7 =	simm.s32 @!p2 $0x1080;
	s4 =	simm.s32 @!p2 $0x50;
	[tilespmem:$0x1240] =	vst @!p2 v1  }
0xdd: {  	[tilespmem:s8], [sflag:$0x2] =	stream.indirect.gather @!p2 [hbm4b:s1+s4], $0x80, s7, s4, $0xb8;
	[tilespmem:$0x1D800] =	vst v63  }
0xde: {  	p2 =	sne.s32 @!p1 s16, $0x9  }
0xdf: {  	p2 =	por p1, !p2  }
.Ltmp6:
0xe0: {  	_ = 	snop;
	(pc) =	sbr.rel @p2 .LBB2_10-.Ltmp6, $4  }
0xe1: {  	_ = 	snop  }
0xe2: {  	s11 =	sadd.s32 @!p1 $0xF0, s11  }
0xe3: {  	s19 =	sadd.s32 @!p1 $0xF0, s19;
	s4 =	simm.s32 @!p1 $0x1280;
	s7 =	simm.s32 @!p1 $0x6300  }
0xe4: {  	[spmem:s2] =	stream.indirect.scatter.add.f32 @!p1 [tilespmem:s7], [sflag:$0x6], $0x80, s4, s3, $0xb8;
	[tilespmem:$0x1D800] =	vst v63  }
.LBB2_5:
0xe5: {  	p1 =	seq.s32 s16, $0x0  }
.Ltmp7:
0xe6: {  	_ = 	snop;
	(pc) =	sbr.rel @p1 .LBB2_9-.Ltmp7, $4  }
0xe7: {  	_ = 	snop  }
0xe8: {  	_ =	swait.ge [sflag:s28], $0x2800  }
0xe9: {  	[sflag:s28] =	ssyncset.done $0x0  }
0xea: {  	[sflag:s28] =	ssyncadd.s32 $0xFFFFD800  }
0xeb: {  	p1 =	sne.s32 s16, $0x8  }
.Ltmp8:
0xec: {  	_ = 	snop;
	(pc) =	sbr.rel @p1 .LBB2_8-.Ltmp8, $4  }
.Ltmp9:
0xed: {  	_ = 	snop;
	(pc) =	sbr.rel @!p1 .LBB2_7-.Ltmp9, $4  }
0xee: {  	_ = 	snop  }
0xef: {  	_ = 	snop  }
0xf0: {  	_ = 	snop  }
0xf1: {  	_ = 	snop  }
.LBB2_11:
.Ltmp10:
0xf2: {  	(pc) =	sbr.rel .LBB2_12-.Ltmp10, $3  }
0xf3: {  	_ =	sdelay $0x1  }
0xf4: {  	[bflag:$0x0] =	sbarrier.arrive $0xFFFF  }
0xf5: {  	s11 =	simm.s32 $0x0;
	s7 =	simm.s32 $0x0;
	s8 =	stileid.u32  }
.LBB2_16:
0xf6: {  	s11 =	sadd.s32 $0x1, s11  }
0xf7: {  	p1 =	sne.s32 s11, $0x10  }
.Ltmp11:
0xf8: {  	_ = 	snop;
	(pc) =	sbr.rel @!p1 .LBB2_17-.Ltmp11, $1  }
0xf9: {  	_ =	sdelay $0x3  }
.LBB2_12:
0xfa: {  	s3 =	sshll.u32 s11, $0x4  }
0xfb: {  	s16 =	sor.u32 s8, s3  }
0xfc: {  	p1 =	sgt.u32 s16, $0xF9  }
.Ltmp12:
0xfd: {  	_ = 	snop;
	(pc) =	sbr.rel @p1 .LBB2_16-.Ltmp12, $1  }
0xfe: {  	_ =	sdelay $0x3  }
0xff: {  	p1 =	seq.s32 s11, $0x0  }
0x100: {  	s4 =	smul.u32 $0x5000, s16;
	s3 =	simm.s32 @!p1 $0x4  }
0x101: {  	_ =	swait.ge @!p1 [sflag:s3], $0x1400  }
0x102: {  	s4 =	sshra.s32 s4, $0x2;
	[sflag:s3] =	ssyncset.done @!p1 $0x0  }
0x103: {  	s16 =	smul.u32 $0x28, s16;
	s4 =	sadd.s32 s4, s2;
	[sflag:s3] =	ssyncadd.s32 @!p1 $0xFFFFEC00  }
0x104: {  	[tilespmem:s14], [sflag:$0x7] =	stream.linear.gather [spmem:s4], $0x1400, $0x38;
	[tilespmem:$0x1D800] =	vst v63  }
0x105: {  	_ =	swait.ge [sflag:s21], $0x1400  }
0x106: {  	s17 =	sshrl.u32 s16, $0x3;
	[sflag:s21] =	ssyncset.done $0x0;
	s18 =	rddreg [dreg:$0x4]  }
0x107: {  	s19 =	simm.s32 $0x0;
	[sflag:s21] =	ssyncadd.s32 $0xFFFFEC00;
	s3 =	sadd.s32 s18, s17  }
0x108: {  	[tilespmem:s15], [sflag:$0x7] =	stream.linear.gather [hbm4b:s3+s19], $0x28, $0x38;
	[tilespmem:$0x1D800] =	vst v63  }
0x109: {  	_ =	swait.ge [sflag:s21], $0x28  }
0x10a: {  	v1 =	vmov s19;
	[sflag:s21] =	ssyncset.done $0x0  }
0x10b: {  	s17 =	simm.s32 $0x8B40;
	[sflag:s21] =	ssyncadd.s32 $0xFFFFFFD8  }
0x10c: {  	v5 =	vld [tilespmem:s17+$0x30]  }
0x10d: {  	v8 =	vld [tilespmem:s17+$0x10]  }
0x10e: {  	v6 =	vld [tilespmem:s17+$0xFFFFFFC0]  }
0x10f: {  	v2 =	vld.idx.msk [tilespmem:v1+s15+$0x0], $0xffff  }
0x110: {  	v10 =	vld [tilespmem:s17+$0xFFFFFFE0]  }
0x111: {  	v1 =	vld [tilespmem:s17+$0xFFFFFFF0]  }
0x112: {  	v3 =	vld [tilespmem:s17+$0x20]  }
0x113: {  	v4 =	vld [tilespmem:s17+$0xFFFFFFD0]  }
0x114: {  	v9 =	vmul.f32 v5, v2;
	v5 =	vld [tilespmem:s17+$0x0]  }
0x115: {  	v7 =	vmul.f32 v6, v2  }
0x116: {  	s18 =	simm.s32 $0x1;
	s19 =	simm.s32 $0x8B40;
	v6 =	vmul.f32 v10, v2;
	v8 =	vmul.f32 v8, v2  }
.LBB2_14:
0x117: {  	p1 =	sne.s32 s18, $0x27  }
0x118: {  	v4 =	vmul.f32 v4, v2;
	v3 =	vmul.f32 v3, v2;
	[tilespmem:s17+$0x30] =	vst v9;
	s19 =	sadd.s32 $0x80, s19;
	s3 =	smov.u32 s18;
	s18 =	sadd.s32 $0x1, s18  }
0x119: {  	[tilespmem:s17+$0xFFFFFFC0] =	vst v7;
	v7 =	vmul.f32 v1, v2;
	v2 =	vmul.f32 v5, v2  }
0x11a: {  	[tilespmem:s17+$0x10] =	vst v8  }
0x11b: {  	v5 =	vmov s3;
	[tilespmem:s17+$0xFFFFFFE0] =	vst v6  }
0x11c: {  	v1 =	vld [tilespmem:s19+$0xFFFFFFF0];
	[tilespmem:s17+$0xFFFFFFF0] =	vst v7  }
0x11d: {  	v6 =	vld [tilespmem:s19+$0x30];
	[tilespmem:s17+$0x0] =	vst v2  }
0x11e: {  	v8 =	vld [tilespmem:s19+$0x10];
	[tilespmem:s17+$0x20] =	vst v3  }
0x11f: {  	v7 =	vld [tilespmem:s19+$0xFFFFFFC0];
	[tilespmem:s17+$0xFFFFFFD0] =	vst v4;
	s17 =	smov.u32 s19  }
0x120: {  	v2 =	vld.idx.msk [tilespmem:v5+s15+$0x0], $0xffff  }
0x121: {  	v10 =	vld [tilespmem:s19+$0xFFFFFFE0]  }
0x122: {  	v3 =	vld [tilespmem:s19+$0x20]  }
.Ltmp13:
0x123: {  	v4 =	vld [tilespmem:s19+$0xFFFFFFD0];
	(pc) =	sbr.rel @p1 .LBB2_14-.Ltmp13, $3  }
0x124: {  	v5 =	vld [tilespmem:s19+$0x0];
	_ =	sdelay $0x1  }
0x125: {  	v7 =	vmul.f32 v7, v2;
	v9 =	vmul.f32 v6, v2  }
0x126: {  	v8 =	vmul.f32 v8, v2;
	v6 =	vmul.f32 v10, v2  }
0x127: {  	[tilespmem:s17+$0x30] =	vst v9  }
0x128: {  	[tilespmem:s17+$0xFFFFFFC0] =	vst v7  }
0x129: {  	v1 =	vmul.f32 v1, v2;
	[tilespmem:s17+$0x10] =	vst v8  }
0x12a: {  	v3 =	vmul.f32 v3, v2;
	[tilespmem:s17+$0xFFFFFFE0] =	vst v6  }
.Ltmp14:
0x12b: {  	v5 =	vmul.f32 v5, v2;
	[tilespmem:s17+$0xFFFFFFF0] =	vst v1;
	(pc) =	sbr.rel .LBB2_16-.Ltmp14, $4  }
0x12c: {  	s3 =	sadd.s32 s10, s16;
	v1 =	vmul.f32 v4, v2;
	[tilespmem:s17+$0x20] =	vst v3  }
0x12d: {  	s4 =	rddreg [dreg:$0x5];
	s3 =	sshll.u32 s3, $0x4;
	[tilespmem:s17+$0x0] =	vst v5  }
0x12e: {  	s3 =	sadd.s32 s4, s3;
	[tilespmem:s17+$0xFFFFFFD0] =	vst v1  }
0x12f: {  	[hbm4b:s3+s7] =	stream.linear.scatter [tilespmem:s14], [sflag:$0x4], $0x1400, $0x38;
	[tilespmem:$0x1D800] =	vst v63  }
.LBB2_18:
0x130: {  	_ =	sfence.sel $0x180000  }
0x131: {  	[bflag:$0x0] =	sbarrier.arrive $0xFFFF  }
0x132: {  	_ =	strace $0x9000004D  }
0x133: {  	[bflag:$0x2] =	sbarrier.arrive $0xFFFF  }
0x134: {  	p0 =	sne.s32 s8, $0x0;
	s0 =	rddreg [dreg:$0x3]  }
0x135: {  	s0 =	sadd.s32 @!p0 $0x100000, s0  }
0x136: {  	[sflag:s0] =	ssyncadd.tile.s32 @!p0 $0x1;
	_ =	shalt  }
.Lfunc_end2:
_tile_overlayer_lowered:
.L_overlay_start_2:
0x137: {  	(tag) =	ssettag $0x2  }
0x138: {  	s0 =	rddreg [dreg:$0x0];
	s2 =	stileid.u32  }
0x139: {  	s1 =	rddreg [dreg:$0x1];
	p0 =	sne.s32 s2, $0x0  }
0x13a: {  	s3 =	rddreg [dreg:$0x2];
	[bflag:$0x3] =	sbarrier.arrive $0xFFFF;
	s2 =	simm.s32 @!p0 $0x1C07  }
0x13b: {  	[timem:s3], [sflag:s2] =	dma.local @!p0 [hbm:s0], s1  }
0x13c: {  	s0 =	simm.s32 @!p0 $0x7  }
0x13d: {  	_ =	swait.ge @!p0 [sflag:s0], s1  }
0x13e: {  	s1 =	ssub.s32 @!p0 $0x0, s1;
	[sflag:s0] =	ssyncset.done @!p0 $0x0  }
0x13f: {  	[sflag:s0] =	ssyncadd.s32 @!p0 s1  }
0x140: {  	[bflag:$0x3] =	sbarrier.arrive $0xFFFF  }
0x141: {  	_ =	shalt  }

// kernel: kernel.7.cloned.1.call-start
scs
__scs_entry_jumppad:
0x0: {  	(pc) =	sbr.rel $0x88, $3  }
0x1: {  	(tag) =	ssettag $0x0;
	lr =	simm.s32 $0x1  }
0x2: {  	[smem:$0x3F99] =	sst lr;
	_ =	strace $0xD0000000  }
0x3: {  	_ = 	snop  }
0x4: {  	_ = 	snop  }
0x5: {  	_ = 	snop  }
0x6: {  	_ = 	snop  }
0x7: {  	_ = 	snop  }
__scs_overlays_trampoline_lowered:
0x8: {  	[smem:$0x3FA8] =	sst s0  }
0x9: {  	[smem:$0x3FA9] =	sst s1  }
0xa: {  	[smem:$0x3FAA] =	sst s2  }
0xb: {  	[smem:$0x3FAB] =	sst s3  }
0xc: {  	[smem:$0x3FAC] =	sst s4  }
0xd: {  	[smem:$0x3FAD] =	sst s5  }
0xe: {  	[smem:$0x3FAE] =	sst s6  }
0xf: {  	[smem:$0x3FAF] =	sst s7  }
0x10: {  	[smem:$0x3FB0] =	sst s8  }
0x11: {  	[smem:$0x3FB1] =	sst s9;
	s0 =	simm.s32 @!p0 $0x0  }
0x12: {  	s1 =	sld [smem:$0x3F97];
	s0 =	simm.s32 @p0 $0x1  }
0x13: {  	[smem:$0x3FB2] =	sst s0;
	s0 =	simm.s32 @!p1 $0x0  }
0x14: {  	s2 =	sld [smem:$0x3F96];
	s0 =	simm.s32 @p1 $0x1  }
0x15: {  	[smem:$0x3FB3] =	sst s0;
	s0 =	simm.s32 @!p2 $0x0  }
0x16: {  	s3 =	sld [smem:$0x3FDB];
	s0 =	simm.s32 @p2 $0x1  }
0x17: {  	s4 =	simm.s32 $0x1BF5;
	[smem:$0x3FB5] =	sst s0  }
0x18: {  	s0 =	sld [smem:$0x3F98];
	_ =	swait.ge [sflag:s4], $0x0  }
0x19: {  	s7 =	sld [smem:$0x3F99]  }
0x1a: {  	s8 =	sadd.s32 $0xFFFFE003, lr  }
0x1b: {  	s9 =	sadd.s32 $0xFFFFFEF7, lr;
	s5 =	simm.s32 $0xFFFFFFFF;
	p2 =	slt.u32 s8, $0xFFFFF086  }
0x1c: {  	p1 =	slt.u32 s9, $0xF7A;
	s5 =	simm.s32 @!p2 $0x0  }
0x1d: {  	s5 =	simm.s32 @p1 $0x1;
	p0 =	seq.s32 s7, s2  }
0x1e: {  	s7 =	smul.u32 @!p0 $0xF7A, s2;
	p2 =	seq.s32 @!p0 s5, $0x0  }
0x1f: {  	s9 =	smul.u32 $0xF7A, s1;
	s8 =	simm.s32 @!p0 $0x1BF5;
	p2 =	por !p2, p0  }
0x20: {  	[sflag:s8] =	ssyncset.s32 @!p0 $0xFFFFF086;
	s6 =	sadd.s32 @!p0 s3, s7;
	s7 =	simm.s32 @!p0 $0x108  }
0x21: {  	s3 =	sadd.s32 s3, s9;
	s6 =	sadd.s32 @!p0 $0x88, s6;
	s7 =	simm.s32 @p2 $0x1082  }
0x22: {  	[simem:s7], [sflag:s8] =	dma.local @!p0 [hbm:s6], $0xF7A  }
0x23: {  	s9 =	sor.u32 $0xD0000000, s2;
	s6 =	simm.s32 $0x108;
	_ =	swait.ge @!p0 [sflag:s8], $0x0  }
0x24: {  	s3 =	sadd.s32 $0x88, s3;
	s6 =	simm.s32 @!p1 $0x1082;
	[sflag:s4] =	ssyncset.s32 $0xFFFFF086  }
0x25: {  	[simem:s6], [sflag:s4] =	dma.local [hbm:s3], $0xF7A  }
0x26: {  	[smem:$0x3F99] =	sst s1;
	(tag) =	ssettag s2;
	_ =	strace s9  }
0x27: {  	s1 =	sld [smem:$0x3FA9]  }
0x28: {  	s2 =	sld [smem:$0x3FAA]  }
0x29: {  	s4 =	sld [smem:$0x3FAC]  }
0x2a: {  	p0 =	seq.s32 s5, $0x0;
	s5 =	sld [smem:$0x3FAD]  }
0x2b: {  	s6 =	sld [smem:$0x3FAE]  }
0x2c: {  	s7 =	sld [smem:$0x3FAF]  }
0x2d: {  	s3 =	simm.s32 $0x108;
	s8 =	sld [smem:$0x3FB0]  }
0x2e: {  	s3 =	simm.s32 @!p0 $0x1082;
	s9 =	sld [smem:$0x3FB1]  }
0x2f: {  	lr =	sadd.s32 s0, s3;
	s0 =	sld [smem:$0x3FA8]  }
0x30: {  	s3 =	sld [smem:$0x3FAB]  }
0x31: {  	[smem:$0x3FB4] =	sst s10  }
0x32: {  	s10 =	sld [smem:$0x3FB2];
	_ =	sdelay $0x3  }
0x33: {  	p0 =	seq.s32 s10, $0x1;
	s10 =	sld [smem:$0x3FB4];
	_ =	sdelay $0x3  }
0x34: {  	[smem:$0x3FB4] =	sst s10  }
0x35: {  	s10 =	sld [smem:$0x3FB3];
	_ =	sdelay $0x3  }
0x36: {  	p1 =	seq.s32 s10, $0x1;
	s10 =	sld [smem:$0x3FB4];
	_ =	sdelay $0x3  }
0x37: {  	[smem:$0x3FB4] =	sst s10  }
0x38: {  	s10 =	sld [smem:$0x3FB5]  }
0x39: {  	_ = 	snop;
	(pc) =	sbr.ind lr, $3  }
0x3a: {  	_ = 	snop  }
0x3b: {  	_ = 	snop  }
0x3c: {  	p2 =	seq.s32 s10, $0x1;
	s10 =	sld [smem:$0x3FB4]  }
0x3d: {  	_ =	shalt  }
0x3e: {  	_ =	shalt  }
0x3f: {  	_ =	shalt  }
0x40: {  	_ =	shalt  }
0x41: {  	_ =	shalt  }
0x42: {  	_ =	shalt  }
0x43: {  	_ =	shalt  }
0x44: {  	_ =	shalt  }
0x45: {  	_ =	shalt  }
0x46: {  	_ =	shalt  }
0x47: {  	_ =	shalt  }
0x48: {  	_ =	shalt  }
0x49: {  	_ =	shalt  }
0x4a: {  	_ =	shalt  }
0x4b: {  	_ =	shalt  }
0x4c: {  	_ =	shalt  }
0x4d: {  	_ =	shalt  }
0x4e: {  	_ =	shalt  }
0x4f: {  	_ =	shalt  }
0x50: {  	_ =	shalt  }
0x51: {  	_ =	shalt  }
0x52: {  	_ =	shalt  }
0x53: {  	_ =	shalt  }
0x54: {  	_ =	shalt  }
0x55: {  	_ =	shalt  }
0x56: {  	_ =	shalt  }
0x57: {  	_ =	shalt  }
0x58: {  	_ =	shalt  }
0x59: {  	_ =	shalt  }
0x5a: {  	_ =	shalt  }
0x5b: {  	_ =	shalt  }
0x5c: {  	_ =	shalt  }
0x5d: {  	_ =	shalt  }
0x5e: {  	_ =	shalt  }
0x5f: {  	_ =	shalt  }
0x60: {  	_ =	shalt  }
0x61: {  	_ =	shalt  }
0x62: {  	_ =	shalt  }
0x63: {  	_ =	shalt  }
0x64: {  	_ =	shalt  }
0x65: {  	_ =	shalt  }
0x66: {  	_ =	shalt  }
0x67: {  	_ =	shalt  }
0x68: {  	_ =	shalt  }
0x69: {  	_ =	shalt  }
0x6a: {  	_ =	shalt  }
0x6b: {  	_ =	shalt  }
0x6c: {  	_ =	shalt  }
0x6d: {  	_ =	shalt  }
0x6e: {  	_ =	shalt  }
0x6f: {  	_ =	shalt  }
0x70: {  	_ =	shalt  }
0x71: {  	_ =	shalt  }
0x72: {  	_ =	shalt  }
0x73: {  	_ =	shalt  }
0x74: {  	_ =	shalt  }
0x75: {  	_ =	shalt  }
0x76: {  	_ =	shalt  }
0x77: {  	_ =	shalt  }
0x78: {  	_ =	shalt  }
0x79: {  	_ =	shalt  }
0x7a: {  	_ =	shalt  }
0x7b: {  	_ =	shalt  }
0x7c: {  	_ =	shalt  }
0x7d: {  	_ =	shalt  }
0x7e: {  	_ =	shalt  }
0x7f: {  	_ =	shalt  }
0x80: {  	_ =	shalt  }
0x81: {  	_ =	shalt  }
0x82: {  	_ =	shalt  }
0x83: {  	_ =	shalt  }
0x84: {  	_ =	shalt  }
0x85: {  	_ =	shalt  }
0x86: {  	_ =	shalt  }
0x87: {  	_ =	shalt  }
.Lfunc_end0:
.L_simem_size_0:
called_computation_lowered:
.L_overlay_start_0:
0x88: {  	s2 =	sld [smem:$0x3FD9]  }
0x89: {  	s3 =	sld [smem:$0x3FFE];
	_ =	sdelay $0x1  }
0x8a: {  	s1 =	srdreg.scid  }
0x8b: {  	s0 =	sand.u32 $0x1, s1  }
0x8c: {  	s16 =	sshll.u32 s0, $0xA;
	s2 =	sadd.s32 s3, s2  }
0x8d: {  	s2 =	sadd.s32 s2, s16  }
0x8e: {  	[smem:$0x3FC0] =	sst s2  }
0x8f: {  	_ = 	snop  }
0x90: {  	(tm) =	ssettm $0x1  }
0x91: {  	s17 =	sld [smem:$0x3FFB];
	_ =	sdelay $0x3  }
0x92: {  	_ =	strace s17  }
0x93: {  	s2 =	sld [smem:$0x3FFC];
	_ =	sdelay $0x3  }
0x94: {  	_ =	strace s2  }
0x95: {  	s2 =	sld [smem:$0x3FFD];
	_ =	sdelay $0x3  }
0x96: {  	_ =	strace s2  }
0x97: {  	_ =	strace $0x8FFFFFFF  }
0x98: {  	s18 =	sld [smem:$0x3FDB];
	_ =	sdelay $0x1  }
0x99: {  	s19 =	simm.s32 $_scs_section_size  }
0x9a: {  	s4 =	simm.s32 $_size__tile_overlayer_lowered;
	s5 =	simm.s32 $_tile_overlayer_lowered  }
0x9b: {  	s22 =	simm.s32 $0x1BFF;
	s21 =	sshll.u32 s5, $0x1;
	s2 =	sadd.s32 s19, s18  }
0x9c: {  	s6 =	simm.s32 $0x0;
	s20 =	sshll.u32 s4, $0x1;
	s4 =	sadd.s32 s21, s2  }
0x9d: {  	[timem:s6], [sflag:s22] =	dma.local [hbm:s4], s20  }
0x9e: {  	_ =	swait.ge [sflag:s22], s20  }
0x9f: {  	s3 =	ssub.s32 $0x0, s20;
	[sflag:s22] =	ssyncset.done $0x0  }
0xa0: {  	[sflag:s22] =	ssyncadd.s32 s3;
	_ =	sdelay $0x1  }
0xa1: {  	s23 =	simm.s32 $0x1B8B  }
0xa2: {  	_ =	swait.ge [sflag:s23], $0x1  }
0xa3: {  	[sflag:s23] =	ssyncset.done $0x0  }
0xa4: {  	s25 =	simm.s32 $0x1B8E;
	s24 =	sld [smem:$0x3FFE];
	[sflag:s23] =	ssyncadd.s32 $0xFFFFFFFF  }
0xa5: {  	s26 =	simm.s32 $execute0_lowered;
	[smem:$0x3FD2] =	sst s25  }
0xa6: {  	s4 =	sshll.u32 s26, $0x1;
	_ =	strace $0x80000046;
	[dreg:$0x1] =	wrdreg $0xFFFFFFFF  }
0xa7: {  	s28 =	simm.s32 $_size_execute0_lowered;
	s2 =	sadd.s32 s2, s4;
	[dreg:$0x0] =	wrdreg $0x0  }
0xa8: {  	s4 =	sshll.u32 s28, $0x1;
	[dreg:$0x2] =	wrdreg s2  }
0xa9: {  	[dreg:$0x3] =	wrdreg s4  }
0xaa: {  	[dreg:$0x4] =	wrdreg $0xC0  }
0xab: {  	_ =	task [dreg:s6], $0x5FFFF  }
0xac: {  	[dreg:$0x1] =	wrdreg $0xFFFFFFFF  }
0xad: {  	[dreg:$0x0] =	wrdreg $0x60  }
0xae: {  	[dreg:$0x2] =	wrdreg s24  }
0xaf: {  	[dreg:$0x3] =	wrdreg $0x35000  }
0xb0: {  	[dreg:$0x4] =	wrdreg $0x9  }
0xb1: {  	_ =	task.clear_ibuf [dreg:s6], $0x5FFFF;
	_ =	strace $0x90000046  }
0xb2: {  	s29 =	simm.s32 $0x9;
	_ =	strace $0x80000048  }
0xb3: {  	_ =	swait.ge [sflag:s29], $0x1  }
0xb4: {  	[sflag:s29] =	ssyncadd.s32 $0xFFFFFFFF  }
0xb5: {  	_ =	strace $0x90000048  }
0xb6: {  	_ =	sfence  }
0xb7: {  	s30 =	sld [smem:$0x0];
	_ =	sdelay $0x2  }
0xb8: {  	s31 =	sshll.u32 s1, $0xD;
	s1 =	sshrl.u32 s1, $0x2  }
0xb9: {  	s3 =	sand.u32 $0x4000, s31;
	s1 =	sadd.s32 s1, s30  }
0xba: {  	s0 =	sor.u32 s3, s0;
	s1 =	sshll.u32 s1, $0x11  }
0xbb: {  	s0 =	sor.u32 s1, s0  }
0xbc: {  	s0 =	sadd.s32 $0x8F2B, s0  }
0xbd: {  	[sflag:s0] =	ssyncadd.remote.s32 $0x1  }
0xbe: {  	_ =	sfence.sel $0xFFFF  }
0xbf: {  	[dreg:$0x0] =	wrdreg $0xFFFFFFFF;
	(pc) =	sbr.abs _section_cstart, $3  }
0xc0: {  	[dreg:$0x1] =	wrdreg $0xFFFFFFFF  }
0xc1: {  	_ =	task.clear_ibuf [dreg:s6], $0x2FFFF;
	_ =	strace $0x9FFFFFFF  }
0xc2: {  	(tm) =	ssettm $0x7FFFFFFF  }
0xc3: {  	_ =	shalt  }
tec
execute0_lowered:
.L_overlay_start_1:
0x0: {  	(tag) =	ssettag $0x1  }
0x1: {  	s0 =	rddreg [dreg:$0x0]  }
0x2: {  	s1 =	rddreg [dreg:$0x1];
	s8 =	stileid.u32;
	s2 =	simm.s32 $0x0  }
0x3: {  	s4 =	srdreg.scid;
	s28 =	simm.s32 $0x3200;
	s3 =	smul.u32 $0x4E20, s8  }
0x4: {  	s29 =	simm.s32 $0x3250;
	s30 =	simm.s32 $0x32A0;
	s5 =	smul.u32 $0xA, s8  }
0x5: {  	s31 =	simm.s32 $0x32F0;
	s4 =	sand.u32 $0x1, s4;
	s20 =	smul.u32 $0x9C40, s8  }
0x6: {  	[smem:$0x7FF] =	sst s2;
	s23 =	smul.u32 $0x140, s8;
	s6 =	ssub.s32 $0x2, s4  }
0x7: {  	_ =	strace $0x80000047;
	p0 =	sne.s32 s4, $0x0;
	s4 =	simm.s32 $0x3430  }
0x8: {  	s3 =	sshrl.u32 s3, $0x3;
	s7 =	sshrl.u32 s6, $0x1;
	s25 =	sshrl.u32 s20, $0x2  }
0x9: {  	s26 =	sshrl.u32 s23, $0x2;
	s20 =	simm.s32 $0x2FD0;
	s3 =	sadd.s32 s3, s0  }
0xa: {  	s23 =	simm.s32 $0x30C0;
	s0 =	sadd.s32 s5, s0;
	s14 =	sadd.s32 $0x2000, s3  }
0xb: {  	s12 =	ssub.s32 s6, s7;
	s15 =	sadd.s32 $0x20FA, s3;
	[dreg:$0x3] =	wrdreg s14  }
0xc: {  	s13 =	sadd.s32 s25, s1;
	s16 =	sadd.s32 $0x21F4, s3;
	[dreg:$0x4] =	wrdreg s15  }
0xd: {  	s25 =	simm.s32 $0x3160;
	s17 =	sadd.s32 $0x22EE, s3;
	[dreg:$0x5] =	wrdreg s16  }
0xe: {  	s5 =	simm.s32 $0x1;
	s18 =	sadd.s32 $0x23E8, s3;
	[dreg:$0x6] =	wrdreg s17  }
0xf: {  	s6 =	simm.s32 $0x3480;
	s19 =	sadd.s32 $0x24E2, s3;
	[dreg:$0x7] =	wrdreg s18  }
0x10: {  	s7 =	simm.s32 $0x0;
	s21 =	sadd.s32 $0x25DC, s3;
	[dreg:$0x8] =	wrdreg s19  }
0x11: {  	s22 =	sadd.s32 $0x26D6, s3;
	s24 =	sadd.s32 $0x27D0, s3;
	[dreg:$0x9] =	wrdreg s21  }
0x12: {  	s3 =	sadd.s32 $0x28CA, s3;
	s10 =	sadd.s32 $0x15C00, s0;
	[dreg:$0xa] =	wrdreg s22  }
.Ltmp0:
0x13: {  	s0 =	simm.s32 $0x3340;
	[dreg:$0xb] =	wrdreg s24;
	(pc) =	sbr.rel .LBB2_1-.Ltmp0, $4  }
0x14: {  	[dreg:$0xc] =	wrdreg s3;
	s14 =	smax.u32 s12, $0x1;
	s16 =	sadd.s32 s26, s1  }
0x15: {  	s17 =	simm.s32 $0x2;
	s18 =	simm.s32 $0x800;
	s19 =	simm.s32 $0x2F80  }
0x16: {  	s21 =	simm.s32 $0x3020;
	s22 =	simm.s32 $0x3070;
	s24 =	simm.s32 $0x3110  }
0x17: {  	v0 =	vimm.f32 $0.0e+00;
	v1 =	vimm.f32 $1.000000000e+00;
	s26 =	simm.s32 $0x31B0;
	s1 =	simm.s32 $0x3390;
	s3 =	simm.s32 $0x33E0  }
.LBB2_27:
0x18: {  	s7 =	sadd.s32 $0x1, s7  }
0x19: {  	p1 =	sne.s32 s7, s14  }
.Ltmp1:
0x1a: {  	_ = 	snop;
	(pc) =	sbr.rel @!p1 .LBB2_28-.Ltmp1, $1  }
0x1b: {  	_ =	sdelay $0x3  }
.LBB2_1:
0x1c: {  	s8 =	simm.s32 $0x40;
	s9 =	simm.s32 $0x0  }
.LBB2_2:
0x1d: {  	p1 =	sne.s32 s8, $0x9C00;
	[tilespmem:s9+$0x800] =	vst v0;
	s9 =	smov.u32 s8;
	s8 =	sadd.s32 $0x40, s8  }
.Ltmp2:
0x1e: {  	(pc) =	sbr.rel @p1 .LBB2_2-.Ltmp2, $2  }
0x1f: {  	_ =	sdelay $0x2  }
0x20: {  	s9 =	sshra.s32 s9, $0x2  }
0x21: {  	[tilespmem:s9+$0x800] =	vst v0;
	s8 =	simm.s32 $0x0;
	s15 =	rddreg [dreg:$0x3]  }
0x22: {  	[tilespmem:s8], [sflag:$0x2] =	stream.linear.gather [hbm4b:s15+s8], $0x7D0, $0x38;
	[tilespmem:$0x5C10] =	vst v63  }
0x23: {  	_ =	swait.ge [sflag:s17], $0x7D0  }
0x24: {  	[sflag:s17] =	ssyncset.done $0x0  }
0x25: {  	s9 =	simm.s32 $0x0;
	s8 =	simm.s32 $0x40;
	[sflag:s17] =	ssyncadd.s32 $0xFFFFF830  }
.LBB2_4:
0x26: {  	p1 =	sne.s32 s8, $0x1F00;
	v2 =	vld [tilespmem:s9+$0x0];
	_ =	sdelay $0x3  }
.Ltmp3:
0x27: {  	(pc) =	sbr.rel @p1 .LBB2_4-.Ltmp3, $2  }
0x28: {  	_ =	sdelay $0x2  }
0x29: {  	s9 =	sshra.s32 s8, $0x2;
	s8 =	sadd.s32 $0x40, s8;
	[tilespmem:v2+s18+$0x0] =	vst.idx.add.f32.msk $0xffff, v1  }
0x2a: {  	v2 =	vld [tilespmem:s9+$0x0];
	_ =	sdelay $0x7  }
0x2b: {  	s8 =	simm.s32 $0x0;
	s15 =	rddreg [dreg:$0x4];
	[tilespmem:v2+s18+$0x0] =	vst.idx.add.f32.msk $0xffff, v1  }
0x2c: {  	[tilespmem:s8], [sflag:$0x2] =	stream.linear.gather [hbm4b:s15+s8], $0x7D0, $0x38;
	[tilespmem:$0x5C10] =	vst v63  }
0x2d: {  	_ =	swait.ge [sflag:s17], $0x7D0  }
0x2e: {  	[sflag:s17] =	ssyncset.done $0x0  }
0x2f: {  	s9 =	simm.s32 $0x0;
	s8 =	simm.s32 $0x40;
	[sflag:s17] =	ssyncadd.s32 $0xFFFFF830  }
.LBB2_6:
0x30: {  	p1 =	sne.s32 s8, $0x1F00;
	v2 =	vld [tilespmem:s9+$0x0];
	_ =	sdelay $0x3  }
.Ltmp4:
0x31: {  	(pc) =	sbr.rel @p1 .LBB2_6-.Ltmp4, $2  }
0x32: {  	_ =	sdelay $0x2  }
0x33: {  	s9 =	sshra.s32 s8, $0x2;
	s8 =	sadd.s32 $0x40, s8;
	[tilespmem:v2+s18+$0x0] =	vst.idx.add.f32.msk $0xffff, v1  }
0x34: {  	v2 =	vld [tilespmem:s9+$0x0];
	_ =	sdelay $0x7  }
0x35: {  	s8 =	simm.s32 $0x0;
	s15 =	rddreg [dreg:$0x5];
	[tilespmem:v2+s18+$0x0] =	vst.idx.add.f32.msk $0xffff, v1  }
0x36: {  	[tilespmem:s8], [sflag:$0x2] =	stream.linear.gather [hbm4b:s15+s8], $0x7D0, $0x38;
	[tilespmem:$0x5C10] =	vst v63  }
0x37: {  	_ =	swait.ge [sflag:s17], $0x7D0  }
0x38: {  	[sflag:s17] =	ssyncset.done $0x0  }
0x39: {  	s9 =	simm.s32 $0x0;
	s8 =	simm.s32 $0x40;
	[sflag:s17] =	ssyncadd.s32 $0xFFFFF830  }
.LBB2_8:
0x3a: {  	p1 =	sne.s32 s8, $0x1F00;
	v2 =	vld [tilespmem:s9+$0x0];
	_ =	sdelay $0x3  }
.Ltmp5:
0x3b: {  	(pc) =	sbr.rel @p1 .LBB2_8-.Ltmp5, $2  }
0x3c: {  	_ =	sdelay $0x2  }
0x3d: {  	s9 =	sshra.s32 s8, $0x2;
	s8 =	sadd.s32 $0x40, s8;
	[tilespmem:v2+s18+$0x0] =	vst.idx.add.f32.msk $0xffff, v1  }
0x3e: {  	v2 =	vld [tilespmem:s9+$0x0];
	_ =	sdelay $0x7  }
0x3f: {  	s8 =	simm.s32 $0x0;
	s15 =	rddreg [dreg:$0x6];
	[tilespmem:v2+s18+$0x0] =	vst.idx.add.f32.msk $0xffff, v1  }
0x40: {  	[tilespmem:s8], [sflag:$0x2] =	stream.linear.gather [hbm4b:s15+s8], $0x7D0, $0x38;
	[tilespmem:$0x5C10] =	vst v63  }
0x41: {  	_ =	swait.ge [sflag:s17], $0x7D0  }
0x42: {  	[sflag:s17] =	ssyncset.done $0x0  }
0x43: {  	s9 =	simm.s32 $0x0;
	s8 =	simm.s32 $0x40;
	[sflag:s17] =	ssyncadd.s32 $0xFFFFF830  }
.LBB2_10:
0x44: {  	p1 =	sne.s32 s8, $0x1F00;
	v2 =	vld [tilespmem:s9+$0x0];
	_ =	sdelay $0x3  }
.Ltmp6:
0x45: {  	(pc) =	sbr.rel @p1 .LBB2_10-.Ltmp6, $2  }
0x46: {  	_ =	sdelay $0x2  }
0x47: {  	s9 =	sshra.s32 s8, $0x2;
	s8 =	sadd.s32 $0x40, s8;
	[tilespmem:v2+s18+$0x0] =	vst.idx.add.f32.msk $0xffff, v1  }
0x48: {  	v2 =	vld [tilespmem:s9+$0x0];
	_ =	sdelay $0x7  }
0x49: {  	s8 =	simm.s32 $0x0;
	s15 =	rddreg [dreg:$0x7];
	[tilespmem:v2+s18+$0x0] =	vst.idx.add.f32.msk $0xffff, v1  }
0x4a: {  	[tilespmem:s8], [sflag:$0x2] =	stream.linear.gather [hbm4b:s15+s8], $0x7D0, $0x38;
	[tilespmem:$0x5C10] =	vst v63  }
0x4b: {  	_ =	swait.ge [sflag:s17], $0x7D0  }
0x4c: {  	[sflag:s17] =	ssyncset.done $0x0  }
0x4d: {  	s9 =	simm.s32 $0x0;
	s8 =	simm.s32 $0x40;
	[sflag:s17] =	ssyncadd.s32 $0xFFFFF830  }
.LBB2_12:
0x4e: {  	p1 =	sne.s32 s8, $0x1F00;
	v2 =	vld [tilespmem:s9+$0x0];
	_ =	sdelay $0x3  }
.Ltmp7:
0x4f: {  	(pc) =	sbr.rel @p1 .LBB2_12-.Ltmp7, $2  }
0x50: {  	_ =	sdelay $0x2  }
0x51: {  	s9 =	sshra.s32 s8, $0x2;
	s8 =	sadd.s32 $0x40, s8;
	[tilespmem:v2+s18+$0x0] =	vst.idx.add.f32.msk $0xffff, v1  }
0x52: {  	v2 =	vld [tilespmem:s9+$0x0];
	_ =	sdelay $0x7  }
0x53: {  	s8 =	simm.s32 $0x0;
	s15 =	rddreg [dreg:$0x8];
	[tilespmem:v2+s18+$0x0] =	vst.idx.add.f32.msk $0xffff, v1  }
0x54: {  	[tilespmem:s8], [sflag:$0x2] =	stream.linear.gather [hbm4b:s15+s8], $0x7D0, $0x38;
	[tilespmem:$0x5C10] =	vst v63  }
0x55: {  	_ =	swait.ge [sflag:s17], $0x7D0  }
0x56: {  	[sflag:s17] =	ssyncset.done $0x0  }
0x57: {  	s9 =	simm.s32 $0x0;
	s8 =	simm.s32 $0x40;
	[sflag:s17] =	ssyncadd.s32 $0xFFFFF830  }
.LBB2_14:
0x58: {  	p1 =	sne.s32 s8, $0x1F00;
	v2 =	vld [tilespmem:s9+$0x0];
	_ =	sdelay $0x3  }
.Ltmp8:
0x59: {  	(pc) =	sbr.rel @p1 .LBB2_14-.Ltmp8, $2  }
0x5a: {  	_ =	sdelay $0x2  }
0x5b: {  	s9 =	sshra.s32 s8, $0x2;
	s8 =	sadd.s32 $0x40, s8;
	[tilespmem:v2+s18+$0x0] =	vst.idx.add.f32.msk $0xffff, v1  }
0x5c: {  	v2 =	vld [tilespmem:s9+$0x0];
	_ =	sdelay $0x7  }
0x5d: {  	s8 =	simm.s32 $0x0;
	s15 =	rddreg [dreg:$0x9];
	[tilespmem:v2+s18+$0x0] =	vst.idx.add.f32.msk $0xffff, v1  }
0x5e: {  	[tilespmem:s8], [sflag:$0x2] =	stream.linear.gather [hbm4b:s15+s8], $0x7D0, $0x38;
	[tilespmem:$0x5C10] =	vst v63  }
0x5f: {  	_ =	swait.ge [sflag:s17], $0x7D0  }
0x60: {  	[sflag:s17] =	ssyncset.done $0x0  }
0x61: {  	s9 =	simm.s32 $0x0;
	s8 =	simm.s32 $0x40;
	[sflag:s17] =	ssyncadd.s32 $0xFFFFF830  }
.LBB2_16:
0x62: {  	p1 =	sne.s32 s8, $0x1F00;
	v2 =	vld [tilespmem:s9+$0x0];
	_ =	sdelay $0x3  }
.Ltmp9:
0x63: {  	(pc) =	sbr.rel @p1 .LBB2_16-.Ltmp9, $2  }
0x64: {  	_ =	sdelay $0x2  }
0x65: {  	s9 =	sshra.s32 s8, $0x2;
	s8 =	sadd.s32 $0x40, s8;
	[tilespmem:v2+s18+$0x0] =	vst.idx.add.f32.msk $0xffff, v1  }
0x66: {  	v2 =	vld [tilespmem:s9+$0x0];
	_ =	sdelay $0x7  }
0x67: {  	s8 =	simm.s32 $0x0;
	s15 =	rddreg [dreg:$0xa];
	[tilespmem:v2+s18+$0x0] =	vst.idx.add.f32.msk $0xffff, v1  }
0x68: {  	[tilespmem:s8], [sflag:$0x2] =	stream.linear.gather [hbm4b:s15+s8], $0x7D0, $0x38;
	[tilespmem:$0x5C10] =	vst v63  }
0x69: {  	_ =	swait.ge [sflag:s17], $0x7D0  }
0x6a: {  	[sflag:s17] =	ssyncset.done $0x0  }
0x6b: {  	s9 =	simm.s32 $0x0;
	s8 =	simm.s32 $0x40;
	[sflag:s17] =	ssyncadd.s32 $0xFFFFF830  }
.LBB2_18:
0x6c: {  	p1 =	sne.s32 s8, $0x1F00;
	v2 =	vld [tilespmem:s9+$0x0];
	_ =	sdelay $0x3  }
.Ltmp10:
0x6d: {  	(pc) =	sbr.rel @p1 .LBB2_18-.Ltmp10, $2  }
0x6e: {  	_ =	sdelay $0x2  }
0x6f: {  	s9 =	sshra.s32 s8, $0x2;
	s8 =	sadd.s32 $0x40, s8;
	[tilespmem:v2+s18+$0x0] =	vst.idx.add.f32.msk $0xffff, v1  }
0x70: {  	v2 =	vld [tilespmem:s9+$0x0];
	_ =	sdelay $0x7  }
0x71: {  	s8 =	simm.s32 $0x0;
	s15 =	rddreg [dreg:$0xb];
	[tilespmem:v2+s18+$0x0] =	vst.idx.add.f32.msk $0xffff, v1  }
0x72: {  	[tilespmem:s8], [sflag:$0x2] =	stream.linear.gather [hbm4b:s15+s8], $0x7D0, $0x38;
	[tilespmem:$0x5C10] =	vst v63  }
0x73: {  	_ =	swait.ge [sflag:s17], $0x7D0  }
0x74: {  	[sflag:s17] =	ssyncset.done $0x0  }
0x75: {  	s9 =	simm.s32 $0x0;
	s8 =	simm.s32 $0x40;
	[sflag:s17] =	ssyncadd.s32 $0xFFFFF830  }
.LBB2_20:
0x76: {  	p1 =	sne.s32 s8, $0x1F00;
	v2 =	vld [tilespmem:s9+$0x0];
	_ =	sdelay $0x3  }
.Ltmp11:
0x77: {  	(pc) =	sbr.rel @p1 .LBB2_20-.Ltmp11, $2  }
0x78: {  	_ =	sdelay $0x2  }
0x79: {  	s9 =	sshra.s32 s8, $0x2;
	s8 =	sadd.s32 $0x40, s8;
	[tilespmem:v2+s18+$0x0] =	vst.idx.add.f32.msk $0xffff, v1  }
0x7a: {  	v2 =	vld [tilespmem:s9+$0x0];
	_ =	sdelay $0x7  }
0x7b: {  	s8 =	simm.s32 $0x0;
	s15 =	rddreg [dreg:$0xc];
	[tilespmem:v2+s18+$0x0] =	vst.idx.add.f32.msk $0xffff, v1  }
0x7c: {  	[tilespmem:s8], [sflag:$0x2] =	stream.linear.gather [hbm4b:s15+s8], $0x7D0, $0x38;
	[tilespmem:$0x5C10] =	vst v63  }
0x7d: {  	_ =	swait.ge [sflag:s17], $0x7D0  }
0x7e: {  	[sflag:s17] =	ssyncset.done $0x0  }
0x7f: {  	s9 =	simm.s32 $0x0;
	s8 =	simm.s32 $0x40;
	[sflag:s17] =	ssyncadd.s32 $0xFFFFF830  }
.LBB2_22:
0x80: {  	p1 =	sne.s32 s8, $0x1F00;
	v2 =	vld [tilespmem:s9+$0x0];
	_ =	sdelay $0x3  }
.Ltmp12:
0x81: {  	(pc) =	sbr.rel @p1 .LBB2_22-.Ltmp12, $2  }
0x82: {  	_ =	sdelay $0x2  }
0x83: {  	s9 =	sshra.s32 s8, $0x2;
	s8 =	sadd.s32 $0x40, s8;
	[tilespmem:v2+s18+$0x0] =	vst.idx.add.f32.msk $0xffff, v1  }
0x84: {  	v2 =	vld [tilespmem:s9+$0x0];
	_ =	sdelay $0x7  }
0x85: {  	[tilespmem:v2+s18+$0x0] =	vst.idx.add.f32.msk $0xffff, v1  }
0x86: {  	[spmem:s13] =	stream.linear.scatter [tilespmem:s18], [sflag:$0x2], $0x2710, $0x38;
	[tilespmem:$0x5C10] =	vst v63  }
.Ltmp13:
0x87: {  	_ =	swait.ge [sflag:s17], $0x2710;
	(pc) =	sbr.rel .LBB2_24-.Ltmp13, $4  }
0x88: {  	[sflag:s17] =	ssyncset.done $0x0  }
0x89: {  	[sflag:s17] =	ssyncadd.s32 $0xFFFFD8F0  }
0x8a: {  	[bflag:$0x0] =	sbarrier.arrive $0xFFFF  }
0x8b: {  	s8 =	simm.s32 $0x0;
	s9 =	stileid.u32;
	s15 =	smov.u32 s10  }
.LBB2_26:
0x8c: {  	s8 =	sadd.s32 $0x1400, s8  }
0x8d: {  	p1 =	sne.s32 s8, $0xA000  }
.Ltmp14:
0x8e: {  	_ = 	snop;
	(pc) =	sbr.rel @!p1 .LBB2_27-.Ltmp14, $2  }
0x8f: {  	_ =	sdelay $0x2  }
0x90: {  	s15 =	sadd.s32 $0xA0, s15;
	s9 =	sadd.s32 $0x10, s9  }
.LBB2_24:
0x91: {  	p1 =	sgt.u32 @!p0 s9, $0x7C  }
0x92: {  	p1 =	por p0, p1  }
.Ltmp15:
0x93: {  	_ = 	snop;
	(pc) =	sbr.rel @p1 .LBB2_26-.Ltmp15, $1  }
0x94: {  	_ =	sdelay $0x3  }
0x95: {  	s11 =	sshra.s32 s8, $0x2  }
0x96: {  	s11 =	sadd.s32 s11, s16  }
0x97: {  	[tilespmem:s19], [sflag:$0x1] =	stream.linear.gather [spmem:s11], $0x50, $0x38;
	[tilespmem:$0x5C10] =	vst v63  }
0x98: {  	s12 =	sadd.s32 $0x2710, s11  }
0x99: {  	[tilespmem:s20], [sflag:$0x1] =	stream.linear.gather [spmem:s12], $0x50, $0x38;
	[tilespmem:$0x5C10] =	vst v63  }
0x9a: {  	s12 =	sadd.s32 $0x4E20, s11  }
0x9b: {  	[tilespmem:s21], [sflag:$0x1] =	stream.linear.gather [spmem:s12], $0x50, $0x38;
	[tilespmem:$0x5C10] =	vst v63  }
0x9c: {  	s12 =	sadd.s32 $0x7530, s11  }
0x9d: {  	[tilespmem:s22], [sflag:$0x1] =	stream.linear.gather [spmem:s12], $0x50, $0x38;
	[tilespmem:$0x5C10] =	vst v63  }
0x9e: {  	s12 =	sadd.s32 $0x9C40, s11  }
0x9f: {  	[tilespmem:s23], [sflag:$0x1] =	stream.linear.gather [spmem:s12], $0x50, $0x38;
	[tilespmem:$0x5C10] =	vst v63  }
0xa0: {  	s12 =	sadd.s32 $0xC350, s11  }
0xa1: {  	[tilespmem:s24], [sflag:$0x1] =	stream.linear.gather [spmem:s12], $0x50, $0x38;
	[tilespmem:$0x5C10] =	vst v63  }
0xa2: {  	s12 =	sadd.s32 $0xEA60, s11  }
0xa3: {  	[tilespmem:s25], [sflag:$0x1] =	stream.linear.gather [spmem:s12], $0x50, $0x38;
	[tilespmem:$0x5C10] =	vst v63  }
0xa4: {  	s12 =	sadd.s32 $0x11170, s11  }
0xa5: {  	[tilespmem:s26], [sflag:$0x1] =	stream.linear.gather [spmem:s12], $0x50, $0x38;
	[tilespmem:$0x5C10] =	vst v63  }
0xa6: {  	s12 =	sadd.s32 $0x13880, s11  }
0xa7: {  	[tilespmem:s28], [sflag:$0x1] =	stream.linear.gather [spmem:s12], $0x50, $0x38;
	[tilespmem:$0x5C10] =	vst v63  }
0xa8: {  	s12 =	sadd.s32 $0x15F90, s11  }
0xa9: {  	[tilespmem:s29], [sflag:$0x1] =	stream.linear.gather [spmem:s12], $0x50, $0x38;
	[tilespmem:$0x5C10] =	vst v63  }
0xaa: {  	s12 =	sadd.s32 $0x186A0, s11  }
0xab: {  	[tilespmem:s30], [sflag:$0x1] =	stream.linear.gather [spmem:s12], $0x50, $0x38;
	[tilespmem:$0x5C10] =	vst v63  }
0xac: {  	s12 =	sadd.s32 $0x1ADB0, s11  }
0xad: {  	[tilespmem:s31], [sflag:$0x1] =	stream.linear.gather [spmem:s12], $0x50, $0x38;
	[tilespmem:$0x5C10] =	vst v63  }
0xae: {  	s12 =	sadd.s32 $0x1D4C0, s11  }
0xaf: {  	[tilespmem:s0], [sflag:$0x1] =	stream.linear.gather [spmem:s12], $0x50, $0x38;
	[tilespmem:$0x5C10] =	vst v63  }
0xb0: {  	s12 =	sadd.s32 $0x1FBD0, s11  }
0xb1: {  	[tilespmem:s1], [sflag:$0x1] =	stream.linear.gather [spmem:s12], $0x50, $0x38;
	[tilespmem:$0x5C10] =	vst v63  }
0xb2: {  	s12 =	sadd.s32 $0x222E0, s11  }
0xb3: {  	[tilespmem:s3], [sflag:$0x1] =	stream.linear.gather [spmem:s12], $0x50, $0x38;
	[tilespmem:$0x5C10] =	vst v63  }
0xb4: {  	s11 =	sadd.s32 $0x249F0, s11  }
0xb5: {  	[tilespmem:s4], [sflag:$0x1] =	stream.linear.gather [spmem:s11], $0x50, $0x38;
	[tilespmem:$0x5C10] =	vst v63  }
0xb6: {  	_ =	swait.ge [sflag:s5], $0x50  }
0xb7: {  	[sflag:s5] =	ssyncset.done $0x0  }
0xb8: {  	[sflag:s5] =	ssyncadd.s32 $0xFFFFFFB0  }
0xb9: {  	_ =	swait.ge [sflag:s5], $0x50  }
0xba: {  	[sflag:s5] =	ssyncset.done $0x0  }
0xbb: {  	[sflag:s5] =	ssyncadd.s32 $0xFFFFFFB0  }
0xbc: {  	_ =	swait.ge [sflag:s5], $0x50  }
0xbd: {  	[sflag:s5] =	ssyncset.done $0x0  }
0xbe: {  	[sflag:s5] =	ssyncadd.s32 $0xFFFFFFB0  }
0xbf: {  	_ =	swait.ge [sflag:s5], $0x50  }
0xc0: {  	[sflag:s5] =	ssyncset.done $0x0  }
0xc1: {  	[sflag:s5] =	ssyncadd.s32 $0xFFFFFFB0  }
0xc2: {  	_ =	swait.ge [sflag:s5], $0x50  }
0xc3: {  	[sflag:s5] =	ssyncset.done $0x0  }
0xc4: {  	[sflag:s5] =	ssyncadd.s32 $0xFFFFFFB0  }
0xc5: {  	_ =	swait.ge [sflag:s5], $0x50  }
0xc6: {  	[sflag:s5] =	ssyncset.done $0x0  }
0xc7: {  	[sflag:s5] =	ssyncadd.s32 $0xFFFFFFB0  }
0xc8: {  	_ =	swait.ge [sflag:s5], $0x50  }
0xc9: {  	[sflag:s5] =	ssyncset.done $0x0  }
0xca: {  	[sflag:s5] =	ssyncadd.s32 $0xFFFFFFB0  }
0xcb: {  	_ =	swait.ge [sflag:s5], $0x50  }
0xcc: {  	[sflag:s5] =	ssyncset.done $0x0  }
0xcd: {  	[sflag:s5] =	ssyncadd.s32 $0xFFFFFFB0  }
0xce: {  	_ =	swait.ge [sflag:s5], $0x50  }
0xcf: {  	[sflag:s5] =	ssyncset.done $0x0  }
0xd0: {  	[sflag:s5] =	ssyncadd.s32 $0xFFFFFFB0  }
0xd1: {  	_ =	swait.ge [sflag:s5], $0x50  }
0xd2: {  	[sflag:s5] =	ssyncset.done $0x0  }
0xd3: {  	[sflag:s5] =	ssyncadd.s32 $0xFFFFFFB0  }
0xd4: {  	_ =	swait.ge [sflag:s5], $0x50  }
0xd5: {  	[sflag:s5] =	ssyncset.done $0x0  }
0xd6: {  	[sflag:s5] =	ssyncadd.s32 $0xFFFFFFB0  }
0xd7: {  	_ =	swait.ge [sflag:s5], $0x50  }
0xd8: {  	[sflag:s5] =	ssyncset.done $0x0  }
0xd9: {  	[sflag:s5] =	ssyncadd.s32 $0xFFFFFFB0  }
0xda: {  	_ =	swait.ge [sflag:s5], $0x50  }
0xdb: {  	[sflag:s5] =	ssyncset.done $0x0  }
0xdc: {  	[sflag:s5] =	ssyncadd.s32 $0xFFFFFFB0  }
0xdd: {  	_ =	swait.ge [sflag:s5], $0x50  }
0xde: {  	[sflag:s5] =	ssyncset.done $0x0  }
0xdf: {  	[sflag:s5] =	ssyncadd.s32 $0xFFFFFFB0  }
0xe0: {  	_ =	swait.ge [sflag:s5], $0x50  }
0xe1: {  	[sflag:s5] =	ssyncset.done $0x0  }
0xe2: {  	[sflag:s5] =	ssyncadd.s32 $0xFFFFFFB0  }
0xe3: {  	_ =	swait.ge [sflag:s5], $0x50  }
0xe4: {  	[sflag:s5] =	ssyncset.done $0x0  }
0xe5: {  	[sflag:s5] =	ssyncadd.s32 $0xFFFFFFB0  }
0xe6: {  	v2 =	vld [tilespmem:$0x2F80]  }
0xe7: {  	v3 =	vld [tilespmem:$0x2FD0]  }
0xe8: {  	v4 =	vld [tilespmem:$0x3020]  }
0xe9: {  	v5 =	vld [tilespmem:$0x3070]  }
0xea: {  	v6 =	vld [tilespmem:$0x30C0]  }
0xeb: {  	v7 =	vld [tilespmem:$0x3110]  }
0xec: {  	v8 =	vld [tilespmem:$0x3160]  }
0xed: {  	v9 =	vld [tilespmem:$0x31B0]  }
0xee: {  	v10 =	vld [tilespmem:$0x3200]  }
0xef: {  	v11 =	vld [tilespmem:$0x3250]  }
0xf0: {  	v12 =	vld [tilespmem:$0x32A0]  }
0xf1: {  	v13 =	vld [tilespmem:$0x32F0]  }
0xf2: {  	v14 =	vld [tilespmem:$0x3340]  }
0xf3: {  	v15 =	vld [tilespmem:$0x3390]  }
0xf4: {  	v16 =	vld [tilespmem:$0x33E0]  }
0xf5: {  	v17 =	vld [tilespmem:$0x3430]  }
0xf6: {  	v18 =	vld [tilespmem:$0x2F90]  }
0xf7: {  	v19 =	vld [tilespmem:$0x2FE0]  }
0xf8: {  	v20 =	vld [tilespmem:$0x3030]  }
0xf9: {  	v21 =	vld [tilespmem:$0x3080]  }
0xfa: {  	v22 =	vld [tilespmem:$0x30D0]  }
0xfb: {  	v23 =	vld [tilespmem:$0x3120]  }
0xfc: {  	v24 =	vld [tilespmem:$0x3170]  }
0xfd: {  	v25 =	vld [tilespmem:$0x31C0]  }
0xfe: {  	v26 =	vld [tilespmem:$0x3210]  }
0xff: {  	v27 =	vld [tilespmem:$0x3260]  }
0x100: {  	v28 =	vld [tilespmem:$0x3300]  }
0x101: {  	v29 =	vld [tilespmem:$0x33A0]  }
0x102: {  	v30 =	vld [tilespmem:$0x3440]  }
0x103: {  	v50 =	vld [tilespmem:$0x2FA0]  }
0x104: {  	v31 =	vld [tilespmem:$0x2FF0]  }
0x105: {  	v51 =	vld [tilespmem:$0x3040]  }
0x106: {  	v32 =	vld [tilespmem:$0x3090]  }
0x107: {  	v52 =	vld [tilespmem:$0x30E0];
	v2 =	vadd.f32 v3, v2  }
0x108: {  	v33 =	vld [tilespmem:$0x3130]  }
0x109: {  	v53 =	vld [tilespmem:$0x3180];
	v2 =	vadd.f32 v4, v2  }
0x10a: {  	v34 =	vld [tilespmem:$0x31D0]  }
0x10b: {  	v54 =	vld [tilespmem:$0x3220];
	v2 =	vadd.f32 v5, v2  }
0x10c: {  	v35 =	vld [tilespmem:$0x3270]  }
0x10d: {  	v55 =	vld [tilespmem:$0x32C0];
	v2 =	vadd.f32 v6, v2  }
0x10e: {  	v36 =	vld [tilespmem:$0x3310]  }
0x10f: {  	v37 =	vld [tilespmem:$0x33B0];
	v2 =	vadd.f32 v7, v2  }
0x110: {  	v38 =	vld [tilespmem:$0x3450]  }
0x111: {  	v56 =	vld [tilespmem:$0x2FB0];
	v2 =	vadd.f32 v8, v2  }
0x112: {  	v39 =	vld [tilespmem:$0x3000]  }
0x113: {  	v57 =	vld [tilespmem:$0x2FC0];
	v2 =	vadd.f32 v9, v2  }
0x114: {  	v40 =	vld [tilespmem:$0x3010]  }
0x115: {  	v58 =	vld [tilespmem:$0x3050];
	v2 =	vadd.f32 v10, v2  }
0x116: {  	v59 =	vld [tilespmem:$0x3060];
	v18 =	vadd.f32 v19, v18  }
0x117: {  	v60 =	vld [tilespmem:$0x30A0];
	v2 =	vadd.f32 v11, v2  }
0x118: {  	v61 =	vld [tilespmem:$0x30B0];
	v18 =	vadd.f32 v20, v18  }
0x119: {  	v63 =	vld [tilespmem:$0x30F0];
	v2 =	vadd.f32 v12, v2  }
0x11a: {  	v41 =	vld [tilespmem:$0x3190];
	v18 =	vadd.f32 v21, v18  }
0x11b: {  	v42 =	vld [tilespmem:$0x31A0];
	v62 =	vadd.f32 v40, v57;
	v2 =	vadd.f32 v13, v2  }
0x11c: {  	v43 =	vld [tilespmem:$0x31E0];
	v6 =	vadd.f32 v31, v50;
	v18 =	vadd.f32 v22, v18  }
0x11d: {  	v31 =	vld [tilespmem:$0x3100];
	v2 =	vadd.f32 v14, v2;
	v14 =	vadd.f32 v39, v56  }
0x11e: {  	v44 =	vld [tilespmem:$0x31F0];
	v6 =	vadd.f32 v51, v6;
	v7 =	vadd.f32 v59, v62  }
0x11f: {  	v40 =	vld [tilespmem:$0x3150];
	v18 =	vadd.f32 v23, v18;
	v14 =	vadd.f32 v58, v14  }
0x120: {  	v6 =	vadd.f32 v32, v6;
	v7 =	vadd.f32 v61, v7;
	v39 =	vld [tilespmem:$0x3140]  }
0x121: {  	v45 =	vld [tilespmem:$0x3230];
	v18 =	vadd.f32 v24, v18;
	v14 =	vadd.f32 v60, v14  }
0x122: {  	v47 =	vld [tilespmem:$0x3240];
	v6 =	vadd.f32 v52, v6;
	v7 =	vadd.f32 v31, v7  }
0x123: {  	v48 =	vld [tilespmem:$0x3280];
	v46 =	vadd.f32 v25, v18;
	v14 =	vadd.f32 v63, v14  }
0x124: {  	v49 =	vld [tilespmem:$0x3290];
	v6 =	vadd.f32 v33, v6;
	v2 =	vadd.f32 v15, v2  }
0x125: {  	v3 =	vld [tilespmem:$0x32B0];
	v7 =	vadd.f32 v40, v7;
	v14 =	vadd.f32 v39, v14  }
0x126: {  	v4 =	vld [tilespmem:$0x3350];
	v6 =	vadd.f32 v53, v6;
	v2 =	vadd.f32 v16, v2  }
0x127: {  	v5 =	vld [tilespmem:$0x33F0];
	v7 =	vadd.f32 v42, v7;
	v8 =	vadd.f32 v41, v14  }
0x128: {  	v50 =	vld [tilespmem:$0x32D0];
	v6 =	vadd.f32 v34, v6;
	v2 =	vadd.f32 v17, v2  }
0x129: {  	v51 =	vld [tilespmem:$0x32E0];
	v17 =	vadd.f32 v26, v46;
	v8 =	vadd.f32 v43, v8  }
0x12a: {  	v52 =	vld [tilespmem:$0x3320];
	v7 =	vadd.f32 v44, v7;
	v6 =	vadd.f32 v54, v6  }
0x12b: {  	v53 =	vld [tilespmem:$0x3330];
	v17 =	vadd.f32 v27, v17;
	v8 =	vadd.f32 v45, v8  }
0x12c: {  	v12 =	vld [tilespmem:$0x3360];
	v7 =	vadd.f32 v47, v7;
	v6 =	vadd.f32 v35, v6  }
0x12d: {  	v13 =	vld [tilespmem:$0x3400];
	v3 =	vadd.f32 v3, v17;
	v8 =	vadd.f32 v48, v8  }
0x12e: {  	v54 =	vld [tilespmem:$0x3370];
	v7 =	vadd.f32 v49, v7;
	v6 =	vadd.f32 v55, v6  }
0x12f: {  	v55 =	vld [tilespmem:$0x3380];
	v3 =	vadd.f32 v28, v3;
	v8 =	vadd.f32 v50, v8  }
0x130: {  	v56 =	vld [tilespmem:$0x33C0];
	v7 =	vadd.f32 v51, v7;
	v6 =	vadd.f32 v36, v6  }
0x131: {  	v58 =	vld [tilespmem:$0x33D0];
	v3 =	vadd.f32 v4, v3;
	v57 =	vadd.f32 v52, v8  }
0x132: {  	v59 =	vld [tilespmem:$0x3410];
	v7 =	vadd.f32 v53, v7;
	v6 =	vadd.f32 v12, v6  }
0x133: {  	v60 =	vld [tilespmem:$0x3420];
	v3 =	vadd.f32 v29, v3;
	v4 =	vadd.f32 v54, v57  }
0x134: {  	v61 =	vld [tilespmem:$0x3460];
	v7 =	vadd.f32 v55, v7;
	v6 =	vadd.f32 v37, v6  }
0x135: {  	v62 =	vld [tilespmem:$0x3470];
	v3 =	vadd.f32 v5, v3;
	v4 =	vadd.f32 v56, v4  }
0x136: {  	v7 =	vadd.f32 v58, v7;
	v6 =	vadd.f32 v13, v6  }
0x137: {  	v3 =	vadd.f32 v30, v3;
	v4 =	vadd.f32 v59, v4  }
0x138: {  	v2 =	vmax.f32 v2, $1.000000000e+00;
	v7 =	vadd.f32 v60, v7;
	v6 =	vadd.f32 v38, v6  }
0x139: {  	(erf) = vrcp.f32 v2;
	v3 =	vmax.f32 v3, $1.000000000e+00;
	v2 =	vadd.f32 v61, v4  }
0x13a: {  	v63 =	vmax.f32 v6, $1.000000000e+00;
	(erf) = vrcp.f32 v3;
	v3 =	vadd.f32 v62, v7  }
0x13b: {  	(erf) = vrcp.f32 v63;
	v2 =	vmax.f32 v2, $1.000000000e+00  }
0x13c: {  	(erf) = vrcp.f32 v2;
	v2 =	vmax.f32 v3, $1.000000000e+00  }
0x13d: {  	(erf) = vrcp.f32 v2;
	_ =	sdelay $0x4  }
0x13e: {  	v2 =	vpop (erf)  }
0x13f: {  	v3 =	vpop (erf);
	[tilespmem:$0x3480] =	vst v2  }
0x140: {  	v2 =	vpop (erf);
	[tilespmem:$0x3490] =	vst v3  }
0x141: {  	[tilespmem:$0x34A0] =	vst v2;
	v3 =	vpop (erf)  }
0x142: {  	[tilespmem:$0x34B0] =	vst v3;
	v2 =	vpop (erf)  }
.Ltmp16:
0x143: {  	[tilespmem:$0x34C0] =	vst v2;
	(pc) =	sbr.rel .LBB2_26-.Ltmp16, $4  }
0x144: {  	[hbm4b:s15+s2] =	stream.linear.scatter [tilespmem:s6], [sflag:$0x2], $0x50, $0x38;
	[tilespmem:$0x5C10] =	vst v63  }
0x145: {  	_ =	swait.ge [sflag:s17], $0x50  }
0x146: {  	[sflag:s17] =	ssyncset.done $0x0  }
0x147: {  	[sflag:s17] =	ssyncadd.s32 $0xFFFFFFB0  }
.LBB2_28:
0x148: {  	_ =	sfence.sel $0x180000  }
0x149: {  	[bflag:$0x0] =	sbarrier.arrive $0xFFFF  }
0x14a: {  	_ =	strace $0x90000047  }
0x14b: {  	s0 =	stileid.u32;
	[bflag:$0x2] =	sbarrier.arrive $0xFFFF  }
0x14c: {  	p0 =	sne.s32 s0, $0x0;
	s0 =	rddreg [dreg:$0x2]  }
0x14d: {  	s0 =	sadd.s32 @!p0 $0x100000, s0  }
0x14e: {  	[sflag:s0] =	ssyncadd.tile.s32 @!p0 $0x1;
	_ =	shalt  }
.Lfunc_end2:
_tile_overlayer_lowered:
.L_overlay_start_2:
0x14f: {  	(tag) =	ssettag $0x2  }
0x150: {  	s0 =	rddreg [dreg:$0x0];
	s2 =	stileid.u32  }
0x151: {  	s1 =	rddreg [dreg:$0x1];
	p0 =	sne.s32 s2, $0x0  }
0x152: {  	s3 =	rddreg [dreg:$0x2];
	[bflag:$0x3] =	sbarrier.arrive $0xFFFF;
	s2 =	simm.s32 @!p0 $0x1C02  }
0x153: {  	[timem:s3], [sflag:s2] =	dma.local @!p0 [hbm:s0], s1  }
0x154: {  	s0 =	simm.s32 @!p0 $0x2  }
0x155: {  	_ =	swait.ge @!p0 [sflag:s0], s1  }
0x156: {  	s1 =	ssub.s32 @!p0 $0x0, s1;
	[sflag:s0] =	ssyncset.done @!p0 $0x0  }
0x157: {  	[sflag:s0] =	ssyncadd.s32 @!p0 s1  }
0x158: {  	[bflag:$0x3] =	sbarrier.arrive $0xFFFF  }
0x159: {  	_ =	shalt  }

</sc_bundles>
